<compile_context>
chip_gen: v7x
topology: tpu7x:2x2x1
jax: 0.10.2.dev20260603
libtpu: 0.0.44.dev20260713+nightly
codegen_flags: <defaults>
</compile_context>

<pallas_src>
import functools

import jax
import jax.numpy as jnp
from jax import lax
from jax.experimental import pallas as pl
from jax.experimental.pallas import tpu as pltpu
from jax.experimental.pallas import tpu_sc as plsc

N = 10000
E = 320000
D_IN = 128
H1 = 8
C1 = 8
D1 = H1 * C1
NC = 16

BLK = 256
N_PAD = 10240
GRID = N_PAD // BLK
DUMMY = N

NCORES = 2
NSUB = 16
NW = NCORES * NSUB
CHUNK = 128
CPW = (-(-E // (NW * CHUNK)) + 7) // 8 * 8
E_PAD = NW * CPW * CHUNK
N_CHUNKS = E_PAD // CHUNK

F32 = jnp.float32


def _leaky(v):
    return jnp.where(v > 0.0, v, v * 0.2)


def _take16(v, idx):
    dnums = lax.GatherDimensionNumbers(
        offset_dims=(), collapsed_slice_dims=(0,), start_index_map=(0,))
    return lax.gather(v, idx[:, None], dnums, (1,),
                      mode=lax.GatherScatterMode.PROMISE_IN_BOUNDS)


def _make_edge_kernel(d_t, heads8):
    mesh = plsc.VectorSubcoreMesh(
        core_axis_name="c", subcore_axis_name="s",
        num_cores=NCORES, num_subcores=NSUB)
    rows_per_tile = N_PAD // NSUB
    nz = rows_per_tile // CHUNK

    @functools.partial(
        pl.kernel, mesh=mesh,
        compiler_params=pltpu.CompilerParams(use_tc_tiling_on_sc=False),
        out_type=jax.ShapeDtypeStruct((NCORES, N_PAD, d_t), F32),
        scratch_types=[
            pltpu.VMEM_SHARED((N_PAD, d_t), F32),
            pltpu.VMEM((CPW + 2, CHUNK), jnp.int32),
            pltpu.VMEM((CPW + 2, CHUNK), jnp.int32),
            pltpu.VMEM((CHUNK, d_t), F32),
            pltpu.VMEM((CHUNK, d_t), F32),
            pltpu.VMEM((CHUNK, 16), F32),
            pltpu.VMEM((CHUNK, 16), F32),
            pltpu.VMEM((CHUNK, d_t), F32),
            pltpu.VMEM((CHUNK, d_t), F32),
            pltpu.SemaphoreType.DMA, pltpu.SemaphoreType.DMA,
            pltpu.SemaphoreType.DMA, pltpu.SemaphoreType.DMA,
            pltpu.SemaphoreType.DMA, pltpu.SemaphoreType.DMA,
        ])
    def ek(table, adt, srcp, dstp, out, acc, src_v, dst_v, rows0, rows1,
           ad0, ad1, msg0, msg1, st0, st1, sa0, sa1, ss0, ss1):
        c = lax.axis_index("c")
        s = lax.axis_index("s")
        wid = s * NCORES + c
        tbase = s * rows_per_tile
        lane = lax.iota(jnp.int32, 16)
        rows = (rows0, rows1)
        ads = (ad0, ad1)
        msgs = (msg0, msg1)
        st = (st0, st1)
        sa = (sa0, sa1)
        ss = (ss0, ss1)

        def zrow(r, carry):
            for k in range(d_t // 16):
                msg0[r, pl.ds(16 * k, 16)] = jnp.zeros((16,), F32)
            return carry
        lax.fori_loop(0, CHUNK, zrow, 0)
        for z in range(nz):
            pltpu.sync_copy(msg0, acc.at[pl.ds(tbase + z * CHUNK, CHUNK)])
        plsc.subcore_barrier()

        pltpu.sync_copy(srcp.at[pl.ds(wid * CPW, CPW)], src_v.at[pl.ds(0, CPW)])
        pltpu.sync_copy(dstp.at[pl.ds(wid * CPW, CPW)], dst_v.at[pl.ds(0, CPW)])
        for r in (CPW, CPW + 1):
            for k in range(CHUNK // 16):
                src_v[r, pl.ds(16 * k, 16)] = jnp.zeros((16,), jnp.int32)
                dst_v[r, pl.ds(16 * k, 16)] = jnp.zeros((16,), jnp.int32)

        def compute_chunk(rows_b, ad_b, msg_b):
            if heads8:
                @plsc.parallel_loop(0, CHUNK, unroll=4)
                def edge(e):
                    asv = rows_b[e, pl.ds(64, 16)]
                    adv = ad_b[e, pl.ds(0, 16)]
                    w = jnp.exp(_leaky(asv + adv))
                    hi = jnp.where(lane >= 8, 1, 0)
                    for q in range(4):
                        wb = _take16(w, hi + 2 * q)
                        msg_b[e, pl.ds(16 * q, 16)] = (
                            rows_b[e, pl.ds(16 * q, 16)] * wb)
                    msg_b[e, pl.ds(64, 16)] = jnp.where(lane < 8, w, 0.0)
            else:
                @plsc.parallel_loop(0, CHUNK, unroll=4)
                def edge(e):
                    asv = rows_b[e, pl.ds(16, 16)]
                    adv = ad_b[e, pl.ds(0, 16)]
                    w = jnp.exp(_leaky(asv + adv))
                    wb = _take16(w, jnp.zeros((16,), jnp.int32))
                    msg_b[e, pl.ds(0, 16)] = rows_b[e, pl.ds(0, 16)] * wb
                    msg_b[e, pl.ds(16, 16)] = jnp.where(lane < 1, w, 0.0)

        for b in (0, 1):
            pltpu.async_copy(table.at[src_v.at[b]], rows[b], st[b])
            pltpu.async_copy(adt.at[dst_v.at[b]], ads[b], sa[b])

        def pair(j2, carry):
            for b in (0, 1):
                jj = 2 * j2 + b
                pltpu.make_async_copy(table.at[src_v.at[jj]], rows[b],
                                      st[b]).wait()
                pltpu.make_async_copy(adt.at[dst_v.at[jj]], ads[b],
                                      sa[b]).wait()

                @pl.when(j2 > 0)
                def _drain_prev_scatter():
                    pltpu.make_async_copy(msgs[b], acc.at[dst_v.at[jj - 2]],
                                          ss[b]).wait()

                compute_chunk(rows[b], ads[b], msgs[b])
                pltpu.async_copy(table.at[src_v.at[jj + 2]], rows[b], st[b])
                pltpu.async_copy(adt.at[dst_v.at[jj + 2]], ads[b], sa[b])
                pltpu.async_copy(msgs[b], acc.at[dst_v.at[jj]], ss[b],
                                 add=True)
            return carry
        lax.fori_loop(0, CPW // 2, pair, 0)

        for b in (0, 1):
            pltpu.make_async_copy(table.at[src_v.at[CPW + b]], rows[b],
                                  st[b]).wait()
            pltpu.make_async_copy(adt.at[dst_v.at[CPW + b]], ads[b],
                                  sa[b]).wait()
            pltpu.make_async_copy(msgs[b], acc.at[dst_v.at[CPW - 2 + b]],
                                  ss[b]).wait()

        plsc.subcore_barrier()
        for z in range(nz):
            pltpu.sync_copy(acc.at[pl.ds(tbase + z * CHUNK, CHUNK)], msg0)
            pltpu.sync_copy(msg0, out.at[c, pl.ds(tbase + z * CHUNK, CHUNK)])

    return ek


_edge1 = _make_edge_kernel(80, True)
_edge2 = _make_edge_kernel(32, False)


def _prep1_body(x_ref, w_ref, asm_ref, adm_ref, t_ref, ad_ref):
    h = jnp.dot(x_ref[...], w_ref[...], preferred_element_type=F32)
    als = jnp.dot(h, asm_ref[...], preferred_element_type=F32)
    ald = jnp.dot(h, adm_ref[...], preferred_element_type=F32)
    z8 = jnp.zeros((BLK, 8), F32)
    t_ref[...] = jnp.concatenate([h, als, z8], axis=1)
    ad_ref[...] = jnp.concatenate([ald, z8], axis=1)


def _mid_body(acc_ref, t_ref, ad_ref, w2_ref, as2_ref, ad2_ref, b1_ref,
              r_ref, t2_ref, ad2t_ref):
    acc = acc_ref[0] + acc_ref[1]
    h1 = t_ref[:, 0:64]
    sv = t_ref[:, 64:72] + ad_ref[:, 0:8]
    ws = jnp.exp(_leaky(sv))
    rmat = r_ref[...]
    num = acc[:, 0:64] + jnp.dot(ws, rmat, preferred_element_type=F32) * h1
    den = jnp.dot(acc[:, 64:72] + ws, rmat, preferred_element_type=F32)
    out1 = num / den + b1_ref[...]
    x2 = jnp.where(out1 > 0.0, out1, jnp.exp(out1) - 1.0)
    h2 = jnp.dot(x2, w2_ref[...], preferred_element_type=F32)
    as2 = jnp.sum(h2 * as2_ref[...], axis=1, keepdims=True)
    ad2 = jnp.sum(h2 * ad2_ref[...], axis=1, keepdims=True)
    z15 = jnp.zeros((BLK, 15), F32)
    t2_ref[...] = jnp.concatenate([h2, as2, z15], axis=1)
    ad2t_ref[...] = jnp.concatenate([ad2, z15], axis=1)


def _fin_body(acc_ref, t2_ref, ad2t_ref, b2_ref, o_ref):
    acc = acc_ref[0] + acc_ref[1]
    h2 = t2_ref[:, 0:16]
    sv = t2_ref[:, 16:17] + ad2t_ref[:, 0:1]
    ws = jnp.exp(_leaky(sv))
    num = acc[:, 0:16] + ws * h2
    den = acc[:, 16:17] + ws
    logits = num / den + b2_ref[...]
    m = jnp.max(logits, axis=1, keepdims=True)
    ex = jnp.exp(logits - m)
    lse = jnp.log(jnp.sum(ex, axis=1, keepdims=True)) + m
    o_ref[...] = logits - lse


def _full(shape):
    return pl.BlockSpec(shape, lambda i: (0,) * len(shape))


def kernel(x, edge_index, W1, a_src1, a_dst1, b1, W2, a_src2, a_dst2, b2):
    xp = jnp.pad(x, ((0, N_PAD - N), (0, 0)))
    sel = jnp.repeat(jnp.eye(H1, dtype=F32), C1, axis=0)
    asm = a_src1.reshape(-1, 1) * sel
    adm = a_dst1.reshape(-1, 1) * sel
    rmat = jnp.repeat(jnp.eye(H1, dtype=F32), C1, axis=1)
    pad_idx = jnp.full((E_PAD - E,), DUMMY, dtype=jnp.int32)
    srcp = jnp.concatenate([edge_index[0], pad_idx]).reshape(N_CHUNKS, CHUNK)
    dstp = jnp.concatenate([edge_index[1], pad_idx]).reshape(N_CHUNKS, CHUNK)

    table1, adt1 = pl.pallas_call(
        _prep1_body,
        grid=(GRID,),
        in_specs=[pl.BlockSpec((BLK, D_IN), lambda i: (i, 0)),
                  _full((D_IN, D1)), _full((D1, H1)), _full((D1, H1))],
        out_specs=[pl.BlockSpec((BLK, 80), lambda i: (i, 0)),
                   pl.BlockSpec((BLK, 16), lambda i: (i, 0))],
        out_shape=[jax.ShapeDtypeStruct((N_PAD, 80), F32),
                   jax.ShapeDtypeStruct((N_PAD, 16), F32)],
    )(xp, W1, asm, adm)

    acc1 = _edge1(table1, adt1, srcp, dstp)

    table2, adt2 = pl.pallas_call(
        _mid_body,
        grid=(GRID,),
        in_specs=[pl.BlockSpec((NCORES, BLK, 80), lambda i: (0, i, 0)),
                  pl.BlockSpec((BLK, 80), lambda i: (i, 0)),
                  pl.BlockSpec((BLK, 16), lambda i: (i, 0)),
                  _full((D1, NC)), _full((1, NC)), _full((1, NC)),
                  _full((1, D1)), _full((H1, D1))],
        out_specs=[pl.BlockSpec((BLK, 32), lambda i: (i, 0)),
                   pl.BlockSpec((BLK, 16), lambda i: (i, 0))],
        out_shape=[jax.ShapeDtypeStruct((N_PAD, 32), F32),
                   jax.ShapeDtypeStruct((N_PAD, 16), F32)],
    )(acc1, table1, adt1, W2, a_src2, a_dst2, b1.reshape(1, D1), rmat)

    acc2 = _edge2(table2, adt2, srcp, dstp)

    outp = pl.pallas_call(
        _fin_body,
        grid=(GRID,),
        in_specs=[pl.BlockSpec((NCORES, BLK, 32), lambda i: (0, i, 0)),
                  pl.BlockSpec((BLK, 32), lambda i: (i, 0)),
                  pl.BlockSpec((BLK, 16), lambda i: (i, 0)),
                  _full((1, NC))],
        out_specs=pl.BlockSpec((BLK, NC), lambda i: (i, 0)),
        out_shape=jax.ShapeDtypeStruct((N_PAD, NC), F32),
    )(acc2, table2, adt2, b2.reshape(1, NC))

    return outp[:N]

# --- scband reference (transcript-rebuilt; emitter-appended) ---
"""Pipeline reference for scband-net-16045997818449 (READ-ONLY COPY).

The authoritative reference and input builder live on the scoring server;
editing this copy changes nothing except your own understanding.
"""

import jax, jax.numpy as jnp
import numpy as np

N_NODES = 10000
N_EDGES = 320000
D_IN = 128
H1 = 8
C1 = 8
NUM_CLASSES = 16


def setup_inputs(seed: int = 0) -> dict:
    key = jax.random.key(seed)
    ks = jax.random.split(key, 12)
    x = jax.random.normal(ks[0], (N_NODES, D_IN), dtype=jnp.float32)
    edge_index = jax.random.randint(ks[1], (2, N_EDGES), 0, N_NODES, dtype=jnp.int32)
    W1 = jax.random.normal(ks[2], (D_IN, H1 * C1), dtype=jnp.float32) * (1.0 / np.sqrt(D_IN))
    a_src1 = jax.random.normal(ks[3], (H1, C1), dtype=jnp.float32) * (1.0 / np.sqrt(C1))
    a_dst1 = jax.random.normal(ks[4], (H1, C1), dtype=jnp.float32) * (1.0 / np.sqrt(C1))
    b1 = jnp.zeros((H1 * C1,), dtype=jnp.float32)
    W2 = jax.random.normal(ks[5], (H1 * C1, NUM_CLASSES), dtype=jnp.float32) * (1.0 / np.sqrt(H1 * C1))
    a_src2 = jax.random.normal(ks[6], (1, NUM_CLASSES), dtype=jnp.float32) * (1.0 / np.sqrt(NUM_CLASSES))
    a_dst2 = jax.random.normal(ks[7], (1, NUM_CLASSES), dtype=jnp.float32) * (1.0 / np.sqrt(NUM_CLASSES))
    b2 = jnp.zeros((NUM_CLASSES,), dtype=jnp.float32)
    return {"x": x, "edge_index": edge_index, "W1": W1, "a_src1": a_src1, "a_dst1": a_dst1, "b1": b1, "W2": W2, "a_src2": a_src2, "a_dst2": a_dst2, "b2": b2}


def _gat_layer(x, edge_index, W, a_src, a_dst, b, heads, out_ch):
    N = x.shape[0]
    loop = jnp.arange(N, dtype=edge_index.dtype)
    src = jnp.concatenate([edge_index[0], loop])
    dst = jnp.concatenate([edge_index[1], loop])
    h = (x @ W).reshape(N, heads, out_ch)
    alpha_src = jnp.sum(h * a_src[None, :, :], axis=-1)
    alpha_dst = jnp.sum(h * a_dst[None, :, :], axis=-1)
    e = alpha_src[src] + alpha_dst[dst]
    e = jax.nn.leaky_relu(e, negative_slope=0.2)
    emax = jax.ops.segment_max(e, dst, num_segments=N)
    emax = jnp.where(jnp.isfinite(emax), emax, 0.0)
    ex = jnp.exp(e - emax[dst])
    denom = jax.ops.segment_sum(ex, dst, num_segments=N)
    alpha = ex / (denom[dst] + 1e-16)
    out = jax.ops.segment_sum(h[src] * alpha[:, :, None], dst, num_segments=N)
    out = out.reshape(N, heads * out_ch)
    return out + b[None, :]


def reference(x, edge_index, W1, a_src1, a_dst1, b1, W2, a_src2, a_dst2, b2):
    # eval mode: dropout is identity
    h = _gat_layer(x, edge_index, W1, a_src1, a_dst1, b1, H1, C1)
    h = jax.nn.elu(h)
    out = _gat_layer(h, edge_index, W2, a_src2, a_dst2, b2, 1, NUM_CLASSES)
    return jax.nn.log_softmax(out, axis=1)

if __name__ == "__main__":
    import jax
    _d = setup_inputs()
    print(jax.jit(kernel)(*tuple(_d.values())))

</pallas_src>

<mosaic_0001>
#map = affine_map<(d0, d1) -> (0, 0)>
#map1 = affine_map<(d0, d1) -> (0, 0, 0)>
module attributes {stable_mosaic.version = 14 : i64} {
  func.func @ek(%arg0: i32, %arg1: i32, %arg2: memref<10240x80xf32, #tpu.memory_space<hbm>>, %arg3: memref<10240x16xf32, #tpu.memory_space<hbm>>, %arg4: memref<2560x128xi32, #tpu.memory_space<hbm>>, %arg5: memref<2560x128xi32, #tpu.memory_space<hbm>>, %arg6: memref<2x10240x80xf32, #tpu.memory_space<hbm>>, %arg7: memref<10240x80xf32, #tpu.memory_space<vmem_shared>>, %arg8: memref<82x128xi32, #tpu.memory_space<vmem>>, %arg9: memref<82x128xi32, #tpu.memory_space<vmem>>, %arg10: memref<128x80xf32, #tpu.memory_space<vmem>>, %arg11: memref<128x80xf32, #tpu.memory_space<vmem>>, %arg12: memref<128x16xf32, #tpu.memory_space<vmem>>, %arg13: memref<128x16xf32, #tpu.memory_space<vmem>>, %arg14: memref<128x80xf32, #tpu.memory_space<vmem>>, %arg15: memref<128x80xf32, #tpu.memory_space<vmem>>, %arg16: memref<!tpu.dma_semaphore, #tpu.memory_space<semaphore_mem>>, %arg17: memref<!tpu.dma_semaphore, #tpu.memory_space<semaphore_mem>>, %arg18: memref<!tpu.dma_semaphore, #tpu.memory_space<semaphore_mem>>, %arg19: memref<!tpu.dma_semaphore, #tpu.memory_space<semaphore_mem>>, %arg20: memref<!tpu.dma_semaphore, #tpu.memory_space<semaphore_mem>>, %arg21: memref<!tpu.dma_semaphore, #tpu.memory_space<semaphore_mem>>) attributes {dimension_semantics = [#tpu.dimension_semantics<core_parallel>, #tpu.dimension_semantics<subcore_parallel>], iteration_bounds = array<i64: 2, 16>, scalar_prefetch = 0 : i64, scratch_operands = 15 : i64, tpu.core_type = #tpu.core_type<sc_vector_subcore>, window_params = [{transform_indices = #map}, {transform_indices = #map}, {transform_indices = #map}, {transform_indices = #map}, {transform_indices = #map1}]} {
    %mul3A = arith.constant 2 : i32
    %mul3A_0 = arith.muli %arg1, %mul3A : i32
    %add3A = arith.addi %mul3A_0, %arg0 : i32
    %mul3A_1 = arith.constant 640 : i32
    %mul3A_2 = arith.muli %arg1, %mul3A_1 : i32
    %iota3A = tpu.iota {dimensions = array<i32: 0>} : vector<16xi32>
    %scan3A = arith.constant 0 : i32
    %scan3A_3 = arith.constant 0 : i32
    %scan3A_4 = arith.constant 128 : i32
    %scan3A_5 = arith.addi %scan3A_3, %scan3A_4 : i32
    %scan3A_6 = arith.constant 1 : i32
    scf.for %scan3A_371 = %scan3A_3 to %scan3A_5 step %scan3A_6  : i32 {
      %broadcast_in_dim3A_372 = arith.constant 0.000000e+00 : f32
      %broadcast_in_dim3A_373 = vector.broadcast %broadcast_in_dim3A_372 : f32 to vector<16xf32>
      %swap3A_374 = arith.index_cast %scan3A_371 : i32 to index
      %swap3A_375 = arith.constant 0 : index
      %swap3A_376 = tpu.vector_load %arg14[%swap3A_374, %swap3A_375] {strides = array<i32>} : memref<128x80xf32, #tpu.memory_space<vmem>>, vector<1x16xf32>,
      %swap3A_377 = vector.shape_cast %swap3A_376 : vector<1x16xf32> to vector<16xf32>
      %swap3A_378 = vector.shape_cast %broadcast_in_dim3A_373 : vector<16xf32> to vector<1x16xf32>
      tpu.vector_store %arg14[%swap3A_374, %swap3A_375], %swap3A_378 {strides = array<i32>} : memref<128x80xf32, #tpu.memory_space<vmem>>, vector<1x16xf32>,
      %broadcast_in_dim3A_379 = arith.constant 0.000000e+00 : f32
      %broadcast_in_dim3A_380 = vector.broadcast %broadcast_in_dim3A_379 : f32 to vector<16xf32>
      %swap3A_381 = arith.index_cast %scan3A_371 : i32 to index
      %swap3A_382 = arith.constant 16 : index
      %swap3A_383 = tpu.vector_load %arg14[%swap3A_381, %swap3A_382] {strides = array<i32>} : memref<128x80xf32, #tpu.memory_space<vmem>>, vector<1x16xf32>,
      %swap3A_384 = vector.shape_cast %swap3A_383 : vector<1x16xf32> to vector<16xf32>
      %swap3A_385 = vector.shape_cast %broadcast_in_dim3A_380 : vector<16xf32> to vector<1x16xf32>
      tpu.vector_store %arg14[%swap3A_381, %swap3A_382], %swap3A_385 {strides = array<i32>} : memref<128x80xf32, #tpu.memory_space<vmem>>, vector<1x16xf32>,
      %broadcast_in_dim3A_386 = arith.constant 0.000000e+00 : f32
      %broadcast_in_dim3A_387 = vector.broadcast %broadcast_in_dim3A_386 : f32 to vector<16xf32>
      %swap3A_388 = arith.index_cast %scan3A_371 : i32 to index
      %swap3A_389 = arith.constant 32 : index
      %swap3A_390 = tpu.vector_load %arg14[%swap3A_388, %swap3A_389] {strides = array<i32>} : memref<128x80xf32, #tpu.memory_space<vmem>>, vector<1x16xf32>,
      %swap3A_391 = vector.shape_cast %swap3A_390 : vector<1x16xf32> to vector<16xf32>
      %swap3A_392 = vector.shape_cast %broadcast_in_dim3A_387 : vector<16xf32> to vector<1x16xf32>
      tpu.vector_store %arg14[%swap3A_388, %swap3A_389], %swap3A_392 {strides = array<i32>} : memref<128x80xf32, #tpu.memory_space<vmem>>, vector<1x16xf32>,
      %broadcast_in_dim3A_393 = arith.constant 0.000000e+00 : f32
      %broadcast_in_dim3A_394 = vector.broadcast %broadcast_in_dim3A_393 : f32 to vector<16xf32>
      %swap3A_395 = arith.index_cast %scan3A_371 : i32 to index
      %swap3A_396 = arith.constant 48 : index
      %swap3A_397 = tpu.vector_load %arg14[%swap3A_395, %swap3A_396] {strides = array<i32>} : memref<128x80xf32, #tpu.memory_space<vmem>>, vector<1x16xf32>,
      %swap3A_398 = vector.shape_cast %swap3A_397 : vector<1x16xf32> to vector<16xf32>
      %swap3A_399 = vector.shape_cast %broadcast_in_dim3A_394 : vector<16xf32> to vector<1x16xf32>
      tpu.vector_store %arg14[%swap3A_395, %swap3A_396], %swap3A_399 {strides = array<i32>} : memref<128x80xf32, #tpu.memory_space<vmem>>, vector<1x16xf32>,
      %broadcast_in_dim3A_400 = arith.constant 0.000000e+00 : f32
      %broadcast_in_dim3A_401 = vector.broadcast %broadcast_in_dim3A_400 : f32 to vector<16xf32>
      %swap3A_402 = arith.index_cast %scan3A_371 : i32 to index
      %swap3A_403 = arith.constant 64 : index
      %swap3A_404 = tpu.vector_load %arg14[%swap3A_402, %swap3A_403] {strides = array<i32>} : memref<128x80xf32, #tpu.memory_space<vmem>>, vector<1x16xf32>,
      %swap3A_405 = vector.shape_cast %swap3A_404 : vector<1x16xf32> to vector<16xf32>
      %swap3A_406 = vector.shape_cast %broadcast_in_dim3A_401 : vector<16xf32> to vector<1x16xf32>
      tpu.vector_store %arg14[%swap3A_402, %swap3A_403], %swap3A_406 {strides = array<i32>} : memref<128x80xf32, #tpu.memory_space<vmem>>, vector<1x16xf32>,
    }
    %scan3A_7 = arith.constant 128 : i32
    %add3A_8 = arith.constant 0 : i32
    %add3A_9 = arith.addi %mul3A_2, %add3A_8 : i32
    "tpu.region"() ({
      %run_scoped3A = tpu.sem_alloc : memref<!tpu.dma_semaphore, #tpu.memory_space<semaphore_mem>>
      %dma_start3A_371 = arith.constant 0 : i32
      %dma_start3A_372 = tpu.memref_slice %arg7[%add3A_9, %dma_start3A_371] : memref<10240x80xf32, #tpu.memory_space<vmem_shared>> -> memref<128x80xf32, #tpu.memory_space<vmem_shared>>
      %dma_start3A_373 = arith.constant 0 : i32
      %dma_start3A_374 = tpu.memref_slice %arg7[%add3A_9, %dma_start3A_373] : memref<10240x80xf32, #tpu.memory_space<vmem_shared>> -> memref<128x80xf32, #tpu.memory_space<vmem_shared>>
      tpu.enqueue_dma source(%arg14 : memref<128x80xf32, #tpu.memory_space<vmem>>) target(%dma_start3A_374 : memref<128x80xf32, #tpu.memory_space<vmem_shared>>) target_semaphore(%run_scoped3A : memref<!tpu.dma_semaphore, #tpu.memory_space<semaphore_mem>>)
      %dma_wait3A_375 = arith.constant 0 : i32
      %dma_wait3A_376 = tpu.memref_slice %arg7[%add3A_9, %dma_wait3A_375] : memref<10240x80xf32, #tpu.memory_space<vmem_shared>> -> memref<128x80xf32, #tpu.memory_space<vmem_shared>>
      %dma_wait3A_377 = arith.constant 0 : i32
      %dma_wait3A_378 = tpu.memref_slice %arg7[%add3A_9, %dma_wait3A_377] : memref<10240x80xf32, #tpu.memory_space<vmem_shared>> -> memref<128x80xf32, #tpu.memory_space<vmem_shared>>
      tpu.wait_dma2 semaphore(%run_scoped3A : memref<!tpu.dma_semaphore, #tpu.memory_space<semaphore_mem>>) src(%arg14 : memref<128x80xf32, #tpu.memory_space<vmem>>) dst(%dma_wait3A_378 : memref<128x80xf32, #tpu.memory_space<vmem_shared>>)
      tpu.yield
    }) : () -> ()
    %add3A_10 = arith.constant 128 : i32
    %add3A_11 = arith.addi %mul3A_2, %add3A_10 : i32
    "tpu.region"() ({
      %run_scoped3A = tpu.sem_alloc : memref<!tpu.dma_semaphore, #tpu.memory_space<semaphore_mem>>
      %dma_start3A_371 = arith.constant 0 : i32
      %dma_start3A_372 = tpu.memref_slice %arg7[%add3A_11, %dma_start3A_371] : memref<10240x80xf32, #tpu.memory_space<vmem_shared>> -> memref<128x80xf32, #tpu.memory_space<vmem_shared>>
      %dma_start3A_373 = arith.constant 0 : i32
      %dma_start3A_374 = tpu.memref_slice %arg7[%add3A_11, %dma_start3A_373] : memref<10240x80xf32, #tpu.memory_space<vmem_shared>> -> memref<128x80xf32, #tpu.memory_space<vmem_shared>>
      tpu.enqueue_dma source(%arg14 : memref<128x80xf32, #tpu.memory_space<vmem>>) target(%dma_start3A_374 : memref<128x80xf32, #tpu.memory_space<vmem_shared>>) target_semaphore(%run_scoped3A : memref<!tpu.dma_semaphore, #tpu.memory_space<semaphore_mem>>)
      %dma_wait3A_375 = arith.constant 0 : i32
      %dma_wait3A_376 = tpu.memref_slice %arg7[%add3A_11, %dma_wait3A_375] : memref<10240x80xf32, #tpu.memory_space<vmem_shared>> -> memref<128x80xf32, #tpu.memory_space<vmem_shared>>
      %dma_wait3A_377 = arith.constant 0 : i32
      %dma_wait3A_378 = tpu.memref_slice %arg7[%add3A_11, %dma_wait3A_377] : memref<10240x80xf32, #tpu.memory_space<vmem_shared>> -> memref<128x80xf32, #tpu.memory_space<vmem_shared>>
      tpu.wait_dma2 semaphore(%run_scoped3A : memref<!tpu.dma_semaphore, #tpu.memory_space<semaphore_mem>>) src(%arg14 : memref<128x80xf32, #tpu.memory_space<vmem>>) dst(%dma_wait3A_378 : memref<128x80xf32, #tpu.memory_space<vmem_shared>>)
      tpu.yield
    }) : () -> ()
    %add3A_12 = arith.constant 256 : i32
    %add3A_13 = arith.addi %mul3A_2, %add3A_12 : i32
    "tpu.region"() ({
      %run_scoped3A = tpu.sem_alloc : memref<!tpu.dma_semaphore, #tpu.memory_space<semaphore_mem>>
      %dma_start3A_371 = arith.constant 0 : i32
      %dma_start3A_372 = tpu.memref_slice %arg7[%add3A_13, %dma_start3A_371] : memref<10240x80xf32, #tpu.memory_space<vmem_shared>> -> memref<128x80xf32, #tpu.memory_space<vmem_shared>>
      %dma_start3A_373 = arith.constant 0 : i32
      %dma_start3A_374 = tpu.memref_slice %arg7[%add3A_13, %dma_start3A_373] : memref<10240x80xf32, #tpu.memory_space<vmem_shared>> -> memref<128x80xf32, #tpu.memory_space<vmem_shared>>
      tpu.enqueue_dma source(%arg14 : memref<128x80xf32, #tpu.memory_space<vmem>>) target(%dma_start3A_374 : memref<128x80xf32, #tpu.memory_space<vmem_shared>>) target_semaphore(%run_scoped3A : memref<!tpu.dma_semaphore, #tpu.memory_space<semaphore_mem>>)
      %dma_wait3A_375 = arith.constant 0 : i32
      %dma_wait3A_376 = tpu.memref_slice %arg7[%add3A_13, %dma_wait3A_375] : memref<10240x80xf32, #tpu.memory_space<vmem_shared>> -> memref<128x80xf32, #tpu.memory_space<vmem_shared>>
      %dma_wait3A_377 = arith.constant 0 : i32
      %dma_wait3A_378 = tpu.memref_slice %arg7[%add3A_13, %dma_wait3A_377] : memref<10240x80xf32, #tpu.memory_space<vmem_shared>> -> memref<128x80xf32, #tpu.memory_space<vmem_shared>>
      tpu.wait_dma2 semaphore(%run_scoped3A : memref<!tpu.dma_semaphore, #tpu.memory_space<semaphore_mem>>) src(%arg14 : memref<128x80xf32, #tpu.memory_space<vmem>>) dst(%dma_wait3A_378 : memref<128x80xf32, #tpu.memory_space<vmem_shared>>)
      tpu.yield
    }) : () -> ()
    %add3A_14 = arith.constant 384 : i32
    %add3A_15 = arith.addi %mul3A_2, %add3A_14 : i32
    "tpu.region"() ({
      %run_scoped3A = tpu.sem_alloc : memref<!tpu.dma_semaphore, #tpu.memory_space<semaphore_mem>>
      %dma_start3A_371 = arith.constant 0 : i32
      %dma_start3A_372 = tpu.memref_slice %arg7[%add3A_15, %dma_start3A_371] : memref<10240x80xf32, #tpu.memory_space<vmem_shared>> -> memref<128x80xf32, #tpu.memory_space<vmem_shared>>
      %dma_start3A_373 = arith.constant 0 : i32
      %dma_start3A_374 = tpu.memref_slice %arg7[%add3A_15, %dma_start3A_373] : memref<10240x80xf32, #tpu.memory_space<vmem_shared>> -> memref<128x80xf32, #tpu.memory_space<vmem_shared>>
      tpu.enqueue_dma source(%arg14 : memref<128x80xf32, #tpu.memory_space<vmem>>) target(%dma_start3A_374 : memref<128x80xf32, #tpu.memory_space<vmem_shared>>) target_semaphore(%run_scoped3A : memref<!tpu.dma_semaphore, #tpu.memory_space<semaphore_mem>>)
      %dma_wait3A_375 = arith.constant 0 : i32
      %dma_wait3A_376 = tpu.memref_slice %arg7[%add3A_15, %dma_wait3A_375] : memref<10240x80xf32, #tpu.memory_space<vmem_shared>> -> memref<128x80xf32, #tpu.memory_space<vmem_shared>>
      %dma_wait3A_377 = arith.constant 0 : i32
      %dma_wait3A_378 = tpu.memref_slice %arg7[%add3A_15, %dma_wait3A_377] : memref<10240x80xf32, #tpu.memory_space<vmem_shared>> -> memref<128x80xf32, #tpu.memory_space<vmem_shared>>
      tpu.wait_dma2 semaphore(%run_scoped3A : memref<!tpu.dma_semaphore, #tpu.memory_space<semaphore_mem>>) src(%arg14 : memref<128x80xf32, #tpu.memory_space<vmem>>) dst(%dma_wait3A_378 : memref<128x80xf32, #tpu.memory_space<vmem_shared>>)
      tpu.yield
    }) : () -> ()
    %add3A_16 = arith.constant 512 : i32
    %add3A_17 = arith.addi %mul3A_2, %add3A_16 : i32
    "tpu.region"() ({
      %run_scoped3A = tpu.sem_alloc : memref<!tpu.dma_semaphore, #tpu.memory_space<semaphore_mem>>
      %dma_start3A_371 = arith.constant 0 : i32
      %dma_start3A_372 = tpu.memref_slice %arg7[%add3A_17, %dma_start3A_371] : memref<10240x80xf32, #tpu.memory_space<vmem_shared>> -> memref<128x80xf32, #tpu.memory_space<vmem_shared>>
      %dma_start3A_373 = arith.constant 0 : i32
      %dma_start3A_374 = tpu.memref_slice %arg7[%add3A_17, %dma_start3A_373] : memref<10240x80xf32, #tpu.memory_space<vmem_shared>> -> memref<128x80xf32, #tpu.memory_space<vmem_shared>>
      tpu.enqueue_dma source(%arg14 : memref<128x80xf32, #tpu.memory_space<vmem>>) target(%dma_start3A_374 : memref<128x80xf32, #tpu.memory_space<vmem_shared>>) target_semaphore(%run_scoped3A : memref<!tpu.dma_semaphore, #tpu.memory_space<semaphore_mem>>)
      %dma_wait3A_375 = arith.constant 0 : i32
      %dma_wait3A_376 = tpu.memref_slice %arg7[%add3A_17, %dma_wait3A_375] : memref<10240x80xf32, #tpu.memory_space<vmem_shared>> -> memref<128x80xf32, #tpu.memory_space<vmem_shared>>
      %dma_wait3A_377 = arith.constant 0 : i32
      %dma_wait3A_378 = tpu.memref_slice %arg7[%add3A_17, %dma_wait3A_377] : memref<10240x80xf32, #tpu.memory_space<vmem_shared>> -> memref<128x80xf32, #tpu.memory_space<vmem_shared>>
      tpu.wait_dma2 semaphore(%run_scoped3A : memref<!tpu.dma_semaphore, #tpu.memory_space<semaphore_mem>>) src(%arg14 : memref<128x80xf32, #tpu.memory_space<vmem>>) dst(%dma_wait3A_378 : memref<128x80xf32, #tpu.memory_space<vmem_shared>>)
      tpu.yield
    }) : () -> ()
    %barrier3A = arith.constant 0 : index
    tpu.barrier barrier_id(%barrier3A)
    %mul3A_18 = arith.constant 80 : i32
    %mul3A_19 = arith.muli %add3A, %mul3A_18 : i32
    "tpu.region"() ({
      %run_scoped3A = tpu.sem_alloc : memref<!tpu.dma_semaphore, #tpu.memory_space<semaphore_mem>>
      %dma_start3A_371 = arith.constant 0 : i32
      %dma_start3A_372 = arith.constant 0 : i32
      %dma_start3A_373 = tpu.memref_slice %arg8[%dma_start3A_371, %dma_start3A_372] : memref<82x128xi32, #tpu.memory_space<vmem>> -> memref<80x128xi32, #tpu.memory_space<vmem>>
      %dma_start3A_374 = arith.constant 0 : i32
      %dma_start3A_375 = tpu.memref_slice %arg4[%mul3A_19, %dma_start3A_374] : memref<2560x128xi32, #tpu.memory_space<hbm>> -> memref<80x128xi32, #tpu.memory_space<hbm>>
      %dma_start3A_376 = arith.constant 0 : i32
      %dma_start3A_377 = arith.constant 0 : i32
      %dma_start3A_378 = tpu.memref_slice %arg8[%dma_start3A_376, %dma_start3A_377] : memref<82x128xi32, #tpu.memory_space<vmem>> -> memref<80x128xi32, #tpu.memory_space<vmem>>
      %dma_start3A_379 = arith.constant 0 : i32
      %dma_start3A_380 = tpu.memref_slice %arg4[%mul3A_19, %dma_start3A_379] : memref<2560x128xi32, #tpu.memory_space<hbm>> -> memref<80x128xi32, #tpu.memory_space<hbm>>
      tpu.enqueue_dma source(%dma_start3A_380 : memref<80x128xi32, #tpu.memory_space<hbm>>) target(%dma_start3A_378 : memref<80x128xi32, #tpu.memory_space<vmem>>) target_semaphore(%run_scoped3A : memref<!tpu.dma_semaphore, #tpu.memory_space<semaphore_mem>>)
      %dma_wait3A_381 = arith.constant 0 : i32
      %dma_wait3A_382 = arith.constant 0 : i32
      %dma_wait3A_383 = tpu.memref_slice %arg8[%dma_wait3A_381, %dma_wait3A_382] : memref<82x128xi32, #tpu.memory_space<vmem>> -> memref<80x128xi32, #tpu.memory_space<vmem>>
      %dma_wait3A_384 = arith.constant 0 : i32
      %dma_wait3A_385 = tpu.memref_slice %arg4[%mul3A_19, %dma_wait3A_384] : memref<2560x128xi32, #tpu.memory_space<hbm>> -> memref<80x128xi32, #tpu.memory_space<hbm>>
      %dma_wait3A_386 = arith.constant 0 : i32
      %dma_wait3A_387 = arith.constant 0 : i32
      %dma_wait3A_388 = tpu.memref_slice %arg8[%dma_wait3A_386, %dma_wait3A_387] : memref<82x128xi32, #tpu.memory_space<vmem>> -> memref<80x128xi32, #tpu.memory_space<vmem>>
      %dma_wait3A_389 = arith.constant 0 : i32
      %dma_wait3A_390 = tpu.memref_slice %arg4[%mul3A_19, %dma_wait3A_389] : memref<2560x128xi32, #tpu.memory_space<hbm>> -> memref<80x128xi32, #tpu.memory_space<hbm>>
      tpu.wait_dma2 semaphore(%run_scoped3A : memref<!tpu.dma_semaphore, #tpu.memory_space<semaphore_mem>>) src(%dma_wait3A_390 : memref<80x128xi32, #tpu.memory_space<hbm>>) dst(%dma_wait3A_388 : memref<80x128xi32, #tpu.memory_space<vmem>>)
      tpu.yield
    }) : () -> ()
    %mul3A_20 = arith.constant 80 : i32
    %mul3A_21 = arith.muli %add3A, %mul3A_20 : i32
    "tpu.region"() ({
      %run_scoped3A = tpu.sem_alloc : memref<!tpu.dma_semaphore, #tpu.memory_space<semaphore_mem>>
      %dma_start3A_371 = arith.constant 0 : i32
      %dma_start3A_372 = arith.constant 0 : i32
      %dma_start3A_373 = tpu.memref_slice %arg9[%dma_start3A_371, %dma_start3A_372] : memref<82x128xi32, #tpu.memory_space<vmem>> -> memref<80x128xi32, #tpu.memory_space<vmem>>
      %dma_start3A_374 = arith.constant 0 : i32
      %dma_start3A_375 = tpu.memref_slice %arg5[%mul3A_21, %dma_start3A_374] : memref<2560x128xi32, #tpu.memory_space<hbm>> -> memref<80x128xi32, #tpu.memory_space<hbm>>
      %dma_start3A_376 = arith.constant 0 : i32
      %dma_start3A_377 = arith.constant 0 : i32
      %dma_start3A_378 = tpu.memref_slice %arg9[%dma_start3A_376, %dma_start3A_377] : memref<82x128xi32, #tpu.memory_space<vmem>> -> memref<80x128xi32, #tpu.memory_space<vmem>>
      %dma_start3A_379 = arith.constant 0 : i32
      %dma_start3A_380 = tpu.memref_slice %arg5[%mul3A_21, %dma_start3A_379] : memref<2560x128xi32, #tpu.memory_space<hbm>> -> memref<80x128xi32, #tpu.memory_space<hbm>>
      tpu.enqueue_dma source(%dma_start3A_380 : memref<80x128xi32, #tpu.memory_space<hbm>>) target(%dma_start3A_378 : memref<80x128xi32, #tpu.memory_space<vmem>>) target_semaphore(%run_scoped3A : memref<!tpu.dma_semaphore, #tpu.memory_space<semaphore_mem>>)
      %dma_wait3A_381 = arith.constant 0 : i32
      %dma_wait3A_382 = arith.constant 0 : i32
      %dma_wait3A_383 = tpu.memref_slice %arg9[%dma_wait3A_381, %dma_wait3A_382] : memref<82x128xi32, #tpu.memory_space<vmem>> -> memref<80x128xi32, #tpu.memory_space<vmem>>
      %dma_wait3A_384 = arith.constant 0 : i32
      %dma_wait3A_385 = tpu.memref_slice %arg5[%mul3A_21, %dma_wait3A_384] : memref<2560x128xi32, #tpu.memory_space<hbm>> -> memref<80x128xi32, #tpu.memory_space<hbm>>
      %dma_wait3A_386 = arith.constant 0 : i32
      %dma_wait3A_387 = arith.constant 0 : i32
      %dma_wait3A_388 = tpu.memref_slice %arg9[%dma_wait3A_386, %dma_wait3A_387] : memref<82x128xi32, #tpu.memory_space<vmem>> -> memref<80x128xi32, #tpu.memory_space<vmem>>
      %dma_wait3A_389 = arith.constant 0 : i32
      %dma_wait3A_390 = tpu.memref_slice %arg5[%mul3A_21, %dma_wait3A_389] : memref<2560x128xi32, #tpu.memory_space<hbm>> -> memref<80x128xi32, #tpu.memory_space<hbm>>
      tpu.wait_dma2 semaphore(%run_scoped3A : memref<!tpu.dma_semaphore, #tpu.memory_space<semaphore_mem>>) src(%dma_wait3A_390 : memref<80x128xi32, #tpu.memory_space<hbm>>) dst(%dma_wait3A_388 : memref<80x128xi32, #tpu.memory_space<vmem>>)
      tpu.yield
    }) : () -> ()
    %broadcast_in_dim3A = arith.constant 0 : i32
    %broadcast_in_dim3A_22 = vector.broadcast %broadcast_in_dim3A : i32 to vector<16xi32>
    %swap3A = arith.constant 80 : i32
    %swap3A_23 = arith.index_cast %swap3A : i32 to index
    %swap3A_24 = arith.constant 0 : index
    %swap3A_25 = tpu.vector_load %arg8[%swap3A_23, %swap3A_24] {strides = array<i32>} : memref<82x128xi32, #tpu.memory_space<vmem>>, vector<1x16xi32>,
    %swap3A_26 = vector.shape_cast %swap3A_25 : vector<1x16xi32> to vector<16xi32>
    %swap3A_27 = vector.shape_cast %broadcast_in_dim3A_22 : vector<16xi32> to vector<1x16xi32>
    tpu.vector_store %arg8[%swap3A_23, %swap3A_24], %swap3A_27 {strides = array<i32>} : memref<82x128xi32, #tpu.memory_space<vmem>>, vector<1x16xi32>,
    %broadcast_in_dim3A_28 = arith.constant 0 : i32
    %broadcast_in_dim3A_29 = vector.broadcast %broadcast_in_dim3A_28 : i32 to vector<16xi32>
    %swap3A_30 = arith.constant 80 : i32
    %swap3A_31 = arith.index_cast %swap3A_30 : i32 to index
    %swap3A_32 = arith.constant 0 : index
    %swap3A_33 = tpu.vector_load %arg9[%swap3A_31, %swap3A_32] {strides = array<i32>} : memref<82x128xi32, #tpu.memory_space<vmem>>, vector<1x16xi32>,
    %swap3A_34 = vector.shape_cast %swap3A_33 : vector<1x16xi32> to vector<16xi32>
    %swap3A_35 = vector.shape_cast %broadcast_in_dim3A_29 : vector<16xi32> to vector<1x16xi32>
    tpu.vector_store %arg9[%swap3A_31, %swap3A_32], %swap3A_35 {strides = array<i32>} : memref<82x128xi32, #tpu.memory_space<vmem>>, vector<1x16xi32>,
    %broadcast_in_dim3A_36 = arith.constant 0 : i32
    %broadcast_in_dim3A_37 = vector.broadcast %broadcast_in_dim3A_36 : i32 to vector<16xi32>
    %swap3A_38 = arith.constant 80 : i32
    %swap3A_39 = arith.index_cast %swap3A_38 : i32 to index
    %swap3A_40 = arith.constant 16 : index
    %swap3A_41 = tpu.vector_load %arg8[%swap3A_39, %swap3A_40] {strides = array<i32>} : memref<82x128xi32, #tpu.memory_space<vmem>>, vector<1x16xi32>,
    %swap3A_42 = vector.shape_cast %swap3A_41 : vector<1x16xi32> to vector<16xi32>
    %swap3A_43 = vector.shape_cast %broadcast_in_dim3A_37 : vector<16xi32> to vector<1x16xi32>
    tpu.vector_store %arg8[%swap3A_39, %swap3A_40], %swap3A_43 {strides = array<i32>} : memref<82x128xi32, #tpu.memory_space<vmem>>, vector<1x16xi32>,
    %broadcast_in_dim3A_44 = arith.constant 0 : i32
    %broadcast_in_dim3A_45 = vector.broadcast %broadcast_in_dim3A_44 : i32 to vector<16xi32>
    %swap3A_46 = arith.constant 80 : i32
    %swap3A_47 = arith.index_cast %swap3A_46 : i32 to index
    %swap3A_48 = arith.constant 16 : index
    %swap3A_49 = tpu.vector_load %arg9[%swap3A_47, %swap3A_48] {strides = array<i32>} : memref<82x128xi32, #tpu.memory_space<vmem>>, vector<1x16xi32>,
    %swap3A_50 = vector.shape_cast %swap3A_49 : vector<1x16xi32> to vector<16xi32>
    %swap3A_51 = vector.shape_cast %broadcast_in_dim3A_45 : vector<16xi32> to vector<1x16xi32>
    tpu.vector_store %arg9[%swap3A_47, %swap3A_48], %swap3A_51 {strides = array<i32>} : memref<82x128xi32, #tpu.memory_space<vmem>>, vector<1x16xi32>,
    %broadcast_in_dim3A_52 = arith.constant 0 : i32
    %broadcast_in_dim3A_53 = vector.broadcast %broadcast_in_dim3A_52 : i32 to vector<16xi32>
    %swap3A_54 = arith.constant 80 : i32
    %swap3A_55 = arith.index_cast %swap3A_54 : i32 to index
    %swap3A_56 = arith.constant 32 : index
    %swap3A_57 = tpu.vector_load %arg8[%swap3A_55, %swap3A_56] {strides = array<i32>} : memref<82x128xi32, #tpu.memory_space<vmem>>, vector<1x16xi32>,
    %swap3A_58 = vector.shape_cast %swap3A_57 : vector<1x16xi32> to vector<16xi32>
    %swap3A_59 = vector.shape_cast %broadcast_in_dim3A_53 : vector<16xi32> to vector<1x16xi32>
    tpu.vector_store %arg8[%swap3A_55, %swap3A_56], %swap3A_59 {strides = array<i32>} : memref<82x128xi32, #tpu.memory_space<vmem>>, vector<1x16xi32>,
    %broadcast_in_dim3A_60 = arith.constant 0 : i32
    %broadcast_in_dim3A_61 = vector.broadcast %broadcast_in_dim3A_60 : i32 to vector<16xi32>
    %swap3A_62 = arith.constant 80 : i32
    %swap3A_63 = arith.index_cast %swap3A_62 : i32 to index
    %swap3A_64 = arith.constant 32 : index
    %swap3A_65 = tpu.vector_load %arg9[%swap3A_63, %swap3A_64] {strides = array<i32>} : memref<82x128xi32, #tpu.memory_space<vmem>>, vector<1x16xi32>,
    %swap3A_66 = vector.shape_cast %swap3A_65 : vector<1x16xi32> to vector<16xi32>
    %swap3A_67 = vector.shape_cast %broadcast_in_dim3A_61 : vector<16xi32> to vector<1x16xi32>
    tpu.vector_store %arg9[%swap3A_63, %swap3A_64], %swap3A_67 {strides = array<i32>} : memref<82x128xi32, #tpu.memory_space<vmem>>, vector<1x16xi32>,
    %broadcast_in_dim3A_68 = arith.constant 0 : i32
    %broadcast_in_dim3A_69 = vector.broadcast %broadcast_in_dim3A_68 : i32 to vector<16xi32>
    %swap3A_70 = arith.constant 80 : i32
    %swap3A_71 = arith.index_cast %swap3A_70 : i32 to index
    %swap3A_72 = arith.constant 48 : index
    %swap3A_73 = tpu.vector_load %arg8[%swap3A_71, %swap3A_72] {strides = array<i32>} : memref<82x128xi32, #tpu.memory_space<vmem>>, vector<1x16xi32>,
    %swap3A_74 = vector.shape_cast %swap3A_73 : vector<1x16xi32> to vector<16xi32>
    %swap3A_75 = vector.shape_cast %broadcast_in_dim3A_69 : vector<16xi32> to vector<1x16xi32>
    tpu.vector_store %arg8[%swap3A_71, %swap3A_72], %swap3A_75 {strides = array<i32>} : memref<82x128xi32, #tpu.memory_space<vmem>>, vector<1x16xi32>,
    %broadcast_in_dim3A_76 = arith.constant 0 : i32
    %broadcast_in_dim3A_77 = vector.broadcast %broadcast_in_dim3A_76 : i32 to vector<16xi32>
    %swap3A_78 = arith.constant 80 : i32
    %swap3A_79 = arith.index_cast %swap3A_78 : i32 to index
    %swap3A_80 = arith.constant 48 : index
    %swap3A_81 = tpu.vector_load %arg9[%swap3A_79, %swap3A_80] {strides = array<i32>} : memref<82x128xi32, #tpu.memory_space<vmem>>, vector<1x16xi32>,
    %swap3A_82 = vector.shape_cast %swap3A_81 : vector<1x16xi32> to vector<16xi32>
    %swap3A_83 = vector.shape_cast %broadcast_in_dim3A_77 : vector<16xi32> to vector<1x16xi32>
    tpu.vector_store %arg9[%swap3A_79, %swap3A_80], %swap3A_83 {strides = array<i32>} : memref<82x128xi32, #tpu.memory_space<vmem>>, vector<1x16xi32>,
    %broadcast_in_dim3A_84 = arith.constant 0 : i32
    %broadcast_in_dim3A_85 = vector.broadcast %broadcast_in_dim3A_84 : i32 to vector<16xi32>
    %swap3A_86 = arith.constant 80 : i32
    %swap3A_87 = arith.index_cast %swap3A_86 : i32 to index
    %swap3A_88 = arith.constant 64 : index
    %swap3A_89 = tpu.vector_load %arg8[%swap3A_87, %swap3A_88] {strides = array<i32>} : memref<82x128xi32, #tpu.memory_space<vmem>>, vector<1x16xi32>,
    %swap3A_90 = vector.shape_cast %swap3A_89 : vector<1x16xi32> to vector<16xi32>
    %swap3A_91 = vector.shape_cast %broadcast_in_dim3A_85 : vector<16xi32> to vector<1x16xi32>
    tpu.vector_store %arg8[%swap3A_87, %swap3A_88], %swap3A_91 {strides = array<i32>} : memref<82x128xi32, #tpu.memory_space<vmem>>, vector<1x16xi32>,
    %broadcast_in_dim3A_92 = arith.constant 0 : i32
    %broadcast_in_dim3A_93 = vector.broadcast %broadcast_in_dim3A_92 : i32 to vector<16xi32>
    %swap3A_94 = arith.constant 80 : i32
    %swap3A_95 = arith.index_cast %swap3A_94 : i32 to index
    %swap3A_96 = arith.constant 64 : index
    %swap3A_97 = tpu.vector_load %arg9[%swap3A_95, %swap3A_96] {strides = array<i32>} : memref<82x128xi32, #tpu.memory_space<vmem>>, vector<1x16xi32>,
    %swap3A_98 = vector.shape_cast %swap3A_97 : vector<1x16xi32> to vector<16xi32>
    %swap3A_99 = vector.shape_cast %broadcast_in_dim3A_93 : vector<16xi32> to vector<1x16xi32>
    tpu.vector_store %arg9[%swap3A_95, %swap3A_96], %swap3A_99 {strides = array<i32>} : memref<82x128xi32, #tpu.memory_space<vmem>>, vector<1x16xi32>,
    %broadcast_in_dim3A_100 = arith.constant 0 : i32
    %broadcast_in_dim3A_101 = vector.broadcast %broadcast_in_dim3A_100 : i32 to vector<16xi32>
    %swap3A_102 = arith.constant 80 : i32
    %swap3A_103 = arith.index_cast %swap3A_102 : i32 to index
    %swap3A_104 = arith.constant 80 : index
    %swap3A_105 = tpu.vector_load %arg8[%swap3A_103, %swap3A_104] {strides = array<i32>} : memref<82x128xi32, #tpu.memory_space<vmem>>, vector<1x16xi32>,
    %swap3A_106 = vector.shape_cast %swap3A_105 : vector<1x16xi32> to vector<16xi32>
    %swap3A_107 = vector.shape_cast %broadcast_in_dim3A_101 : vector<16xi32> to vector<1x16xi32>
    tpu.vector_store %arg8[%swap3A_103, %swap3A_104], %swap3A_107 {strides = array<i32>} : memref<82x128xi32, #tpu.memory_space<vmem>>, vector<1x16xi32>,
    %broadcast_in_dim3A_108 = arith.constant 0 : i32
    %broadcast_in_dim3A_109 = vector.broadcast %broadcast_in_dim3A_108 : i32 to vector<16xi32>
    %swap3A_110 = arith.constant 80 : i32
    %swap3A_111 = arith.index_cast %swap3A_110 : i32 to index
    %swap3A_112 = arith.constant 80 : index
    %swap3A_113 = tpu.vector_load %arg9[%swap3A_111, %swap3A_112] {strides = array<i32>} : memref<82x128xi32, #tpu.memory_space<vmem>>, vector<1x16xi32>,
    %swap3A_114 = vector.shape_cast %swap3A_113 : vector<1x16xi32> to vector<16xi32>
    %swap3A_115 = vector.shape_cast %broadcast_in_dim3A_109 : vector<16xi32> to vector<1x16xi32>
    tpu.vector_store %arg9[%swap3A_111, %swap3A_112], %swap3A_115 {strides = array<i32>} : memref<82x128xi32, #tpu.memory_space<vmem>>, vector<1x16xi32>,
    %broadcast_in_dim3A_116 = arith.constant 0 : i32
    %broadcast_in_dim3A_117 = vector.broadcast %broadcast_in_dim3A_116 : i32 to vector<16xi32>
    %swap3A_118 = arith.constant 80 : i32
    %swap3A_119 = arith.index_cast %swap3A_118 : i32 to index
    %swap3A_120 = arith.constant 96 : index
    %swap3A_121 = tpu.vector_load %arg8[%swap3A_119, %swap3A_120] {strides = array<i32>} : memref<82x128xi32, #tpu.memory_space<vmem>>, vector<1x16xi32>,
    %swap3A_122 = vector.shape_cast %swap3A_121 : vector<1x16xi32> to vector<16xi32>
    %swap3A_123 = vector.shape_cast %broadcast_in_dim3A_117 : vector<16xi32> to vector<1x16xi32>
    tpu.vector_store %arg8[%swap3A_119, %swap3A_120], %swap3A_123 {strides = array<i32>} : memref<82x128xi32, #tpu.memory_space<vmem>>, vector<1x16xi32>,
    %broadcast_in_dim3A_124 = arith.constant 0 : i32
    %broadcast_in_dim3A_125 = vector.broadcast %broadcast_in_dim3A_124 : i32 to vector<16xi32>
    %swap3A_126 = arith.constant 80 : i32
    %swap3A_127 = arith.index_cast %swap3A_126 : i32 to index
    %swap3A_128 = arith.constant 96 : index
    %swap3A_129 = tpu.vector_load %arg9[%swap3A_127, %swap3A_128] {strides = array<i32>} : memref<82x128xi32, #tpu.memory_space<vmem>>, vector<1x16xi32>,
    %swap3A_130 = vector.shape_cast %swap3A_129 : vector<1x16xi32> to vector<16xi32>
    %swap3A_131 = vector.shape_cast %broadcast_in_dim3A_125 : vector<16xi32> to vector<1x16xi32>
    tpu.vector_store %arg9[%swap3A_127, %swap3A_128], %swap3A_131 {strides = array<i32>} : memref<82x128xi32, #tpu.memory_space<vmem>>, vector<1x16xi32>,
    %broadcast_in_dim3A_132 = arith.constant 0 : i32
    %broadcast_in_dim3A_133 = vector.broadcast %broadcast_in_dim3A_132 : i32 to vector<16xi32>
    %swap3A_134 = arith.constant 80 : i32
    %swap3A_135 = arith.index_cast %swap3A_134 : i32 to index
    %swap3A_136 = arith.constant 112 : index
    %swap3A_137 = tpu.vector_load %arg8[%swap3A_135, %swap3A_136] {strides = array<i32>} : memref<82x128xi32, #tpu.memory_space<vmem>>, vector<1x16xi32>,
    %swap3A_138 = vector.shape_cast %swap3A_137 : vector<1x16xi32> to vector<16xi32>
    %swap3A_139 = vector.shape_cast %broadcast_in_dim3A_133 : vector<16xi32> to vector<1x16xi32>
    tpu.vector_store %arg8[%swap3A_135, %swap3A_136], %swap3A_139 {strides = array<i32>} : memref<82x128xi32, #tpu.memory_space<vmem>>, vector<1x16xi32>,
    %broadcast_in_dim3A_140 = arith.constant 0 : i32
    %broadcast_in_dim3A_141 = vector.broadcast %broadcast_in_dim3A_140 : i32 to vector<16xi32>
    %swap3A_142 = arith.constant 80 : i32
    %swap3A_143 = arith.index_cast %swap3A_142 : i32 to index
    %swap3A_144 = arith.constant 112 : index
    %swap3A_145 = tpu.vector_load %arg9[%swap3A_143, %swap3A_144] {strides = array<i32>} : memref<82x128xi32, #tpu.memory_space<vmem>>, vector<1x16xi32>,
    %swap3A_146 = vector.shape_cast %swap3A_145 : vector<1x16xi32> to vector<16xi32>
    %swap3A_147 = vector.shape_cast %broadcast_in_dim3A_141 : vector<16xi32> to vector<1x16xi32>
    tpu.vector_store %arg9[%swap3A_143, %swap3A_144], %swap3A_147 {strides = array<i32>} : memref<82x128xi32, #tpu.memory_space<vmem>>, vector<1x16xi32>,
    %broadcast_in_dim3A_148 = arith.constant 0 : i32
    %broadcast_in_dim3A_149 = vector.broadcast %broadcast_in_dim3A_148 : i32 to vector<16xi32>
    %swap3A_150 = arith.constant 81 : i32
    %swap3A_151 = arith.index_cast %swap3A_150 : i32 to index
    %swap3A_152 = arith.constant 0 : index
    %swap3A_153 = tpu.vector_load %arg8[%swap3A_151, %swap3A_152] {strides = array<i32>} : memref<82x128xi32, #tpu.memory_space<vmem>>, vector<1x16xi32>,
    %swap3A_154 = vector.shape_cast %swap3A_153 : vector<1x16xi32> to vector<16xi32>
    %swap3A_155 = vector.shape_cast %broadcast_in_dim3A_149 : vector<16xi32> to vector<1x16xi32>
    tpu.vector_store %arg8[%swap3A_151, %swap3A_152], %swap3A_155 {strides = array<i32>} : memref<82x128xi32, #tpu.memory_space<vmem>>, vector<1x16xi32>,
    %broadcast_in_dim3A_156 = arith.constant 0 : i32
    %broadcast_in_dim3A_157 = vector.broadcast %broadcast_in_dim3A_156 : i32 to vector<16xi32>
    %swap3A_158 = arith.constant 81 : i32
    %swap3A_159 = arith.index_cast %swap3A_158 : i32 to index
    %swap3A_160 = arith.constant 0 : index
    %swap3A_161 = tpu.vector_load %arg9[%swap3A_159, %swap3A_160] {strides = array<i32>} : memref<82x128xi32, #tpu.memory_space<vmem>>, vector<1x16xi32>,
    %swap3A_162 = vector.shape_cast %swap3A_161 : vector<1x16xi32> to vector<16xi32>
    %swap3A_163 = vector.shape_cast %broadcast_in_dim3A_157 : vector<16xi32> to vector<1x16xi32>
    tpu.vector_store %arg9[%swap3A_159, %swap3A_160], %swap3A_163 {strides = array<i32>} : memref<82x128xi32, #tpu.memory_space<vmem>>, vector<1x16xi32>,
    %broadcast_in_dim3A_164 = arith.constant 0 : i32
    %broadcast_in_dim3A_165 = vector.broadcast %broadcast_in_dim3A_164 : i32 to vector<16xi32>
    %swap3A_166 = arith.constant 81 : i32
    %swap3A_167 = arith.index_cast %swap3A_166 : i32 to index
    %swap3A_168 = arith.constant 16 : index
    %swap3A_169 = tpu.vector_load %arg8[%swap3A_167, %swap3A_168] {strides = array<i32>} : memref<82x128xi32, #tpu.memory_space<vmem>>, vector<1x16xi32>,
    %swap3A_170 = vector.shape_cast %swap3A_169 : vector<1x16xi32> to vector<16xi32>
    %swap3A_171 = vector.shape_cast %broadcast_in_dim3A_165 : vector<16xi32> to vector<1x16xi32>
    tpu.vector_store %arg8[%swap3A_167, %swap3A_168], %swap3A_171 {strides = array<i32>} : memref<82x128xi32, #tpu.memory_space<vmem>>, vector<1x16xi32>,
    %broadcast_in_dim3A_172 = arith.constant 0 : i32
    %broadcast_in_dim3A_173 = vector.broadcast %broadcast_in_dim3A_172 : i32 to vector<16xi32>
    %swap3A_174 = arith.constant 81 : i32
    %swap3A_175 = arith.index_cast %swap3A_174 : i32 to index
    %swap3A_176 = arith.constant 16 : index
    %swap3A_177 = tpu.vector_load %arg9[%swap3A_175, %swap3A_176] {strides = array<i32>} : memref<82x128xi32, #tpu.memory_space<vmem>>, vector<1x16xi32>,
    %swap3A_178 = vector.shape_cast %swap3A_177 : vector<1x16xi32> to vector<16xi32>
    %swap3A_179 = vector.shape_cast %broadcast_in_dim3A_173 : vector<16xi32> to vector<1x16xi32>
    tpu.vector_store %arg9[%swap3A_175, %swap3A_176], %swap3A_179 {strides = array<i32>} : memref<82x128xi32, #tpu.memory_space<vmem>>, vector<1x16xi32>,
    %broadcast_in_dim3A_180 = arith.constant 0 : i32
    %broadcast_in_dim3A_181 = vector.broadcast %broadcast_in_dim3A_180 : i32 to vector<16xi32>
    %swap3A_182 = arith.constant 81 : i32
    %swap3A_183 = arith.index_cast %swap3A_182 : i32 to index
    %swap3A_184 = arith.constant 32 : index
    %swap3A_185 = tpu.vector_load %arg8[%swap3A_183, %swap3A_184] {strides = array<i32>} : memref<82x128xi32, #tpu.memory_space<vmem>>, vector<1x16xi32>,
    %swap3A_186 = vector.shape_cast %swap3A_185 : vector<1x16xi32> to vector<16xi32>
    %swap3A_187 = vector.shape_cast %broadcast_in_dim3A_181 : vector<16xi32> to vector<1x16xi32>
    tpu.vector_store %arg8[%swap3A_183, %swap3A_184], %swap3A_187 {strides = array<i32>} : memref<82x128xi32, #tpu.memory_space<vmem>>, vector<1x16xi32>,
    %broadcast_in_dim3A_188 = arith.constant 0 : i32
    %broadcast_in_dim3A_189 = vector.broadcast %broadcast_in_dim3A_188 : i32 to vector<16xi32>
    %swap3A_190 = arith.constant 81 : i32
    %swap3A_191 = arith.index_cast %swap3A_190 : i32 to index
    %swap3A_192 = arith.constant 32 : index
    %swap3A_193 = tpu.vector_load %arg9[%swap3A_191, %swap3A_192] {strides = array<i32>} : memref<82x128xi32, #tpu.memory_space<vmem>>, vector<1x16xi32>,
    %swap3A_194 = vector.shape_cast %swap3A_193 : vector<1x16xi32> to vector<16xi32>
    %swap3A_195 = vector.shape_cast %broadcast_in_dim3A_189 : vector<16xi32> to vector<1x16xi32>
    tpu.vector_store %arg9[%swap3A_191, %swap3A_192], %swap3A_195 {strides = array<i32>} : memref<82x128xi32, #tpu.memory_space<vmem>>, vector<1x16xi32>,
    %broadcast_in_dim3A_196 = arith.constant 0 : i32
    %broadcast_in_dim3A_197 = vector.broadcast %broadcast_in_dim3A_196 : i32 to vector<16xi32>
    %swap3A_198 = arith.constant 81 : i32
    %swap3A_199 = arith.index_cast %swap3A_198 : i32 to index
    %swap3A_200 = arith.constant 48 : index
    %swap3A_201 = tpu.vector_load %arg8[%swap3A_199, %swap3A_200] {strides = array<i32>} : memref<82x128xi32, #tpu.memory_space<vmem>>, vector<1x16xi32>,
    %swap3A_202 = vector.shape_cast %swap3A_201 : vector<1x16xi32> to vector<16xi32>
    %swap3A_203 = vector.shape_cast %broadcast_in_dim3A_197 : vector<16xi32> to vector<1x16xi32>
    tpu.vector_store %arg8[%swap3A_199, %swap3A_200], %swap3A_203 {strides = array<i32>} : memref<82x128xi32, #tpu.memory_space<vmem>>, vector<1x16xi32>,
    %broadcast_in_dim3A_204 = arith.constant 0 : i32
    %broadcast_in_dim3A_205 = vector.broadcast %broadcast_in_dim3A_204 : i32 to vector<16xi32>
    %swap3A_206 = arith.constant 81 : i32
    %swap3A_207 = arith.index_cast %swap3A_206 : i32 to index
    %swap3A_208 = arith.constant 48 : index
    %swap3A_209 = tpu.vector_load %arg9[%swap3A_207, %swap3A_208] {strides = array<i32>} : memref<82x128xi32, #tpu.memory_space<vmem>>, vector<1x16xi32>,
    %swap3A_210 = vector.shape_cast %swap3A_209 : vector<1x16xi32> to vector<16xi32>
    %swap3A_211 = vector.shape_cast %broadcast_in_dim3A_205 : vector<16xi32> to vector<1x16xi32>
    tpu.vector_store %arg9[%swap3A_207, %swap3A_208], %swap3A_211 {strides = array<i32>} : memref<82x128xi32, #tpu.memory_space<vmem>>, vector<1x16xi32>,
    %broadcast_in_dim3A_212 = arith.constant 0 : i32
    %broadcast_in_dim3A_213 = vector.broadcast %broadcast_in_dim3A_212 : i32 to vector<16xi32>
    %swap3A_214 = arith.constant 81 : i32
    %swap3A_215 = arith.index_cast %swap3A_214 : i32 to index
    %swap3A_216 = arith.constant 64 : index
    %swap3A_217 = tpu.vector_load %arg8[%swap3A_215, %swap3A_216] {strides = array<i32>} : memref<82x128xi32, #tpu.memory_space<vmem>>, vector<1x16xi32>,
    %swap3A_218 = vector.shape_cast %swap3A_217 : vector<1x16xi32> to vector<16xi32>
    %swap3A_219 = vector.shape_cast %broadcast_in_dim3A_213 : vector<16xi32> to vector<1x16xi32>
    tpu.vector_store %arg8[%swap3A_215, %swap3A_216], %swap3A_219 {strides = array<i32>} : memref<82x128xi32, #tpu.memory_space<vmem>>, vector<1x16xi32>,
    %broadcast_in_dim3A_220 = arith.constant 0 : i32
    %broadcast_in_dim3A_221 = vector.broadcast %broadcast_in_dim3A_220 : i32 to vector<16xi32>
    %swap3A_222 = arith.constant 81 : i32
    %swap3A_223 = arith.index_cast %swap3A_222 : i32 to index
    %swap3A_224 = arith.constant 64 : index
    %swap3A_225 = tpu.vector_load %arg9[%swap3A_223, %swap3A_224] {strides = array<i32>} : memref<82x128xi32, #tpu.memory_space<vmem>>, vector<1x16xi32>,
    %swap3A_226 = vector.shape_cast %swap3A_225 : vector<1x16xi32> to vector<16xi32>
    %swap3A_227 = vector.shape_cast %broadcast_in_dim3A_221 : vector<16xi32> to vector<1x16xi32>
    tpu.vector_store %arg9[%swap3A_223, %swap3A_224], %swap3A_227 {strides = array<i32>} : memref<82x128xi32, #tpu.memory_space<vmem>>, vector<1x16xi32>,
    %broadcast_in_dim3A_228 = arith.constant 0 : i32
    %broadcast_in_dim3A_229 = vector.broadcast %broadcast_in_dim3A_228 : i32 to vector<16xi32>
    %swap3A_230 = arith.constant 81 : i32
    %swap3A_231 = arith.index_cast %swap3A_230 : i32 to index
    %swap3A_232 = arith.constant 80 : index
    %swap3A_233 = tpu.vector_load %arg8[%swap3A_231, %swap3A_232] {strides = array<i32>} : memref<82x128xi32, #tpu.memory_space<vmem>>, vector<1x16xi32>,
    %swap3A_234 = vector.shape_cast %swap3A_233 : vector<1x16xi32> to vector<16xi32>
    %swap3A_235 = vector.shape_cast %broadcast_in_dim3A_229 : vector<16xi32> to vector<1x16xi32>
    tpu.vector_store %arg8[%swap3A_231, %swap3A_232], %swap3A_235 {strides = array<i32>} : memref<82x128xi32, #tpu.memory_space<vmem>>, vector<1x16xi32>,
    %broadcast_in_dim3A_236 = arith.constant 0 : i32
    %broadcast_in_dim3A_237 = vector.broadcast %broadcast_in_dim3A_236 : i32 to vector<16xi32>
    %swap3A_238 = arith.constant 81 : i32
    %swap3A_239 = arith.index_cast %swap3A_238 : i32 to index
    %swap3A_240 = arith.constant 80 : index
    %swap3A_241 = tpu.vector_load %arg9[%swap3A_239, %swap3A_240] {strides = array<i32>} : memref<82x128xi32, #tpu.memory_space<vmem>>, vector<1x16xi32>,
    %swap3A_242 = vector.shape_cast %swap3A_241 : vector<1x16xi32> to vector<16xi32>
    %swap3A_243 = vector.shape_cast %broadcast_in_dim3A_237 : vector<16xi32> to vector<1x16xi32>
    tpu.vector_store %arg9[%swap3A_239, %swap3A_240], %swap3A_243 {strides = array<i32>} : memref<82x128xi32, #tpu.memory_space<vmem>>, vector<1x16xi32>,
    %broadcast_in_dim3A_244 = arith.constant 0 : i32
    %broadcast_in_dim3A_245 = vector.broadcast %broadcast_in_dim3A_244 : i32 to vector<16xi32>
    %swap3A_246 = arith.constant 81 : i32
    %swap3A_247 = arith.index_cast %swap3A_246 : i32 to index
    %swap3A_248 = arith.constant 96 : index
    %swap3A_249 = tpu.vector_load %arg8[%swap3A_247, %swap3A_248] {strides = array<i32>} : memref<82x128xi32, #tpu.memory_space<vmem>>, vector<1x16xi32>,
    %swap3A_250 = vector.shape_cast %swap3A_249 : vector<1x16xi32> to vector<16xi32>
    %swap3A_251 = vector.shape_cast %broadcast_in_dim3A_245 : vector<16xi32> to vector<1x16xi32>
    tpu.vector_store %arg8[%swap3A_247, %swap3A_248], %swap3A_251 {strides = array<i32>} : memref<82x128xi32, #tpu.memory_space<vmem>>, vector<1x16xi32>,
    %broadcast_in_dim3A_252 = arith.constant 0 : i32
    %broadcast_in_dim3A_253 = vector.broadcast %broadcast_in_dim3A_252 : i32 to vector<16xi32>
    %swap3A_254 = arith.constant 81 : i32
    %swap3A_255 = arith.index_cast %swap3A_254 : i32 to index
    %swap3A_256 = arith.constant 96 : index
    %swap3A_257 = tpu.vector_load %arg9[%swap3A_255, %swap3A_256] {strides = array<i32>} : memref<82x128xi32, #tpu.memory_space<vmem>>, vector<1x16xi32>,
    %swap3A_258 = vector.shape_cast %swap3A_257 : vector<1x16xi32> to vector<16xi32>
    %swap3A_259 = vector.shape_cast %broadcast_in_dim3A_253 : vector<16xi32> to vector<1x16xi32>
    tpu.vector_store %arg9[%swap3A_255, %swap3A_256], %swap3A_259 {strides = array<i32>} : memref<82x128xi32, #tpu.memory_space<vmem>>, vector<1x16xi32>,
    %broadcast_in_dim3A_260 = arith.constant 0 : i32
    %broadcast_in_dim3A_261 = vector.broadcast %broadcast_in_dim3A_260 : i32 to vector<16xi32>
    %swap3A_262 = arith.constant 81 : i32
    %swap3A_263 = arith.index_cast %swap3A_262 : i32 to index
    %swap3A_264 = arith.constant 112 : index
    %swap3A_265 = tpu.vector_load %arg8[%swap3A_263, %swap3A_264] {strides = array<i32>} : memref<82x128xi32, #tpu.memory_space<vmem>>, vector<1x16xi32>,
    %swap3A_266 = vector.shape_cast %swap3A_265 : vector<1x16xi32> to vector<16xi32>
    %swap3A_267 = vector.shape_cast %broadcast_in_dim3A_261 : vector<16xi32> to vector<1x16xi32>
    tpu.vector_store %arg8[%swap3A_263, %swap3A_264], %swap3A_267 {strides = array<i32>} : memref<82x128xi32, #tpu.memory_space<vmem>>, vector<1x16xi32>,
    %broadcast_in_dim3A_268 = arith.constant 0 : i32
    %broadcast_in_dim3A_269 = vector.broadcast %broadcast_in_dim3A_268 : i32 to vector<16xi32>
    %swap3A_270 = arith.constant 81 : i32
    %swap3A_271 = arith.index_cast %swap3A_270 : i32 to index
    %swap3A_272 = arith.constant 112 : index
    %swap3A_273 = tpu.vector_load %arg9[%swap3A_271, %swap3A_272] {strides = array<i32>} : memref<82x128xi32, #tpu.memory_space<vmem>>, vector<1x16xi32>,
    %swap3A_274 = vector.shape_cast %swap3A_273 : vector<1x16xi32> to vector<16xi32>
    %swap3A_275 = vector.shape_cast %broadcast_in_dim3A_269 : vector<16xi32> to vector<1x16xi32>
    tpu.vector_store %arg9[%swap3A_271, %swap3A_272], %swap3A_275 {strides = array<i32>} : memref<82x128xi32, #tpu.memory_space<vmem>>, vector<1x16xi32>,
    %dma_start3A = arith.constant 0 : i32
    %dma_start3A_276 = arith.constant 0 : i32
    %dma_start3A_277 = tpu.memref_slice %arg8[%dma_start3A, %dma_start3A_276] : memref<82x128xi32, #tpu.memory_space<vmem>> -> memref<1x128xi32, #tpu.memory_space<vmem>>
    %dma_start3A_278 = tpu.memref_squeeze %dma_start3A_277 : memref<1x128xi32, #tpu.memory_space<vmem>> -> memref<128xi32, #tpu.memory_space<vmem>>
    %dma_start3A_279 = arith.constant 0 : i32
    %dma_start3A_280 = arith.constant 0 : i32
    %dma_start3A_281 = tpu.memref_slice %arg2[%dma_start3A_279, %dma_start3A_280] : memref<10240x80xf32, #tpu.memory_space<hbm>> -> memref<10240x80xf32, #tpu.memory_space<hbm>>
    tpu.enqueue_indirect_dma source(%dma_start3A_281 : memref<10240x80xf32, #tpu.memory_space<hbm>>) target(%arg10 : memref<128x80xf32, #tpu.memory_space<vmem>>) offsets(%dma_start3A_278 : memref<128xi32, #tpu.memory_space<vmem>>) semaphore(%arg16 : memref<!tpu.dma_semaphore, #tpu.memory_space<semaphore_mem>>)
    %dma_start3A_282 = arith.constant 0 : i32
    %dma_start3A_283 = arith.constant 0 : i32
    %dma_start3A_284 = tpu.memref_slice %arg9[%dma_start3A_282, %dma_start3A_283] : memref<82x128xi32, #tpu.memory_space<vmem>> -> memref<1x128xi32, #tpu.memory_space<vmem>>
    %dma_start3A_285 = tpu.memref_squeeze %dma_start3A_284 : memref<1x128xi32, #tpu.memory_space<vmem>> -> memref<128xi32, #tpu.memory_space<vmem>>
    %dma_start3A_286 = arith.constant 0 : i32
    %dma_start3A_287 = arith.constant 0 : i32
    %dma_start3A_288 = tpu.memref_slice %arg3[%dma_start3A_286, %dma_start3A_287] : memref<10240x16xf32, #tpu.memory_space<hbm>> -> memref<10240x16xf32, #tpu.memory_space<hbm>>
    tpu.enqueue_indirect_dma source(%dma_start3A_288 : memref<10240x16xf32, #tpu.memory_space<hbm>>) target(%arg12 : memref<128x16xf32, #tpu.memory_space<vmem>>) offsets(%dma_start3A_285 : memref<128xi32, #tpu.memory_space<vmem>>) semaphore(%arg18 : memref<!tpu.dma_semaphore, #tpu.memory_space<semaphore_mem>>)
    %dma_start3A_289 = arith.constant 1 : i32
    %dma_start3A_290 = arith.constant 0 : i32
    %dma_start3A_291 = tpu.memref_slice %arg8[%dma_start3A_289, %dma_start3A_290] : memref<82x128xi32, #tpu.memory_space<vmem>> -> memref<1x128xi32, #tpu.memory_space<vmem>>
    %dma_start3A_292 = tpu.memref_squeeze %dma_start3A_291 : memref<1x128xi32, #tpu.memory_space<vmem>> -> memref<128xi32, #tpu.memory_space<vmem>>
    %dma_start3A_293 = arith.constant 0 : i32
    %dma_start3A_294 = arith.constant 0 : i32
    %dma_start3A_295 = tpu.memref_slice %arg2[%dma_start3A_293, %dma_start3A_294] : memref<10240x80xf32, #tpu.memory_space<hbm>> -> memref<10240x80xf32, #tpu.memory_space<hbm>>
    tpu.enqueue_indirect_dma source(%dma_start3A_295 : memref<10240x80xf32, #tpu.memory_space<hbm>>) target(%arg11 : memref<128x80xf32, #tpu.memory_space<vmem>>) offsets(%dma_start3A_292 : memref<128xi32, #tpu.memory_space<vmem>>) semaphore(%arg17 : memref<!tpu.dma_semaphore, #tpu.memory_space<semaphore_mem>>)
    %dma_start3A_296 = arith.constant 1 : i32
    %dma_start3A_297 = arith.constant 0 : i32
    %dma_start3A_298 = tpu.memref_slice %arg9[%dma_start3A_296, %dma_start3A_297] : memref<82x128xi32, #tpu.memory_space<vmem>> -> memref<1x128xi32, #tpu.memory_space<vmem>>
    %dma_start3A_299 = tpu.memref_squeeze %dma_start3A_298 : memref<1x128xi32, #tpu.memory_space<vmem>> -> memref<128xi32, #tpu.memory_space<vmem>>
    %dma_start3A_300 = arith.constant 0 : i32
    %dma_start3A_301 = arith.constant 0 : i32
    %dma_start3A_302 = tpu.memref_slice %arg3[%dma_start3A_300, %dma_start3A_301] : memref<10240x16xf32, #tpu.memory_space<hbm>> -> memref<10240x16xf32, #tpu.memory_space<hbm>>
    tpu.enqueue_indirect_dma source(%dma_start3A_302 : memref<10240x16xf32, #tpu.memory_space<hbm>>) target(%arg13 : memref<128x16xf32, #tpu.memory_space<vmem>>) offsets(%dma_start3A_299 : memref<128xi32, #tpu.memory_space<vmem>>) semaphore(%arg19 : memref<!tpu.dma_semaphore, #tpu.memory_space<semaphore_mem>>)
    %scan3A_303 = arith.constant 0 : i32
    %scan3A_304 = arith.constant 0 : i32
    %scan3A_305 = arith.constant 40 : i32
    %scan3A_306 = arith.addi %scan3A_304, %scan3A_305 : i32
    %scan3A_307 = arith.constant 1 : i32
    scf.for %scan3A_371 = %scan3A_304 to %scan3A_306 step %scan3A_307  : i32 {
      %mul3A_372 = arith.constant 2 : i32
      %mul3A_373 = arith.muli %mul3A_372, %scan3A_371 : i32
      %add3A_374 = arith.constant 0 : i32
      %add3A_375 = arith.addi %mul3A_373, %add3A_374 : i32
      %dma_wait3A_376 = arith.constant 0 : i32
      %dma_wait3A_377 = tpu.memref_slice %arg8[%add3A_375, %dma_wait3A_376] : memref<82x128xi32, #tpu.memory_space<vmem>> -> memref<1x128xi32, #tpu.memory_space<vmem>>
      %dma_wait3A_378 = tpu.memref_squeeze %dma_wait3A_377 : memref<1x128xi32, #tpu.memory_space<vmem>> -> memref<128xi32, #tpu.memory_space<vmem>>
      %dma_wait3A_379 = arith.constant 0 : i32
      %dma_wait3A_380 = arith.constant 0 : i32
      %dma_wait3A_381 = tpu.memref_slice %arg2[%dma_wait3A_379, %dma_wait3A_380] : memref<10240x80xf32, #tpu.memory_space<hbm>> -> memref<10240x80xf32, #tpu.memory_space<hbm>>
      tpu.wait_indirect_dma semaphore(%arg16 : memref<!tpu.dma_semaphore, #tpu.memory_space<semaphore_mem>>) src(%dma_wait3A_381 : memref<10240x80xf32, #tpu.memory_space<hbm>>) dst(%arg10 : memref<128x80xf32, #tpu.memory_space<vmem>>)
      %dma_wait3A_382 = arith.constant 0 : i32
      %dma_wait3A_383 = tpu.memref_slice %arg9[%add3A_375, %dma_wait3A_382] : memref<82x128xi32, #tpu.memory_space<vmem>> -> memref<1x128xi32, #tpu.memory_space<vmem>>
      %dma_wait3A_384 = tpu.memref_squeeze %dma_wait3A_383 : memref<1x128xi32, #tpu.memory_space<vmem>> -> memref<128xi32, #tpu.memory_space<vmem>>
      %dma_wait3A_385 = arith.constant 0 : i32
      %dma_wait3A_386 = arith.constant 0 : i32
      %dma_wait3A_387 = tpu.memref_slice %arg3[%dma_wait3A_385, %dma_wait3A_386] : memref<10240x16xf32, #tpu.memory_space<hbm>> -> memref<10240x16xf32, #tpu.memory_space<hbm>>
      tpu.wait_indirect_dma semaphore(%arg18 : memref<!tpu.dma_semaphore, #tpu.memory_space<semaphore_mem>>) src(%dma_wait3A_387 : memref<10240x16xf32, #tpu.memory_space<hbm>>) dst(%arg12 : memref<128x16xf32, #tpu.memory_space<vmem>>)
      %gt3A = arith.constant 0 : i32
      %gt3A_388 = arith.cmpi sgt, %scan3A_371, %gt3A : i32
      %convert_element_type3A = arith.extui %gt3A_388 : i1 to i32
      %cond3A = arith.constant 0 : i32
      %cond3A_389 = arith.cmpi ne, %convert_element_type3A, %cond3A : i32
      scf.if %cond3A_389 {
        %sub3A = arith.constant 2 : i32
        %sub3A_460 = arith.subi %add3A_375, %sub3A : i32
        %dma_wait3A_461 = arith.constant 0 : i32
        %dma_wait3A_462 = tpu.memref_slice %arg9[%sub3A_460, %dma_wait3A_461] : memref<82x128xi32, #tpu.memory_space<vmem>> -> memref<1x128xi32, #tpu.memory_space<vmem>>
        %dma_wait3A_463 = tpu.memref_squeeze %dma_wait3A_462 : memref<1x128xi32, #tpu.memory_space<vmem>> -> memref<128xi32, #tpu.memory_space<vmem>>
        %dma_wait3A_464 = arith.constant 0 : i32
        %dma_wait3A_465 = arith.constant 0 : i32
        %dma_wait3A_466 = tpu.memref_slice %arg7[%dma_wait3A_464, %dma_wait3A_465] : memref<10240x80xf32, #tpu.memory_space<vmem_shared>> -> memref<10240x80xf32, #tpu.memory_space<vmem_shared>>
        tpu.wait_indirect_dma semaphore(%arg20 : memref<!tpu.dma_semaphore, #tpu.memory_space<semaphore_mem>>) src(%arg14 : memref<128x80xf32, #tpu.memory_space<vmem>>) dst(%dma_wait3A_466 : memref<10240x80xf32, #tpu.memory_space<vmem_shared>>)
      } else {
      }
      %parallel_loop3A = arith.constant 0 : i32
      %parallel_loop3A_390 = arith.constant 128 : i32
      %parallel_loop3A_391 = arith.constant 1 : i32
      scf.for %parallel_loop3A_460 = %parallel_loop3A to %parallel_loop3A_390 step %parallel_loop3A_391  : i32 {
        %parallel_loop3A_461 = arith.index_cast %parallel_loop3A_460 : i32 to index
        %parallel_loop3A_462 = arith.constant 64 : index
        %parallel_loop3A_463 = tpu.vector_load %arg10[%parallel_loop3A_461, %parallel_loop3A_462] {strides = array<i32>} : memref<128x80xf32, #tpu.memory_space<vmem>>, vector<1x16xf32>,
        %parallel_loop3A_464 = vector.shape_cast %parallel_loop3A_463 : vector<1x16xf32> to vector<16xf32>
        %parallel_loop3A_465 = arith.index_cast %parallel_loop3A_460 : i32 to index
        %parallel_loop3A_466 = arith.constant 0 : index
        %parallel_loop3A_467 = tpu.vector_load %arg12[%parallel_loop3A_465, %parallel_loop3A_466] {strides = array<i32>} : memref<128x16xf32, #tpu.memory_space<vmem>>, vector<1x16xf32>,
        %parallel_loop3A_468 = vector.shape_cast %parallel_loop3A_467 : vector<1x16xf32> to vector<16xf32>
        %parallel_loop3A_469 = arith.addf %parallel_loop3A_464, %parallel_loop3A_468 : vector<16xf32>
        %parallel_loop3A_470 = arith.constant 0.000000e+00 : f32
        %parallel_loop3A_471 = vector.broadcast %parallel_loop3A_470 : f32 to vector<16xf32>
        %parallel_loop3A_472 = arith.cmpf ogt, %parallel_loop3A_469, %parallel_loop3A_471 : vector<16xf32>
        %parallel_loop3A_473 = arith.constant 2.000000e-01 : f32
        %parallel_loop3A_474 = vector.broadcast %parallel_loop3A_473 : f32 to vector<16xf32>
        %parallel_loop3A_475 = arith.mulf %parallel_loop3A_469, %parallel_loop3A_474 : vector<16xf32>
        %parallel_loop3A_476 = arith.select %parallel_loop3A_472, %parallel_loop3A_469, %parallel_loop3A_475 : vector<16xi1>, vector<16xf32>
        %parallel_loop3A_477 = math.exp %parallel_loop3A_476 : vector<16xf32>
        %parallel_loop3A_478 = arith.constant 8 : i32
        %parallel_loop3A_479 = vector.broadcast %parallel_loop3A_478 : i32 to vector<16xi32>
        %parallel_loop3A_480 = arith.cmpi sge, %iota3A, %parallel_loop3A_479 : vector<16xi32>
        %parallel_loop3A_481 = arith.constant 1 : i32
        %parallel_loop3A_482 = arith.constant 0 : i32
        %parallel_loop3A_483 = vector.broadcast %parallel_loop3A_481 : i32 to vector<16xi32>
        %parallel_loop3A_484 = vector.broadcast %parallel_loop3A_482 : i32 to vector<16xi32>
        %parallel_loop3A_485 = arith.select %parallel_loop3A_480, %parallel_loop3A_483, %parallel_loop3A_484 : vector<16xi1>, vector<16xi32>
        %parallel_loop3A_486 = arith.constant 0 : i32
        %parallel_loop3A_487 = vector.broadcast %parallel_loop3A_486 : i32 to vector<16xi32>
        %parallel_loop3A_488 = arith.addi %parallel_loop3A_485, %parallel_loop3A_487 : vector<16xi32>
        %parallel_loop3A_489 = vector.shape_cast %parallel_loop3A_488 : vector<16xi32> to vector<16x1xi32>
        %parallel_loop3A_490 = vector.shape_cast %parallel_loop3A_489 : vector<16x1xi32> to vector<16xi32>
        %parallel_loop3A_491 = tpu.dynamic_gather %parallel_loop3A_477[%parallel_loop3A_490] in [0] : vector<16xf32>, vector<16xi32> -> vector<16xf32>
        %parallel_loop3A_492 = arith.index_cast %parallel_loop3A_460 : i32 to index
        %parallel_loop3A_493 = arith.constant 0 : index
        %parallel_loop3A_494 = tpu.vector_load %arg10[%parallel_loop3A_492, %parallel_loop3A_493] {strides = array<i32>} : memref<128x80xf32, #tpu.memory_space<vmem>>, vector<1x16xf32>,
        %parallel_loop3A_495 = vector.shape_cast %parallel_loop3A_494 : vector<1x16xf32> to vector<16xf32>
        %parallel_loop3A_496 = arith.mulf %parallel_loop3A_495, %parallel_loop3A_491 : vector<16xf32>
        %parallel_loop3A_497 = arith.index_cast %parallel_loop3A_460 : i32 to index
        %parallel_loop3A_498 = arith.constant 0 : index
        %parallel_loop3A_499 = tpu.vector_load %arg14[%parallel_loop3A_497, %parallel_loop3A_498] {strides = array<i32>} : memref<128x80xf32, #tpu.memory_space<vmem>>, vector<1x16xf32>,
        %parallel_loop3A_500 = vector.shape_cast %parallel_loop3A_499 : vector<1x16xf32> to vector<16xf32>
        %parallel_loop3A_501 = vector.shape_cast %parallel_loop3A_496 : vector<16xf32> to vector<1x16xf32>
        tpu.vector_store %arg14[%parallel_loop3A_497, %parallel_loop3A_498], %parallel_loop3A_501 {strides = array<i32>} : memref<128x80xf32, #tpu.memory_space<vmem>>, vector<1x16xf32>,
        %parallel_loop3A_502 = arith.constant 2 : i32
        %parallel_loop3A_503 = vector.broadcast %parallel_loop3A_502 : i32 to vector<16xi32>
        %parallel_loop3A_504 = arith.addi %parallel_loop3A_485, %parallel_loop3A_503 : vector<16xi32>
        %parallel_loop3A_505 = vector.shape_cast %parallel_loop3A_504 : vector<16xi32> to vector<16x1xi32>
        %parallel_loop3A_506 = vector.shape_cast %parallel_loop3A_505 : vector<16x1xi32> to vector<16xi32>
        %parallel_loop3A_507 = tpu.dynamic_gather %parallel_loop3A_477[%parallel_loop3A_506] in [0] : vector<16xf32>, vector<16xi32> -> vector<16xf32>
        %parallel_loop3A_508 = arith.index_cast %parallel_loop3A_460 : i32 to index
        %parallel_loop3A_509 = arith.constant 16 : index
        %parallel_loop3A_510 = tpu.vector_load %arg10[%parallel_loop3A_508, %parallel_loop3A_509] {strides = array<i32>} : memref<128x80xf32, #tpu.memory_space<vmem>>, vector<1x16xf32>,
        %parallel_loop3A_511 = vector.shape_cast %parallel_loop3A_510 : vector<1x16xf32> to vector<16xf32>
        %parallel_loop3A_512 = arith.mulf %parallel_loop3A_511, %parallel_loop3A_507 : vector<16xf32>
        %parallel_loop3A_513 = arith.index_cast %parallel_loop3A_460 : i32 to index
        %parallel_loop3A_514 = arith.constant 16 : index
        %parallel_loop3A_515 = tpu.vector_load %arg14[%parallel_loop3A_513, %parallel_loop3A_514] {strides = array<i32>} : memref<128x80xf32, #tpu.memory_space<vmem>>, vector<1x16xf32>,
        %parallel_loop3A_516 = vector.shape_cast %parallel_loop3A_515 : vector<1x16xf32> to vector<16xf32>
        %parallel_loop3A_517 = vector.shape_cast %parallel_loop3A_512 : vector<16xf32> to vector<1x16xf32>
        tpu.vector_store %arg14[%parallel_loop3A_513, %parallel_loop3A_514], %parallel_loop3A_517 {strides = array<i32>} : memref<128x80xf32, #tpu.memory_space<vmem>>, vector<1x16xf32>,
        %parallel_loop3A_518 = arith.constant 4 : i32
        %parallel_loop3A_519 = vector.broadcast %parallel_loop3A_518 : i32 to vector<16xi32>
        %parallel_loop3A_520 = arith.addi %parallel_loop3A_485, %parallel_loop3A_519 : vector<16xi32>
        %parallel_loop3A_521 = vector.shape_cast %parallel_loop3A_520 : vector<16xi32> to vector<16x1xi32>
        %parallel_loop3A_522 = vector.shape_cast %parallel_loop3A_521 : vector<16x1xi32> to vector<16xi32>
        %parallel_loop3A_523 = tpu.dynamic_gather %parallel_loop3A_477[%parallel_loop3A_522] in [0] : vector<16xf32>, vector<16xi32> -> vector<16xf32>
        %parallel_loop3A_524 = arith.index_cast %parallel_loop3A_460 : i32 to index
        %parallel_loop3A_525 = arith.constant 32 : index
        %parallel_loop3A_526 = tpu.vector_load %arg10[%parallel_loop3A_524, %parallel_loop3A_525] {strides = array<i32>} : memref<128x80xf32, #tpu.memory_space<vmem>>, vector<1x16xf32>,
        %parallel_loop3A_527 = vector.shape_cast %parallel_loop3A_526 : vector<1x16xf32> to vector<16xf32>
        %parallel_loop3A_528 = arith.mulf %parallel_loop3A_527, %parallel_loop3A_523 : vector<16xf32>
        %parallel_loop3A_529 = arith.index_cast %parallel_loop3A_460 : i32 to index
        %parallel_loop3A_530 = arith.constant 32 : index
        %parallel_loop3A_531 = tpu.vector_load %arg14[%parallel_loop3A_529, %parallel_loop3A_530] {strides = array<i32>} : memref<128x80xf32, #tpu.memory_space<vmem>>, vector<1x16xf32>,
        %parallel_loop3A_532 = vector.shape_cast %parallel_loop3A_531 : vector<1x16xf32> to vector<16xf32>
        %parallel_loop3A_533 = vector.shape_cast %parallel_loop3A_528 : vector<16xf32> to vector<1x16xf32>
        tpu.vector_store %arg14[%parallel_loop3A_529, %parallel_loop3A_530], %parallel_loop3A_533 {strides = array<i32>} : memref<128x80xf32, #tpu.memory_space<vmem>>, vector<1x16xf32>,
        %parallel_loop3A_534 = arith.constant 6 : i32
        %parallel_loop3A_535 = vector.broadcast %parallel_loop3A_534 : i32 to vector<16xi32>
        %parallel_loop3A_536 = arith.addi %parallel_loop3A_485, %parallel_loop3A_535 : vector<16xi32>
        %parallel_loop3A_537 = vector.shape_cast %parallel_loop3A_536 : vector<16xi32> to vector<16x1xi32>
        %parallel_loop3A_538 = vector.shape_cast %parallel_loop3A_537 : vector<16x1xi32> to vector<16xi32>
        %parallel_loop3A_539 = tpu.dynamic_gather %parallel_loop3A_477[%parallel_loop3A_538] in [0] : vector<16xf32>, vector<16xi32> -> vector<16xf32>
        %parallel_loop3A_540 = arith.index_cast %parallel_loop3A_460 : i32 to index
        %parallel_loop3A_541 = arith.constant 48 : index
        %parallel_loop3A_542 = tpu.vector_load %arg10[%parallel_loop3A_540, %parallel_loop3A_541] {strides = array<i32>} : memref<128x80xf32, #tpu.memory_space<vmem>>, vector<1x16xf32>,
        %parallel_loop3A_543 = vector.shape_cast %parallel_loop3A_542 : vector<1x16xf32> to vector<16xf32>
        %parallel_loop3A_544 = arith.mulf %parallel_loop3A_543, %parallel_loop3A_539 : vector<16xf32>
        %parallel_loop3A_545 = arith.index_cast %parallel_loop3A_460 : i32 to index
        %parallel_loop3A_546 = arith.constant 48 : index
        %parallel_loop3A_547 = tpu.vector_load %arg14[%parallel_loop3A_545, %parallel_loop3A_546] {strides = array<i32>} : memref<128x80xf32, #tpu.memory_space<vmem>>, vector<1x16xf32>,
        %parallel_loop3A_548 = vector.shape_cast %parallel_loop3A_547 : vector<1x16xf32> to vector<16xf32>
        %parallel_loop3A_549 = vector.shape_cast %parallel_loop3A_544 : vector<16xf32> to vector<1x16xf32>
        tpu.vector_store %arg14[%parallel_loop3A_545, %parallel_loop3A_546], %parallel_loop3A_549 {strides = array<i32>} : memref<128x80xf32, #tpu.memory_space<vmem>>, vector<1x16xf32>,
        %parallel_loop3A_550 = arith.constant 8 : i32
        %parallel_loop3A_551 = vector.broadcast %parallel_loop3A_550 : i32 to vector<16xi32>
        %parallel_loop3A_552 = arith.cmpi slt, %iota3A, %parallel_loop3A_551 : vector<16xi32>
        %parallel_loop3A_553 = arith.constant 0.000000e+00 : f32
        %parallel_loop3A_554 = vector.broadcast %parallel_loop3A_553 : f32 to vector<16xf32>
        %parallel_loop3A_555 = arith.select %parallel_loop3A_552, %parallel_loop3A_477, %parallel_loop3A_554 : vector<16xi1>, vector<16xf32>
        %parallel_loop3A_556 = arith.index_cast %parallel_loop3A_460 : i32 to index
        %parallel_loop3A_557 = arith.constant 64 : index
        %parallel_loop3A_558 = tpu.vector_load %arg14[%parallel_loop3A_556, %parallel_loop3A_557] {strides = array<i32>} : memref<128x80xf32, #tpu.memory_space<vmem>>, vector<1x16xf32>,
        %parallel_loop3A_559 = vector.shape_cast %parallel_loop3A_558 : vector<1x16xf32> to vector<16xf32>
        %parallel_loop3A_560 = vector.shape_cast %parallel_loop3A_555 : vector<16xf32> to vector<1x16xf32>
        tpu.vector_store %arg14[%parallel_loop3A_556, %parallel_loop3A_557], %parallel_loop3A_560 {strides = array<i32>} : memref<128x80xf32, #tpu.memory_space<vmem>>, vector<1x16xf32>,
      } {sc.loop_unroll_factor = 4 : i64, sc.parallel_access}
      %add3A_392 = arith.constant 2 : i32
      %add3A_393 = arith.addi %add3A_375, %add3A_392 : i32
      %dma_start3A_394 = arith.constant 0 : i32
      %dma_start3A_395 = tpu.memref_slice %arg8[%add3A_393, %dma_start3A_394] : memref<82x128xi32, #tpu.memory_space<vmem>> -> memref<1x128xi32, #tpu.memory_space<vmem>>
      %dma_start3A_396 = tpu.memref_squeeze %dma_start3A_395 : memref<1x128xi32, #tpu.memory_space<vmem>> -> memref<128xi32, #tpu.memory_space<vmem>>
      %dma_start3A_397 = arith.constant 0 : i32
      %dma_start3A_398 = arith.constant 0 : i32
      %dma_start3A_399 = tpu.memref_slice %arg2[%dma_start3A_397, %dma_start3A_398] : memref<10240x80xf32, #tpu.memory_space<hbm>> -> memref<10240x80xf32, #tpu.memory_space<hbm>>
      tpu.enqueue_indirect_dma source(%dma_start3A_399 : memref<10240x80xf32, #tpu.memory_space<hbm>>) target(%arg10 : memref<128x80xf32, #tpu.memory_space<vmem>>) offsets(%dma_start3A_396 : memref<128xi32, #tpu.memory_space<vmem>>) semaphore(%arg16 : memref<!tpu.dma_semaphore, #tpu.memory_space<semaphore_mem>>)
      %add3A_400 = arith.constant 2 : i32
      %add3A_401 = arith.addi %add3A_375, %add3A_400 : i32
      %dma_start3A_402 = arith.constant 0 : i32
      %dma_start3A_403 = tpu.memref_slice %arg9[%add3A_401, %dma_start3A_402] : memref<82x128xi32, #tpu.memory_space<vmem>> -> memref<1x128xi32, #tpu.memory_space<vmem>>
      %dma_start3A_404 = tpu.memref_squeeze %dma_start3A_403 : memref<1x128xi32, #tpu.memory_space<vmem>> -> memref<128xi32, #tpu.memory_space<vmem>>
      %dma_start3A_405 = arith.constant 0 : i32
      %dma_start3A_406 = arith.constant 0 : i32
      %dma_start3A_407 = tpu.memref_slice %arg3[%dma_start3A_405, %dma_start3A_406] : memref<10240x16xf32, #tpu.memory_space<hbm>> -> memref<10240x16xf32, #tpu.memory_space<hbm>>
      tpu.enqueue_indirect_dma source(%dma_start3A_407 : memref<10240x16xf32, #tpu.memory_space<hbm>>) target(%arg12 : memref<128x16xf32, #tpu.memory_space<vmem>>) offsets(%dma_start3A_404 : memref<128xi32, #tpu.memory_space<vmem>>) semaphore(%arg18 : memref<!tpu.dma_semaphore, #tpu.memory_space<semaphore_mem>>)
      %dma_start3A_408 = arith.constant 0 : i32
      %dma_start3A_409 = tpu.memref_slice %arg9[%add3A_375, %dma_start3A_408] : memref<82x128xi32, #tpu.memory_space<vmem>> -> memref<1x128xi32, #tpu.memory_space<vmem>>
      %dma_start3A_410 = tpu.memref_squeeze %dma_start3A_409 : memref<1x128xi32, #tpu.memory_space<vmem>> -> memref<128xi32, #tpu.memory_space<vmem>>
      %dma_start3A_411 = arith.constant 0 : i32
      %dma_start3A_412 = arith.constant 0 : i32
      %dma_start3A_413 = tpu.memref_slice %arg7[%dma_start3A_411, %dma_start3A_412] : memref<10240x80xf32, #tpu.memory_space<vmem_shared>> -> memref<10240x80xf32, #tpu.memory_space<vmem_shared>>
      tpu.enqueue_indirect_dma source(%arg14 : memref<128x80xf32, #tpu.memory_space<vmem>>) target(%dma_start3A_413 : memref<10240x80xf32, #tpu.memory_space<vmem_shared>>) offsets(%dma_start3A_410 : memref<128xi32, #tpu.memory_space<vmem>>) semaphore(%arg20 : memref<!tpu.dma_semaphore, #tpu.memory_space<semaphore_mem>>) {add = true}
      %mul3A_414 = arith.constant 2 : i32
      %mul3A_415 = arith.muli %mul3A_414, %scan3A_371 : i32
      %add3A_416 = arith.constant 1 : i32
      %add3A_417 = arith.addi %mul3A_415, %add3A_416 : i32
      %dma_wait3A_418 = arith.constant 0 : i32
      %dma_wait3A_419 = tpu.memref_slice %arg8[%add3A_417, %dma_wait3A_418] : memref<82x128xi32, #tpu.memory_space<vmem>> -> memref<1x128xi32, #tpu.memory_space<vmem>>
      %dma_wait3A_420 = tpu.memref_squeeze %dma_wait3A_419 : memref<1x128xi32, #tpu.memory_space<vmem>> -> memref<128xi32, #tpu.memory_space<vmem>>
      %dma_wait3A_421 = arith.constant 0 : i32
      %dma_wait3A_422 = arith.constant 0 : i32
      %dma_wait3A_423 = tpu.memref_slice %arg2[%dma_wait3A_421, %dma_wait3A_422] : memref<10240x80xf32, #tpu.memory_space<hbm>> -> memref<10240x80xf32, #tpu.memory_space<hbm>>
      tpu.wait_indirect_dma semaphore(%arg17 : memref<!tpu.dma_semaphore, #tpu.memory_space<semaphore_mem>>) src(%dma_wait3A_423 : memref<10240x80xf32, #tpu.memory_space<hbm>>) dst(%arg11 : memref<128x80xf32, #tpu.memory_space<vmem>>)
      %dma_wait3A_424 = arith.constant 0 : i32
      %dma_wait3A_425 = tpu.memref_slice %arg9[%add3A_417, %dma_wait3A_424] : memref<82x128xi32, #tpu.memory_space<vmem>> -> memref<1x128xi32, #tpu.memory_space<vmem>>
      %dma_wait3A_426 = tpu.memref_squeeze %dma_wait3A_425 : memref<1x128xi32, #tpu.memory_space<vmem>> -> memref<128xi32, #tpu.memory_space<vmem>>
      %dma_wait3A_427 = arith.constant 0 : i32
      %dma_wait3A_428 = arith.constant 0 : i32
      %dma_wait3A_429 = tpu.memref_slice %arg3[%dma_wait3A_427, %dma_wait3A_428] : memref<10240x16xf32, #tpu.memory_space<hbm>> -> memref<10240x16xf32, #tpu.memory_space<hbm>>
      tpu.wait_indirect_dma semaphore(%arg19 : memref<!tpu.dma_semaphore, #tpu.memory_space<semaphore_mem>>) src(%dma_wait3A_429 : memref<10240x16xf32, #tpu.memory_space<hbm>>) dst(%arg13 : memref<128x16xf32, #tpu.memory_space<vmem>>)
      %gt3A_430 = arith.constant 0 : i32
      %gt3A_431 = arith.cmpi sgt, %scan3A_371, %gt3A_430 : i32
      %convert_element_type3A_432 = arith.extui %gt3A_431 : i1 to i32
      %cond3A_433 = arith.constant 0 : i32
      %cond3A_434 = arith.cmpi ne, %convert_element_type3A_432, %cond3A_433 : i32
      scf.if %cond3A_434 {
        %sub3A = arith.constant 2 : i32
        %sub3A_460 = arith.subi %add3A_417, %sub3A : i32
        %dma_wait3A_461 = arith.constant 0 : i32
        %dma_wait3A_462 = tpu.memref_slice %arg9[%sub3A_460, %dma_wait3A_461] : memref<82x128xi32, #tpu.memory_space<vmem>> -> memref<1x128xi32, #tpu.memory_space<vmem>>
        %dma_wait3A_463 = tpu.memref_squeeze %dma_wait3A_462 : memref<1x128xi32, #tpu.memory_space<vmem>> -> memref<128xi32, #tpu.memory_space<vmem>>
        %dma_wait3A_464 = arith.constant 0 : i32
        %dma_wait3A_465 = arith.constant 0 : i32
        %dma_wait3A_466 = tpu.memref_slice %arg7[%dma_wait3A_464, %dma_wait3A_465] : memref<10240x80xf32, #tpu.memory_space<vmem_shared>> -> memref<10240x80xf32, #tpu.memory_space<vmem_shared>>
        tpu.wait_indirect_dma semaphore(%arg21 : memref<!tpu.dma_semaphore, #tpu.memory_space<semaphore_mem>>) src(%arg15 : memref<128x80xf32, #tpu.memory_space<vmem>>) dst(%dma_wait3A_466 : memref<10240x80xf32, #tpu.memory_space<vmem_shared>>)
      } else {
      }
      %parallel_loop3A_435 = arith.constant 0 : i32
      %parallel_loop3A_436 = arith.constant 128 : i32
      %parallel_loop3A_437 = arith.constant 1 : i32
      scf.for %parallel_loop3A_460 = %parallel_loop3A_435 to %parallel_loop3A_436 step %parallel_loop3A_437  : i32 {
        %parallel_loop3A_461 = arith.index_cast %parallel_loop3A_460 : i32 to index
        %parallel_loop3A_462 = arith.constant 64 : index
        %parallel_loop3A_463 = tpu.vector_load %arg11[%parallel_loop3A_461, %parallel_loop3A_462] {strides = array<i32>} : memref<128x80xf32, #tpu.memory_space<vmem>>, vector<1x16xf32>,
        %parallel_loop3A_464 = vector.shape_cast %parallel_loop3A_463 : vector<1x16xf32> to vector<16xf32>
        %parallel_loop3A_465 = arith.index_cast %parallel_loop3A_460 : i32 to index
        %parallel_loop3A_466 = arith.constant 0 : index
        %parallel_loop3A_467 = tpu.vector_load %arg13[%parallel_loop3A_465, %parallel_loop3A_466] {strides = array<i32>} : memref<128x16xf32, #tpu.memory_space<vmem>>, vector<1x16xf32>,
        %parallel_loop3A_468 = vector.shape_cast %parallel_loop3A_467 : vector<1x16xf32> to vector<16xf32>
        %parallel_loop3A_469 = arith.addf %parallel_loop3A_464, %parallel_loop3A_468 : vector<16xf32>
        %parallel_loop3A_470 = arith.constant 0.000000e+00 : f32
        %parallel_loop3A_471 = vector.broadcast %parallel_loop3A_470 : f32 to vector<16xf32>
        %parallel_loop3A_472 = arith.cmpf ogt, %parallel_loop3A_469, %parallel_loop3A_471 : vector<16xf32>
        %parallel_loop3A_473 = arith.constant 2.000000e-01 : f32
        %parallel_loop3A_474 = vector.broadcast %parallel_loop3A_473 : f32 to vector<16xf32>
        %parallel_loop3A_475 = arith.mulf %parallel_loop3A_469, %parallel_loop3A_474 : vector<16xf32>
        %parallel_loop3A_476 = arith.select %parallel_loop3A_472, %parallel_loop3A_469, %parallel_loop3A_475 : vector<16xi1>, vector<16xf32>
        %parallel_loop3A_477 = math.exp %parallel_loop3A_476 : vector<16xf32>
        %parallel_loop3A_478 = arith.constant 8 : i32
        %parallel_loop3A_479 = vector.broadcast %parallel_loop3A_478 : i32 to vector<16xi32>
        %parallel_loop3A_480 = arith.cmpi sge, %iota3A, %parallel_loop3A_479 : vector<16xi32>
        %parallel_loop3A_481 = arith.constant 1 : i32
        %parallel_loop3A_482 = arith.constant 0 : i32
        %parallel_loop3A_483 = vector.broadcast %parallel_loop3A_481 : i32 to vector<16xi32>
        %parallel_loop3A_484 = vector.broadcast %parallel_loop3A_482 : i32 to vector<16xi32>
        %parallel_loop3A_485 = arith.select %parallel_loop3A_480, %parallel_loop3A_483, %parallel_loop3A_484 : vector<16xi1>, vector<16xi32>
        %parallel_loop3A_486 = arith.constant 0 : i32
        %parallel_loop3A_487 = vector.broadcast %parallel_loop3A_486 : i32 to vector<16xi32>
        %parallel_loop3A_488 = arith.addi %parallel_loop3A_485, %parallel_loop3A_487 : vector<16xi32>
        %parallel_loop3A_489 = vector.shape_cast %parallel_loop3A_488 : vector<16xi32> to vector<16x1xi32>
        %parallel_loop3A_490 = vector.shape_cast %parallel_loop3A_489 : vector<16x1xi32> to vector<16xi32>
        %parallel_loop3A_491 = tpu.dynamic_gather %parallel_loop3A_477[%parallel_loop3A_490] in [0] : vector<16xf32>, vector<16xi32> -> vector<16xf32>
        %parallel_loop3A_492 = arith.index_cast %parallel_loop3A_460 : i32 to index
        %parallel_loop3A_493 = arith.constant 0 : index
        %parallel_loop3A_494 = tpu.vector_load %arg11[%parallel_loop3A_492, %parallel_loop3A_493] {strides = array<i32>} : memref<128x80xf32, #tpu.memory_space<vmem>>, vector<1x16xf32>,
        %parallel_loop3A_495 = vector.shape_cast %parallel_loop3A_494 : vector<1x16xf32> to vector<16xf32>
        %parallel_loop3A_496 = arith.mulf %parallel_loop3A_495, %parallel_loop3A_491 : vector<16xf32>
        %parallel_loop3A_497 = arith.index_cast %parallel_loop3A_460 : i32 to index
        %parallel_loop3A_498 = arith.constant 0 : index
        %parallel_loop3A_499 = tpu.vector_load %arg15[%parallel_loop3A_497, %parallel_loop3A_498] {strides = array<i32>} : memref<128x80xf32, #tpu.memory_space<vmem>>, vector<1x16xf32>,
        %parallel_loop3A_500 = vector.shape_cast %parallel_loop3A_499 : vector<1x16xf32> to vector<16xf32>
        %parallel_loop3A_501 = vector.shape_cast %parallel_loop3A_496 : vector<16xf32> to vector<1x16xf32>
        tpu.vector_store %arg15[%parallel_loop3A_497, %parallel_loop3A_498], %parallel_loop3A_501 {strides = array<i32>} : memref<128x80xf32, #tpu.memory_space<vmem>>, vector<1x16xf32>,
        %parallel_loop3A_502 = arith.constant 2 : i32
        %parallel_loop3A_503 = vector.broadcast %parallel_loop3A_502 : i32 to vector<16xi32>
        %parallel_loop3A_504 = arith.addi %parallel_loop3A_485, %parallel_loop3A_503 : vector<16xi32>
        %parallel_loop3A_505 = vector.shape_cast %parallel_loop3A_504 : vector<16xi32> to vector<16x1xi32>
        %parallel_loop3A_506 = vector.shape_cast %parallel_loop3A_505 : vector<16x1xi32> to vector<16xi32>
        %parallel_loop3A_507 = tpu.dynamic_gather %parallel_loop3A_477[%parallel_loop3A_506] in [0] : vector<16xf32>, vector<16xi32> -> vector<16xf32>
        %parallel_loop3A_508 = arith.index_cast %parallel_loop3A_460 : i32 to index
        %parallel_loop3A_509 = arith.constant 16 : index
        %parallel_loop3A_510 = tpu.vector_load %arg11[%parallel_loop3A_508, %parallel_loop3A_509] {strides = array<i32>} : memref<128x80xf32, #tpu.memory_space<vmem>>, vector<1x16xf32>,
        %parallel_loop3A_511 = vector.shape_cast %parallel_loop3A_510 : vector<1x16xf32> to vector<16xf32>
        %parallel_loop3A_512 = arith.mulf %parallel_loop3A_511, %parallel_loop3A_507 : vector<16xf32>
        %parallel_loop3A_513 = arith.index_cast %parallel_loop3A_460 : i32 to index
        %parallel_loop3A_514 = arith.constant 16 : index
        %parallel_loop3A_515 = tpu.vector_load %arg15[%parallel_loop3A_513, %parallel_loop3A_514] {strides = array<i32>} : memref<128x80xf32, #tpu.memory_space<vmem>>, vector<1x16xf32>,
        %parallel_loop3A_516 = vector.shape_cast %parallel_loop3A_515 : vector<1x16xf32> to vector<16xf32>
        %parallel_loop3A_517 = vector.shape_cast %parallel_loop3A_512 : vector<16xf32> to vector<1x16xf32>
        tpu.vector_store %arg15[%parallel_loop3A_513, %parallel_loop3A_514], %parallel_loop3A_517 {strides = array<i32>} : memref<128x80xf32, #tpu.memory_space<vmem>>, vector<1x16xf32>,
        %parallel_loop3A_518 = arith.constant 4 : i32
        %parallel_loop3A_519 = vector.broadcast %parallel_loop3A_518 : i32 to vector<16xi32>
        %parallel_loop3A_520 = arith.addi %parallel_loop3A_485, %parallel_loop3A_519 : vector<16xi32>
        %parallel_loop3A_521 = vector.shape_cast %parallel_loop3A_520 : vector<16xi32> to vector<16x1xi32>
        %parallel_loop3A_522 = vector.shape_cast %parallel_loop3A_521 : vector<16x1xi32> to vector<16xi32>
        %parallel_loop3A_523 = tpu.dynamic_gather %parallel_loop3A_477[%parallel_loop3A_522] in [0] : vector<16xf32>, vector<16xi32> -> vector<16xf32>
        %parallel_loop3A_524 = arith.index_cast %parallel_loop3A_460 : i32 to index
        %parallel_loop3A_525 = arith.constant 32 : index
        %parallel_loop3A_526 = tpu.vector_load %arg11[%parallel_loop3A_524, %parallel_loop3A_525] {strides = array<i32>} : memref<128x80xf32, #tpu.memory_space<vmem>>, vector<1x16xf32>,
        %parallel_loop3A_527 = vector.shape_cast %parallel_loop3A_526 : vector<1x16xf32> to vector<16xf32>
        %parallel_loop3A_528 = arith.mulf %parallel_loop3A_527, %parallel_loop3A_523 : vector<16xf32>
        %parallel_loop3A_529 = arith.index_cast %parallel_loop3A_460 : i32 to index
        %parallel_loop3A_530 = arith.constant 32 : index
        %parallel_loop3A_531 = tpu.vector_load %arg15[%parallel_loop3A_529, %parallel_loop3A_530] {strides = array<i32>} : memref<128x80xf32, #tpu.memory_space<vmem>>, vector<1x16xf32>,
        %parallel_loop3A_532 = vector.shape_cast %parallel_loop3A_531 : vector<1x16xf32> to vector<16xf32>
        %parallel_loop3A_533 = vector.shape_cast %parallel_loop3A_528 : vector<16xf32> to vector<1x16xf32>
        tpu.vector_store %arg15[%parallel_loop3A_529, %parallel_loop3A_530], %parallel_loop3A_533 {strides = array<i32>} : memref<128x80xf32, #tpu.memory_space<vmem>>, vector<1x16xf32>,
        %parallel_loop3A_534 = arith.constant 6 : i32
        %parallel_loop3A_535 = vector.broadcast %parallel_loop3A_534 : i32 to vector<16xi32>
        %parallel_loop3A_536 = arith.addi %parallel_loop3A_485, %parallel_loop3A_535 : vector<16xi32>
        %parallel_loop3A_537 = vector.shape_cast %parallel_loop3A_536 : vector<16xi32> to vector<16x1xi32>
        %parallel_loop3A_538 = vector.shape_cast %parallel_loop3A_537 : vector<16x1xi32> to vector<16xi32>
        %parallel_loop3A_539 = tpu.dynamic_gather %parallel_loop3A_477[%parallel_loop3A_538] in [0] : vector<16xf32>, vector<16xi32> -> vector<16xf32>
        %parallel_loop3A_540 = arith.index_cast %parallel_loop3A_460 : i32 to index
        %parallel_loop3A_541 = arith.constant 48 : index
        %parallel_loop3A_542 = tpu.vector_load %arg11[%parallel_loop3A_540, %parallel_loop3A_541] {strides = array<i32>} : memref<128x80xf32, #tpu.memory_space<vmem>>, vector<1x16xf32>,
        %parallel_loop3A_543 = vector.shape_cast %parallel_loop3A_542 : vector<1x16xf32> to vector<16xf32>
        %parallel_loop3A_544 = arith.mulf %parallel_loop3A_543, %parallel_loop3A_539 : vector<16xf32>
        %parallel_loop3A_545 = arith.index_cast %parallel_loop3A_460 : i32 to index
        %parallel_loop3A_546 = arith.constant 48 : index
        %parallel_loop3A_547 = tpu.vector_load %arg15[%parallel_loop3A_545, %parallel_loop3A_546] {strides = array<i32>} : memref<128x80xf32, #tpu.memory_space<vmem>>, vector<1x16xf32>,
        %parallel_loop3A_548 = vector.shape_cast %parallel_loop3A_547 : vector<1x16xf32> to vector<16xf32>
        %parallel_loop3A_549 = vector.shape_cast %parallel_loop3A_544 : vector<16xf32> to vector<1x16xf32>
        tpu.vector_store %arg15[%parallel_loop3A_545, %parallel_loop3A_546], %parallel_loop3A_549 {strides = array<i32>} : memref<128x80xf32, #tpu.memory_space<vmem>>, vector<1x16xf32>,
        %parallel_loop3A_550 = arith.constant 8 : i32
        %parallel_loop3A_551 = vector.broadcast %parallel_loop3A_550 : i32 to vector<16xi32>
        %parallel_loop3A_552 = arith.cmpi slt, %iota3A, %parallel_loop3A_551 : vector<16xi32>
        %parallel_loop3A_553 = arith.constant 0.000000e+00 : f32
        %parallel_loop3A_554 = vector.broadcast %parallel_loop3A_553 : f32 to vector<16xf32>
        %parallel_loop3A_555 = arith.select %parallel_loop3A_552, %parallel_loop3A_477, %parallel_loop3A_554 : vector<16xi1>, vector<16xf32>
        %parallel_loop3A_556 = arith.index_cast %parallel_loop3A_460 : i32 to index
        %parallel_loop3A_557 = arith.constant 64 : index
        %parallel_loop3A_558 = tpu.vector_load %arg15[%parallel_loop3A_556, %parallel_loop3A_557] {strides = array<i32>} : memref<128x80xf32, #tpu.memory_space<vmem>>, vector<1x16xf32>,
        %parallel_loop3A_559 = vector.shape_cast %parallel_loop3A_558 : vector<1x16xf32> to vector<16xf32>
        %parallel_loop3A_560 = vector.shape_cast %parallel_loop3A_555 : vector<16xf32> to vector<1x16xf32>
        tpu.vector_store %arg15[%parallel_loop3A_556, %parallel_loop3A_557], %parallel_loop3A_560 {strides = array<i32>} : memref<128x80xf32, #tpu.memory_space<vmem>>, vector<1x16xf32>,
      } {sc.loop_unroll_factor = 4 : i64, sc.parallel_access}
      %add3A_438 = arith.constant 2 : i32
      %add3A_439 = arith.addi %add3A_417, %add3A_438 : i32
      %dma_start3A_440 = arith.constant 0 : i32
      %dma_start3A_441 = tpu.memref_slice %arg8[%add3A_439, %dma_start3A_440] : memref<82x128xi32, #tpu.memory_space<vmem>> -> memref<1x128xi32, #tpu.memory_space<vmem>>
      %dma_start3A_442 = tpu.memref_squeeze %dma_start3A_441 : memref<1x128xi32, #tpu.memory_space<vmem>> -> memref<128xi32, #tpu.memory_space<vmem>>
      %dma_start3A_443 = arith.constant 0 : i32
      %dma_start3A_444 = arith.constant 0 : i32
      %dma_start3A_445 = tpu.memref_slice %arg2[%dma_start3A_443, %dma_start3A_444] : memref<10240x80xf32, #tpu.memory_space<hbm>> -> memref<10240x80xf32, #tpu.memory_space<hbm>>
      tpu.enqueue_indirect_dma source(%dma_start3A_445 : memref<10240x80xf32, #tpu.memory_space<hbm>>) target(%arg11 : memref<128x80xf32, #tpu.memory_space<vmem>>) offsets(%dma_start3A_442 : memref<128xi32, #tpu.memory_space<vmem>>) semaphore(%arg17 : memref<!tpu.dma_semaphore, #tpu.memory_space<semaphore_mem>>)
      %add3A_446 = arith.constant 2 : i32
      %add3A_447 = arith.addi %add3A_417, %add3A_446 : i32
      %dma_start3A_448 = arith.constant 0 : i32
      %dma_start3A_449 = tpu.memref_slice %arg9[%add3A_447, %dma_start3A_448] : memref<82x128xi32, #tpu.memory_space<vmem>> -> memref<1x128xi32, #tpu.memory_space<vmem>>
      %dma_start3A_450 = tpu.memref_squeeze %dma_start3A_449 : memref<1x128xi32, #tpu.memory_space<vmem>> -> memref<128xi32, #tpu.memory_space<vmem>>
      %dma_start3A_451 = arith.constant 0 : i32
      %dma_start3A_452 = arith.constant 0 : i32
      %dma_start3A_453 = tpu.memref_slice %arg3[%dma_start3A_451, %dma_start3A_452] : memref<10240x16xf32, #tpu.memory_space<hbm>> -> memref<10240x16xf32, #tpu.memory_space<hbm>>
      tpu.enqueue_indirect_dma source(%dma_start3A_453 : memref<10240x16xf32, #tpu.memory_space<hbm>>) target(%arg13 : memref<128x16xf32, #tpu.memory_space<vmem>>) offsets(%dma_start3A_450 : memref<128xi32, #tpu.memory_space<vmem>>) semaphore(%arg19 : memref<!tpu.dma_semaphore, #tpu.memory_space<semaphore_mem>>)
      %dma_start3A_454 = arith.constant 0 : i32
      %dma_start3A_455 = tpu.memref_slice %arg9[%add3A_417, %dma_start3A_454] : memref<82x128xi32, #tpu.memory_space<vmem>> -> memref<1x128xi32, #tpu.memory_space<vmem>>
      %dma_start3A_456 = tpu.memref_squeeze %dma_start3A_455 : memref<1x128xi32, #tpu.memory_space<vmem>> -> memref<128xi32, #tpu.memory_space<vmem>>
      %dma_start3A_457 = arith.constant 0 : i32
      %dma_start3A_458 = arith.constant 0 : i32
      %dma_start3A_459 = tpu.memref_slice %arg7[%dma_start3A_457, %dma_start3A_458] : memref<10240x80xf32, #tpu.memory_space<vmem_shared>> -> memref<10240x80xf32, #tpu.memory_space<vmem_shared>>
      tpu.enqueue_indirect_dma source(%arg15 : memref<128x80xf32, #tpu.memory_space<vmem>>) target(%dma_start3A_459 : memref<10240x80xf32, #tpu.memory_space<vmem_shared>>) offsets(%dma_start3A_456 : memref<128xi32, #tpu.memory_space<vmem>>) semaphore(%arg21 : memref<!tpu.dma_semaphore, #tpu.memory_space<semaphore_mem>>) {add = true}
    }
    %scan3A_308 = arith.constant 40 : i32
    %dma_wait3A = arith.constant 80 : i32
    %dma_wait3A_309 = arith.constant 0 : i32
    %dma_wait3A_310 = tpu.memref_slice %arg8[%dma_wait3A, %dma_wait3A_309] : memref<82x128xi32, #tpu.memory_space<vmem>> -> memref<1x128xi32, #tpu.memory_space<vmem>>
    %dma_wait3A_311 = tpu.memref_squeeze %dma_wait3A_310 : memref<1x128xi32, #tpu.memory_space<vmem>> -> memref<128xi32, #tpu.memory_space<vmem>>
    %dma_wait3A_312 = arith.constant 0 : i32
    %dma_wait3A_313 = arith.constant 0 : i32
    %dma_wait3A_314 = tpu.memref_slice %arg2[%dma_wait3A_312, %dma_wait3A_313] : memref<10240x80xf32, #tpu.memory_space<hbm>> -> memref<10240x80xf32, #tpu.memory_space<hbm>>
    tpu.wait_indirect_dma semaphore(%arg16 : memref<!tpu.dma_semaphore, #tpu.memory_space<semaphore_mem>>) src(%dma_wait3A_314 : memref<10240x80xf32, #tpu.memory_space<hbm>>) dst(%arg10 : memref<128x80xf32, #tpu.memory_space<vmem>>)
    %dma_wait3A_315 = arith.constant 80 : i32
    %dma_wait3A_316 = arith.constant 0 : i32
    %dma_wait3A_317 = tpu.memref_slice %arg9[%dma_wait3A_315, %dma_wait3A_316] : memref<82x128xi32, #tpu.memory_space<vmem>> -> memref<1x128xi32, #tpu.memory_space<vmem>>
    %dma_wait3A_318 = tpu.memref_squeeze %dma_wait3A_317 : memref<1x128xi32, #tpu.memory_space<vmem>> -> memref<128xi32, #tpu.memory_space<vmem>>
    %dma_wait3A_319 = arith.constant 0 : i32
    %dma_wait3A_320 = arith.constant 0 : i32
    %dma_wait3A_321 = tpu.memref_slice %arg3[%dma_wait3A_319, %dma_wait3A_320] : memref<10240x16xf32, #tpu.memory_space<hbm>> -> memref<10240x16xf32, #tpu.memory_space<hbm>>
    tpu.wait_indirect_dma semaphore(%arg18 : memref<!tpu.dma_semaphore, #tpu.memory_space<semaphore_mem>>) src(%dma_wait3A_321 : memref<10240x16xf32, #tpu.memory_space<hbm>>) dst(%arg12 : memref<128x16xf32, #tpu.memory_space<vmem>>)
    %dma_wait3A_322 = arith.constant 78 : i32
    %dma_wait3A_323 = arith.constant 0 : i32
    %dma_wait3A_324 = tpu.memref_slice %arg9[%dma_wait3A_322, %dma_wait3A_323] : memref<82x128xi32, #tpu.memory_space<vmem>> -> memref<1x128xi32, #tpu.memory_space<vmem>>
    %dma_wait3A_325 = tpu.memref_squeeze %dma_wait3A_324 : memref<1x128xi32, #tpu.memory_space<vmem>> -> memref<128xi32, #tpu.memory_space<vmem>>
    %dma_wait3A_326 = arith.constant 0 : i32
    %dma_wait3A_327 = arith.constant 0 : i32
    %dma_wait3A_328 = tpu.memref_slice %arg7[%dma_wait3A_326, %dma_wait3A_327] : memref<10240x80xf32, #tpu.memory_space<vmem_shared>> -> memref<10240x80xf32, #tpu.memory_space<vmem_shared>>
    tpu.wait_indirect_dma semaphore(%arg20 : memref<!tpu.dma_semaphore, #tpu.memory_space<semaphore_mem>>) src(%arg14 : memref<128x80xf32, #tpu.memory_space<vmem>>) dst(%dma_wait3A_328 : memref<10240x80xf32, #tpu.memory_space<vmem_shared>>)
    %dma_wait3A_329 = arith.constant 81 : i32
    %dma_wait3A_330 = arith.constant 0 : i32
    %dma_wait3A_331 = tpu.memref_slice %arg8[%dma_wait3A_329, %dma_wait3A_330] : memref<82x128xi32, #tpu.memory_space<vmem>> -> memref<1x128xi32, #tpu.memory_space<vmem>>
    %dma_wait3A_332 = tpu.memref_squeeze %dma_wait3A_331 : memref<1x128xi32, #tpu.memory_space<vmem>> -> memref<128xi32, #tpu.memory_space<vmem>>
    %dma_wait3A_333 = arith.constant 0 : i32
    %dma_wait3A_334 = arith.constant 0 : i32
    %dma_wait3A_335 = tpu.memref_slice %arg2[%dma_wait3A_333, %dma_wait3A_334] : memref<10240x80xf32, #tpu.memory_space<hbm>> -> memref<10240x80xf32, #tpu.memory_space<hbm>>
    tpu.wait_indirect_dma semaphore(%arg17 : memref<!tpu.dma_semaphore, #tpu.memory_space<semaphore_mem>>) src(%dma_wait3A_335 : memref<10240x80xf32, #tpu.memory_space<hbm>>) dst(%arg11 : memref<128x80xf32, #tpu.memory_space<vmem>>)
    %dma_wait3A_336 = arith.constant 81 : i32
    %dma_wait3A_337 = arith.constant 0 : i32
    %dma_wait3A_338 = tpu.memref_slice %arg9[%dma_wait3A_336, %dma_wait3A_337] : memref<82x128xi32, #tpu.memory_space<vmem>> -> memref<1x128xi32, #tpu.memory_space<vmem>>
    %dma_wait3A_339 = tpu.memref_squeeze %dma_wait3A_338 : memref<1x128xi32, #tpu.memory_space<vmem>> -> memref<128xi32, #tpu.memory_space<vmem>>
    %dma_wait3A_340 = arith.constant 0 : i32
    %dma_wait3A_341 = arith.constant 0 : i32
    %dma_wait3A_342 = tpu.memref_slice %arg3[%dma_wait3A_340, %dma_wait3A_341] : memref<10240x16xf32, #tpu.memory_space<hbm>> -> memref<10240x16xf32, #tpu.memory_space<hbm>>
    tpu.wait_indirect_dma semaphore(%arg19 : memref<!tpu.dma_semaphore, #tpu.memory_space<semaphore_mem>>) src(%dma_wait3A_342 : memref<10240x16xf32, #tpu.memory_space<hbm>>) dst(%arg13 : memref<128x16xf32, #tpu.memory_space<vmem>>)
    %dma_wait3A_343 = arith.constant 79 : i32
    %dma_wait3A_344 = arith.constant 0 : i32
    %dma_wait3A_345 = tpu.memref_slice %arg9[%dma_wait3A_343, %dma_wait3A_344] : memref<82x128xi32, #tpu.memory_space<vmem>> -> memref<1x128xi32, #tpu.memory_space<vmem>>
    %dma_wait3A_346 = tpu.memref_squeeze %dma_wait3A_345 : memref<1x128xi32, #tpu.memory_space<vmem>> -> memref<128xi32, #tpu.memory_space<vmem>>
    %dma_wait3A_347 = arith.constant 0 : i32
    %dma_wait3A_348 = arith.constant 0 : i32
    %dma_wait3A_349 = tpu.memref_slice %arg7[%dma_wait3A_347, %dma_wait3A_348] : memref<10240x80xf32, #tpu.memory_space<vmem_shared>> -> memref<10240x80xf32, #tpu.memory_space<vmem_shared>>
    tpu.wait_indirect_dma semaphore(%arg21 : memref<!tpu.dma_semaphore, #tpu.memory_space<semaphore_mem>>) src(%arg15 : memref<128x80xf32, #tpu.memory_space<vmem>>) dst(%dma_wait3A_349 : memref<10240x80xf32, #tpu.memory_space<vmem_shared>>)
    %barrier3A_350 = arith.constant 0 : index
    tpu.barrier barrier_id(%barrier3A_350)
    %add3A_351 = arith.constant 0 : i32
    %add3A_352 = arith.addi %mul3A_2, %add3A_351 : i32
    "tpu.region"() ({
      %run_scoped3A = tpu.sem_alloc : memref<!tpu.dma_semaphore, #tpu.memory_space<semaphore_mem>>
      %dma_start3A_371 = arith.constant 0 : i32
      %dma_start3A_372 = tpu.memref_slice %arg7[%add3A_352, %dma_start3A_371] : memref<10240x80xf32, #tpu.memory_space<vmem_shared>> -> memref<128x80xf32, #tpu.memory_space<vmem_shared>>
      %dma_start3A_373 = arith.constant 0 : i32
      %dma_start3A_374 = tpu.memref_slice %arg7[%add3A_352, %dma_start3A_373] : memref<10240x80xf32, #tpu.memory_space<vmem_shared>> -> memref<128x80xf32, #tpu.memory_space<vmem_shared>>
      tpu.enqueue_dma source(%dma_start3A_374 : memref<128x80xf32, #tpu.memory_space<vmem_shared>>) target(%arg14 : memref<128x80xf32, #tpu.memory_space<vmem>>) target_semaphore(%run_scoped3A : memref<!tpu.dma_semaphore, #tpu.memory_space<semaphore_mem>>)
      %dma_wait3A_375 = arith.constant 0 : i32
      %dma_wait3A_376 = tpu.memref_slice %arg7[%add3A_352, %dma_wait3A_375] : memref<10240x80xf32, #tpu.memory_space<vmem_shared>> -> memref<128x80xf32, #tpu.memory_space<vmem_shared>>
      %dma_wait3A_377 = arith.constant 0 : i32
      %dma_wait3A_378 = tpu.memref_slice %arg7[%add3A_352, %dma_wait3A_377] : memref<10240x80xf32, #tpu.memory_space<vmem_shared>> -> memref<128x80xf32, #tpu.memory_space<vmem_shared>>
      tpu.wait_dma2 semaphore(%run_scoped3A : memref<!tpu.dma_semaphore, #tpu.memory_space<semaphore_mem>>) src(%dma_wait3A_378 : memref<128x80xf32, #tpu.memory_space<vmem_shared>>) dst(%arg14 : memref<128x80xf32, #tpu.memory_space<vmem>>)
      tpu.yield
    }) : () -> ()
    %add3A_353 = arith.constant 0 : i32
    %add3A_354 = arith.addi %mul3A_2, %add3A_353 : i32
    "tpu.region"() ({
      %run_scoped3A = tpu.sem_alloc : memref<!tpu.dma_semaphore, #tpu.memory_space<semaphore_mem>>
      %dma_start3A_371 = arith.constant 0 : i32
      %dma_start3A_372 = tpu.memref_slice %arg6[%arg0, %add3A_354, %dma_start3A_371] : memref<2x10240x80xf32, #tpu.memory_space<hbm>> -> memref<1x128x80xf32, #tpu.memory_space<hbm>>
      %dma_start3A_373 = tpu.memref_squeeze %dma_start3A_372 : memref<1x128x80xf32, #tpu.memory_space<hbm>> -> memref<128x80xf32, #tpu.memory_space<hbm>>
      %dma_start3A_374 = arith.constant 0 : i32
      %dma_start3A_375 = tpu.memref_slice %arg6[%arg0, %add3A_354, %dma_start3A_374] : memref<2x10240x80xf32, #tpu.memory_space<hbm>> -> memref<1x128x80xf32, #tpu.memory_space<hbm>>
      %dma_start3A_376 = tpu.memref_squeeze %dma_start3A_375 : memref<1x128x80xf32, #tpu.memory_space<hbm>> -> memref<128x80xf32, #tpu.memory_space<hbm>>
      tpu.enqueue_dma source(%arg14 : memref<128x80xf32, #tpu.memory_space<vmem>>) target(%dma_start3A_376 : memref<128x80xf32, #tpu.memory_space<hbm>>) target_semaphore(%run_scoped3A : memref<!tpu.dma_semaphore, #tpu.memory_space<semaphore_mem>>)
      %dma_wait3A_377 = arith.constant 0 : i32
      %dma_wait3A_378 = tpu.memref_slice %arg6[%arg0, %add3A_354, %dma_wait3A_377] : memref<2x10240x80xf32, #tpu.memory_space<hbm>> -> memref<1x128x80xf32, #tpu.memory_space<hbm>>
      %dma_wait3A_379 = tpu.memref_squeeze %dma_wait3A_378 : memref<1x128x80xf32, #tpu.memory_space<hbm>> -> memref<128x80xf32, #tpu.memory_space<hbm>>
      %dma_wait3A_380 = arith.constant 0 : i32
      %dma_wait3A_381 = tpu.memref_slice %arg6[%arg0, %add3A_354, %dma_wait3A_380] : memref<2x10240x80xf32, #tpu.memory_space<hbm>> -> memref<1x128x80xf32, #tpu.memory_space<hbm>>
      %dma_wait3A_382 = tpu.memref_squeeze %dma_wait3A_381 : memref<1x128x80xf32, #tpu.memory_space<hbm>> -> memref<128x80xf32, #tpu.memory_space<hbm>>
      tpu.wait_dma2 semaphore(%run_scoped3A : memref<!tpu.dma_semaphore, #tpu.memory_space<semaphore_mem>>) src(%arg14 : memref<128x80xf32, #tpu.memory_space<vmem>>) dst(%dma_wait3A_382 : memref<128x80xf32, #tpu.memory_space<hbm>>)
      tpu.yield
    }) : () -> ()
    %add3A_355 = arith.constant 128 : i32
    %add3A_356 = arith.addi %mul3A_2, %add3A_355 : i32
    "tpu.region"() ({
      %run_scoped3A = tpu.sem_alloc : memref<!tpu.dma_semaphore, #tpu.memory_space<semaphore_mem>>
      %dma_start3A_371 = arith.constant 0 : i32
      %dma_start3A_372 = tpu.memref_slice %arg7[%add3A_356, %dma_start3A_371] : memref<10240x80xf32, #tpu.memory_space<vmem_shared>> -> memref<128x80xf32, #tpu.memory_space<vmem_shared>>
      %dma_start3A_373 = arith.constant 0 : i32
      %dma_start3A_374 = tpu.memref_slice %arg7[%add3A_356, %dma_start3A_373] : memref<10240x80xf32, #tpu.memory_space<vmem_shared>> -> memref<128x80xf32, #tpu.memory_space<vmem_shared>>
      tpu.enqueue_dma source(%dma_start3A_374 : memref<128x80xf32, #tpu.memory_space<vmem_shared>>) target(%arg14 : memref<128x80xf32, #tpu.memory_space<vmem>>) target_semaphore(%run_scoped3A : memref<!tpu.dma_semaphore, #tpu.memory_space<semaphore_mem>>)
      %dma_wait3A_375 = arith.constant 0 : i32
      %dma_wait3A_376 = tpu.memref_slice %arg7[%add3A_356, %dma_wait3A_375] : memref<10240x80xf32, #tpu.memory_space<vmem_shared>> -> memref<128x80xf32, #tpu.memory_space<vmem_shared>>
      %dma_wait3A_377 = arith.constant 0 : i32
      %dma_wait3A_378 = tpu.memref_slice %arg7[%add3A_356, %dma_wait3A_377] : memref<10240x80xf32, #tpu.memory_space<vmem_shared>> -> memref<128x80xf32, #tpu.memory_space<vmem_shared>>
      tpu.wait_dma2 semaphore(%run_scoped3A : memref<!tpu.dma_semaphore, #tpu.memory_space<semaphore_mem>>) src(%dma_wait3A_378 : memref<128x80xf32, #tpu.memory_space<vmem_shared>>) dst(%arg14 : memref<128x80xf32, #tpu.memory_space<vmem>>)
      tpu.yield
    }) : () -> ()
    %add3A_357 = arith.constant 128 : i32
    %add3A_358 = arith.addi %mul3A_2, %add3A_357 : i32
    "tpu.region"() ({
      %run_scoped3A = tpu.sem_alloc : memref<!tpu.dma_semaphore, #tpu.memory_space<semaphore_mem>>
      %dma_start3A_371 = arith.constant 0 : i32
      %dma_start3A_372 = tpu.memref_slice %arg6[%arg0, %add3A_358, %dma_start3A_371] : memref<2x10240x80xf32, #tpu.memory_space<hbm>> -> memref<1x128x80xf32, #tpu.memory_space<hbm>>
      %dma_start3A_373 = tpu.memref_squeeze %dma_start3A_372 : memref<1x128x80xf32, #tpu.memory_space<hbm>> -> memref<128x80xf32, #tpu.memory_space<hbm>>
      %dma_start3A_374 = arith.constant 0 : i32
      %dma_start3A_375 = tpu.memref_slice %arg6[%arg0, %add3A_358, %dma_start3A_374] : memref<2x10240x80xf32, #tpu.memory_space<hbm>> -> memref<1x128x80xf32, #tpu.memory_space<hbm>>
      %dma_start3A_376 = tpu.memref_squeeze %dma_start3A_375 : memref<1x128x80xf32, #tpu.memory_space<hbm>> -> memref<128x80xf32, #tpu.memory_space<hbm>>
      tpu.enqueue_dma source(%arg14 : memref<128x80xf32, #tpu.memory_space<vmem>>) target(%dma_start3A_376 : memref<128x80xf32, #tpu.memory_space<hbm>>) target_semaphore(%run_scoped3A : memref<!tpu.dma_semaphore, #tpu.memory_space<semaphore_mem>>)
      %dma_wait3A_377 = arith.constant 0 : i32
      %dma_wait3A_378 = tpu.memref_slice %arg6[%arg0, %add3A_358, %dma_wait3A_377] : memref<2x10240x80xf32, #tpu.memory_space<hbm>> -> memref<1x128x80xf32, #tpu.memory_space<hbm>>
      %dma_wait3A_379 = tpu.memref_squeeze %dma_wait3A_378 : memref<1x128x80xf32, #tpu.memory_space<hbm>> -> memref<128x80xf32, #tpu.memory_space<hbm>>
      %dma_wait3A_380 = arith.constant 0 : i32
      %dma_wait3A_381 = tpu.memref_slice %arg6[%arg0, %add3A_358, %dma_wait3A_380] : memref<2x10240x80xf32, #tpu.memory_space<hbm>> -> memref<1x128x80xf32, #tpu.memory_space<hbm>>
      %dma_wait3A_382 = tpu.memref_squeeze %dma_wait3A_381 : memref<1x128x80xf32, #tpu.memory_space<hbm>> -> memref<128x80xf32, #tpu.memory_space<hbm>>
      tpu.wait_dma2 semaphore(%run_scoped3A : memref<!tpu.dma_semaphore, #tpu.memory_space<semaphore_mem>>) src(%arg14 : memref<128x80xf32, #tpu.memory_space<vmem>>) dst(%dma_wait3A_382 : memref<128x80xf32, #tpu.memory_space<hbm>>)
      tpu.yield
    }) : () -> ()
    %add3A_359 = arith.constant 256 : i32
    %add3A_360 = arith.addi %mul3A_2, %add3A_359 : i32
    "tpu.region"() ({
      %run_scoped3A = tpu.sem_alloc : memref<!tpu.dma_semaphore, #tpu.memory_space<semaphore_mem>>
      %dma_start3A_371 = arith.constant 0 : i32
      %dma_start3A_372 = tpu.memref_slice %arg7[%add3A_360, %dma_start3A_371] : memref<10240x80xf32, #tpu.memory_space<vmem_shared>> -> memref<128x80xf32, #tpu.memory_space<vmem_shared>>
      %dma_start3A_373 = arith.constant 0 : i32
      %dma_start3A_374 = tpu.memref_slice %arg7[%add3A_360, %dma_start3A_373] : memref<10240x80xf32, #tpu.memory_space<vmem_shared>> -> memref<128x80xf32, #tpu.memory_space<vmem_shared>>
      tpu.enqueue_dma source(%dma_start3A_374 : memref<128x80xf32, #tpu.memory_space<vmem_shared>>) target(%arg14 : memref<128x80xf32, #tpu.memory_space<vmem>>) target_semaphore(%run_scoped3A : memref<!tpu.dma_semaphore, #tpu.memory_space<semaphore_mem>>)
      %dma_wait3A_375 = arith.constant 0 : i32
      %dma_wait3A_376 = tpu.memref_slice %arg7[%add3A_360, %dma_wait3A_375] : memref<10240x80xf32, #tpu.memory_space<vmem_shared>> -> memref<128x80xf32, #tpu.memory_space<vmem_shared>>
      %dma_wait3A_377 = arith.constant 0 : i32
      %dma_wait3A_378 = tpu.memref_slice %arg7[%add3A_360, %dma_wait3A_377] : memref<10240x80xf32, #tpu.memory_space<vmem_shared>> -> memref<128x80xf32, #tpu.memory_space<vmem_shared>>
      tpu.wait_dma2 semaphore(%run_scoped3A : memref<!tpu.dma_semaphore, #tpu.memory_space<semaphore_mem>>) src(%dma_wait3A_378 : memref<128x80xf32, #tpu.memory_space<vmem_shared>>) dst(%arg14 : memref<128x80xf32, #tpu.memory_space<vmem>>)
      tpu.yield
    }) : () -> ()
    %add3A_361 = arith.constant 256 : i32
    %add3A_362 = arith.addi %mul3A_2, %add3A_361 : i32
    "tpu.region"() ({
      %run_scoped3A = tpu.sem_alloc : memref<!tpu.dma_semaphore, #tpu.memory_space<semaphore_mem>>
      %dma_start3A_371 = arith.constant 0 : i32
      %dma_start3A_372 = tpu.memref_slice %arg6[%arg0, %add3A_362, %dma_start3A_371] : memref<2x10240x80xf32, #tpu.memory_space<hbm>> -> memref<1x128x80xf32, #tpu.memory_space<hbm>>
      %dma_start3A_373 = tpu.memref_squeeze %dma_start3A_372 : memref<1x128x80xf32, #tpu.memory_space<hbm>> -> memref<128x80xf32, #tpu.memory_space<hbm>>
      %dma_start3A_374 = arith.constant 0 : i32
      %dma_start3A_375 = tpu.memref_slice %arg6[%arg0, %add3A_362, %dma_start3A_374] : memref<2x10240x80xf32, #tpu.memory_space<hbm>> -> memref<1x128x80xf32, #tpu.memory_space<hbm>>
      %dma_start3A_376 = tpu.memref_squeeze %dma_start3A_375 : memref<1x128x80xf32, #tpu.memory_space<hbm>> -> memref<128x80xf32, #tpu.memory_space<hbm>>
      tpu.enqueue_dma source(%arg14 : memref<128x80xf32, #tpu.memory_space<vmem>>) target(%dma_start3A_376 : memref<128x80xf32, #tpu.memory_space<hbm>>) target_semaphore(%run_scoped3A : memref<!tpu.dma_semaphore, #tpu.memory_space<semaphore_mem>>)
      %dma_wait3A_377 = arith.constant 0 : i32
      %dma_wait3A_378 = tpu.memref_slice %arg6[%arg0, %add3A_362, %dma_wait3A_377] : memref<2x10240x80xf32, #tpu.memory_space<hbm>> -> memref<1x128x80xf32, #tpu.memory_space<hbm>>
      %dma_wait3A_379 = tpu.memref_squeeze %dma_wait3A_378 : memref<1x128x80xf32, #tpu.memory_space<hbm>> -> memref<128x80xf32, #tpu.memory_space<hbm>>
      %dma_wait3A_380 = arith.constant 0 : i32
      %dma_wait3A_381 = tpu.memref_slice %arg6[%arg0, %add3A_362, %dma_wait3A_380] : memref<2x10240x80xf32, #tpu.memory_space<hbm>> -> memref<1x128x80xf32, #tpu.memory_space<hbm>>
      %dma_wait3A_382 = tpu.memref_squeeze %dma_wait3A_381 : memref<1x128x80xf32, #tpu.memory_space<hbm>> -> memref<128x80xf32, #tpu.memory_space<hbm>>
      tpu.wait_dma2 semaphore(%run_scoped3A : memref<!tpu.dma_semaphore, #tpu.memory_space<semaphore_mem>>) src(%arg14 : memref<128x80xf32, #tpu.memory_space<vmem>>) dst(%dma_wait3A_382 : memref<128x80xf32, #tpu.memory_space<hbm>>)
      tpu.yield
    }) : () -> ()
    %add3A_363 = arith.constant 384 : i32
    %add3A_364 = arith.addi %mul3A_2, %add3A_363 : i32
    "tpu.region"() ({
      %run_scoped3A = tpu.sem_alloc : memref<!tpu.dma_semaphore, #tpu.memory_space<semaphore_mem>>
      %dma_start3A_371 = arith.constant 0 : i32
      %dma_start3A_372 = tpu.memref_slice %arg7[%add3A_364, %dma_start3A_371] : memref<10240x80xf32, #tpu.memory_space<vmem_shared>> -> memref<128x80xf32, #tpu.memory_space<vmem_shared>>
      %dma_start3A_373 = arith.constant 0 : i32
      %dma_start3A_374 = tpu.memref_slice %arg7[%add3A_364, %dma_start3A_373] : memref<10240x80xf32, #tpu.memory_space<vmem_shared>> -> memref<128x80xf32, #tpu.memory_space<vmem_shared>>
      tpu.enqueue_dma source(%dma_start3A_374 : memref<128x80xf32, #tpu.memory_space<vmem_shared>>) target(%arg14 : memref<128x80xf32, #tpu.memory_space<vmem>>) target_semaphore(%run_scoped3A : memref<!tpu.dma_semaphore, #tpu.memory_space<semaphore_mem>>)
      %dma_wait3A_375 = arith.constant 0 : i32
      %dma_wait3A_376 = tpu.memref_slice %arg7[%add3A_364, %dma_wait3A_375] : memref<10240x80xf32, #tpu.memory_space<vmem_shared>> -> memref<128x80xf32, #tpu.memory_space<vmem_shared>>
      %dma_wait3A_377 = arith.constant 0 : i32
      %dma_wait3A_378 = tpu.memref_slice %arg7[%add3A_364, %dma_wait3A_377] : memref<10240x80xf32, #tpu.memory_space<vmem_shared>> -> memref<128x80xf32, #tpu.memory_space<vmem_shared>>
      tpu.wait_dma2 semaphore(%run_scoped3A : memref<!tpu.dma_semaphore, #tpu.memory_space<semaphore_mem>>) src(%dma_wait3A_378 : memref<128x80xf32, #tpu.memory_space<vmem_shared>>) dst(%arg14 : memref<128x80xf32, #tpu.memory_space<vmem>>)
      tpu.yield
    }) : () -> ()
    %add3A_365 = arith.constant 384 : i32
    %add3A_366 = arith.addi %mul3A_2, %add3A_365 : i32
    "tpu.region"() ({
      %run_scoped3A = tpu.sem_alloc : memref<!tpu.dma_semaphore, #tpu.memory_space<semaphore_mem>>
      %dma_start3A_371 = arith.constant 0 : i32
      %dma_start3A_372 = tpu.memref_slice %arg6[%arg0, %add3A_366, %dma_start3A_371] : memref<2x10240x80xf32, #tpu.memory_space<hbm>> -> memref<1x128x80xf32, #tpu.memory_space<hbm>>
      %dma_start3A_373 = tpu.memref_squeeze %dma_start3A_372 : memref<1x128x80xf32, #tpu.memory_space<hbm>> -> memref<128x80xf32, #tpu.memory_space<hbm>>
      %dma_start3A_374 = arith.constant 0 : i32
      %dma_start3A_375 = tpu.memref_slice %arg6[%arg0, %add3A_366, %dma_start3A_374] : memref<2x10240x80xf32, #tpu.memory_space<hbm>> -> memref<1x128x80xf32, #tpu.memory_space<hbm>>
      %dma_start3A_376 = tpu.memref_squeeze %dma_start3A_375 : memref<1x128x80xf32, #tpu.memory_space<hbm>> -> memref<128x80xf32, #tpu.memory_space<hbm>>
      tpu.enqueue_dma source(%arg14 : memref<128x80xf32, #tpu.memory_space<vmem>>) target(%dma_start3A_376 : memref<128x80xf32, #tpu.memory_space<hbm>>) target_semaphore(%run_scoped3A : memref<!tpu.dma_semaphore, #tpu.memory_space<semaphore_mem>>)
      %dma_wait3A_377 = arith.constant 0 : i32
      %dma_wait3A_378 = tpu.memref_slice %arg6[%arg0, %add3A_366, %dma_wait3A_377] : memref<2x10240x80xf32, #tpu.memory_space<hbm>> -> memref<1x128x80xf32, #tpu.memory_space<hbm>>
      %dma_wait3A_379 = tpu.memref_squeeze %dma_wait3A_378 : memref<1x128x80xf32, #tpu.memory_space<hbm>> -> memref<128x80xf32, #tpu.memory_space<hbm>>
      %dma_wait3A_380 = arith.constant 0 : i32
      %dma_wait3A_381 = tpu.memref_slice %arg6[%arg0, %add3A_366, %dma_wait3A_380] : memref<2x10240x80xf32, #tpu.memory_space<hbm>> -> memref<1x128x80xf32, #tpu.memory_space<hbm>>
      %dma_wait3A_382 = tpu.memref_squeeze %dma_wait3A_381 : memref<1x128x80xf32, #tpu.memory_space<hbm>> -> memref<128x80xf32, #tpu.memory_space<hbm>>
      tpu.wait_dma2 semaphore(%run_scoped3A : memref<!tpu.dma_semaphore, #tpu.memory_space<semaphore_mem>>) src(%arg14 : memref<128x80xf32, #tpu.memory_space<vmem>>) dst(%dma_wait3A_382 : memref<128x80xf32, #tpu.memory_space<hbm>>)
      tpu.yield
    }) : () -> ()
    %add3A_367 = arith.constant 512 : i32
    %add3A_368 = arith.addi %mul3A_2, %add3A_367 : i32
    "tpu.region"() ({
      %run_scoped3A = tpu.sem_alloc : memref<!tpu.dma_semaphore, #tpu.memory_space<semaphore_mem>>
      %dma_start3A_371 = arith.constant 0 : i32
      %dma_start3A_372 = tpu.memref_slice %arg7[%add3A_368, %dma_start3A_371] : memref<10240x80xf32, #tpu.memory_space<vmem_shared>> -> memref<128x80xf32, #tpu.memory_space<vmem_shared>>
      %dma_start3A_373 = arith.constant 0 : i32
      %dma_start3A_374 = tpu.memref_slice %arg7[%add3A_368, %dma_start3A_373] : memref<10240x80xf32, #tpu.memory_space<vmem_shared>> -> memref<128x80xf32, #tpu.memory_space<vmem_shared>>
      tpu.enqueue_dma source(%dma_start3A_374 : memref<128x80xf32, #tpu.memory_space<vmem_shared>>) target(%arg14 : memref<128x80xf32, #tpu.memory_space<vmem>>) target_semaphore(%run_scoped3A : memref<!tpu.dma_semaphore, #tpu.memory_space<semaphore_mem>>)
      %dma_wait3A_375 = arith.constant 0 : i32
      %dma_wait3A_376 = tpu.memref_slice %arg7[%add3A_368, %dma_wait3A_375] : memref<10240x80xf32, #tpu.memory_space<vmem_shared>> -> memref<128x80xf32, #tpu.memory_space<vmem_shared>>
      %dma_wait3A_377 = arith.constant 0 : i32
      %dma_wait3A_378 = tpu.memref_slice %arg7[%add3A_368, %dma_wait3A_377] : memref<10240x80xf32, #tpu.memory_space<vmem_shared>> -> memref<128x80xf32, #tpu.memory_space<vmem_shared>>
      tpu.wait_dma2 semaphore(%run_scoped3A : memref<!tpu.dma_semaphore, #tpu.memory_space<semaphore_mem>>) src(%dma_wait3A_378 : memref<128x80xf32, #tpu.memory_space<vmem_shared>>) dst(%arg14 : memref<128x80xf32, #tpu.memory_space<vmem>>)
      tpu.yield
    }) : () -> ()
    %add3A_369 = arith.constant 512 : i32
    %add3A_370 = arith.addi %mul3A_2, %add3A_369 : i32
    "tpu.region"() ({
      %run_scoped3A = tpu.sem_alloc : memref<!tpu.dma_semaphore, #tpu.memory_space<semaphore_mem>>
      %dma_start3A_371 = arith.constant 0 : i32
      %dma_start3A_372 = tpu.memref_slice %arg6[%arg0, %add3A_370, %dma_start3A_371] : memref<2x10240x80xf32, #tpu.memory_space<hbm>> -> memref<1x128x80xf32, #tpu.memory_space<hbm>>
      %dma_start3A_373 = tpu.memref_squeeze %dma_start3A_372 : memref<1x128x80xf32, #tpu.memory_space<hbm>> -> memref<128x80xf32, #tpu.memory_space<hbm>>
      %dma_start3A_374 = arith.constant 0 : i32
      %dma_start3A_375 = tpu.memref_slice %arg6[%arg0, %add3A_370, %dma_start3A_374] : memref<2x10240x80xf32, #tpu.memory_space<hbm>> -> memref<1x128x80xf32, #tpu.memory_space<hbm>>
      %dma_start3A_376 = tpu.memref_squeeze %dma_start3A_375 : memref<1x128x80xf32, #tpu.memory_space<hbm>> -> memref<128x80xf32, #tpu.memory_space<hbm>>
      tpu.enqueue_dma source(%arg14 : memref<128x80xf32, #tpu.memory_space<vmem>>) target(%dma_start3A_376 : memref<128x80xf32, #tpu.memory_space<hbm>>) target_semaphore(%run_scoped3A : memref<!tpu.dma_semaphore, #tpu.memory_space<semaphore_mem>>)
      %dma_wait3A_377 = arith.constant 0 : i32
      %dma_wait3A_378 = tpu.memref_slice %arg6[%arg0, %add3A_370, %dma_wait3A_377] : memref<2x10240x80xf32, #tpu.memory_space<hbm>> -> memref<1x128x80xf32, #tpu.memory_space<hbm>>
      %dma_wait3A_379 = tpu.memref_squeeze %dma_wait3A_378 : memref<1x128x80xf32, #tpu.memory_space<hbm>> -> memref<128x80xf32, #tpu.memory_space<hbm>>
      %dma_wait3A_380 = arith.constant 0 : i32
      %dma_wait3A_381 = tpu.memref_slice %arg6[%arg0, %add3A_370, %dma_wait3A_380] : memref<2x10240x80xf32, #tpu.memory_space<hbm>> -> memref<1x128x80xf32, #tpu.memory_space<hbm>>
      %dma_wait3A_382 = tpu.memref_squeeze %dma_wait3A_381 : memref<1x128x80xf32, #tpu.memory_space<hbm>> -> memref<128x80xf32, #tpu.memory_space<hbm>>
      tpu.wait_dma2 semaphore(%run_scoped3A : memref<!tpu.dma_semaphore, #tpu.memory_space<semaphore_mem>>) src(%arg14 : memref<128x80xf32, #tpu.memory_space<vmem>>) dst(%dma_wait3A_382 : memref<128x80xf32, #tpu.memory_space<hbm>>)
      tpu.yield
    }) : () -> ()
    return
  }
}

#map = affine_map<(d0, d1) -> (0, 0)>
#map1 = affine_map<(d0, d1) -> (0, 0, 0)>
module attributes {stable_mosaic.version = 14 : i64} {
  func.func @ek(%arg0: i32, %arg1: i32, %arg2: memref<10240x32xf32, #tpu.memory_space<hbm>>, %arg3: memref<10240x16xf32, #tpu.memory_space<hbm>>, %arg4: memref<2560x128xi32, #tpu.memory_space<hbm>>, %arg5: memref<2560x128xi32, #tpu.memory_space<hbm>>, %arg6: memref<2x10240x32xf32, #tpu.memory_space<hbm>>, %arg7: memref<10240x32xf32, #tpu.memory_space<vmem_shared>>, %arg8: memref<82x128xi32, #tpu.memory_space<vmem>>, %arg9: memref<82x128xi32, #tpu.memory_space<vmem>>, %arg10: memref<128x32xf32, #tpu.memory_space<vmem>>, %arg11: memref<128x32xf32, #tpu.memory_space<vmem>>, %arg12: memref<128x16xf32, #tpu.memory_space<vmem>>, %arg13: memref<128x16xf32, #tpu.memory_space<vmem>>, %arg14: memref<128x32xf32, #tpu.memory_space<vmem>>, %arg15: memref<128x32xf32, #tpu.memory_space<vmem>>, %arg16: memref<!tpu.dma_semaphore, #tpu.memory_space<semaphore_mem>>, %arg17: memref<!tpu.dma_semaphore, #tpu.memory_space<semaphore_mem>>, %arg18: memref<!tpu.dma_semaphore, #tpu.memory_space<semaphore_mem>>, %arg19: memref<!tpu.dma_semaphore, #tpu.memory_space<semaphore_mem>>, %arg20: memref<!tpu.dma_semaphore, #tpu.memory_space<semaphore_mem>>, %arg21: memref<!tpu.dma_semaphore, #tpu.memory_space<semaphore_mem>>) attributes {dimension_semantics = [#tpu.dimension_semantics<core_parallel>, #tpu.dimension_semantics<subcore_parallel>], iteration_bounds = array<i64: 2, 16>, scalar_prefetch = 0 : i64, scratch_operands = 15 : i64, tpu.core_type = #tpu.core_type<sc_vector_subcore>, window_params = [{transform_indices = #map}, {transform_indices = #map}, {transform_indices = #map}, {transform_indices = #map}, {transform_indices = #map1}]} {
    %mul3A = arith.constant 2 : i32
    %mul3A_0 = arith.muli %arg1, %mul3A : i32
    %add3A = arith.addi %mul3A_0, %arg0 : i32
    %mul3A_1 = arith.constant 640 : i32
    %mul3A_2 = arith.muli %arg1, %mul3A_1 : i32
    %iota3A = tpu.iota {dimensions = array<i32: 0>} : vector<16xi32>
    %scan3A = arith.constant 0 : i32
    %scan3A_3 = arith.constant 0 : i32
    %scan3A_4 = arith.constant 128 : i32
    %scan3A_5 = arith.addi %scan3A_3, %scan3A_4 : i32
    %scan3A_6 = arith.constant 1 : i32
    scf.for %scan3A_371 = %scan3A_3 to %scan3A_5 step %scan3A_6  : i32 {
      %broadcast_in_dim3A_372 = arith.constant 0.000000e+00 : f32
      %broadcast_in_dim3A_373 = vector.broadcast %broadcast_in_dim3A_372 : f32 to vector<16xf32>
      %swap3A_374 = arith.index_cast %scan3A_371 : i32 to index
      %swap3A_375 = arith.constant 0 : index
      %swap3A_376 = tpu.vector_load %arg14[%swap3A_374, %swap3A_375] {strides = array<i32>} : memref<128x32xf32, #tpu.memory_space<vmem>>, vector<1x16xf32>,
      %swap3A_377 = vector.shape_cast %swap3A_376 : vector<1x16xf32> to vector<16xf32>
      %swap3A_378 = vector.shape_cast %broadcast_in_dim3A_373 : vector<16xf32> to vector<1x16xf32>
      tpu.vector_store %arg14[%swap3A_374, %swap3A_375], %swap3A_378 {strides = array<i32>} : memref<128x32xf32, #tpu.memory_space<vmem>>, vector<1x16xf32>,
      %broadcast_in_dim3A_379 = arith.constant 0.000000e+00 : f32
      %broadcast_in_dim3A_380 = vector.broadcast %broadcast_in_dim3A_379 : f32 to vector<16xf32>
      %swap3A_381 = arith.index_cast %scan3A_371 : i32 to index
      %swap3A_382 = arith.constant 16 : index
      %swap3A_383 = tpu.vector_load %arg14[%swap3A_381, %swap3A_382] {strides = array<i32>} : memref<128x32xf32, #tpu.memory_space<vmem>>, vector<1x16xf32>,
      %swap3A_384 = vector.shape_cast %swap3A_383 : vector<1x16xf32> to vector<16xf32>
      %swap3A_385 = vector.shape_cast %broadcast_in_dim3A_380 : vector<16xf32> to vector<1x16xf32>
      tpu.vector_store %arg14[%swap3A_381, %swap3A_382], %swap3A_385 {strides = array<i32>} : memref<128x32xf32, #tpu.memory_space<vmem>>, vector<1x16xf32>,
    }
    %scan3A_7 = arith.constant 128 : i32
    %add3A_8 = arith.constant 0 : i32
    %add3A_9 = arith.addi %mul3A_2, %add3A_8 : i32
    "tpu.region"() ({
      %run_scoped3A = tpu.sem_alloc : memref<!tpu.dma_semaphore, #tpu.memory_space<semaphore_mem>>
      %dma_start3A_371 = arith.constant 0 : i32
      %dma_start3A_372 = tpu.memref_slice %arg7[%add3A_9, %dma_start3A_371] : memref<10240x32xf32, #tpu.memory_space<vmem_shared>> -> memref<128x32xf32, #tpu.memory_space<vmem_shared>>
      %dma_start3A_373 = arith.constant 0 : i32
      %dma_start3A_374 = tpu.memref_slice %arg7[%add3A_9, %dma_start3A_373] : memref<10240x32xf32, #tpu.memory_space<vmem_shared>> -> memref<128x32xf32, #tpu.memory_space<vmem_shared>>
      tpu.enqueue_dma source(%arg14 : memref<128x32xf32, #tpu.memory_space<vmem>>) target(%dma_start3A_374 : memref<128x32xf32, #tpu.memory_space<vmem_shared>>) target_semaphore(%run_scoped3A : memref<!tpu.dma_semaphore, #tpu.memory_space<semaphore_mem>>)
      %dma_wait3A_375 = arith.constant 0 : i32
      %dma_wait3A_376 = tpu.memref_slice %arg7[%add3A_9, %dma_wait3A_375] : memref<10240x32xf32, #tpu.memory_space<vmem_shared>> -> memref<128x32xf32, #tpu.memory_space<vmem_shared>>
      %dma_wait3A_377 = arith.constant 0 : i32
      %dma_wait3A_378 = tpu.memref_slice %arg7[%add3A_9, %dma_wait3A_377] : memref<10240x32xf32, #tpu.memory_space<vmem_shared>> -> memref<128x32xf32, #tpu.memory_space<vmem_shared>>
      tpu.wait_dma2 semaphore(%run_scoped3A : memref<!tpu.dma_semaphore, #tpu.memory_space<semaphore_mem>>) src(%arg14 : memref<128x32xf32, #tpu.memory_space<vmem>>) dst(%dma_wait3A_378 : memref<128x32xf32, #tpu.memory_space<vmem_shared>>)
      tpu.yield
    }) : () -> ()
    %add3A_10 = arith.constant 128 : i32
    %add3A_11 = arith.addi %mul3A_2, %add3A_10 : i32
    "tpu.region"() ({
      %run_scoped3A = tpu.sem_alloc : memref<!tpu.dma_semaphore, #tpu.memory_space<semaphore_mem>>
      %dma_start3A_371 = arith.constant 0 : i32
      %dma_start3A_372 = tpu.memref_slice %arg7[%add3A_11, %dma_start3A_371] : memref<10240x32xf32, #tpu.memory_space<vmem_shared>> -> memref<128x32xf32, #tpu.memory_space<vmem_shared>>
      %dma_start3A_373 = arith.constant 0 : i32
      %dma_start3A_374 = tpu.memref_slice %arg7[%add3A_11, %dma_start3A_373] : memref<10240x32xf32, #tpu.memory_space<vmem_shared>> -> memref<128x32xf32, #tpu.memory_space<vmem_shared>>
      tpu.enqueue_dma source(%arg14 : memref<128x32xf32, #tpu.memory_space<vmem>>) target(%dma_start3A_374 : memref<128x32xf32, #tpu.memory_space<vmem_shared>>) target_semaphore(%run_scoped3A : memref<!tpu.dma_semaphore, #tpu.memory_space<semaphore_mem>>)
      %dma_wait3A_375 = arith.constant 0 : i32
      %dma_wait3A_376 = tpu.memref_slice %arg7[%add3A_11, %dma_wait3A_375] : memref<10240x32xf32, #tpu.memory_space<vmem_shared>> -> memref<128x32xf32, #tpu.memory_space<vmem_shared>>
      %dma_wait3A_377 = arith.constant 0 : i32
      %dma_wait3A_378 = tpu.memref_slice %arg7[%add3A_11, %dma_wait3A_377] : memref<10240x32xf32, #tpu.memory_space<vmem_shared>> -> memref<128x32xf32, #tpu.memory_space<vmem_shared>>
      tpu.wait_dma2 semaphore(%run_scoped3A : memref<!tpu.dma_semaphore, #tpu.memory_space<semaphore_mem>>) src(%arg14 : memref<128x32xf32, #tpu.memory_space<vmem>>) dst(%dma_wait3A_378 : memref<128x32xf32, #tpu.memory_space<vmem_shared>>)
      tpu.yield
    }) : () -> ()
    %add3A_12 = arith.constant 256 : i32
    %add3A_13 = arith.addi %mul3A_2, %add3A_12 : i32
    "tpu.region"() ({
      %run_scoped3A = tpu.sem_alloc : memref<!tpu.dma_semaphore, #tpu.memory_space<semaphore_mem>>
      %dma_start3A_371 = arith.constant 0 : i32
      %dma_start3A_372 = tpu.memref_slice %arg7[%add3A_13, %dma_start3A_371] : memref<10240x32xf32, #tpu.memory_space<vmem_shared>> -> memref<128x32xf32, #tpu.memory_space<vmem_shared>>
      %dma_start3A_373 = arith.constant 0 : i32
      %dma_start3A_374 = tpu.memref_slice %arg7[%add3A_13, %dma_start3A_373] : memref<10240x32xf32, #tpu.memory_space<vmem_shared>> -> memref<128x32xf32, #tpu.memory_space<vmem_shared>>
      tpu.enqueue_dma source(%arg14 : memref<128x32xf32, #tpu.memory_space<vmem>>) target(%dma_start3A_374 : memref<128x32xf32, #tpu.memory_space<vmem_shared>>) target_semaphore(%run_scoped3A : memref<!tpu.dma_semaphore, #tpu.memory_space<semaphore_mem>>)
      %dma_wait3A_375 = arith.constant 0 : i32
      %dma_wait3A_376 = tpu.memref_slice %arg7[%add3A_13, %dma_wait3A_375] : memref<10240x32xf32, #tpu.memory_space<vmem_shared>> -> memref<128x32xf32, #tpu.memory_space<vmem_shared>>
      %dma_wait3A_377 = arith.constant 0 : i32
      %dma_wait3A_378 = tpu.memref_slice %arg7[%add3A_13, %dma_wait3A_377] : memref<10240x32xf32, #tpu.memory_space<vmem_shared>> -> memref<128x32xf32, #tpu.memory_space<vmem_shared>>
      tpu.wait_dma2 semaphore(%run_scoped3A : memref<!tpu.dma_semaphore, #tpu.memory_space<semaphore_mem>>) src(%arg14 : memref<128x32xf32, #tpu.memory_space<vmem>>) dst(%dma_wait3A_378 : memref<128x32xf32, #tpu.memory_space<vmem_shared>>)
      tpu.yield
    }) : () -> ()
    %add3A_14 = arith.constant 384 : i32
    %add3A_15 = arith.addi %mul3A_2, %add3A_14 : i32
    "tpu.region"() ({
      %run_scoped3A = tpu.sem_alloc : memref<!tpu.dma_semaphore, #tpu.memory_space<semaphore_mem>>
      %dma_start3A_371 = arith.constant 0 : i32
      %dma_start3A_372 = tpu.memref_slice %arg7[%add3A_15, %dma_start3A_371] : memref<10240x32xf32, #tpu.memory_space<vmem_shared>> -> memref<128x32xf32, #tpu.memory_space<vmem_shared>>
      %dma_start3A_373 = arith.constant 0 : i32
      %dma_start3A_374 = tpu.memref_slice %arg7[%add3A_15, %dma_start3A_373] : memref<10240x32xf32, #tpu.memory_space<vmem_shared>> -> memref<128x32xf32, #tpu.memory_space<vmem_shared>>
      tpu.enqueue_dma source(%arg14 : memref<128x32xf32, #tpu.memory_space<vmem>>) target(%dma_start3A_374 : memref<128x32xf32, #tpu.memory_space<vmem_shared>>) target_semaphore(%run_scoped3A : memref<!tpu.dma_semaphore, #tpu.memory_space<semaphore_mem>>)
      %dma_wait3A_375 = arith.constant 0 : i32
      %dma_wait3A_376 = tpu.memref_slice %arg7[%add3A_15, %dma_wait3A_375] : memref<10240x32xf32, #tpu.memory_space<vmem_shared>> -> memref<128x32xf32, #tpu.memory_space<vmem_shared>>
      %dma_wait3A_377 = arith.constant 0 : i32
      %dma_wait3A_378 = tpu.memref_slice %arg7[%add3A_15, %dma_wait3A_377] : memref<10240x32xf32, #tpu.memory_space<vmem_shared>> -> memref<128x32xf32, #tpu.memory_space<vmem_shared>>
      tpu.wait_dma2 semaphore(%run_scoped3A : memref<!tpu.dma_semaphore, #tpu.memory_space<semaphore_mem>>) src(%arg14 : memref<128x32xf32, #tpu.memory_space<vmem>>) dst(%dma_wait3A_378 : memref<128x32xf32, #tpu.memory_space<vmem_shared>>)
      tpu.yield
    }) : () -> ()
    %add3A_16 = arith.constant 512 : i32
    %add3A_17 = arith.addi %mul3A_2, %add3A_16 : i32
    "tpu.region"() ({
      %run_scoped3A = tpu.sem_alloc : memref<!tpu.dma_semaphore, #tpu.memory_space<semaphore_mem>>
      %dma_start3A_371 = arith.constant 0 : i32
      %dma_start3A_372 = tpu.memref_slice %arg7[%add3A_17, %dma_start3A_371] : memref<10240x32xf32, #tpu.memory_space<vmem_shared>> -> memref<128x32xf32, #tpu.memory_space<vmem_shared>>
      %dma_start3A_373 = arith.constant 0 : i32
      %dma_start3A_374 = tpu.memref_slice %arg7[%add3A_17, %dma_start3A_373] : memref<10240x32xf32, #tpu.memory_space<vmem_shared>> -> memref<128x32xf32, #tpu.memory_space<vmem_shared>>
      tpu.enqueue_dma source(%arg14 : memref<128x32xf32, #tpu.memory_space<vmem>>) target(%dma_start3A_374 : memref<128x32xf32, #tpu.memory_space<vmem_shared>>) target_semaphore(%run_scoped3A : memref<!tpu.dma_semaphore, #tpu.memory_space<semaphore_mem>>)
      %dma_wait3A_375 = arith.constant 0 : i32
      %dma_wait3A_376 = tpu.memref_slice %arg7[%add3A_17, %dma_wait3A_375] : memref<10240x32xf32, #tpu.memory_space<vmem_shared>> -> memref<128x32xf32, #tpu.memory_space<vmem_shared>>
      %dma_wait3A_377 = arith.constant 0 : i32
      %dma_wait3A_378 = tpu.memref_slice %arg7[%add3A_17, %dma_wait3A_377] : memref<10240x32xf32, #tpu.memory_space<vmem_shared>> -> memref<128x32xf32, #tpu.memory_space<vmem_shared>>
      tpu.wait_dma2 semaphore(%run_scoped3A : memref<!tpu.dma_semaphore, #tpu.memory_space<semaphore_mem>>) src(%arg14 : memref<128x32xf32, #tpu.memory_space<vmem>>) dst(%dma_wait3A_378 : memref<128x32xf32, #tpu.memory_space<vmem_shared>>)
      tpu.yield
    }) : () -> ()
    %barrier3A = arith.constant 0 : index
    tpu.barrier barrier_id(%barrier3A)
    %mul3A_18 = arith.constant 80 : i32
    %mul3A_19 = arith.muli %add3A, %mul3A_18 : i32
    "tpu.region"() ({
      %run_scoped3A = tpu.sem_alloc : memref<!tpu.dma_semaphore, #tpu.memory_space<semaphore_mem>>
      %dma_start3A_371 = arith.constant 0 : i32
      %dma_start3A_372 = arith.constant 0 : i32
      %dma_start3A_373 = tpu.memref_slice %arg8[%dma_start3A_371, %dma_start3A_372] : memref<82x128xi32, #tpu.memory_space<vmem>> -> memref<80x128xi32, #tpu.memory_space<vmem>>
      %dma_start3A_374 = arith.constant 0 : i32
      %dma_start3A_375 = tpu.memref_slice %arg4[%mul3A_19, %dma_start3A_374] : memref<2560x128xi32, #tpu.memory_space<hbm>> -> memref<80x128xi32, #tpu.memory_space<hbm>>
      %dma_start3A_376 = arith.constant 0 : i32
      %dma_start3A_377 = arith.constant 0 : i32
      %dma_start3A_378 = tpu.memref_slice %arg8[%dma_start3A_376, %dma_start3A_377] : memref<82x128xi32, #tpu.memory_space<vmem>> -> memref<80x128xi32, #tpu.memory_space<vmem>>
      %dma_start3A_379 = arith.constant 0 : i32
      %dma_start3A_380 = tpu.memref_slice %arg4[%mul3A_19, %dma_start3A_379] : memref<2560x128xi32, #tpu.memory_space<hbm>> -> memref<80x128xi32, #tpu.memory_space<hbm>>
      tpu.enqueue_dma source(%dma_start3A_380 : memref<80x128xi32, #tpu.memory_space<hbm>>) target(%dma_start3A_378 : memref<80x128xi32, #tpu.memory_space<vmem>>) target_semaphore(%run_scoped3A : memref<!tpu.dma_semaphore, #tpu.memory_space<semaphore_mem>>)
      %dma_wait3A_381 = arith.constant 0 : i32
      %dma_wait3A_382 = arith.constant 0 : i32
      %dma_wait3A_383 = tpu.memref_slice %arg8[%dma_wait3A_381, %dma_wait3A_382] : memref<82x128xi32, #tpu.memory_space<vmem>> -> memref<80x128xi32, #tpu.memory_space<vmem>>
      %dma_wait3A_384 = arith.constant 0 : i32
      %dma_wait3A_385 = tpu.memref_slice %arg4[%mul3A_19, %dma_wait3A_384] : memref<2560x128xi32, #tpu.memory_space<hbm>> -> memref<80x128xi32, #tpu.memory_space<hbm>>
      %dma_wait3A_386 = arith.constant 0 : i32
      %dma_wait3A_387 = arith.constant 0 : i32
      %dma_wait3A_388 = tpu.memref_slice %arg8[%dma_wait3A_386, %dma_wait3A_387] : memref<82x128xi32, #tpu.memory_space<vmem>> -> memref<80x128xi32, #tpu.memory_space<vmem>>
      %dma_wait3A_389 = arith.constant 0 : i32
      %dma_wait3A_390 = tpu.memref_slice %arg4[%mul3A_19, %dma_wait3A_389] : memref<2560x128xi32, #tpu.memory_space<hbm>> -> memref<80x128xi32, #tpu.memory_space<hbm>>
      tpu.wait_dma2 semaphore(%run_scoped3A : memref<!tpu.dma_semaphore, #tpu.memory_space<semaphore_mem>>) src(%dma_wait3A_390 : memref<80x128xi32, #tpu.memory_space<hbm>>) dst(%dma_wait3A_388 : memref<80x128xi32, #tpu.memory_space<vmem>>)
      tpu.yield
    }) : () -> ()
    %mul3A_20 = arith.constant 80 : i32
    %mul3A_21 = arith.muli %add3A, %mul3A_20 : i32
    "tpu.region"() ({
      %run_scoped3A = tpu.sem_alloc : memref<!tpu.dma_semaphore, #tpu.memory_space<semaphore_mem>>
      %dma_start3A_371 = arith.constant 0 : i32
      %dma_start3A_372 = arith.constant 0 : i32
      %dma_start3A_373 = tpu.memref_slice %arg9[%dma_start3A_371, %dma_start3A_372] : memref<82x128xi32, #tpu.memory_space<vmem>> -> memref<80x128xi32, #tpu.memory_space<vmem>>
      %dma_start3A_374 = arith.constant 0 : i32
      %dma_start3A_375 = tpu.memref_slice %arg5[%mul3A_21, %dma_start3A_374] : memref<2560x128xi32, #tpu.memory_space<hbm>> -> memref<80x128xi32, #tpu.memory_space<hbm>>
      %dma_start3A_376 = arith.constant 0 : i32
      %dma_start3A_377 = arith.constant 0 : i32
      %dma_start3A_378 = tpu.memref_slice %arg9[%dma_start3A_376, %dma_start3A_377] : memref<82x128xi32, #tpu.memory_space<vmem>> -> memref<80x128xi32, #tpu.memory_space<vmem>>
      %dma_start3A_379 = arith.constant 0 : i32
      %dma_start3A_380 = tpu.memref_slice %arg5[%mul3A_21, %dma_start3A_379] : memref<2560x128xi32, #tpu.memory_space<hbm>> -> memref<80x128xi32, #tpu.memory_space<hbm>>
      tpu.enqueue_dma source(%dma_start3A_380 : memref<80x128xi32, #tpu.memory_space<hbm>>) target(%dma_start3A_378 : memref<80x128xi32, #tpu.memory_space<vmem>>) target_semaphore(%run_scoped3A : memref<!tpu.dma_semaphore, #tpu.memory_space<semaphore_mem>>)
      %dma_wait3A_381 = arith.constant 0 : i32
      %dma_wait3A_382 = arith.constant 0 : i32
      %dma_wait3A_383 = tpu.memref_slice %arg9[%dma_wait3A_381, %dma_wait3A_382] : memref<82x128xi32, #tpu.memory_space<vmem>> -> memref<80x128xi32, #tpu.memory_space<vmem>>
      %dma_wait3A_384 = arith.constant 0 : i32
      %dma_wait3A_385 = tpu.memref_slice %arg5[%mul3A_21, %dma_wait3A_384] : memref<2560x128xi32, #tpu.memory_space<hbm>> -> memref<80x128xi32, #tpu.memory_space<hbm>>
      %dma_wait3A_386 = arith.constant 0 : i32
      %dma_wait3A_387 = arith.constant 0 : i32
      %dma_wait3A_388 = tpu.memref_slice %arg9[%dma_wait3A_386, %dma_wait3A_387] : memref<82x128xi32, #tpu.memory_space<vmem>> -> memref<80x128xi32, #tpu.memory_space<vmem>>
      %dma_wait3A_389 = arith.constant 0 : i32
      %dma_wait3A_390 = tpu.memref_slice %arg5[%mul3A_21, %dma_wait3A_389] : memref<2560x128xi32, #tpu.memory_space<hbm>> -> memref<80x128xi32, #tpu.memory_space<hbm>>
      tpu.wait_dma2 semaphore(%run_scoped3A : memref<!tpu.dma_semaphore, #tpu.memory_space<semaphore_mem>>) src(%dma_wait3A_390 : memref<80x128xi32, #tpu.memory_space<hbm>>) dst(%dma_wait3A_388 : memref<80x128xi32, #tpu.memory_space<vmem>>)
      tpu.yield
    }) : () -> ()
    %broadcast_in_dim3A = arith.constant 0 : i32
    %broadcast_in_dim3A_22 = vector.broadcast %broadcast_in_dim3A : i32 to vector<16xi32>
    %swap3A = arith.constant 80 : i32
    %swap3A_23 = arith.index_cast %swap3A : i32 to index
    %swap3A_24 = arith.constant 0 : index
    %swap3A_25 = tpu.vector_load %arg8[%swap3A_23, %swap3A_24] {strides = array<i32>} : memref<82x128xi32, #tpu.memory_space<vmem>>, vector<1x16xi32>,
    %swap3A_26 = vector.shape_cast %swap3A_25 : vector<1x16xi32> to vector<16xi32>
    %swap3A_27 = vector.shape_cast %broadcast_in_dim3A_22 : vector<16xi32> to vector<1x16xi32>
    tpu.vector_store %arg8[%swap3A_23, %swap3A_24], %swap3A_27 {strides = array<i32>} : memref<82x128xi32, #tpu.memory_space<vmem>>, vector<1x16xi32>,
    %broadcast_in_dim3A_28 = arith.constant 0 : i32
    %broadcast_in_dim3A_29 = vector.broadcast %broadcast_in_dim3A_28 : i32 to vector<16xi32>
    %swap3A_30 = arith.constant 80 : i32
    %swap3A_31 = arith.index_cast %swap3A_30 : i32 to index
    %swap3A_32 = arith.constant 0 : index
    %swap3A_33 = tpu.vector_load %arg9[%swap3A_31, %swap3A_32] {strides = array<i32>} : memref<82x128xi32, #tpu.memory_space<vmem>>, vector<1x16xi32>,
    %swap3A_34 = vector.shape_cast %swap3A_33 : vector<1x16xi32> to vector<16xi32>
    %swap3A_35 = vector.shape_cast %broadcast_in_dim3A_29 : vector<16xi32> to vector<1x16xi32>
    tpu.vector_store %arg9[%swap3A_31, %swap3A_32], %swap3A_35 {strides = array<i32>} : memref<82x128xi32, #tpu.memory_space<vmem>>, vector<1x16xi32>,
    %broadcast_in_dim3A_36 = arith.constant 0 : i32
    %broadcast_in_dim3A_37 = vector.broadcast %broadcast_in_dim3A_36 : i32 to vector<16xi32>
    %swap3A_38 = arith.constant 80 : i32
    %swap3A_39 = arith.index_cast %swap3A_38 : i32 to index
    %swap3A_40 = arith.constant 16 : index
    %swap3A_41 = tpu.vector_load %arg8[%swap3A_39, %swap3A_40] {strides = array<i32>} : memref<82x128xi32, #tpu.memory_space<vmem>>, vector<1x16xi32>,
    %swap3A_42 = vector.shape_cast %swap3A_41 : vector<1x16xi32> to vector<16xi32>
    %swap3A_43 = vector.shape_cast %broadcast_in_dim3A_37 : vector<16xi32> to vector<1x16xi32>
    tpu.vector_store %arg8[%swap3A_39, %swap3A_40], %swap3A_43 {strides = array<i32>} : memref<82x128xi32, #tpu.memory_space<vmem>>, vector<1x16xi32>,
    %broadcast_in_dim3A_44 = arith.constant 0 : i32
    %broadcast_in_dim3A_45 = vector.broadcast %broadcast_in_dim3A_44 : i32 to vector<16xi32>
    %swap3A_46 = arith.constant 80 : i32
    %swap3A_47 = arith.index_cast %swap3A_46 : i32 to index
    %swap3A_48 = arith.constant 16 : index
    %swap3A_49 = tpu.vector_load %arg9[%swap3A_47, %swap3A_48] {strides = array<i32>} : memref<82x128xi32, #tpu.memory_space<vmem>>, vector<1x16xi32>,
    %swap3A_50 = vector.shape_cast %swap3A_49 : vector<1x16xi32> to vector<16xi32>
    %swap3A_51 = vector.shape_cast %broadcast_in_dim3A_45 : vector<16xi32> to vector<1x16xi32>
    tpu.vector_store %arg9[%swap3A_47, %swap3A_48], %swap3A_51 {strides = array<i32>} : memref<82x128xi32, #tpu.memory_space<vmem>>, vector<1x16xi32>,
    %broadcast_in_dim3A_52 = arith.constant 0 : i32
    %broadcast_in_dim3A_53 = vector.broadcast %broadcast_in_dim3A_52 : i32 to vector<16xi32>
    %swap3A_54 = arith.constant 80 : i32
    %swap3A_55 = arith.index_cast %swap3A_54 : i32 to index
    %swap3A_56 = arith.constant 32 : index
    %swap3A_57 = tpu.vector_load %arg8[%swap3A_55, %swap3A_56] {strides = array<i32>} : memref<82x128xi32, #tpu.memory_space<vmem>>, vector<1x16xi32>,
    %swap3A_58 = vector.shape_cast %swap3A_57 : vector<1x16xi32> to vector<16xi32>
    %swap3A_59 = vector.shape_cast %broadcast_in_dim3A_53 : vector<16xi32> to vector<1x16xi32>
    tpu.vector_store %arg8[%swap3A_55, %swap3A_56], %swap3A_59 {strides = array<i32>} : memref<82x128xi32, #tpu.memory_space<vmem>>, vector<1x16xi32>,
    %broadcast_in_dim3A_60 = arith.constant 0 : i32
    %broadcast_in_dim3A_61 = vector.broadcast %broadcast_in_dim3A_60 : i32 to vector<16xi32>
    %swap3A_62 = arith.constant 80 : i32
    %swap3A_63 = arith.index_cast %swap3A_62 : i32 to index
    %swap3A_64 = arith.constant 32 : index
    %swap3A_65 = tpu.vector_load %arg9[%swap3A_63, %swap3A_64] {strides = array<i32>} : memref<82x128xi32, #tpu.memory_space<vmem>>, vector<1x16xi32>,
    %swap3A_66 = vector.shape_cast %swap3A_65 : vector<1x16xi32> to vector<16xi32>
    %swap3A_67 = vector.shape_cast %broadcast_in_dim3A_61 : vector<16xi32> to vector<1x16xi32>
    tpu.vector_store %arg9[%swap3A_63, %swap3A_64], %swap3A_67 {strides = array<i32>} : memref<82x128xi32, #tpu.memory_space<vmem>>, vector<1x16xi32>,
    %broadcast_in_dim3A_68 = arith.constant 0 : i32
    %broadcast_in_dim3A_69 = vector.broadcast %broadcast_in_dim3A_68 : i32 to vector<16xi32>
    %swap3A_70 = arith.constant 80 : i32
    %swap3A_71 = arith.index_cast %swap3A_70 : i32 to index
    %swap3A_72 = arith.constant 48 : index
    %swap3A_73 = tpu.vector_load %arg8[%swap3A_71, %swap3A_72] {strides = array<i32>} : memref<82x128xi32, #tpu.memory_space<vmem>>, vector<1x16xi32>,
    %swap3A_74 = vector.shape_cast %swap3A_73 : vector<1x16xi32> to vector<16xi32>
    %swap3A_75 = vector.shape_cast %broadcast_in_dim3A_69 : vector<16xi32> to vector<1x16xi32>
    tpu.vector_store %arg8[%swap3A_71, %swap3A_72], %swap3A_75 {strides = array<i32>} : memref<82x128xi32, #tpu.memory_space<vmem>>, vector<1x16xi32>,
    %broadcast_in_dim3A_76 = arith.constant 0 : i32
    %broadcast_in_dim3A_77 = vector.broadcast %broadcast_in_dim3A_76 : i32 to vector<16xi32>
    %swap3A_78 = arith.constant 80 : i32
    %swap3A_79 = arith.index_cast %swap3A_78 : i32 to index
    %swap3A_80 = arith.constant 48 : index
    %swap3A_81 = tpu.vector_load %arg9[%swap3A_79, %swap3A_80] {strides = array<i32>} : memref<82x128xi32, #tpu.memory_space<vmem>>, vector<1x16xi32>,
    %swap3A_82 = vector.shape_cast %swap3A_81 : vector<1x16xi32> to vector<16xi32>
    %swap3A_83 = vector.shape_cast %broadcast_in_dim3A_77 : vector<16xi32> to vector<1x16xi32>
    tpu.vector_store %arg9[%swap3A_79, %swap3A_80], %swap3A_83 {strides = array<i32>} : memref<82x128xi32, #tpu.memory_space<vmem>>, vector<1x16xi32>,
    %broadcast_in_dim3A_84 = arith.constant 0 : i32
    %broadcast_in_dim3A_85 = vector.broadcast %broadcast_in_dim3A_84 : i32 to vector<16xi32>
    %swap3A_86 = arith.constant 80 : i32
    %swap3A_87 = arith.index_cast %swap3A_86 : i32 to index
    %swap3A_88 = arith.constant 64 : index
    %swap3A_89 = tpu.vector_load %arg8[%swap3A_87, %swap3A_88] {strides = array<i32>} : memref<82x128xi32, #tpu.memory_space<vmem>>, vector<1x16xi32>,
    %swap3A_90 = vector.shape_cast %swap3A_89 : vector<1x16xi32> to vector<16xi32>
    %swap3A_91 = vector.shape_cast %broadcast_in_dim3A_85 : vector<16xi32> to vector<1x16xi32>
    tpu.vector_store %arg8[%swap3A_87, %swap3A_88], %swap3A_91 {strides = array<i32>} : memref<82x128xi32, #tpu.memory_space<vmem>>, vector<1x16xi32>,
    %broadcast_in_dim3A_92 = arith.constant 0 : i32
    %broadcast_in_dim3A_93 = vector.broadcast %broadcast_in_dim3A_92 : i32 to vector<16xi32>
    %swap3A_94 = arith.constant 80 : i32
    %swap3A_95 = arith.index_cast %swap3A_94 : i32 to index
    %swap3A_96 = arith.constant 64 : index
    %swap3A_97 = tpu.vector_load %arg9[%swap3A_95, %swap3A_96] {strides = array<i32>} : memref<82x128xi32, #tpu.memory_space<vmem>>, vector<1x16xi32>,
    %swap3A_98 = vector.shape_cast %swap3A_97 : vector<1x16xi32> to vector<16xi32>
    %swap3A_99 = vector.shape_cast %broadcast_in_dim3A_93 : vector<16xi32> to vector<1x16xi32>
    tpu.vector_store %arg9[%swap3A_95, %swap3A_96], %swap3A_99 {strides = array<i32>} : memref<82x128xi32, #tpu.memory_space<vmem>>, vector<1x16xi32>,
    %broadcast_in_dim3A_100 = arith.constant 0 : i32
    %broadcast_in_dim3A_101 = vector.broadcast %broadcast_in_dim3A_100 : i32 to vector<16xi32>
    %swap3A_102 = arith.constant 80 : i32
    %swap3A_103 = arith.index_cast %swap3A_102 : i32 to index
    %swap3A_104 = arith.constant 80 : index
    %swap3A_105 = tpu.vector_load %arg8[%swap3A_103, %swap3A_104] {strides = array<i32>} : memref<82x128xi32, #tpu.memory_space<vmem>>, vector<1x16xi32>,
    %swap3A_106 = vector.shape_cast %swap3A_105 : vector<1x16xi32> to vector<16xi32>
    %swap3A_107 = vector.shape_cast %broadcast_in_dim3A_101 : vector<16xi32> to vector<1x16xi32>
    tpu.vector_store %arg8[%swap3A_103, %swap3A_104], %swap3A_107 {strides = array<i32>} : memref<82x128xi32, #tpu.memory_space<vmem>>, vector<1x16xi32>,
    %broadcast_in_dim3A_108 = arith.constant 0 : i32
    %broadcast_in_dim3A_109 = vector.broadcast %broadcast_in_dim3A_108 : i32 to vector<16xi32>
    %swap3A_110 = arith.constant 80 : i32
    %swap3A_111 = arith.index_cast %swap3A_110 : i32 to index
    %swap3A_112 = arith.constant 80 : index
    %swap3A_113 = tpu.vector_load %arg9[%swap3A_111, %swap3A_112] {strides = array<i32>} : memref<82x128xi32, #tpu.memory_space<vmem>>, vector<1x16xi32>,
    %swap3A_114 = vector.shape_cast %swap3A_113 : vector<1x16xi32> to vector<16xi32>
    %swap3A_115 = vector.shape_cast %broadcast_in_dim3A_109 : vector<16xi32> to vector<1x16xi32>
    tpu.vector_store %arg9[%swap3A_111, %swap3A_112], %swap3A_115 {strides = array<i32>} : memref<82x128xi32, #tpu.memory_space<vmem>>, vector<1x16xi32>,
    %broadcast_in_dim3A_116 = arith.constant 0 : i32
    %broadcast_in_dim3A_117 = vector.broadcast %broadcast_in_dim3A_116 : i32 to vector<16xi32>
    %swap3A_118 = arith.constant 80 : i32
    %swap3A_119 = arith.index_cast %swap3A_118 : i32 to index
    %swap3A_120 = arith.constant 96 : index
    %swap3A_121 = tpu.vector_load %arg8[%swap3A_119, %swap3A_120] {strides = array<i32>} : memref<82x128xi32, #tpu.memory_space<vmem>>, vector<1x16xi32>,
    %swap3A_122 = vector.shape_cast %swap3A_121 : vector<1x16xi32> to vector<16xi32>
    %swap3A_123 = vector.shape_cast %broadcast_in_dim3A_117 : vector<16xi32> to vector<1x16xi32>
    tpu.vector_store %arg8[%swap3A_119, %swap3A_120], %swap3A_123 {strides = array<i32>} : memref<82x128xi32, #tpu.memory_space<vmem>>, vector<1x16xi32>,
    %broadcast_in_dim3A_124 = arith.constant 0 : i32
    %broadcast_in_dim3A_125 = vector.broadcast %broadcast_in_dim3A_124 : i32 to vector<16xi32>
    %swap3A_126 = arith.constant 80 : i32
    %swap3A_127 = arith.index_cast %swap3A_126 : i32 to index
    %swap3A_128 = arith.constant 96 : index
    %swap3A_129 = tpu.vector_load %arg9[%swap3A_127, %swap3A_128] {strides = array<i32>} : memref<82x128xi32, #tpu.memory_space<vmem>>, vector<1x16xi32>,
    %swap3A_130 = vector.shape_cast %swap3A_129 : vector<1x16xi32> to vector<16xi32>
    %swap3A_131 = vector.shape_cast %broadcast_in_dim3A_125 : vector<16xi32> to vector<1x16xi32>
    tpu.vector_store %arg9[%swap3A_127, %swap3A_128], %swap3A_131 {strides = array<i32>} : memref<82x128xi32, #tpu.memory_space<vmem>>, vector<1x16xi32>,
    %broadcast_in_dim3A_132 = arith.constant 0 : i32
    %broadcast_in_dim3A_133 = vector.broadcast %broadcast_in_dim3A_132 : i32 to vector<16xi32>
    %swap3A_134 = arith.constant 80 : i32
    %swap3A_135 = arith.index_cast %swap3A_134 : i32 to index
    %swap3A_136 = arith.constant 112 : index
    %swap3A_137 = tpu.vector_load %arg8[%swap3A_135, %swap3A_136] {strides = array<i32>} : memref<82x128xi32, #tpu.memory_space<vmem>>, vector<1x16xi32>,
    %swap3A_138 = vector.shape_cast %swap3A_137 : vector<1x16xi32> to vector<16xi32>
    %swap3A_139 = vector.shape_cast %broadcast_in_dim3A_133 : vector<16xi32> to vector<1x16xi32>
    tpu.vector_store %arg8[%swap3A_135, %swap3A_136], %swap3A_139 {strides = array<i32>} : memref<82x128xi32, #tpu.memory_space<vmem>>, vector<1x16xi32>,
    %broadcast_in_dim3A_140 = arith.constant 0 : i32
    %broadcast_in_dim3A_141 = vector.broadcast %broadcast_in_dim3A_140 : i32 to vector<16xi32>
    %swap3A_142 = arith.constant 80 : i32
    %swap3A_143 = arith.index_cast %swap3A_142 : i32 to index
    %swap3A_144 = arith.constant 112 : index
    %swap3A_145 = tpu.vector_load %arg9[%swap3A_143, %swap3A_144] {strides = array<i32>} : memref<82x128xi32, #tpu.memory_space<vmem>>, vector<1x16xi32>,
    %swap3A_146 = vector.shape_cast %swap3A_145 : vector<1x16xi32> to vector<16xi32>
    %swap3A_147 = vector.shape_cast %broadcast_in_dim3A_141 : vector<16xi32> to vector<1x16xi32>
    tpu.vector_store %arg9[%swap3A_143, %swap3A_144], %swap3A_147 {strides = array<i32>} : memref<82x128xi32, #tpu.memory_space<vmem>>, vector<1x16xi32>,
    %broadcast_in_dim3A_148 = arith.constant 0 : i32
    %broadcast_in_dim3A_149 = vector.broadcast %broadcast_in_dim3A_148 : i32 to vector<16xi32>
    %swap3A_150 = arith.constant 81 : i32
    %swap3A_151 = arith.index_cast %swap3A_150 : i32 to index
    %swap3A_152 = arith.constant 0 : index
    %swap3A_153 = tpu.vector_load %arg8[%swap3A_151, %swap3A_152] {strides = array<i32>} : memref<82x128xi32, #tpu.memory_space<vmem>>, vector<1x16xi32>,
    %swap3A_154 = vector.shape_cast %swap3A_153 : vector<1x16xi32> to vector<16xi32>
    %swap3A_155 = vector.shape_cast %broadcast_in_dim3A_149 : vector<16xi32> to vector<1x16xi32>
    tpu.vector_store %arg8[%swap3A_151, %swap3A_152], %swap3A_155 {strides = array<i32>} : memref<82x128xi32, #tpu.memory_space<vmem>>, vector<1x16xi32>,
    %broadcast_in_dim3A_156 = arith.constant 0 : i32
    %broadcast_in_dim3A_157 = vector.broadcast %broadcast_in_dim3A_156 : i32 to vector<16xi32>
    %swap3A_158 = arith.constant 81 : i32
    %swap3A_159 = arith.index_cast %swap3A_158 : i32 to index
    %swap3A_160 = arith.constant 0 : index
    %swap3A_161 = tpu.vector_load %arg9[%swap3A_159, %swap3A_160] {strides = array<i32>} : memref<82x128xi32, #tpu.memory_space<vmem>>, vector<1x16xi32>,
    %swap3A_162 = vector.shape_cast %swap3A_161 : vector<1x16xi32> to vector<16xi32>
    %swap3A_163 = vector.shape_cast %broadcast_in_dim3A_157 : vector<16xi32> to vector<1x16xi32>
    tpu.vector_store %arg9[%swap3A_159, %swap3A_160], %swap3A_163 {strides = array<i32>} : memref<82x128xi32, #tpu.memory_space<vmem>>, vector<1x16xi32>,
    %broadcast_in_dim3A_164 = arith.constant 0 : i32
    %broadcast_in_dim3A_165 = vector.broadcast %broadcast_in_dim3A_164 : i32 to vector<16xi32>
    %swap3A_166 = arith.constant 81 : i32
    %swap3A_167 = arith.index_cast %swap3A_166 : i32 to index
    %swap3A_168 = arith.constant 16 : index
    %swap3A_169 = tpu.vector_load %arg8[%swap3A_167, %swap3A_168] {strides = array<i32>} : memref<82x128xi32, #tpu.memory_space<vmem>>, vector<1x16xi32>,
    %swap3A_170 = vector.shape_cast %swap3A_169 : vector<1x16xi32> to vector<16xi32>
    %swap3A_171 = vector.shape_cast %broadcast_in_dim3A_165 : vector<16xi32> to vector<1x16xi32>
    tpu.vector_store %arg8[%swap3A_167, %swap3A_168], %swap3A_171 {strides = array<i32>} : memref<82x128xi32, #tpu.memory_space<vmem>>, vector<1x16xi32>,
    %broadcast_in_dim3A_172 = arith.constant 0 : i32
    %broadcast_in_dim3A_173 = vector.broadcast %broadcast_in_dim3A_172 : i32 to vector<16xi32>
    %swap3A_174 = arith.constant 81 : i32
    %swap3A_175 = arith.index_cast %swap3A_174 : i32 to index
    %swap3A_176 = arith.constant 16 : index
    %swap3A_177 = tpu.vector_load %arg9[%swap3A_175, %swap3A_176] {strides = array<i32>} : memref<82x128xi32, #tpu.memory_space<vmem>>, vector<1x16xi32>,
    %swap3A_178 = vector.shape_cast %swap3A_177 : vector<1x16xi32> to vector<16xi32>
    %swap3A_179 = vector.shape_cast %broadcast_in_dim3A_173 : vector<16xi32> to vector<1x16xi32>
    tpu.vector_store %arg9[%swap3A_175, %swap3A_176], %swap3A_179 {strides = array<i32>} : memref<82x128xi32, #tpu.memory_space<vmem>>, vector<1x16xi32>,
    %broadcast_in_dim3A_180 = arith.constant 0 : i32
    %broadcast_in_dim3A_181 = vector.broadcast %broadcast_in_dim3A_180 : i32 to vector<16xi32>
    %swap3A_182 = arith.constant 81 : i32
    %swap3A_183 = arith.index_cast %swap3A_182 : i32 to index
    %swap3A_184 = arith.constant 32 : index
    %swap3A_185 = tpu.vector_load %arg8[%swap3A_183, %swap3A_184] {strides = array<i32>} : memref<82x128xi32, #tpu.memory_space<vmem>>, vector<1x16xi32>,
    %swap3A_186 = vector.shape_cast %swap3A_185 : vector<1x16xi32> to vector<16xi32>
    %swap3A_187 = vector.shape_cast %broadcast_in_dim3A_181 : vector<16xi32> to vector<1x16xi32>
    tpu.vector_store %arg8[%swap3A_183, %swap3A_184], %swap3A_187 {strides = array<i32>} : memref<82x128xi32, #tpu.memory_space<vmem>>, vector<1x16xi32>,
    %broadcast_in_dim3A_188 = arith.constant 0 : i32
    %broadcast_in_dim3A_189 = vector.broadcast %broadcast_in_dim3A_188 : i32 to vector<16xi32>
    %swap3A_190 = arith.constant 81 : i32
    %swap3A_191 = arith.index_cast %swap3A_190 : i32 to index
    %swap3A_192 = arith.constant 32 : index
    %swap3A_193 = tpu.vector_load %arg9[%swap3A_191, %swap3A_192] {strides = array<i32>} : memref<82x128xi32, #tpu.memory_space<vmem>>, vector<1x16xi32>,
    %swap3A_194 = vector.shape_cast %swap3A_193 : vector<1x16xi32> to vector<16xi32>
    %swap3A_195 = vector.shape_cast %broadcast_in_dim3A_189 : vector<16xi32> to vector<1x16xi32>
    tpu.vector_store %arg9[%swap3A_191, %swap3A_192], %swap3A_195 {strides = array<i32>} : memref<82x128xi32, #tpu.memory_space<vmem>>, vector<1x16xi32>,
    %broadcast_in_dim3A_196 = arith.constant 0 : i32
    %broadcast_in_dim3A_197 = vector.broadcast %broadcast_in_dim3A_196 : i32 to vector<16xi32>
    %swap3A_198 = arith.constant 81 : i32
    %swap3A_199 = arith.index_cast %swap3A_198 : i32 to index
    %swap3A_200 = arith.constant 48 : index
    %swap3A_201 = tpu.vector_load %arg8[%swap3A_199, %swap3A_200] {strides = array<i32>} : memref<82x128xi32, #tpu.memory_space<vmem>>, vector<1x16xi32>,
    %swap3A_202 = vector.shape_cast %swap3A_201 : vector<1x16xi32> to vector<16xi32>
    %swap3A_203 = vector.shape_cast %broadcast_in_dim3A_197 : vector<16xi32> to vector<1x16xi32>
    tpu.vector_store %arg8[%swap3A_199, %swap3A_200], %swap3A_203 {strides = array<i32>} : memref<82x128xi32, #tpu.memory_space<vmem>>, vector<1x16xi32>,
    %broadcast_in_dim3A_204 = arith.constant 0 : i32
    %broadcast_in_dim3A_205 = vector.broadcast %broadcast_in_dim3A_204 : i32 to vector<16xi32>
    %swap3A_206 = arith.constant 81 : i32
    %swap3A_207 = arith.index_cast %swap3A_206 : i32 to index
    %swap3A_208 = arith.constant 48 : index
    %swap3A_209 = tpu.vector_load %arg9[%swap3A_207, %swap3A_208] {strides = array<i32>} : memref<82x128xi32, #tpu.memory_space<vmem>>, vector<1x16xi32>,
    %swap3A_210 = vector.shape_cast %swap3A_209 : vector<1x16xi32> to vector<16xi32>
    %swap3A_211 = vector.shape_cast %broadcast_in_dim3A_205 : vector<16xi32> to vector<1x16xi32>
    tpu.vector_store %arg9[%swap3A_207, %swap3A_208], %swap3A_211 {strides = array<i32>} : memref<82x128xi32, #tpu.memory_space<vmem>>, vector<1x16xi32>,
    %broadcast_in_dim3A_212 = arith.constant 0 : i32
    %broadcast_in_dim3A_213 = vector.broadcast %broadcast_in_dim3A_212 : i32 to vector<16xi32>
    %swap3A_214 = arith.constant 81 : i32
    %swap3A_215 = arith.index_cast %swap3A_214 : i32 to index
    %swap3A_216 = arith.constant 64 : index
    %swap3A_217 = tpu.vector_load %arg8[%swap3A_215, %swap3A_216] {strides = array<i32>} : memref<82x128xi32, #tpu.memory_space<vmem>>, vector<1x16xi32>,
    %swap3A_218 = vector.shape_cast %swap3A_217 : vector<1x16xi32> to vector<16xi32>
    %swap3A_219 = vector.shape_cast %broadcast_in_dim3A_213 : vector<16xi32> to vector<1x16xi32>
    tpu.vector_store %arg8[%swap3A_215, %swap3A_216], %swap3A_219 {strides = array<i32>} : memref<82x128xi32, #tpu.memory_space<vmem>>, vector<1x16xi32>,
    %broadcast_in_dim3A_220 = arith.constant 0 : i32
    %broadcast_in_dim3A_221 = vector.broadcast %broadcast_in_dim3A_220 : i32 to vector<16xi32>
    %swap3A_222 = arith.constant 81 : i32
    %swap3A_223 = arith.index_cast %swap3A_222 : i32 to index
    %swap3A_224 = arith.constant 64 : index
    %swap3A_225 = tpu.vector_load %arg9[%swap3A_223, %swap3A_224] {strides = array<i32>} : memref<82x128xi32, #tpu.memory_space<vmem>>, vector<1x16xi32>,
    %swap3A_226 = vector.shape_cast %swap3A_225 : vector<1x16xi32> to vector<16xi32>
    %swap3A_227 = vector.shape_cast %broadcast_in_dim3A_221 : vector<16xi32> to vector<1x16xi32>
    tpu.vector_store %arg9[%swap3A_223, %swap3A_224], %swap3A_227 {strides = array<i32>} : memref<82x128xi32, #tpu.memory_space<vmem>>, vector<1x16xi32>,
    %broadcast_in_dim3A_228 = arith.constant 0 : i32
    %broadcast_in_dim3A_229 = vector.broadcast %broadcast_in_dim3A_228 : i32 to vector<16xi32>
    %swap3A_230 = arith.constant 81 : i32
    %swap3A_231 = arith.index_cast %swap3A_230 : i32 to index
    %swap3A_232 = arith.constant 80 : index
    %swap3A_233 = tpu.vector_load %arg8[%swap3A_231, %swap3A_232] {strides = array<i32>} : memref<82x128xi32, #tpu.memory_space<vmem>>, vector<1x16xi32>,
    %swap3A_234 = vector.shape_cast %swap3A_233 : vector<1x16xi32> to vector<16xi32>
    %swap3A_235 = vector.shape_cast %broadcast_in_dim3A_229 : vector<16xi32> to vector<1x16xi32>
    tpu.vector_store %arg8[%swap3A_231, %swap3A_232], %swap3A_235 {strides = array<i32>} : memref<82x128xi32, #tpu.memory_space<vmem>>, vector<1x16xi32>,
    %broadcast_in_dim3A_236 = arith.constant 0 : i32
    %broadcast_in_dim3A_237 = vector.broadcast %broadcast_in_dim3A_236 : i32 to vector<16xi32>
    %swap3A_238 = arith.constant 81 : i32
    %swap3A_239 = arith.index_cast %swap3A_238 : i32 to index
    %swap3A_240 = arith.constant 80 : index
    %swap3A_241 = tpu.vector_load %arg9[%swap3A_239, %swap3A_240] {strides = array<i32>} : memref<82x128xi32, #tpu.memory_space<vmem>>, vector<1x16xi32>,
    %swap3A_242 = vector.shape_cast %swap3A_241 : vector<1x16xi32> to vector<16xi32>
    %swap3A_243 = vector.shape_cast %broadcast_in_dim3A_237 : vector<16xi32> to vector<1x16xi32>
    tpu.vector_store %arg9[%swap3A_239, %swap3A_240], %swap3A_243 {strides = array<i32>} : memref<82x128xi32, #tpu.memory_space<vmem>>, vector<1x16xi32>,
    %broadcast_in_dim3A_244 = arith.constant 0 : i32
    %broadcast_in_dim3A_245 = vector.broadcast %broadcast_in_dim3A_244 : i32 to vector<16xi32>
    %swap3A_246 = arith.constant 81 : i32
    %swap3A_247 = arith.index_cast %swap3A_246 : i32 to index
    %swap3A_248 = arith.constant 96 : index
    %swap3A_249 = tpu.vector_load %arg8[%swap3A_247, %swap3A_248] {strides = array<i32>} : memref<82x128xi32, #tpu.memory_space<vmem>>, vector<1x16xi32>,
    %swap3A_250 = vector.shape_cast %swap3A_249 : vector<1x16xi32> to vector<16xi32>
    %swap3A_251 = vector.shape_cast %broadcast_in_dim3A_245 : vector<16xi32> to vector<1x16xi32>
    tpu.vector_store %arg8[%swap3A_247, %swap3A_248], %swap3A_251 {strides = array<i32>} : memref<82x128xi32, #tpu.memory_space<vmem>>, vector<1x16xi32>,
    %broadcast_in_dim3A_252 = arith.constant 0 : i32
    %broadcast_in_dim3A_253 = vector.broadcast %broadcast_in_dim3A_252 : i32 to vector<16xi32>
    %swap3A_254 = arith.constant 81 : i32
    %swap3A_255 = arith.index_cast %swap3A_254 : i32 to index
    %swap3A_256 = arith.constant 96 : index
    %swap3A_257 = tpu.vector_load %arg9[%swap3A_255, %swap3A_256] {strides = array<i32>} : memref<82x128xi32, #tpu.memory_space<vmem>>, vector<1x16xi32>,
    %swap3A_258 = vector.shape_cast %swap3A_257 : vector<1x16xi32> to vector<16xi32>
    %swap3A_259 = vector.shape_cast %broadcast_in_dim3A_253 : vector<16xi32> to vector<1x16xi32>
    tpu.vector_store %arg9[%swap3A_255, %swap3A_256], %swap3A_259 {strides = array<i32>} : memref<82x128xi32, #tpu.memory_space<vmem>>, vector<1x16xi32>,
    %broadcast_in_dim3A_260 = arith.constant 0 : i32
    %broadcast_in_dim3A_261 = vector.broadcast %broadcast_in_dim3A_260 : i32 to vector<16xi32>
    %swap3A_262 = arith.constant 81 : i32
    %swap3A_263 = arith.index_cast %swap3A_262 : i32 to index
    %swap3A_264 = arith.constant 112 : index
    %swap3A_265 = tpu.vector_load %arg8[%swap3A_263, %swap3A_264] {strides = array<i32>} : memref<82x128xi32, #tpu.memory_space<vmem>>, vector<1x16xi32>,
    %swap3A_266 = vector.shape_cast %swap3A_265 : vector<1x16xi32> to vector<16xi32>
    %swap3A_267 = vector.shape_cast %broadcast_in_dim3A_261 : vector<16xi32> to vector<1x16xi32>
    tpu.vector_store %arg8[%swap3A_263, %swap3A_264], %swap3A_267 {strides = array<i32>} : memref<82x128xi32, #tpu.memory_space<vmem>>, vector<1x16xi32>,
    %broadcast_in_dim3A_268 = arith.constant 0 : i32
    %broadcast_in_dim3A_269 = vector.broadcast %broadcast_in_dim3A_268 : i32 to vector<16xi32>
    %swap3A_270 = arith.constant 81 : i32
    %swap3A_271 = arith.index_cast %swap3A_270 : i32 to index
    %swap3A_272 = arith.constant 112 : index
    %swap3A_273 = tpu.vector_load %arg9[%swap3A_271, %swap3A_272] {strides = array<i32>} : memref<82x128xi32, #tpu.memory_space<vmem>>, vector<1x16xi32>,
    %swap3A_274 = vector.shape_cast %swap3A_273 : vector<1x16xi32> to vector<16xi32>
    %swap3A_275 = vector.shape_cast %broadcast_in_dim3A_269 : vector<16xi32> to vector<1x16xi32>
    tpu.vector_store %arg9[%swap3A_271, %swap3A_272], %swap3A_275 {strides = array<i32>} : memref<82x128xi32, #tpu.memory_space<vmem>>, vector<1x16xi32>,
    %dma_start3A = arith.constant 0 : i32
    %dma_start3A_276 = arith.constant 0 : i32
    %dma_start3A_277 = tpu.memref_slice %arg8[%dma_start3A, %dma_start3A_276] : memref<82x128xi32, #tpu.memory_space<vmem>> -> memref<1x128xi32, #tpu.memory_space<vmem>>
    %dma_start3A_278 = tpu.memref_squeeze %dma_start3A_277 : memref<1x128xi32, #tpu.memory_space<vmem>> -> memref<128xi32, #tpu.memory_space<vmem>>
    %dma_start3A_279 = arith.constant 0 : i32
    %dma_start3A_280 = arith.constant 0 : i32
    %dma_start3A_281 = tpu.memref_slice %arg2[%dma_start3A_279, %dma_start3A_280] : memref<10240x32xf32, #tpu.memory_space<hbm>> -> memref<10240x32xf32, #tpu.memory_space<hbm>>
    tpu.enqueue_indirect_dma source(%dma_start3A_281 : memref<10240x32xf32, #tpu.memory_space<hbm>>) target(%arg10 : memref<128x32xf32, #tpu.memory_space<vmem>>) offsets(%dma_start3A_278 : memref<128xi32, #tpu.memory_space<vmem>>) semaphore(%arg16 : memref<!tpu.dma_semaphore, #tpu.memory_space<semaphore_mem>>)
    %dma_start3A_282 = arith.constant 0 : i32
    %dma_start3A_283 = arith.constant 0 : i32
    %dma_start3A_284 = tpu.memref_slice %arg9[%dma_start3A_282, %dma_start3A_283] : memref<82x128xi32, #tpu.memory_space<vmem>> -> memref<1x128xi32, #tpu.memory_space<vmem>>
    %dma_start3A_285 = tpu.memref_squeeze %dma_start3A_284 : memref<1x128xi32, #tpu.memory_space<vmem>> -> memref<128xi32, #tpu.memory_space<vmem>>
    %dma_start3A_286 = arith.constant 0 : i32
    %dma_start3A_287 = arith.constant 0 : i32
    %dma_start3A_288 = tpu.memref_slice %arg3[%dma_start3A_286, %dma_start3A_287] : memref<10240x16xf32, #tpu.memory_space<hbm>> -> memref<10240x16xf32, #tpu.memory_space<hbm>>
    tpu.enqueue_indirect_dma source(%dma_start3A_288 : memref<10240x16xf32, #tpu.memory_space<hbm>>) target(%arg12 : memref<128x16xf32, #tpu.memory_space<vmem>>) offsets(%dma_start3A_285 : memref<128xi32, #tpu.memory_space<vmem>>) semaphore(%arg18 : memref<!tpu.dma_semaphore, #tpu.memory_space<semaphore_mem>>)
    %dma_start3A_289 = arith.constant 1 : i32
    %dma_start3A_290 = arith.constant 0 : i32
    %dma_start3A_291 = tpu.memref_slice %arg8[%dma_start3A_289, %dma_start3A_290] : memref<82x128xi32, #tpu.memory_space<vmem>> -> memref<1x128xi32, #tpu.memory_space<vmem>>
    %dma_start3A_292 = tpu.memref_squeeze %dma_start3A_291 : memref<1x128xi32, #tpu.memory_space<vmem>> -> memref<128xi32, #tpu.memory_space<vmem>>
    %dma_start3A_293 = arith.constant 0 : i32
    %dma_start3A_294 = arith.constant 0 : i32
    %dma_start3A_295 = tpu.memref_slice %arg2[%dma_start3A_293, %dma_start3A_294] : memref<10240x32xf32, #tpu.memory_space<hbm>> -> memref<10240x32xf32, #tpu.memory_space<hbm>>
    tpu.enqueue_indirect_dma source(%dma_start3A_295 : memref<10240x32xf32, #tpu.memory_space<hbm>>) target(%arg11 : memref<128x32xf32, #tpu.memory_space<vmem>>) offsets(%dma_start3A_292 : memref<128xi32, #tpu.memory_space<vmem>>) semaphore(%arg17 : memref<!tpu.dma_semaphore, #tpu.memory_space<semaphore_mem>>)
    %dma_start3A_296 = arith.constant 1 : i32
    %dma_start3A_297 = arith.constant 0 : i32
    %dma_start3A_298 = tpu.memref_slice %arg9[%dma_start3A_296, %dma_start3A_297] : memref<82x128xi32, #tpu.memory_space<vmem>> -> memref<1x128xi32, #tpu.memory_space<vmem>>
    %dma_start3A_299 = tpu.memref_squeeze %dma_start3A_298 : memref<1x128xi32, #tpu.memory_space<vmem>> -> memref<128xi32, #tpu.memory_space<vmem>>
    %dma_start3A_300 = arith.constant 0 : i32
    %dma_start3A_301 = arith.constant 0 : i32
    %dma_start3A_302 = tpu.memref_slice %arg3[%dma_start3A_300, %dma_start3A_301] : memref<10240x16xf32, #tpu.memory_space<hbm>> -> memref<10240x16xf32, #tpu.memory_space<hbm>>
    tpu.enqueue_indirect_dma source(%dma_start3A_302 : memref<10240x16xf32, #tpu.memory_space<hbm>>) target(%arg13 : memref<128x16xf32, #tpu.memory_space<vmem>>) offsets(%dma_start3A_299 : memref<128xi32, #tpu.memory_space<vmem>>) semaphore(%arg19 : memref<!tpu.dma_semaphore, #tpu.memory_space<semaphore_mem>>)
    %scan3A_303 = arith.constant 0 : i32
    %scan3A_304 = arith.constant 0 : i32
    %scan3A_305 = arith.constant 40 : i32
    %scan3A_306 = arith.addi %scan3A_304, %scan3A_305 : i32
    %scan3A_307 = arith.constant 1 : i32
    scf.for %scan3A_371 = %scan3A_304 to %scan3A_306 step %scan3A_307  : i32 {
      %mul3A_372 = arith.constant 2 : i32
      %mul3A_373 = arith.muli %mul3A_372, %scan3A_371 : i32
      %add3A_374 = arith.constant 0 : i32
      %add3A_375 = arith.addi %mul3A_373, %add3A_374 : i32
      %dma_wait3A_376 = arith.constant 0 : i32
      %dma_wait3A_377 = tpu.memref_slice %arg8[%add3A_375, %dma_wait3A_376] : memref<82x128xi32, #tpu.memory_space<vmem>> -> memref<1x128xi32, #tpu.memory_space<vmem>>
      %dma_wait3A_378 = tpu.memref_squeeze %dma_wait3A_377 : memref<1x128xi32, #tpu.memory_space<vmem>> -> memref<128xi32, #tpu.memory_space<vmem>>
      %dma_wait3A_379 = arith.constant 0 : i32
      %dma_wait3A_380 = arith.constant 0 : i32
      %dma_wait3A_381 = tpu.memref_slice %arg2[%dma_wait3A_379, %dma_wait3A_380] : memref<10240x32xf32, #tpu.memory_space<hbm>> -> memref<10240x32xf32, #tpu.memory_space<hbm>>
      tpu.wait_indirect_dma semaphore(%arg16 : memref<!tpu.dma_semaphore, #tpu.memory_space<semaphore_mem>>) src(%dma_wait3A_381 : memref<10240x32xf32, #tpu.memory_space<hbm>>) dst(%arg10 : memref<128x32xf32, #tpu.memory_space<vmem>>)
      %dma_wait3A_382 = arith.constant 0 : i32
      %dma_wait3A_383 = tpu.memref_slice %arg9[%add3A_375, %dma_wait3A_382] : memref<82x128xi32, #tpu.memory_space<vmem>> -> memref<1x128xi32, #tpu.memory_space<vmem>>
      %dma_wait3A_384 = tpu.memref_squeeze %dma_wait3A_383 : memref<1x128xi32, #tpu.memory_space<vmem>> -> memref<128xi32, #tpu.memory_space<vmem>>
      %dma_wait3A_385 = arith.constant 0 : i32
      %dma_wait3A_386 = arith.constant 0 : i32
      %dma_wait3A_387 = tpu.memref_slice %arg3[%dma_wait3A_385, %dma_wait3A_386] : memref<10240x16xf32, #tpu.memory_space<hbm>> -> memref<10240x16xf32, #tpu.memory_space<hbm>>
      tpu.wait_indirect_dma semaphore(%arg18 : memref<!tpu.dma_semaphore, #tpu.memory_space<semaphore_mem>>) src(%dma_wait3A_387 : memref<10240x16xf32, #tpu.memory_space<hbm>>) dst(%arg12 : memref<128x16xf32, #tpu.memory_space<vmem>>)
      %gt3A = arith.constant 0 : i32
      %gt3A_388 = arith.cmpi sgt, %scan3A_371, %gt3A : i32
      %convert_element_type3A = arith.extui %gt3A_388 : i1 to i32
      %cond3A = arith.constant 0 : i32
      %cond3A_389 = arith.cmpi ne, %convert_element_type3A, %cond3A : i32
      scf.if %cond3A_389 {
        %sub3A = arith.constant 2 : i32
        %sub3A_460 = arith.subi %add3A_375, %sub3A : i32
        %dma_wait3A_461 = arith.constant 0 : i32
        %dma_wait3A_462 = tpu.memref_slice %arg9[%sub3A_460, %dma_wait3A_461] : memref<82x128xi32, #tpu.memory_space<vmem>> -> memref<1x128xi32, #tpu.memory_space<vmem>>
        %dma_wait3A_463 = tpu.memref_squeeze %dma_wait3A_462 : memref<1x128xi32, #tpu.memory_space<vmem>> -> memref<128xi32, #tpu.memory_space<vmem>>
        %dma_wait3A_464 = arith.constant 0 : i32
        %dma_wait3A_465 = arith.constant 0 : i32
        %dma_wait3A_466 = tpu.memref_slice %arg7[%dma_wait3A_464, %dma_wait3A_465] : memref<10240x32xf32, #tpu.memory_space<vmem_shared>> -> memref<10240x32xf32, #tpu.memory_space<vmem_shared>>
        tpu.wait_indirect_dma semaphore(%arg20 : memref<!tpu.dma_semaphore, #tpu.memory_space<semaphore_mem>>) src(%arg14 : memref<128x32xf32, #tpu.memory_space<vmem>>) dst(%dma_wait3A_466 : memref<10240x32xf32, #tpu.memory_space<vmem_shared>>)
      } else {
      }
      %parallel_loop3A = arith.constant 0 : i32
      %parallel_loop3A_390 = arith.constant 128 : i32
      %parallel_loop3A_391 = arith.constant 1 : i32
      scf.for %parallel_loop3A_460 = %parallel_loop3A to %parallel_loop3A_390 step %parallel_loop3A_391  : i32 {
        %parallel_loop3A_461 = arith.index_cast %parallel_loop3A_460 : i32 to index
        %parallel_loop3A_462 = arith.constant 16 : index
        %parallel_loop3A_463 = tpu.vector_load %arg10[%parallel_loop3A_461, %parallel_loop3A_462] {strides = array<i32>} : memref<128x32xf32, #tpu.memory_space<vmem>>, vector<1x16xf32>,
        %parallel_loop3A_464 = vector.shape_cast %parallel_loop3A_463 : vector<1x16xf32> to vector<16xf32>
        %parallel_loop3A_465 = arith.index_cast %parallel_loop3A_460 : i32 to index
        %parallel_loop3A_466 = arith.constant 0 : index
        %parallel_loop3A_467 = tpu.vector_load %arg12[%parallel_loop3A_465, %parallel_loop3A_466] {strides = array<i32>} : memref<128x16xf32, #tpu.memory_space<vmem>>, vector<1x16xf32>,
        %parallel_loop3A_468 = vector.shape_cast %parallel_loop3A_467 : vector<1x16xf32> to vector<16xf32>
        %parallel_loop3A_469 = arith.addf %parallel_loop3A_464, %parallel_loop3A_468 : vector<16xf32>
        %parallel_loop3A_470 = arith.constant 0.000000e+00 : f32
        %parallel_loop3A_471 = vector.broadcast %parallel_loop3A_470 : f32 to vector<16xf32>
        %parallel_loop3A_472 = arith.cmpf ogt, %parallel_loop3A_469, %parallel_loop3A_471 : vector<16xf32>
        %parallel_loop3A_473 = arith.constant 2.000000e-01 : f32
        %parallel_loop3A_474 = vector.broadcast %parallel_loop3A_473 : f32 to vector<16xf32>
        %parallel_loop3A_475 = arith.mulf %parallel_loop3A_469, %parallel_loop3A_474 : vector<16xf32>
        %parallel_loop3A_476 = arith.select %parallel_loop3A_472, %parallel_loop3A_469, %parallel_loop3A_475 : vector<16xi1>, vector<16xf32>
        %parallel_loop3A_477 = math.exp %parallel_loop3A_476 : vector<16xf32>
        %parallel_loop3A_478 = arith.constant 0 : i32
        %parallel_loop3A_479 = vector.broadcast %parallel_loop3A_478 : i32 to vector<16xi32>
        %parallel_loop3A_480 = vector.shape_cast %parallel_loop3A_479 : vector<16xi32> to vector<16x1xi32>
        %parallel_loop3A_481 = vector.shape_cast %parallel_loop3A_480 : vector<16x1xi32> to vector<16xi32>
        %parallel_loop3A_482 = tpu.dynamic_gather %parallel_loop3A_477[%parallel_loop3A_481] in [0] : vector<16xf32>, vector<16xi32> -> vector<16xf32>
        %parallel_loop3A_483 = arith.index_cast %parallel_loop3A_460 : i32 to index
        %parallel_loop3A_484 = arith.constant 0 : index
        %parallel_loop3A_485 = tpu.vector_load %arg10[%parallel_loop3A_483, %parallel_loop3A_484] {strides = array<i32>} : memref<128x32xf32, #tpu.memory_space<vmem>>, vector<1x16xf32>,
        %parallel_loop3A_486 = vector.shape_cast %parallel_loop3A_485 : vector<1x16xf32> to vector<16xf32>
        %parallel_loop3A_487 = arith.mulf %parallel_loop3A_486, %parallel_loop3A_482 : vector<16xf32>
        %parallel_loop3A_488 = arith.index_cast %parallel_loop3A_460 : i32 to index
        %parallel_loop3A_489 = arith.constant 0 : index
        %parallel_loop3A_490 = tpu.vector_load %arg14[%parallel_loop3A_488, %parallel_loop3A_489] {strides = array<i32>} : memref<128x32xf32, #tpu.memory_space<vmem>>, vector<1x16xf32>,
        %parallel_loop3A_491 = vector.shape_cast %parallel_loop3A_490 : vector<1x16xf32> to vector<16xf32>
        %parallel_loop3A_492 = vector.shape_cast %parallel_loop3A_487 : vector<16xf32> to vector<1x16xf32>
        tpu.vector_store %arg14[%parallel_loop3A_488, %parallel_loop3A_489], %parallel_loop3A_492 {strides = array<i32>} : memref<128x32xf32, #tpu.memory_space<vmem>>, vector<1x16xf32>,
        %parallel_loop3A_493 = arith.constant 1 : i32
        %parallel_loop3A_494 = vector.broadcast %parallel_loop3A_493 : i32 to vector<16xi32>
        %parallel_loop3A_495 = arith.cmpi slt, %iota3A, %parallel_loop3A_494 : vector<16xi32>
        %parallel_loop3A_496 = arith.constant 0.000000e+00 : f32
        %parallel_loop3A_497 = vector.broadcast %parallel_loop3A_496 : f32 to vector<16xf32>
        %parallel_loop3A_498 = arith.select %parallel_loop3A_495, %parallel_loop3A_477, %parallel_loop3A_497 : vector<16xi1>, vector<16xf32>
        %parallel_loop3A_499 = arith.index_cast %parallel_loop3A_460 : i32 to index
        %parallel_loop3A_500 = arith.constant 16 : index
        %parallel_loop3A_501 = tpu.vector_load %arg14[%parallel_loop3A_499, %parallel_loop3A_500] {strides = array<i32>} : memref<128x32xf32, #tpu.memory_space<vmem>>, vector<1x16xf32>,
        %parallel_loop3A_502 = vector.shape_cast %parallel_loop3A_501 : vector<1x16xf32> to vector<16xf32>
        %parallel_loop3A_503 = vector.shape_cast %parallel_loop3A_498 : vector<16xf32> to vector<1x16xf32>
        tpu.vector_store %arg14[%parallel_loop3A_499, %parallel_loop3A_500], %parallel_loop3A_503 {strides = array<i32>} : memref<128x32xf32, #tpu.memory_space<vmem>>, vector<1x16xf32>,
      } {sc.loop_unroll_factor = 4 : i64, sc.parallel_access}
      %add3A_392 = arith.constant 2 : i32
      %add3A_393 = arith.addi %add3A_375, %add3A_392 : i32
      %dma_start3A_394 = arith.constant 0 : i32
      %dma_start3A_395 = tpu.memref_slice %arg8[%add3A_393, %dma_start3A_394] : memref<82x128xi32, #tpu.memory_space<vmem>> -> memref<1x128xi32, #tpu.memory_space<vmem>>
      %dma_start3A_396 = tpu.memref_squeeze %dma_start3A_395 : memref<1x128xi32, #tpu.memory_space<vmem>> -> memref<128xi32, #tpu.memory_space<vmem>>
      %dma_start3A_397 = arith.constant 0 : i32
      %dma_start3A_398 = arith.constant 0 : i32
      %dma_start3A_399 = tpu.memref_slice %arg2[%dma_start3A_397, %dma_start3A_398] : memref<10240x32xf32, #tpu.memory_space<hbm>> -> memref<10240x32xf32, #tpu.memory_space<hbm>>
      tpu.enqueue_indirect_dma source(%dma_start3A_399 : memref<10240x32xf32, #tpu.memory_space<hbm>>) target(%arg10 : memref<128x32xf32, #tpu.memory_space<vmem>>) offsets(%dma_start3A_396 : memref<128xi32, #tpu.memory_space<vmem>>) semaphore(%arg16 : memref<!tpu.dma_semaphore, #tpu.memory_space<semaphore_mem>>)
      %add3A_400 = arith.constant 2 : i32
      %add3A_401 = arith.addi %add3A_375, %add3A_400 : i32
      %dma_start3A_402 = arith.constant 0 : i32
      %dma_start3A_403 = tpu.memref_slice %arg9[%add3A_401, %dma_start3A_402] : memref<82x128xi32, #tpu.memory_space<vmem>> -> memref<1x128xi32, #tpu.memory_space<vmem>>
      %dma_start3A_404 = tpu.memref_squeeze %dma_start3A_403 : memref<1x128xi32, #tpu.memory_space<vmem>> -> memref<128xi32, #tpu.memory_space<vmem>>
      %dma_start3A_405 = arith.constant 0 : i32
      %dma_start3A_406 = arith.constant 0 : i32
      %dma_start3A_407 = tpu.memref_slice %arg3[%dma_start3A_405, %dma_start3A_406] : memref<10240x16xf32, #tpu.memory_space<hbm>> -> memref<10240x16xf32, #tpu.memory_space<hbm>>
      tpu.enqueue_indirect_dma source(%dma_start3A_407 : memref<10240x16xf32, #tpu.memory_space<hbm>>) target(%arg12 : memref<128x16xf32, #tpu.memory_space<vmem>>) offsets(%dma_start3A_404 : memref<128xi32, #tpu.memory_space<vmem>>) semaphore(%arg18 : memref<!tpu.dma_semaphore, #tpu.memory_space<semaphore_mem>>)
      %dma_start3A_408 = arith.constant 0 : i32
      %dma_start3A_409 = tpu.memref_slice %arg9[%add3A_375, %dma_start3A_408] : memref<82x128xi32, #tpu.memory_space<vmem>> -> memref<1x128xi32, #tpu.memory_space<vmem>>
      %dma_start3A_410 = tpu.memref_squeeze %dma_start3A_409 : memref<1x128xi32, #tpu.memory_space<vmem>> -> memref<128xi32, #tpu.memory_space<vmem>>
      %dma_start3A_411 = arith.constant 0 : i32
      %dma_start3A_412 = arith.constant 0 : i32
      %dma_start3A_413 = tpu.memref_slice %arg7[%dma_start3A_411, %dma_start3A_412] : memref<10240x32xf32, #tpu.memory_space<vmem_shared>> -> memref<10240x32xf32, #tpu.memory_space<vmem_shared>>
      tpu.enqueue_indirect_dma source(%arg14 : memref<128x32xf32, #tpu.memory_space<vmem>>) target(%dma_start3A_413 : memref<10240x32xf32, #tpu.memory_space<vmem_shared>>) offsets(%dma_start3A_410 : memref<128xi32, #tpu.memory_space<vmem>>) semaphore(%arg20 : memref<!tpu.dma_semaphore, #tpu.memory_space<semaphore_mem>>) {add = true}
      %mul3A_414 = arith.constant 2 : i32
      %mul3A_415 = arith.muli %mul3A_414, %scan3A_371 : i32
      %add3A_416 = arith.constant 1 : i32
      %add3A_417 = arith.addi %mul3A_415, %add3A_416 : i32
      %dma_wait3A_418 = arith.constant 0 : i32
      %dma_wait3A_419 = tpu.memref_slice %arg8[%add3A_417, %dma_wait3A_418] : memref<82x128xi32, #tpu.memory_space<vmem>> -> memref<1x128xi32, #tpu.memory_space<vmem>>
      %dma_wait3A_420 = tpu.memref_squeeze %dma_wait3A_419 : memref<1x128xi32, #tpu.memory_space<vmem>> -> memref<128xi32, #tpu.memory_space<vmem>>
      %dma_wait3A_421 = arith.constant 0 : i32
      %dma_wait3A_422 = arith.constant 0 : i32
      %dma_wait3A_423 = tpu.memref_slice %arg2[%dma_wait3A_421, %dma_wait3A_422] : memref<10240x32xf32, #tpu.memory_space<hbm>> -> memref<10240x32xf32, #tpu.memory_space<hbm>>
      tpu.wait_indirect_dma semaphore(%arg17 : memref<!tpu.dma_semaphore, #tpu.memory_space<semaphore_mem>>) src(%dma_wait3A_423 : memref<10240x32xf32, #tpu.memory_space<hbm>>) dst(%arg11 : memref<128x32xf32, #tpu.memory_space<vmem>>)
      %dma_wait3A_424 = arith.constant 0 : i32
      %dma_wait3A_425 = tpu.memref_slice %arg9[%add3A_417, %dma_wait3A_424] : memref<82x128xi32, #tpu.memory_space<vmem>> -> memref<1x128xi32, #tpu.memory_space<vmem>>
      %dma_wait3A_426 = tpu.memref_squeeze %dma_wait3A_425 : memref<1x128xi32, #tpu.memory_space<vmem>> -> memref<128xi32, #tpu.memory_space<vmem>>
      %dma_wait3A_427 = arith.constant 0 : i32
      %dma_wait3A_428 = arith.constant 0 : i32
      %dma_wait3A_429 = tpu.memref_slice %arg3[%dma_wait3A_427, %dma_wait3A_428] : memref<10240x16xf32, #tpu.memory_space<hbm>> -> memref<10240x16xf32, #tpu.memory_space<hbm>>
      tpu.wait_indirect_dma semaphore(%arg19 : memref<!tpu.dma_semaphore, #tpu.memory_space<semaphore_mem>>) src(%dma_wait3A_429 : memref<10240x16xf32, #tpu.memory_space<hbm>>) dst(%arg13 : memref<128x16xf32, #tpu.memory_space<vmem>>)
      %gt3A_430 = arith.constant 0 : i32
      %gt3A_431 = arith.cmpi sgt, %scan3A_371, %gt3A_430 : i32
      %convert_element_type3A_432 = arith.extui %gt3A_431 : i1 to i32
      %cond3A_433 = arith.constant 0 : i32
      %cond3A_434 = arith.cmpi ne, %convert_element_type3A_432, %cond3A_433 : i32
      scf.if %cond3A_434 {
        %sub3A = arith.constant 2 : i32
        %sub3A_460 = arith.subi %add3A_417, %sub3A : i32
        %dma_wait3A_461 = arith.constant 0 : i32
        %dma_wait3A_462 = tpu.memref_slice %arg9[%sub3A_460, %dma_wait3A_461] : memref<82x128xi32, #tpu.memory_space<vmem>> -> memref<1x128xi32, #tpu.memory_space<vmem>>
        %dma_wait3A_463 = tpu.memref_squeeze %dma_wait3A_462 : memref<1x128xi32, #tpu.memory_space<vmem>> -> memref<128xi32, #tpu.memory_space<vmem>>
        %dma_wait3A_464 = arith.constant 0 : i32
        %dma_wait3A_465 = arith.constant 0 : i32
        %dma_wait3A_466 = tpu.memref_slice %arg7[%dma_wait3A_464, %dma_wait3A_465] : memref<10240x32xf32, #tpu.memory_space<vmem_shared>> -> memref<10240x32xf32, #tpu.memory_space<vmem_shared>>
        tpu.wait_indirect_dma semaphore(%arg21 : memref<!tpu.dma_semaphore, #tpu.memory_space<semaphore_mem>>) src(%arg15 : memref<128x32xf32, #tpu.memory_space<vmem>>) dst(%dma_wait3A_466 : memref<10240x32xf32, #tpu.memory_space<vmem_shared>>)
      } else {
      }
      %parallel_loop3A_435 = arith.constant 0 : i32
      %parallel_loop3A_436 = arith.constant 128 : i32
      %parallel_loop3A_437 = arith.constant 1 : i32
      scf.for %parallel_loop3A_460 = %parallel_loop3A_435 to %parallel_loop3A_436 step %parallel_loop3A_437  : i32 {
        %parallel_loop3A_461 = arith.index_cast %parallel_loop3A_460 : i32 to index
        %parallel_loop3A_462 = arith.constant 16 : index
        %parallel_loop3A_463 = tpu.vector_load %arg11[%parallel_loop3A_461, %parallel_loop3A_462] {strides = array<i32>} : memref<128x32xf32, #tpu.memory_space<vmem>>, vector<1x16xf32>,
        %parallel_loop3A_464 = vector.shape_cast %parallel_loop3A_463 : vector<1x16xf32> to vector<16xf32>
        %parallel_loop3A_465 = arith.index_cast %parallel_loop3A_460 : i32 to index
        %parallel_loop3A_466 = arith.constant 0 : index
        %parallel_loop3A_467 = tpu.vector_load %arg13[%parallel_loop3A_465, %parallel_loop3A_466] {strides = array<i32>} : memref<128x16xf32, #tpu.memory_space<vmem>>, vector<1x16xf32>,
        %parallel_loop3A_468 = vector.shape_cast %parallel_loop3A_467 : vector<1x16xf32> to vector<16xf32>
        %parallel_loop3A_469 = arith.addf %parallel_loop3A_464, %parallel_loop3A_468 : vector<16xf32>
        %parallel_loop3A_470 = arith.constant 0.000000e+00 : f32
        %parallel_loop3A_471 = vector.broadcast %parallel_loop3A_470 : f32 to vector<16xf32>
        %parallel_loop3A_472 = arith.cmpf ogt, %parallel_loop3A_469, %parallel_loop3A_471 : vector<16xf32>
        %parallel_loop3A_473 = arith.constant 2.000000e-01 : f32
        %parallel_loop3A_474 = vector.broadcast %parallel_loop3A_473 : f32 to vector<16xf32>
        %parallel_loop3A_475 = arith.mulf %parallel_loop3A_469, %parallel_loop3A_474 : vector<16xf32>
        %parallel_loop3A_476 = arith.select %parallel_loop3A_472, %parallel_loop3A_469, %parallel_loop3A_475 : vector<16xi1>, vector<16xf32>
        %parallel_loop3A_477 = math.exp %parallel_loop3A_476 : vector<16xf32>
        %parallel_loop3A_478 = arith.constant 0 : i32
        %parallel_loop3A_479 = vector.broadcast %parallel_loop3A_478 : i32 to vector<16xi32>
        %parallel_loop3A_480 = vector.shape_cast %parallel_loop3A_479 : vector<16xi32> to vector<16x1xi32>
        %parallel_loop3A_481 = vector.shape_cast %parallel_loop3A_480 : vector<16x1xi32> to vector<16xi32>
        %parallel_loop3A_482 = tpu.dynamic_gather %parallel_loop3A_477[%parallel_loop3A_481] in [0] : vector<16xf32>, vector<16xi32> -> vector<16xf32>
        %parallel_loop3A_483 = arith.index_cast %parallel_loop3A_460 : i32 to index
        %parallel_loop3A_484 = arith.constant 0 : index
        %parallel_loop3A_485 = tpu.vector_load %arg11[%parallel_loop3A_483, %parallel_loop3A_484] {strides = array<i32>} : memref<128x32xf32, #tpu.memory_space<vmem>>, vector<1x16xf32>,
        %parallel_loop3A_486 = vector.shape_cast %parallel_loop3A_485 : vector<1x16xf32> to vector<16xf32>
        %parallel_loop3A_487 = arith.mulf %parallel_loop3A_486, %parallel_loop3A_482 : vector<16xf32>
        %parallel_loop3A_488 = arith.index_cast %parallel_loop3A_460 : i32 to index
        %parallel_loop3A_489 = arith.constant 0 : index
        %parallel_loop3A_490 = tpu.vector_load %arg15[%parallel_loop3A_488, %parallel_loop3A_489] {strides = array<i32>} : memref<128x32xf32, #tpu.memory_space<vmem>>, vector<1x16xf32>,
        %parallel_loop3A_491 = vector.shape_cast %parallel_loop3A_490 : vector<1x16xf32> to vector<16xf32>
        %parallel_loop3A_492 = vector.shape_cast %parallel_loop3A_487 : vector<16xf32> to vector<1x16xf32>
        tpu.vector_store %arg15[%parallel_loop3A_488, %parallel_loop3A_489], %parallel_loop3A_492 {strides = array<i32>} : memref<128x32xf32, #tpu.memory_space<vmem>>, vector<1x16xf32>,
        %parallel_loop3A_493 = arith.constant 1 : i32
        %parallel_loop3A_494 = vector.broadcast %parallel_loop3A_493 : i32 to vector<16xi32>
        %parallel_loop3A_495 = arith.cmpi slt, %iota3A, %parallel_loop3A_494 : vector<16xi32>
        %parallel_loop3A_496 = arith.constant 0.000000e+00 : f32
        %parallel_loop3A_497 = vector.broadcast %parallel_loop3A_496 : f32 to vector<16xf32>
        %parallel_loop3A_498 = arith.select %parallel_loop3A_495, %parallel_loop3A_477, %parallel_loop3A_497 : vector<16xi1>, vector<16xf32>
        %parallel_loop3A_499 = arith.index_cast %parallel_loop3A_460 : i32 to index
        %parallel_loop3A_500 = arith.constant 16 : index
        %parallel_loop3A_501 = tpu.vector_load %arg15[%parallel_loop3A_499, %parallel_loop3A_500] {strides = array<i32>} : memref<128x32xf32, #tpu.memory_space<vmem>>, vector<1x16xf32>,
        %parallel_loop3A_502 = vector.shape_cast %parallel_loop3A_501 : vector<1x16xf32> to vector<16xf32>
        %parallel_loop3A_503 = vector.shape_cast %parallel_loop3A_498 : vector<16xf32> to vector<1x16xf32>
        tpu.vector_store %arg15[%parallel_loop3A_499, %parallel_loop3A_500], %parallel_loop3A_503 {strides = array<i32>} : memref<128x32xf32, #tpu.memory_space<vmem>>, vector<1x16xf32>,
      } {sc.loop_unroll_factor = 4 : i64, sc.parallel_access}
      %add3A_438 = arith.constant 2 : i32
      %add3A_439 = arith.addi %add3A_417, %add3A_438 : i32
      %dma_start3A_440 = arith.constant 0 : i32
      %dma_start3A_441 = tpu.memref_slice %arg8[%add3A_439, %dma_start3A_440] : memref<82x128xi32, #tpu.memory_space<vmem>> -> memref<1x128xi32, #tpu.memory_space<vmem>>
      %dma_start3A_442 = tpu.memref_squeeze %dma_start3A_441 : memref<1x128xi32, #tpu.memory_space<vmem>> -> memref<128xi32, #tpu.memory_space<vmem>>
      %dma_start3A_443 = arith.constant 0 : i32
      %dma_start3A_444 = arith.constant 0 : i32
      %dma_start3A_445 = tpu.memref_slice %arg2[%dma_start3A_443, %dma_start3A_444] : memref<10240x32xf32, #tpu.memory_space<hbm>> -> memref<10240x32xf32, #tpu.memory_space<hbm>>
      tpu.enqueue_indirect_dma source(%dma_start3A_445 : memref<10240x32xf32, #tpu.memory_space<hbm>>) target(%arg11 : memref<128x32xf32, #tpu.memory_space<vmem>>) offsets(%dma_start3A_442 : memref<128xi32, #tpu.memory_space<vmem>>) semaphore(%arg17 : memref<!tpu.dma_semaphore, #tpu.memory_space<semaphore_mem>>)
      %add3A_446 = arith.constant 2 : i32
      %add3A_447 = arith.addi %add3A_417, %add3A_446 : i32
      %dma_start3A_448 = arith.constant 0 : i32
      %dma_start3A_449 = tpu.memref_slice %arg9[%add3A_447, %dma_start3A_448] : memref<82x128xi32, #tpu.memory_space<vmem>> -> memref<1x128xi32, #tpu.memory_space<vmem>>
      %dma_start3A_450 = tpu.memref_squeeze %dma_start3A_449 : memref<1x128xi32, #tpu.memory_space<vmem>> -> memref<128xi32, #tpu.memory_space<vmem>>
      %dma_start3A_451 = arith.constant 0 : i32
      %dma_start3A_452 = arith.constant 0 : i32
      %dma_start3A_453 = tpu.memref_slice %arg3[%dma_start3A_451, %dma_start3A_452] : memref<10240x16xf32, #tpu.memory_space<hbm>> -> memref<10240x16xf32, #tpu.memory_space<hbm>>
      tpu.enqueue_indirect_dma source(%dma_start3A_453 : memref<10240x16xf32, #tpu.memory_space<hbm>>) target(%arg13 : memref<128x16xf32, #tpu.memory_space<vmem>>) offsets(%dma_start3A_450 : memref<128xi32, #tpu.memory_space<vmem>>) semaphore(%arg19 : memref<!tpu.dma_semaphore, #tpu.memory_space<semaphore_mem>>)
      %dma_start3A_454 = arith.constant 0 : i32
      %dma_start3A_455 = tpu.memref_slice %arg9[%add3A_417, %dma_start3A_454] : memref<82x128xi32, #tpu.memory_space<vmem>> -> memref<1x128xi32, #tpu.memory_space<vmem>>
      %dma_start3A_456 = tpu.memref_squeeze %dma_start3A_455 : memref<1x128xi32, #tpu.memory_space<vmem>> -> memref<128xi32, #tpu.memory_space<vmem>>
      %dma_start3A_457 = arith.constant 0 : i32
      %dma_start3A_458 = arith.constant 0 : i32
      %dma_start3A_459 = tpu.memref_slice %arg7[%dma_start3A_457, %dma_start3A_458] : memref<10240x32xf32, #tpu.memory_space<vmem_shared>> -> memref<10240x32xf32, #tpu.memory_space<vmem_shared>>
      tpu.enqueue_indirect_dma source(%arg15 : memref<128x32xf32, #tpu.memory_space<vmem>>) target(%dma_start3A_459 : memref<10240x32xf32, #tpu.memory_space<vmem_shared>>) offsets(%dma_start3A_456 : memref<128xi32, #tpu.memory_space<vmem>>) semaphore(%arg21 : memref<!tpu.dma_semaphore, #tpu.memory_space<semaphore_mem>>) {add = true}
    }
    %scan3A_308 = arith.constant 40 : i32
    %dma_wait3A = arith.constant 80 : i32
    %dma_wait3A_309 = arith.constant 0 : i32
    %dma_wait3A_310 = tpu.memref_slice %arg8[%dma_wait3A, %dma_wait3A_309] : memref<82x128xi32, #tpu.memory_space<vmem>> -> memref<1x128xi32, #tpu.memory_space<vmem>>
    %dma_wait3A_311 = tpu.memref_squeeze %dma_wait3A_310 : memref<1x128xi32, #tpu.memory_space<vmem>> -> memref<128xi32, #tpu.memory_space<vmem>>
    %dma_wait3A_312 = arith.constant 0 : i32
    %dma_wait3A_313 = arith.constant 0 : i32
    %dma_wait3A_314 = tpu.memref_slice %arg2[%dma_wait3A_312, %dma_wait3A_313] : memref<10240x32xf32, #tpu.memory_space<hbm>> -> memref<10240x32xf32, #tpu.memory_space<hbm>>
    tpu.wait_indirect_dma semaphore(%arg16 : memref<!tpu.dma_semaphore, #tpu.memory_space<semaphore_mem>>) src(%dma_wait3A_314 : memref<10240x32xf32, #tpu.memory_space<hbm>>) dst(%arg10 : memref<128x32xf32, #tpu.memory_space<vmem>>)
    %dma_wait3A_315 = arith.constant 80 : i32
    %dma_wait3A_316 = arith.constant 0 : i32
    %dma_wait3A_317 = tpu.memref_slice %arg9[%dma_wait3A_315, %dma_wait3A_316] : memref<82x128xi32, #tpu.memory_space<vmem>> -> memref<1x128xi32, #tpu.memory_space<vmem>>
    %dma_wait3A_318 = tpu.memref_squeeze %dma_wait3A_317 : memref<1x128xi32, #tpu.memory_space<vmem>> -> memref<128xi32, #tpu.memory_space<vmem>>
    %dma_wait3A_319 = arith.constant 0 : i32
    %dma_wait3A_320 = arith.constant 0 : i32
    %dma_wait3A_321 = tpu.memref_slice %arg3[%dma_wait3A_319, %dma_wait3A_320] : memref<10240x16xf32, #tpu.memory_space<hbm>> -> memref<10240x16xf32, #tpu.memory_space<hbm>>
    tpu.wait_indirect_dma semaphore(%arg18 : memref<!tpu.dma_semaphore, #tpu.memory_space<semaphore_mem>>) src(%dma_wait3A_321 : memref<10240x16xf32, #tpu.memory_space<hbm>>) dst(%arg12 : memref<128x16xf32, #tpu.memory_space<vmem>>)
    %dma_wait3A_322 = arith.constant 78 : i32
    %dma_wait3A_323 = arith.constant 0 : i32
    %dma_wait3A_324 = tpu.memref_slice %arg9[%dma_wait3A_322, %dma_wait3A_323] : memref<82x128xi32, #tpu.memory_space<vmem>> -> memref<1x128xi32, #tpu.memory_space<vmem>>
    %dma_wait3A_325 = tpu.memref_squeeze %dma_wait3A_324 : memref<1x128xi32, #tpu.memory_space<vmem>> -> memref<128xi32, #tpu.memory_space<vmem>>
    %dma_wait3A_326 = arith.constant 0 : i32
    %dma_wait3A_327 = arith.constant 0 : i32
    %dma_wait3A_328 = tpu.memref_slice %arg7[%dma_wait3A_326, %dma_wait3A_327] : memref<10240x32xf32, #tpu.memory_space<vmem_shared>> -> memref<10240x32xf32, #tpu.memory_space<vmem_shared>>
    tpu.wait_indirect_dma semaphore(%arg20 : memref<!tpu.dma_semaphore, #tpu.memory_space<semaphore_mem>>) src(%arg14 : memref<128x32xf32, #tpu.memory_space<vmem>>) dst(%dma_wait3A_328 : memref<10240x32xf32, #tpu.memory_space<vmem_shared>>)
    %dma_wait3A_329 = arith.constant 81 : i32
    %dma_wait3A_330 = arith.constant 0 : i32
    %dma_wait3A_331 = tpu.memref_slice %arg8[%dma_wait3A_329, %dma_wait3A_330] : memref<82x128xi32, #tpu.memory_space<vmem>> -> memref<1x128xi32, #tpu.memory_space<vmem>>
    %dma_wait3A_332 = tpu.memref_squeeze %dma_wait3A_331 : memref<1x128xi32, #tpu.memory_space<vmem>> -> memref<128xi32, #tpu.memory_space<vmem>>
    %dma_wait3A_333 = arith.constant 0 : i32
    %dma_wait3A_334 = arith.constant 0 : i32
    %dma_wait3A_335 = tpu.memref_slice %arg2[%dma_wait3A_333, %dma_wait3A_334] : memref<10240x32xf32, #tpu.memory_space<hbm>> -> memref<10240x32xf32, #tpu.memory_space<hbm>>
    tpu.wait_indirect_dma semaphore(%arg17 : memref<!tpu.dma_semaphore, #tpu.memory_space<semaphore_mem>>) src(%dma_wait3A_335 : memref<10240x32xf32, #tpu.memory_space<hbm>>) dst(%arg11 : memref<128x32xf32, #tpu.memory_space<vmem>>)
    %dma_wait3A_336 = arith.constant 81 : i32
    %dma_wait3A_337 = arith.constant 0 : i32
    %dma_wait3A_338 = tpu.memref_slice %arg9[%dma_wait3A_336, %dma_wait3A_337] : memref<82x128xi32, #tpu.memory_space<vmem>> -> memref<1x128xi32, #tpu.memory_space<vmem>>
    %dma_wait3A_339 = tpu.memref_squeeze %dma_wait3A_338 : memref<1x128xi32, #tpu.memory_space<vmem>> -> memref<128xi32, #tpu.memory_space<vmem>>
    %dma_wait3A_340 = arith.constant 0 : i32
    %dma_wait3A_341 = arith.constant 0 : i32
    %dma_wait3A_342 = tpu.memref_slice %arg3[%dma_wait3A_340, %dma_wait3A_341] : memref<10240x16xf32, #tpu.memory_space<hbm>> -> memref<10240x16xf32, #tpu.memory_space<hbm>>
    tpu.wait_indirect_dma semaphore(%arg19 : memref<!tpu.dma_semaphore, #tpu.memory_space<semaphore_mem>>) src(%dma_wait3A_342 : memref<10240x16xf32, #tpu.memory_space<hbm>>) dst(%arg13 : memref<128x16xf32, #tpu.memory_space<vmem>>)
    %dma_wait3A_343 = arith.constant 79 : i32
    %dma_wait3A_344 = arith.constant 0 : i32
    %dma_wait3A_345 = tpu.memref_slice %arg9[%dma_wait3A_343, %dma_wait3A_344] : memref<82x128xi32, #tpu.memory_space<vmem>> -> memref<1x128xi32, #tpu.memory_space<vmem>>
    %dma_wait3A_346 = tpu.memref_squeeze %dma_wait3A_345 : memref<1x128xi32, #tpu.memory_space<vmem>> -> memref<128xi32, #tpu.memory_space<vmem>>
    %dma_wait3A_347 = arith.constant 0 : i32
    %dma_wait3A_348 = arith.constant 0 : i32
    %dma_wait3A_349 = tpu.memref_slice %arg7[%dma_wait3A_347, %dma_wait3A_348] : memref<10240x32xf32, #tpu.memory_space<vmem_shared>> -> memref<10240x32xf32, #tpu.memory_space<vmem_shared>>
    tpu.wait_indirect_dma semaphore(%arg21 : memref<!tpu.dma_semaphore, #tpu.memory_space<semaphore_mem>>) src(%arg15 : memref<128x32xf32, #tpu.memory_space<vmem>>) dst(%dma_wait3A_349 : memref<10240x32xf32, #tpu.memory_space<vmem_shared>>)
    %barrier3A_350 = arith.constant 0 : index
    tpu.barrier barrier_id(%barrier3A_350)
    %add3A_351 = arith.constant 0 : i32
    %add3A_352 = arith.addi %mul3A_2, %add3A_351 : i32
    "tpu.region"() ({
      %run_scoped3A = tpu.sem_alloc : memref<!tpu.dma_semaphore, #tpu.memory_space<semaphore_mem>>
      %dma_start3A_371 = arith.constant 0 : i32
      %dma_start3A_372 = tpu.memref_slice %arg7[%add3A_352, %dma_start3A_371] : memref<10240x32xf32, #tpu.memory_space<vmem_shared>> -> memref<128x32xf32, #tpu.memory_space<vmem_shared>>
      %dma_start3A_373 = arith.constant 0 : i32
      %dma_start3A_374 = tpu.memref_slice %arg7[%add3A_352, %dma_start3A_373] : memref<10240x32xf32, #tpu.memory_space<vmem_shared>> -> memref<128x32xf32, #tpu.memory_space<vmem_shared>>
      tpu.enqueue_dma source(%dma_start3A_374 : memref<128x32xf32, #tpu.memory_space<vmem_shared>>) target(%arg14 : memref<128x32xf32, #tpu.memory_space<vmem>>) target_semaphore(%run_scoped3A : memref<!tpu.dma_semaphore, #tpu.memory_space<semaphore_mem>>)
      %dma_wait3A_375 = arith.constant 0 : i32
      %dma_wait3A_376 = tpu.memref_slice %arg7[%add3A_352, %dma_wait3A_375] : memref<10240x32xf32, #tpu.memory_space<vmem_shared>> -> memref<128x32xf32, #tpu.memory_space<vmem_shared>>
      %dma_wait3A_377 = arith.constant 0 : i32
      %dma_wait3A_378 = tpu.memref_slice %arg7[%add3A_352, %dma_wait3A_377] : memref<10240x32xf32, #tpu.memory_space<vmem_shared>> -> memref<128x32xf32, #tpu.memory_space<vmem_shared>>
      tpu.wait_dma2 semaphore(%run_scoped3A : memref<!tpu.dma_semaphore, #tpu.memory_space<semaphore_mem>>) src(%dma_wait3A_378 : memref<128x32xf32, #tpu.memory_space<vmem_shared>>) dst(%arg14 : memref<128x32xf32, #tpu.memory_space<vmem>>)
      tpu.yield
    }) : () -> ()
    %add3A_353 = arith.constant 0 : i32
    %add3A_354 = arith.addi %mul3A_2, %add3A_353 : i32
    "tpu.region"() ({
      %run_scoped3A = tpu.sem_alloc : memref<!tpu.dma_semaphore, #tpu.memory_space<semaphore_mem>>
      %dma_start3A_371 = arith.constant 0 : i32
      %dma_start3A_372 = tpu.memref_slice %arg6[%arg0, %add3A_354, %dma_start3A_371] : memref<2x10240x32xf32, #tpu.memory_space<hbm>> -> memref<1x128x32xf32, #tpu.memory_space<hbm>>
      %dma_start3A_373 = tpu.memref_squeeze %dma_start3A_372 : memref<1x128x32xf32, #tpu.memory_space<hbm>> -> memref<128x32xf32, #tpu.memory_space<hbm>>
      %dma_start3A_374 = arith.constant 0 : i32
      %dma_start3A_375 = tpu.memref_slice %arg6[%arg0, %add3A_354, %dma_start3A_374] : memref<2x10240x32xf32, #tpu.memory_space<hbm>> -> memref<1x128x32xf32, #tpu.memory_space<hbm>>
      %dma_start3A_376 = tpu.memref_squeeze %dma_start3A_375 : memref<1x128x32xf32, #tpu.memory_space<hbm>> -> memref<128x32xf32, #tpu.memory_space<hbm>>
      tpu.enqueue_dma source(%arg14 : memref<128x32xf32, #tpu.memory_space<vmem>>) target(%dma_start3A_376 : memref<128x32xf32, #tpu.memory_space<hbm>>) target_semaphore(%run_scoped3A : memref<!tpu.dma_semaphore, #tpu.memory_space<semaphore_mem>>)
      %dma_wait3A_377 = arith.constant 0 : i32
      %dma_wait3A_378 = tpu.memref_slice %arg6[%arg0, %add3A_354, %dma_wait3A_377] : memref<2x10240x32xf32, #tpu.memory_space<hbm>> -> memref<1x128x32xf32, #tpu.memory_space<hbm>>
      %dma_wait3A_379 = tpu.memref_squeeze %dma_wait3A_378 : memref<1x128x32xf32, #tpu.memory_space<hbm>> -> memref<128x32xf32, #tpu.memory_space<hbm>>
      %dma_wait3A_380 = arith.constant 0 : i32
      %dma_wait3A_381 = tpu.memref_slice %arg6[%arg0, %add3A_354, %dma_wait3A_380] : memref<2x10240x32xf32, #tpu.memory_space<hbm>> -> memref<1x128x32xf32, #tpu.memory_space<hbm>>
      %dma_wait3A_382 = tpu.memref_squeeze %dma_wait3A_381 : memref<1x128x32xf32, #tpu.memory_space<hbm>> -> memref<128x32xf32, #tpu.memory_space<hbm>>
      tpu.wait_dma2 semaphore(%run_scoped3A : memref<!tpu.dma_semaphore, #tpu.memory_space<semaphore_mem>>) src(%arg14 : memref<128x32xf32, #tpu.memory_space<vmem>>) dst(%dma_wait3A_382 : memref<128x32xf32, #tpu.memory_space<hbm>>)
      tpu.yield
    }) : () -> ()
    %add3A_355 = arith.constant 128 : i32
    %add3A_356 = arith.addi %mul3A_2, %add3A_355 : i32
    "tpu.region"() ({
      %run_scoped3A = tpu.sem_alloc : memref<!tpu.dma_semaphore, #tpu.memory_space<semaphore_mem>>
      %dma_start3A_371 = arith.constant 0 : i32
      %dma_start3A_372 = tpu.memref_slice %arg7[%add3A_356, %dma_start3A_371] : memref<10240x32xf32, #tpu.memory_space<vmem_shared>> -> memref<128x32xf32, #tpu.memory_space<vmem_shared>>
      %dma_start3A_373 = arith.constant 0 : i32
      %dma_start3A_374 = tpu.memref_slice %arg7[%add3A_356, %dma_start3A_373] : memref<10240x32xf32, #tpu.memory_space<vmem_shared>> -> memref<128x32xf32, #tpu.memory_space<vmem_shared>>
      tpu.enqueue_dma source(%dma_start3A_374 : memref<128x32xf32, #tpu.memory_space<vmem_shared>>) target(%arg14 : memref<128x32xf32, #tpu.memory_space<vmem>>) target_semaphore(%run_scoped3A : memref<!tpu.dma_semaphore, #tpu.memory_space<semaphore_mem>>)
      %dma_wait3A_375 = arith.constant 0 : i32
      %dma_wait3A_376 = tpu.memref_slice %arg7[%add3A_356, %dma_wait3A_375] : memref<10240x32xf32, #tpu.memory_space<vmem_shared>> -> memref<128x32xf32, #tpu.memory_space<vmem_shared>>
      %dma_wait3A_377 = arith.constant 0 : i32
      %dma_wait3A_378 = tpu.memref_slice %arg7[%add3A_356, %dma_wait3A_377] : memref<10240x32xf32, #tpu.memory_space<vmem_shared>> -> memref<128x32xf32, #tpu.memory_space<vmem_shared>>
      tpu.wait_dma2 semaphore(%run_scoped3A : memref<!tpu.dma_semaphore, #tpu.memory_space<semaphore_mem>>) src(%dma_wait3A_378 : memref<128x32xf32, #tpu.memory_space<vmem_shared>>) dst(%arg14 : memref<128x32xf32, #tpu.memory_space<vmem>>)
      tpu.yield
    }) : () -> ()
    %add3A_357 = arith.constant 128 : i32
    %add3A_358 = arith.addi %mul3A_2, %add3A_357 : i32
    "tpu.region"() ({
      %run_scoped3A = tpu.sem_alloc : memref<!tpu.dma_semaphore, #tpu.memory_space<semaphore_mem>>
      %dma_start3A_371 = arith.constant 0 : i32
      %dma_start3A_372 = tpu.memref_slice %arg6[%arg0, %add3A_358, %dma_start3A_371] : memref<2x10240x32xf32, #tpu.memory_space<hbm>> -> memref<1x128x32xf32, #tpu.memory_space<hbm>>
      %dma_start3A_373 = tpu.memref_squeeze %dma_start3A_372 : memref<1x128x32xf32, #tpu.memory_space<hbm>> -> memref<128x32xf32, #tpu.memory_space<hbm>>
      %dma_start3A_374 = arith.constant 0 : i32
      %dma_start3A_375 = tpu.memref_slice %arg6[%arg0, %add3A_358, %dma_start3A_374] : memref<2x10240x32xf32, #tpu.memory_space<hbm>> -> memref<1x128x32xf32, #tpu.memory_space<hbm>>
      %dma_start3A_376 = tpu.memref_squeeze %dma_start3A_375 : memref<1x128x32xf32, #tpu.memory_space<hbm>> -> memref<128x32xf32, #tpu.memory_space<hbm>>
      tpu.enqueue_dma source(%arg14 : memref<128x32xf32, #tpu.memory_space<vmem>>) target(%dma_start3A_376 : memref<128x32xf32, #tpu.memory_space<hbm>>) target_semaphore(%run_scoped3A : memref<!tpu.dma_semaphore, #tpu.memory_space<semaphore_mem>>)
      %dma_wait3A_377 = arith.constant 0 : i32
      %dma_wait3A_378 = tpu.memref_slice %arg6[%arg0, %add3A_358, %dma_wait3A_377] : memref<2x10240x32xf32, #tpu.memory_space<hbm>> -> memref<1x128x32xf32, #tpu.memory_space<hbm>>
      %dma_wait3A_379 = tpu.memref_squeeze %dma_wait3A_378 : memref<1x128x32xf32, #tpu.memory_space<hbm>> -> memref<128x32xf32, #tpu.memory_space<hbm>>
      %dma_wait3A_380 = arith.constant 0 : i32
      %dma_wait3A_381 = tpu.memref_slice %arg6[%arg0, %add3A_358, %dma_wait3A_380] : memref<2x10240x32xf32, #tpu.memory_space<hbm>> -> memref<1x128x32xf32, #tpu.memory_space<hbm>>
      %dma_wait3A_382 = tpu.memref_squeeze %dma_wait3A_381 : memref<1x128x32xf32, #tpu.memory_space<hbm>> -> memref<128x32xf32, #tpu.memory_space<hbm>>
      tpu.wait_dma2 semaphore(%run_scoped3A : memref<!tpu.dma_semaphore, #tpu.memory_space<semaphore_mem>>) src(%arg14 : memref<128x32xf32, #tpu.memory_space<vmem>>) dst(%dma_wait3A_382 : memref<128x32xf32, #tpu.memory_space<hbm>>)
      tpu.yield
    }) : () -> ()
    %add3A_359 = arith.constant 256 : i32
    %add3A_360 = arith.addi %mul3A_2, %add3A_359 : i32
    "tpu.region"() ({
      %run_scoped3A = tpu.sem_alloc : memref<!tpu.dma_semaphore, #tpu.memory_space<semaphore_mem>>
      %dma_start3A_371 = arith.constant 0 : i32
      %dma_start3A_372 = tpu.memref_slice %arg7[%add3A_360, %dma_start3A_371] : memref<10240x32xf32, #tpu.memory_space<vmem_shared>> -> memref<128x32xf32, #tpu.memory_space<vmem_shared>>
      %dma_start3A_373 = arith.constant 0 : i32
      %dma_start3A_374 = tpu.memref_slice %arg7[%add3A_360, %dma_start3A_373] : memref<10240x32xf32, #tpu.memory_space<vmem_shared>> -> memref<128x32xf32, #tpu.memory_space<vmem_shared>>
      tpu.enqueue_dma source(%dma_start3A_374 : memref<128x32xf32, #tpu.memory_space<vmem_shared>>) target(%arg14 : memref<128x32xf32, #tpu.memory_space<vmem>>) target_semaphore(%run_scoped3A : memref<!tpu.dma_semaphore, #tpu.memory_space<semaphore_mem>>)
      %dma_wait3A_375 = arith.constant 0 : i32
      %dma_wait3A_376 = tpu.memref_slice %arg7[%add3A_360, %dma_wait3A_375] : memref<10240x32xf32, #tpu.memory_space<vmem_shared>> -> memref<128x32xf32, #tpu.memory_space<vmem_shared>>
      %dma_wait3A_377 = arith.constant 0 : i32
      %dma_wait3A_378 = tpu.memref_slice %arg7[%add3A_360, %dma_wait3A_377] : memref<10240x32xf32, #tpu.memory_space<vmem_shared>> -> memref<128x32xf32, #tpu.memory_space<vmem_shared>>
      tpu.wait_dma2 semaphore(%run_scoped3A : memref<!tpu.dma_semaphore, #tpu.memory_space<semaphore_mem>>) src(%dma_wait3A_378 : memref<128x32xf32, #tpu.memory_space<vmem_shared>>) dst(%arg14 : memref<128x32xf32, #tpu.memory_space<vmem>>)
      tpu.yield
    }) : () -> ()
    %add3A_361 = arith.constant 256 : i32
    %add3A_362 = arith.addi %mul3A_2, %add3A_361 : i32
    "tpu.region"() ({
      %run_scoped3A = tpu.sem_alloc : memref<!tpu.dma_semaphore, #tpu.memory_space<semaphore_mem>>
      %dma_start3A_371 = arith.constant 0 : i32
      %dma_start3A_372 = tpu.memref_slice %arg6[%arg0, %add3A_362, %dma_start3A_371] : memref<2x10240x32xf32, #tpu.memory_space<hbm>> -> memref<1x128x32xf32, #tpu.memory_space<hbm>>
      %dma_start3A_373 = tpu.memref_squeeze %dma_start3A_372 : memref<1x128x32xf32, #tpu.memory_space<hbm>> -> memref<128x32xf32, #tpu.memory_space<hbm>>
      %dma_start3A_374 = arith.constant 0 : i32
      %dma_start3A_375 = tpu.memref_slice %arg6[%arg0, %add3A_362, %dma_start3A_374] : memref<2x10240x32xf32, #tpu.memory_space<hbm>> -> memref<1x128x32xf32, #tpu.memory_space<hbm>>
      %dma_start3A_376 = tpu.memref_squeeze %dma_start3A_375 : memref<1x128x32xf32, #tpu.memory_space<hbm>> -> memref<128x32xf32, #tpu.memory_space<hbm>>
      tpu.enqueue_dma source(%arg14 : memref<128x32xf32, #tpu.memory_space<vmem>>) target(%dma_start3A_376 : memref<128x32xf32, #tpu.memory_space<hbm>>) target_semaphore(%run_scoped3A : memref<!tpu.dma_semaphore, #tpu.memory_space<semaphore_mem>>)
      %dma_wait3A_377 = arith.constant 0 : i32
      %dma_wait3A_378 = tpu.memref_slice %arg6[%arg0, %add3A_362, %dma_wait3A_377] : memref<2x10240x32xf32, #tpu.memory_space<hbm>> -> memref<1x128x32xf32, #tpu.memory_space<hbm>>
      %dma_wait3A_379 = tpu.memref_squeeze %dma_wait3A_378 : memref<1x128x32xf32, #tpu.memory_space<hbm>> -> memref<128x32xf32, #tpu.memory_space<hbm>>
      %dma_wait3A_380 = arith.constant 0 : i32
      %dma_wait3A_381 = tpu.memref_slice %arg6[%arg0, %add3A_362, %dma_wait3A_380] : memref<2x10240x32xf32, #tpu.memory_space<hbm>> -> memref<1x128x32xf32, #tpu.memory_space<hbm>>
      %dma_wait3A_382 = tpu.memref_squeeze %dma_wait3A_381 : memref<1x128x32xf32, #tpu.memory_space<hbm>> -> memref<128x32xf32, #tpu.memory_space<hbm>>
      tpu.wait_dma2 semaphore(%run_scoped3A : memref<!tpu.dma_semaphore, #tpu.memory_space<semaphore_mem>>) src(%arg14 : memref<128x32xf32, #tpu.memory_space<vmem>>) dst(%dma_wait3A_382 : memref<128x32xf32, #tpu.memory_space<hbm>>)
      tpu.yield
    }) : () -> ()
    %add3A_363 = arith.constant 384 : i32
    %add3A_364 = arith.addi %mul3A_2, %add3A_363 : i32
    "tpu.region"() ({
      %run_scoped3A = tpu.sem_alloc : memref<!tpu.dma_semaphore, #tpu.memory_space<semaphore_mem>>
      %dma_start3A_371 = arith.constant 0 : i32
      %dma_start3A_372 = tpu.memref_slice %arg7[%add3A_364, %dma_start3A_371] : memref<10240x32xf32, #tpu.memory_space<vmem_shared>> -> memref<128x32xf32, #tpu.memory_space<vmem_shared>>
      %dma_start3A_373 = arith.constant 0 : i32
      %dma_start3A_374 = tpu.memref_slice %arg7[%add3A_364, %dma_start3A_373] : memref<10240x32xf32, #tpu.memory_space<vmem_shared>> -> memref<128x32xf32, #tpu.memory_space<vmem_shared>>
      tpu.enqueue_dma source(%dma_start3A_374 : memref<128x32xf32, #tpu.memory_space<vmem_shared>>) target(%arg14 : memref<128x32xf32, #tpu.memory_space<vmem>>) target_semaphore(%run_scoped3A : memref<!tpu.dma_semaphore, #tpu.memory_space<semaphore_mem>>)
      %dma_wait3A_375 = arith.constant 0 : i32
      %dma_wait3A_376 = tpu.memref_slice %arg7[%add3A_364, %dma_wait3A_375] : memref<10240x32xf32, #tpu.memory_space<vmem_shared>> -> memref<128x32xf32, #tpu.memory_space<vmem_shared>>
      %dma_wait3A_377 = arith.constant 0 : i32
      %dma_wait3A_378 = tpu.memref_slice %arg7[%add3A_364, %dma_wait3A_377] : memref<10240x32xf32, #tpu.memory_space<vmem_shared>> -> memref<128x32xf32, #tpu.memory_space<vmem_shared>>
      tpu.wait_dma2 semaphore(%run_scoped3A : memref<!tpu.dma_semaphore, #tpu.memory_space<semaphore_mem>>) src(%dma_wait3A_378 : memref<128x32xf32, #tpu.memory_space<vmem_shared>>) dst(%arg14 : memref<128x32xf32, #tpu.memory_space<vmem>>)
      tpu.yield
    }) : () -> ()
    %add3A_365 = arith.constant 384 : i32
    %add3A_366 = arith.addi %mul3A_2, %add3A_365 : i32
    "tpu.region"() ({
      %run_scoped3A = tpu.sem_alloc : memref<!tpu.dma_semaphore, #tpu.memory_space<semaphore_mem>>
      %dma_start3A_371 = arith.constant 0 : i32
      %dma_start3A_372 = tpu.memref_slice %arg6[%arg0, %add3A_366, %dma_start3A_371] : memref<2x10240x32xf32, #tpu.memory_space<hbm>> -> memref<1x128x32xf32, #tpu.memory_space<hbm>>
      %dma_start3A_373 = tpu.memref_squeeze %dma_start3A_372 : memref<1x128x32xf32, #tpu.memory_space<hbm>> -> memref<128x32xf32, #tpu.memory_space<hbm>>
      %dma_start3A_374 = arith.constant 0 : i32
      %dma_start3A_375 = tpu.memref_slice %arg6[%arg0, %add3A_366, %dma_start3A_374] : memref<2x10240x32xf32, #tpu.memory_space<hbm>> -> memref<1x128x32xf32, #tpu.memory_space<hbm>>
      %dma_start3A_376 = tpu.memref_squeeze %dma_start3A_375 : memref<1x128x32xf32, #tpu.memory_space<hbm>> -> memref<128x32xf32, #tpu.memory_space<hbm>>
      tpu.enqueue_dma source(%arg14 : memref<128x32xf32, #tpu.memory_space<vmem>>) target(%dma_start3A_376 : memref<128x32xf32, #tpu.memory_space<hbm>>) target_semaphore(%run_scoped3A : memref<!tpu.dma_semaphore, #tpu.memory_space<semaphore_mem>>)
      %dma_wait3A_377 = arith.constant 0 : i32
      %dma_wait3A_378 = tpu.memref_slice %arg6[%arg0, %add3A_366, %dma_wait3A_377] : memref<2x10240x32xf32, #tpu.memory_space<hbm>> -> memref<1x128x32xf32, #tpu.memory_space<hbm>>
      %dma_wait3A_379 = tpu.memref_squeeze %dma_wait3A_378 : memref<1x128x32xf32, #tpu.memory_space<hbm>> -> memref<128x32xf32, #tpu.memory_space<hbm>>
      %dma_wait3A_380 = arith.constant 0 : i32
      %dma_wait3A_381 = tpu.memref_slice %arg6[%arg0, %add3A_366, %dma_wait3A_380] : memref<2x10240x32xf32, #tpu.memory_space<hbm>> -> memref<1x128x32xf32, #tpu.memory_space<hbm>>
      %dma_wait3A_382 = tpu.memref_squeeze %dma_wait3A_381 : memref<1x128x32xf32, #tpu.memory_space<hbm>> -> memref<128x32xf32, #tpu.memory_space<hbm>>
      tpu.wait_dma2 semaphore(%run_scoped3A : memref<!tpu.dma_semaphore, #tpu.memory_space<semaphore_mem>>) src(%arg14 : memref<128x32xf32, #tpu.memory_space<vmem>>) dst(%dma_wait3A_382 : memref<128x32xf32, #tpu.memory_space<hbm>>)
      tpu.yield
    }) : () -> ()
    %add3A_367 = arith.constant 512 : i32
    %add3A_368 = arith.addi %mul3A_2, %add3A_367 : i32
    "tpu.region"() ({
      %run_scoped3A = tpu.sem_alloc : memref<!tpu.dma_semaphore, #tpu.memory_space<semaphore_mem>>
      %dma_start3A_371 = arith.constant 0 : i32
      %dma_start3A_372 = tpu.memref_slice %arg7[%add3A_368, %dma_start3A_371] : memref<10240x32xf32, #tpu.memory_space<vmem_shared>> -> memref<128x32xf32, #tpu.memory_space<vmem_shared>>
      %dma_start3A_373 = arith.constant 0 : i32
      %dma_start3A_374 = tpu.memref_slice %arg7[%add3A_368, %dma_start3A_373] : memref<10240x32xf32, #tpu.memory_space<vmem_shared>> -> memref<128x32xf32, #tpu.memory_space<vmem_shared>>
      tpu.enqueue_dma source(%dma_start3A_374 : memref<128x32xf32, #tpu.memory_space<vmem_shared>>) target(%arg14 : memref<128x32xf32, #tpu.memory_space<vmem>>) target_semaphore(%run_scoped3A : memref<!tpu.dma_semaphore, #tpu.memory_space<semaphore_mem>>)
      %dma_wait3A_375 = arith.constant 0 : i32
      %dma_wait3A_376 = tpu.memref_slice %arg7[%add3A_368, %dma_wait3A_375] : memref<10240x32xf32, #tpu.memory_space<vmem_shared>> -> memref<128x32xf32, #tpu.memory_space<vmem_shared>>
      %dma_wait3A_377 = arith.constant 0 : i32
      %dma_wait3A_378 = tpu.memref_slice %arg7[%add3A_368, %dma_wait3A_377] : memref<10240x32xf32, #tpu.memory_space<vmem_shared>> -> memref<128x32xf32, #tpu.memory_space<vmem_shared>>
      tpu.wait_dma2 semaphore(%run_scoped3A : memref<!tpu.dma_semaphore, #tpu.memory_space<semaphore_mem>>) src(%dma_wait3A_378 : memref<128x32xf32, #tpu.memory_space<vmem_shared>>) dst(%arg14 : memref<128x32xf32, #tpu.memory_space<vmem>>)
      tpu.yield
    }) : () -> ()
    %add3A_369 = arith.constant 512 : i32
    %add3A_370 = arith.addi %mul3A_2, %add3A_369 : i32
    "tpu.region"() ({
      %run_scoped3A = tpu.sem_alloc : memref<!tpu.dma_semaphore, #tpu.memory_space<semaphore_mem>>
      %dma_start3A_371 = arith.constant 0 : i32
      %dma_start3A_372 = tpu.memref_slice %arg6[%arg0, %add3A_370, %dma_start3A_371] : memref<2x10240x32xf32, #tpu.memory_space<hbm>> -> memref<1x128x32xf32, #tpu.memory_space<hbm>>
      %dma_start3A_373 = tpu.memref_squeeze %dma_start3A_372 : memref<1x128x32xf32, #tpu.memory_space<hbm>> -> memref<128x32xf32, #tpu.memory_space<hbm>>
      %dma_start3A_374 = arith.constant 0 : i32
      %dma_start3A_375 = tpu.memref_slice %arg6[%arg0, %add3A_370, %dma_start3A_374] : memref<2x10240x32xf32, #tpu.memory_space<hbm>> -> memref<1x128x32xf32, #tpu.memory_space<hbm>>
      %dma_start3A_376 = tpu.memref_squeeze %dma_start3A_375 : memref<1x128x32xf32, #tpu.memory_space<hbm>> -> memref<128x32xf32, #tpu.memory_space<hbm>>
      tpu.enqueue_dma source(%arg14 : memref<128x32xf32, #tpu.memory_space<vmem>>) target(%dma_start3A_376 : memref<128x32xf32, #tpu.memory_space<hbm>>) target_semaphore(%run_scoped3A : memref<!tpu.dma_semaphore, #tpu.memory_space<semaphore_mem>>)
      %dma_wait3A_377 = arith.constant 0 : i32
      %dma_wait3A_378 = tpu.memref_slice %arg6[%arg0, %add3A_370, %dma_wait3A_377] : memref<2x10240x32xf32, #tpu.memory_space<hbm>> -> memref<1x128x32xf32, #tpu.memory_space<hbm>>
      %dma_wait3A_379 = tpu.memref_squeeze %dma_wait3A_378 : memref<1x128x32xf32, #tpu.memory_space<hbm>> -> memref<128x32xf32, #tpu.memory_space<hbm>>
      %dma_wait3A_380 = arith.constant 0 : i32
      %dma_wait3A_381 = tpu.memref_slice %arg6[%arg0, %add3A_370, %dma_wait3A_380] : memref<2x10240x32xf32, #tpu.memory_space<hbm>> -> memref<1x128x32xf32, #tpu.memory_space<hbm>>
      %dma_wait3A_382 = tpu.memref_squeeze %dma_wait3A_381 : memref<1x128x32xf32, #tpu.memory_space<hbm>> -> memref<128x32xf32, #tpu.memory_space<hbm>>
      tpu.wait_dma2 semaphore(%run_scoped3A : memref<!tpu.dma_semaphore, #tpu.memory_space<semaphore_mem>>) src(%arg14 : memref<128x32xf32, #tpu.memory_space<vmem>>) dst(%dma_wait3A_382 : memref<128x32xf32, #tpu.memory_space<hbm>>)
      tpu.yield
    }) : () -> ()
    return
  }
}

module attributes {stable_mosaic.version = 14 : i64} {
  func.func @_prep1_body(%arg0: i32, %arg1: memref<256x128xf32, #tpu.memory_space<vmem>>, %arg2: memref<128x64xf32, #tpu.memory_space<vmem>>, %arg3: memref<64x8xf32, #tpu.memory_space<vmem>>, %arg4: memref<64x8xf32, #tpu.memory_space<vmem>>, %arg5: memref<256x80xf32, #tpu.memory_space<vmem>>, %arg6: memref<256x16xf32, #tpu.memory_space<vmem>>) attributes {dimension_semantics = [#tpu.dimension_semantics<arbitrary>], iteration_bounds = array<i64: 40>, scalar_prefetch = 0 : i64, scratch_operands = 0 : i64, tpu.core_type = #tpu.core_type<tc>, window_params = [{transform_indices = @transform_0, window_bounds = array<i64: 256, 128>}, {pipeline_mode = #tpu.pipeline_mode<synchronous>, transform_indices = @transform_1, window_bounds = array<i64: 128, 64>}, {pipeline_mode = #tpu.pipeline_mode<synchronous>, transform_indices = @transform_2, window_bounds = array<i64: 64, 8>}, {pipeline_mode = #tpu.pipeline_mode<synchronous>, transform_indices = @transform_3, window_bounds = array<i64: 64, 8>}, {transform_indices = @transform_4, window_bounds = array<i64: 256, 80>}, {transform_indices = @transform_5, window_bounds = array<i64: 256, 16>}]} {
    %get3A = arith.constant 0 : index
    %get3A_0 = arith.constant 0 : index
    %get3A_1 = vector.load %arg1[%get3A, %get3A_0] : memref<256x128xf32, #tpu.memory_space<vmem>>, vector<256x128xf32>
    %get3A_2 = arith.constant 0 : index
    %get3A_3 = arith.constant 0 : index
    %get3A_4 = vector.load %arg2[%get3A_2, %get3A_3] : memref<128x64xf32, #tpu.memory_space<vmem>>, vector<128x64xf32>
    %dot_general3A = arith.constant dense<0.000000e+00> : vector<256x64xf32>
    %dot_general3A_5 = tpu.matmul %get3A_1, %get3A_4, %dot_general3A {dimension_numbers = #tpu.dot_dimension_numbers<[1], [0], [0], [1], [0, 0, 1, 1], [], []>, transpose_lhs_hint = false} : vector<256x128xf32>, vector<128x64xf32>, vector<256x64xf32> -> vector<256x64xf32>
    %get3A_6 = arith.constant 0 : index
    %get3A_7 = arith.constant 0 : index
    %get3A_8 = vector.load %arg3[%get3A_6, %get3A_7] : memref<64x8xf32, #tpu.memory_space<vmem>>, vector<64x8xf32>
    %dot_general3A_9 = arith.constant dense<0.000000e+00> : vector<256x8xf32>
    %dot_general3A_10 = tpu.matmul %dot_general3A_5, %get3A_8, %dot_general3A_9 {dimension_numbers = #tpu.dot_dimension_numbers<[1], [0], [0], [1], [0, 0, 1, 1], [], []>, transpose_lhs_hint = false} : vector<256x64xf32>, vector<64x8xf32>, vector<256x8xf32> -> vector<256x8xf32>
    %get3A_11 = arith.constant 0 : index
    %get3A_12 = arith.constant 0 : index
    %get3A_13 = vector.load %arg4[%get3A_11, %get3A_12] : memref<64x8xf32, #tpu.memory_space<vmem>>, vector<64x8xf32>
    %dot_general3A_14 = arith.constant dense<0.000000e+00> : vector<256x8xf32>
    %dot_general3A_15 = tpu.matmul %dot_general3A_5, %get3A_13, %dot_general3A_14 {dimension_numbers = #tpu.dot_dimension_numbers<[1], [0], [0], [1], [0, 0, 1, 1], [], []>, transpose_lhs_hint = false} : vector<256x64xf32>, vector<64x8xf32>, vector<256x8xf32> -> vector<256x8xf32>
    %broadcast_in_dim3A = arith.constant 0.000000e+00 : f32
    %broadcast_in_dim3A_16 = vector.broadcast %broadcast_in_dim3A : f32 to vector<256x8xf32>
    %concatenate3A = tpu.concatenate %dot_general3A_5, %dot_general3A_10, %broadcast_in_dim3A_16 in 1 : vector<256x64xf32>, vector<256x8xf32>, vector<256x8xf32> -> vector<256x80xf32>
    %swap3A = arith.constant 0 : index
    %swap3A_17 = arith.constant 0 : index
    %swap3A_18 = vector.load %arg5[%swap3A, %swap3A_17] : memref<256x80xf32, #tpu.memory_space<vmem>>, vector<256x80xf32>
    tpu.vector_store %arg5[%swap3A, %swap3A_17], %concatenate3A {strides = array<i32>} : memref<256x80xf32, #tpu.memory_space<vmem>>, vector<256x80xf32>,
    %concatenate3A_19 = tpu.concatenate %dot_general3A_15, %broadcast_in_dim3A_16 in 1 : vector<256x8xf32>, vector<256x8xf32> -> vector<256x16xf32>
    %swap3A_20 = arith.constant 0 : index
    %swap3A_21 = arith.constant 0 : index
    %swap3A_22 = vector.load %arg6[%swap3A_20, %swap3A_21] : memref<256x16xf32, #tpu.memory_space<vmem>>, vector<256x16xf32>
    tpu.vector_store %arg6[%swap3A_20, %swap3A_21], %concatenate3A_19 {strides = array<i32>} : memref<256x16xf32, #tpu.memory_space<vmem>>, vector<256x16xf32>,
    return
  }
  func.func @transform_0(%arg0: i32) -> (i32, i32) {
    %c0_i32 = arith.constant 0 : i32
    %c0_i32_0 = arith.constant 0 : i32
    return %arg0, %c0_i32 : i32, i32
  }
  func.func @transform_1(%arg0: i32) -> (i32, i32) {
    %c0_i32 = arith.constant 0 : i32
    %c0_i32_0 = arith.constant 0 : i32
    %c0_i32_1 = arith.constant 0 : i32
    return %c0_i32, %c0_i32_0 : i32, i32
  }
  func.func @transform_2(%arg0: i32) -> (i32, i32) {
    %c0_i32 = arith.constant 0 : i32
    %c0_i32_0 = arith.constant 0 : i32
    %c0_i32_1 = arith.constant 0 : i32
    return %c0_i32, %c0_i32_0 : i32, i32
  }
  func.func @transform_3(%arg0: i32) -> (i32, i32) {
    %c0_i32 = arith.constant 0 : i32
    %c0_i32_0 = arith.constant 0 : i32
    %c0_i32_1 = arith.constant 0 : i32
    return %c0_i32, %c0_i32_0 : i32, i32
  }
  func.func @transform_4(%arg0: i32) -> (i32, i32) {
    %c0_i32 = arith.constant 0 : i32
    %c0_i32_0 = arith.constant 0 : i32
    return %arg0, %c0_i32 : i32, i32
  }
  func.func @transform_5(%arg0: i32) -> (i32, i32) {
    %c0_i32 = arith.constant 0 : i32
    %c0_i32_0 = arith.constant 0 : i32
    return %arg0, %c0_i32 : i32, i32
  }
}

module attributes {stable_mosaic.version = 14 : i64} {
  func.func @_mid_body(%arg0: i32, %arg1: memref<2x256x80xf32, #tpu.memory_space<vmem>>, %arg2: memref<256x80xf32, #tpu.memory_space<vmem>>, %arg3: memref<256x16xf32, #tpu.memory_space<vmem>>, %arg4: memref<64x16xf32, #tpu.memory_space<vmem>>, %arg5: memref<1x16xf32, #tpu.memory_space<vmem>>, %arg6: memref<1x16xf32, #tpu.memory_space<vmem>>, %arg7: memref<1x64xf32, #tpu.memory_space<vmem>>, %arg8: memref<8x64xf32, #tpu.memory_space<vmem>>, %arg9: memref<256x32xf32, #tpu.memory_space<vmem>>, %arg10: memref<256x16xf32, #tpu.memory_space<vmem>>) attributes {dimension_semantics = [#tpu.dimension_semantics<arbitrary>], iteration_bounds = array<i64: 40>, scalar_prefetch = 0 : i64, scratch_operands = 0 : i64, tpu.core_type = #tpu.core_type<tc>, window_params = [{transform_indices = @transform_0, window_bounds = array<i64: 2, 256, 80>}, {transform_indices = @transform_1, window_bounds = array<i64: 256, 80>}, {transform_indices = @transform_2, window_bounds = array<i64: 256, 16>}, {pipeline_mode = #tpu.pipeline_mode<synchronous>, transform_indices = @transform_3, window_bounds = array<i64: 64, 16>}, {pipeline_mode = #tpu.pipeline_mode<synchronous>, transform_indices = @transform_4, window_bounds = array<i64: 1, 16>}, {pipeline_mode = #tpu.pipeline_mode<synchronous>, transform_indices = @transform_5, window_bounds = array<i64: 1, 16>}, {pipeline_mode = #tpu.pipeline_mode<synchronous>, transform_indices = @transform_6, window_bounds = array<i64: 1, 64>}, {pipeline_mode = #tpu.pipeline_mode<synchronous>, transform_indices = @transform_7, window_bounds = array<i64: 8, 64>}, {transform_indices = @transform_8, window_bounds = array<i64: 256, 32>}, {transform_indices = @transform_9, window_bounds = array<i64: 256, 16>}]} {
    %get3A = arith.constant 0 : index
    %get3A_0 = arith.constant 0 : index
    %get3A_1 = arith.constant 0 : index
    %get3A_2 = vector.load %arg1[%get3A, %get3A_0, %get3A_1] : memref<2x256x80xf32, #tpu.memory_space<vmem>>, vector<1x256x80xf32>
    %get3A_3 = vector.shape_cast %get3A_2 : vector<1x256x80xf32> to vector<256x80xf32>
    %get3A_4 = arith.constant 1 : index
    %get3A_5 = arith.constant 0 : index
    %get3A_6 = arith.constant 0 : index
    %get3A_7 = vector.load %arg1[%get3A_4, %get3A_5, %get3A_6] : memref<2x256x80xf32, #tpu.memory_space<vmem>>, vector<1x256x80xf32>
    %get3A_8 = vector.shape_cast %get3A_7 : vector<1x256x80xf32> to vector<256x80xf32>
    %add3A = arith.addf %get3A_3, %get3A_8 : vector<256x80xf32>
    %get3A_9 = arith.constant 0 : index
    %get3A_10 = arith.constant 0 : index
    %get3A_11 = vector.load %arg2[%get3A_9, %get3A_10] : memref<256x80xf32, #tpu.memory_space<vmem>>, vector<256x64xf32>
    %get3A_12 = arith.constant 0 : index
    %get3A_13 = arith.constant 64 : index
    %get3A_14 = vector.load %arg2[%get3A_12, %get3A_13] : memref<256x80xf32, #tpu.memory_space<vmem>>, vector<256x8xf32>
    %get3A_15 = arith.constant 0 : index
    %get3A_16 = arith.constant 0 : index
    %get3A_17 = vector.load %arg3[%get3A_15, %get3A_16] : memref<256x16xf32, #tpu.memory_space<vmem>>, vector<256x8xf32>
    %add3A_18 = arith.addf %get3A_14, %get3A_17 : vector<256x8xf32>
    %gt3A = arith.constant 0.000000e+00 : f32
    %gt3A_19 = vector.broadcast %gt3A : f32 to vector<256x8xf32>
    %gt3A_20 = arith.cmpf ogt, %add3A_18, %gt3A_19 : vector<256x8xf32>
    %mul3A = arith.constant 2.000000e-01 : f32
    %mul3A_21 = vector.broadcast %mul3A : f32 to vector<256x8xf32>
    %mul3A_22 = arith.mulf %add3A_18, %mul3A_21 : vector<256x8xf32>
    %select_n3A = arith.select %gt3A_20, %add3A_18, %mul3A_22 : vector<256x8xi1>, vector<256x8xf32>
    %exp3A = math.exp %select_n3A : vector<256x8xf32>
    %get3A_23 = arith.constant 0 : index
    %get3A_24 = arith.constant 0 : index
    %get3A_25 = vector.load %arg8[%get3A_23, %get3A_24] : memref<8x64xf32, #tpu.memory_space<vmem>>, vector<8x64xf32>
    %slice3A = vector.extract_strided_slice %add3A {offsets = [0, 0], sizes = [256, 64], strides = [1, 1]} : vector<256x80xf32> to vector<256x64xf32>
    %dot_general3A = arith.constant dense<0.000000e+00> : vector<256x64xf32>
    %dot_general3A_26 = tpu.matmul %exp3A, %get3A_25, %dot_general3A {dimension_numbers = #tpu.dot_dimension_numbers<[1], [0], [0], [1], [0, 0, 1, 1], [], []>, transpose_lhs_hint = false} : vector<256x8xf32>, vector<8x64xf32>, vector<256x64xf32> -> vector<256x64xf32>
    %mul3A_27 = arith.mulf %dot_general3A_26, %get3A_11 : vector<256x64xf32>
    %add3A_28 = arith.addf %slice3A, %mul3A_27 : vector<256x64xf32>
    %slice3A_29 = vector.extract_strided_slice %add3A {offsets = [0, 64], sizes = [256, 8], strides = [1, 1]} : vector<256x80xf32> to vector<256x8xf32>
    %add3A_30 = arith.addf %slice3A_29, %exp3A : vector<256x8xf32>
    %dot_general3A_31 = arith.constant dense<0.000000e+00> : vector<256x64xf32>
    %dot_general3A_32 = tpu.matmul %add3A_30, %get3A_25, %dot_general3A_31 {dimension_numbers = #tpu.dot_dimension_numbers<[1], [0], [0], [1], [0, 0, 1, 1], [], []>, transpose_lhs_hint = false} : vector<256x8xf32>, vector<8x64xf32>, vector<256x64xf32> -> vector<256x64xf32>
    %div3A = arith.divf %add3A_28, %dot_general3A_32 : vector<256x64xf32>
    %get3A_33 = arith.constant 0 : index
    %get3A_34 = arith.constant 0 : index
    %get3A_35 = vector.load %arg7[%get3A_33, %get3A_34] : memref<1x64xf32, #tpu.memory_space<vmem>>, vector<1x64xf32>
    %add3A_36 = vector.broadcast %get3A_35 : vector<1x64xf32> to vector<256x64xf32>
    %add3A_37 = arith.addf %div3A, %add3A_36 : vector<256x64xf32>
    %gt3A_38 = arith.constant 0.000000e+00 : f32
    %gt3A_39 = vector.broadcast %gt3A_38 : f32 to vector<256x64xf32>
    %gt3A_40 = arith.cmpf ogt, %add3A_37, %gt3A_39 : vector<256x64xf32>
    %exp3A_41 = math.exp %add3A_37 : vector<256x64xf32>
    %sub3A = arith.constant 1.000000e+00 : f32
    %sub3A_42 = vector.broadcast %sub3A : f32 to vector<256x64xf32>
    %sub3A_43 = arith.subf %exp3A_41, %sub3A_42 : vector<256x64xf32>
    %select_n3A_44 = arith.select %gt3A_40, %add3A_37, %sub3A_43 : vector<256x64xi1>, vector<256x64xf32>
    %get3A_45 = arith.constant 0 : index
    %get3A_46 = arith.constant 0 : index
    %get3A_47 = vector.load %arg4[%get3A_45, %get3A_46] : memref<64x16xf32, #tpu.memory_space<vmem>>, vector<64x16xf32>
    %dot_general3A_48 = arith.constant dense<0.000000e+00> : vector<256x16xf32>
    %dot_general3A_49 = tpu.matmul %select_n3A_44, %get3A_47, %dot_general3A_48 {dimension_numbers = #tpu.dot_dimension_numbers<[1], [0], [0], [1], [0, 0, 1, 1], [], []>, transpose_lhs_hint = false} : vector<256x64xf32>, vector<64x16xf32>, vector<256x16xf32> -> vector<256x16xf32>
    %get3A_50 = arith.constant 0 : index
    %get3A_51 = arith.constant 0 : index
    %get3A_52 = vector.load %arg5[%get3A_50, %get3A_51] : memref<1x16xf32, #tpu.memory_space<vmem>>, vector<1x16xf32>
    %mul3A_53 = vector.broadcast %get3A_52 : vector<1x16xf32> to vector<256x16xf32>
    %mul3A_54 = arith.mulf %dot_general3A_49, %mul3A_53 : vector<256x16xf32>
    %reduce_sum3A = arith.constant dense<0.000000e+00> : vector<256xf32>
    %reduce_sum3A_55 = vector.multi_reduction <add>, %mul3A_54, %reduce_sum3A [1] : vector<256x16xf32> to vector<256xf32>
    %broadcast_in_dim3A = vector.shape_cast %reduce_sum3A_55 : vector<256xf32> to vector<256x1xf32>
    %get3A_56 = arith.constant 0 : index
    %get3A_57 = arith.constant 0 : index
    %get3A_58 = vector.load %arg6[%get3A_56, %get3A_57] : memref<1x16xf32, #tpu.memory_space<vmem>>, vector<1x16xf32>
    %mul3A_59 = vector.broadcast %get3A_58 : vector<1x16xf32> to vector<256x16xf32>
    %mul3A_60 = arith.mulf %dot_general3A_49, %mul3A_59 : vector<256x16xf32>
    %reduce_sum3A_61 = arith.constant dense<0.000000e+00> : vector<256xf32>
    %reduce_sum3A_62 = vector.multi_reduction <add>, %mul3A_60, %reduce_sum3A_61 [1] : vector<256x16xf32> to vector<256xf32>
    %broadcast_in_dim3A_63 = vector.shape_cast %reduce_sum3A_62 : vector<256xf32> to vector<256x1xf32>
    %broadcast_in_dim3A_64 = arith.constant 0.000000e+00 : f32
    %broadcast_in_dim3A_65 = vector.broadcast %broadcast_in_dim3A_64 : f32 to vector<256x15xf32>
    %concatenate3A = tpu.concatenate %dot_general3A_49, %broadcast_in_dim3A, %broadcast_in_dim3A_65 in 1 : vector<256x16xf32>, vector<256x1xf32>, vector<256x15xf32> -> vector<256x32xf32>
    %swap3A = arith.constant 0 : index
    %swap3A_66 = arith.constant 0 : index
    %swap3A_67 = vector.load %arg9[%swap3A, %swap3A_66] : memref<256x32xf32, #tpu.memory_space<vmem>>, vector<256x32xf32>
    tpu.vector_store %arg9[%swap3A, %swap3A_66], %concatenate3A {strides = array<i32>} : memref<256x32xf32, #tpu.memory_space<vmem>>, vector<256x32xf32>,
    %concatenate3A_68 = tpu.concatenate %broadcast_in_dim3A_63, %broadcast_in_dim3A_65 in 1 : vector<256x1xf32>, vector<256x15xf32> -> vector<256x16xf32>
    %swap3A_69 = arith.constant 0 : index
    %swap3A_70 = arith.constant 0 : index
    %swap3A_71 = vector.load %arg10[%swap3A_69, %swap3A_70] : memref<256x16xf32, #tpu.memory_space<vmem>>, vector<256x16xf32>
    tpu.vector_store %arg10[%swap3A_69, %swap3A_70], %concatenate3A_68 {strides = array<i32>} : memref<256x16xf32, #tpu.memory_space<vmem>>, vector<256x16xf32>,
    return
  }
  func.func @transform_0(%arg0: i32) -> (i32, i32, i32) {
    %c0_i32 = arith.constant 0 : i32
    %c0_i32_0 = arith.constant 0 : i32
    %c0_i32_1 = arith.constant 0 : i32
    return %c0_i32, %arg0, %c0_i32_0 : i32, i32, i32
  }
  func.func @transform_1(%arg0: i32) -> (i32, i32) {
    %c0_i32 = arith.constant 0 : i32
    %c0_i32_0 = arith.constant 0 : i32
    return %arg0, %c0_i32 : i32, i32
  }
  func.func @transform_2(%arg0: i32) -> (i32, i32) {
    %c0_i32 = arith.constant 0 : i32
    %c0_i32_0 = arith.constant 0 : i32
    return %arg0, %c0_i32 : i32, i32
  }
  func.func @transform_3(%arg0: i32) -> (i32, i32) {
    %c0_i32 = arith.constant 0 : i32
    %c0_i32_0 = arith.constant 0 : i32
    %c0_i32_1 = arith.constant 0 : i32
    return %c0_i32, %c0_i32_0 : i32, i32
  }
  func.func @transform_4(%arg0: i32) -> (i32, i32) {
    %c0_i32 = arith.constant 0 : i32
    %c0_i32_0 = arith.constant 0 : i32
    %c0_i32_1 = arith.constant 0 : i32
    return %c0_i32, %c0_i32_0 : i32, i32
  }
  func.func @transform_5(%arg0: i32) -> (i32, i32) {
    %c0_i32 = arith.constant 0 : i32
    %c0_i32_0 = arith.constant 0 : i32
    %c0_i32_1 = arith.constant 0 : i32
    return %c0_i32, %c0_i32_0 : i32, i32
  }
  func.func @transform_6(%arg0: i32) -> (i32, i32) {
    %c0_i32 = arith.constant 0 : i32
    %c0_i32_0 = arith.constant 0 : i32
    %c0_i32_1 = arith.constant 0 : i32
    return %c0_i32, %c0_i32_0 : i32, i32
  }
  func.func @transform_7(%arg0: i32) -> (i32, i32) {
    %c0_i32 = arith.constant 0 : i32
    %c0_i32_0 = arith.constant 0 : i32
    %c0_i32_1 = arith.constant 0 : i32
    return %c0_i32, %c0_i32_0 : i32, i32
  }
  func.func @transform_8(%arg0: i32) -> (i32, i32) {
    %c0_i32 = arith.constant 0 : i32
    %c0_i32_0 = arith.constant 0 : i32
    return %arg0, %c0_i32 : i32, i32
  }
  func.func @transform_9(%arg0: i32) -> (i32, i32) {
    %c0_i32 = arith.constant 0 : i32
    %c0_i32_0 = arith.constant 0 : i32
    return %arg0, %c0_i32 : i32, i32
  }
}

module attributes {stable_mosaic.version = 14 : i64} {
  func.func @_fin_body(%arg0: i32, %arg1: memref<2x256x32xf32, #tpu.memory_space<vmem>>, %arg2: memref<256x32xf32, #tpu.memory_space<vmem>>, %arg3: memref<256x16xf32, #tpu.memory_space<vmem>>, %arg4: memref<1x16xf32, #tpu.memory_space<vmem>>, %arg5: memref<256x16xf32, #tpu.memory_space<vmem>>) attributes {dimension_semantics = [#tpu.dimension_semantics<arbitrary>], iteration_bounds = array<i64: 40>, scalar_prefetch = 0 : i64, scratch_operands = 0 : i64, tpu.core_type = #tpu.core_type<tc>, window_params = [{transform_indices = @transform_0, window_bounds = array<i64: 2, 256, 32>}, {transform_indices = @transform_1, window_bounds = array<i64: 256, 32>}, {transform_indices = @transform_2, window_bounds = array<i64: 256, 16>}, {pipeline_mode = #tpu.pipeline_mode<synchronous>, transform_indices = @transform_3, window_bounds = array<i64: 1, 16>}, {transform_indices = @transform_4, window_bounds = array<i64: 256, 16>}]} {
    %get3A = arith.constant 0 : index
    %get3A_0 = arith.constant 0 : index
    %get3A_1 = arith.constant 0 : index
    %get3A_2 = vector.load %arg1[%get3A, %get3A_0, %get3A_1] : memref<2x256x32xf32, #tpu.memory_space<vmem>>, vector<1x256x32xf32>
    %get3A_3 = vector.shape_cast %get3A_2 : vector<1x256x32xf32> to vector<256x32xf32>
    %get3A_4 = arith.constant 1 : index
    %get3A_5 = arith.constant 0 : index
    %get3A_6 = arith.constant 0 : index
    %get3A_7 = vector.load %arg1[%get3A_4, %get3A_5, %get3A_6] : memref<2x256x32xf32, #tpu.memory_space<vmem>>, vector<1x256x32xf32>
    %get3A_8 = vector.shape_cast %get3A_7 : vector<1x256x32xf32> to vector<256x32xf32>
    %add3A = arith.addf %get3A_3, %get3A_8 : vector<256x32xf32>
    %get3A_9 = arith.constant 0 : index
    %get3A_10 = arith.constant 0 : index
    %get3A_11 = vector.load %arg2[%get3A_9, %get3A_10] : memref<256x32xf32, #tpu.memory_space<vmem>>, vector<256x16xf32>
    %get3A_12 = arith.constant 0 : index
    %get3A_13 = arith.constant 16 : index
    %get3A_14 = vector.load %arg2[%get3A_12, %get3A_13] : memref<256x32xf32, #tpu.memory_space<vmem>>, vector<256x1xf32>
    %get3A_15 = arith.constant 0 : index
    %get3A_16 = arith.constant 0 : index
    %get3A_17 = vector.load %arg3[%get3A_15, %get3A_16] : memref<256x16xf32, #tpu.memory_space<vmem>>, vector<256x1xf32>
    %add3A_18 = arith.addf %get3A_14, %get3A_17 : vector<256x1xf32>
    %gt3A = arith.constant 0.000000e+00 : f32
    %gt3A_19 = vector.broadcast %gt3A : f32 to vector<256x1xf32>
    %gt3A_20 = arith.cmpf ogt, %add3A_18, %gt3A_19 : vector<256x1xf32>
    %mul3A = arith.constant 2.000000e-01 : f32
    %mul3A_21 = vector.broadcast %mul3A : f32 to vector<256x1xf32>
    %mul3A_22 = arith.mulf %add3A_18, %mul3A_21 : vector<256x1xf32>
    %select_n3A = arith.select %gt3A_20, %add3A_18, %mul3A_22 : vector<256x1xi1>, vector<256x1xf32>
    %exp3A = math.exp %select_n3A : vector<256x1xf32>
    %slice3A = vector.extract_strided_slice %add3A {offsets = [0, 0], sizes = [256, 16], strides = [1, 1]} : vector<256x32xf32> to vector<256x16xf32>
    %mul3A_23 = vector.broadcast %exp3A : vector<256x1xf32> to vector<256x16xf32>
    %mul3A_24 = arith.mulf %mul3A_23, %get3A_11 : vector<256x16xf32>
    %add3A_25 = arith.addf %slice3A, %mul3A_24 : vector<256x16xf32>
    %slice3A_26 = vector.extract_strided_slice %add3A {offsets = [0, 16], sizes = [256, 1], strides = [1, 1]} : vector<256x32xf32> to vector<256x1xf32>
    %add3A_27 = arith.addf %slice3A_26, %exp3A : vector<256x1xf32>
    %div3A = vector.broadcast %add3A_27 : vector<256x1xf32> to vector<256x16xf32>
    %div3A_28 = arith.divf %add3A_25, %div3A : vector<256x16xf32>
    %get3A_29 = arith.constant 0 : index
    %get3A_30 = arith.constant 0 : index
    %get3A_31 = vector.load %arg4[%get3A_29, %get3A_30] : memref<1x16xf32, #tpu.memory_space<vmem>>, vector<1x16xf32>
    %add3A_32 = vector.broadcast %get3A_31 : vector<1x16xf32> to vector<256x16xf32>
    %add3A_33 = arith.addf %div3A_28, %add3A_32 : vector<256x16xf32>
    %reduce_max3A = arith.constant dense<0xFF800000> : vector<256xf32>
    %reduce_max3A_34 = vector.multi_reduction <maximumf>, %add3A_33, %reduce_max3A [1] : vector<256x16xf32> to vector<256xf32>
    %broadcast_in_dim3A = vector.shape_cast %reduce_max3A_34 : vector<256xf32> to vector<256x1xf32>
    %sub3A = vector.broadcast %broadcast_in_dim3A : vector<256x1xf32> to vector<256x16xf32>
    %sub3A_35 = arith.subf %add3A_33, %sub3A : vector<256x16xf32>
    %exp3A_36 = math.exp %sub3A_35 : vector<256x16xf32>
    %reduce_sum3A = arith.constant dense<0.000000e+00> : vector<256xf32>
    %reduce_sum3A_37 = vector.multi_reduction <add>, %exp3A_36, %reduce_sum3A [1] : vector<256x16xf32> to vector<256xf32>
    %broadcast_in_dim3A_38 = vector.shape_cast %reduce_sum3A_37 : vector<256xf32> to vector<256x1xf32>
    %log3A = math.log %broadcast_in_dim3A_38 : vector<256x1xf32>
    %add3A_39 = arith.addf %log3A, %broadcast_in_dim3A : vector<256x1xf32>
    %sub3A_40 = vector.broadcast %add3A_39 : vector<256x1xf32> to vector<256x16xf32>
    %sub3A_41 = arith.subf %add3A_33, %sub3A_40 : vector<256x16xf32>
    %swap3A = arith.constant 0 : index
    %swap3A_42 = arith.constant 0 : index
    %swap3A_43 = vector.load %arg5[%swap3A, %swap3A_42] : memref<256x16xf32, #tpu.memory_space<vmem>>, vector<256x16xf32>
    tpu.vector_store %arg5[%swap3A, %swap3A_42], %sub3A_41 {strides = array<i32>} : memref<256x16xf32, #tpu.memory_space<vmem>>, vector<256x16xf32>,
    return
  }
  func.func @transform_0(%arg0: i32) -> (i32, i32, i32) {
    %c0_i32 = arith.constant 0 : i32
    %c0_i32_0 = arith.constant 0 : i32
    %c0_i32_1 = arith.constant 0 : i32
    return %c0_i32, %arg0, %c0_i32_0 : i32, i32, i32
  }
  func.func @transform_1(%arg0: i32) -> (i32, i32) {
    %c0_i32 = arith.constant 0 : i32
    %c0_i32_0 = arith.constant 0 : i32
    return %arg0, %c0_i32 : i32, i32
  }
  func.func @transform_2(%arg0: i32) -> (i32, i32) {
    %c0_i32 = arith.constant 0 : i32
    %c0_i32_0 = arith.constant 0 : i32
    return %arg0, %c0_i32 : i32, i32
  }
  func.func @transform_3(%arg0: i32) -> (i32, i32) {
    %c0_i32 = arith.constant 0 : i32
    %c0_i32_0 = arith.constant 0 : i32
    %c0_i32_1 = arith.constant 0 : i32
    return %c0_i32, %c0_i32_0 : i32, i32
  }
  func.func @transform_4(%arg0: i32) -> (i32, i32) {
    %c0_i32 = arith.constant 0 : i32
    %c0_i32_0 = arith.constant 0 : i32
    return %arg0, %c0_i32 : i32, i32
  }
}

</mosaic_0001>

<sc_bundles>
// kernel: kernel.10.cloned.1.call-start
scs
__scs_entry_jumppad:
0x0: {  	(pc) =	sbr.rel $0x88, $3  }
0x1: {  	(tag) =	ssettag $0x0;
	lr =	simm.s32 $0x1  }
0x2: {  	[smem:$0x3F97] =	sst lr;
	_ =	strace $0xD0000000  }
0x3: {  	_ = 	snop  }
0x4: {  	_ = 	snop  }
0x5: {  	_ = 	snop  }
0x6: {  	_ = 	snop  }
0x7: {  	_ = 	snop  }
__scs_overlays_trampoline_lowered:
0x8: {  	[smem:$0x3FA6] =	sst s0  }
0x9: {  	[smem:$0x3FA7] =	sst s1  }
0xa: {  	[smem:$0x3FA8] =	sst s2  }
0xb: {  	[smem:$0x3FA9] =	sst s3  }
0xc: {  	[smem:$0x3FAA] =	sst s4  }
0xd: {  	[smem:$0x3FAB] =	sst s5  }
0xe: {  	[smem:$0x3FAC] =	sst s6  }
0xf: {  	[smem:$0x3FAD] =	sst s7  }
0x10: {  	[smem:$0x3FAE] =	sst s8  }
0x11: {  	[smem:$0x3FAF] =	sst s9;
	s0 =	simm.s32 @!p0 $0x0  }
0x12: {  	s1 =	sld [smem:$0x3F95];
	s0 =	simm.s32 @p0 $0x1  }
0x13: {  	[smem:$0x3FB0] =	sst s0;
	s0 =	simm.s32 @!p1 $0x0  }
0x14: {  	s2 =	sld [smem:$0x3F94];
	s0 =	simm.s32 @p1 $0x1  }
0x15: {  	[smem:$0x3FB1] =	sst s0;
	s0 =	simm.s32 @!p2 $0x0  }
0x16: {  	s3 =	sld [smem:$0x3FDB];
	s0 =	simm.s32 @p2 $0x1  }
0x17: {  	s4 =	simm.s32 $0x1BF5;
	[smem:$0x3FB3] =	sst s0  }
0x18: {  	s0 =	sld [smem:$0x3F96];
	_ =	swait.ge [sflag:s4], $0x0  }
0x19: {  	s7 =	sld [smem:$0x3F97]  }
0x1a: {  	s8 =	sadd.s32 $0xFFFFE003, lr  }
0x1b: {  	s9 =	sadd.s32 $0xFFFFFEF7, lr;
	s5 =	simm.s32 $0xFFFFFFFF;
	p2 =	slt.u32 s8, $0xFFFFF086  }
0x1c: {  	p1 =	slt.u32 s9, $0xF7A;
	s5 =	simm.s32 @!p2 $0x0  }
0x1d: {  	s5 =	simm.s32 @p1 $0x1;
	p0 =	seq.s32 s7, s2  }
0x1e: {  	s7 =	smul.u32 @!p0 $0xF7A, s2;
	p2 =	seq.s32 @!p0 s5, $0x0  }
0x1f: {  	s9 =	smul.u32 $0xF7A, s1;
	s8 =	simm.s32 @!p0 $0x1BF5;
	p2 =	por !p2, p0  }
0x20: {  	[sflag:s8] =	ssyncset.s32 @!p0 $0xFFFFF086;
	s6 =	sadd.s32 @!p0 s3, s7;
	s7 =	simm.s32 @!p0 $0x108  }
0x21: {  	s3 =	sadd.s32 s3, s9;
	s6 =	sadd.s32 @!p0 $0x88, s6;
	s7 =	simm.s32 @p2 $0x1082  }
0x22: {  	[simem:s7], [sflag:s8] =	dma.local @!p0 [hbm:s6], $0xF7A  }
0x23: {  	s9 =	sor.u32 $0xD0000000, s2;
	s6 =	simm.s32 $0x108;
	_ =	swait.ge @!p0 [sflag:s8], $0x0  }
0x24: {  	s3 =	sadd.s32 $0x88, s3;
	s6 =	simm.s32 @!p1 $0x1082;
	[sflag:s4] =	ssyncset.s32 $0xFFFFF086  }
0x25: {  	[simem:s6], [sflag:s4] =	dma.local [hbm:s3], $0xF7A  }
0x26: {  	[smem:$0x3F97] =	sst s1;
	(tag) =	ssettag s2;
	_ =	strace s9  }
0x27: {  	s1 =	sld [smem:$0x3FA7]  }
0x28: {  	s2 =	sld [smem:$0x3FA8]  }
0x29: {  	s4 =	sld [smem:$0x3FAA]  }
0x2a: {  	p0 =	seq.s32 s5, $0x0;
	s5 =	sld [smem:$0x3FAB]  }
0x2b: {  	s6 =	sld [smem:$0x3FAC]  }
0x2c: {  	s7 =	sld [smem:$0x3FAD]  }
0x2d: {  	s3 =	simm.s32 $0x108;
	s8 =	sld [smem:$0x3FAE]  }
0x2e: {  	s3 =	simm.s32 @!p0 $0x1082;
	s9 =	sld [smem:$0x3FAF]  }
0x2f: {  	lr =	sadd.s32 s0, s3;
	s0 =	sld [smem:$0x3FA6]  }
0x30: {  	s3 =	sld [smem:$0x3FA9]  }
0x31: {  	[smem:$0x3FB2] =	sst s10  }
0x32: {  	s10 =	sld [smem:$0x3FB0];
	_ =	sdelay $0x3  }
0x33: {  	p0 =	seq.s32 s10, $0x1;
	s10 =	sld [smem:$0x3FB2];
	_ =	sdelay $0x3  }
0x34: {  	[smem:$0x3FB2] =	sst s10  }
0x35: {  	s10 =	sld [smem:$0x3FB1];
	_ =	sdelay $0x3  }
0x36: {  	p1 =	seq.s32 s10, $0x1;
	s10 =	sld [smem:$0x3FB2];
	_ =	sdelay $0x3  }
0x37: {  	[smem:$0x3FB2] =	sst s10  }
0x38: {  	s10 =	sld [smem:$0x3FB3]  }
0x39: {  	_ = 	snop;
	(pc) =	sbr.ind lr, $3  }
0x3a: {  	_ = 	snop  }
0x3b: {  	_ = 	snop  }
0x3c: {  	p2 =	seq.s32 s10, $0x1;
	s10 =	sld [smem:$0x3FB2]  }
0x3d: {  	_ =	shalt  }
0x3e: {  	_ =	shalt  }
0x3f: {  	_ =	shalt  }
0x40: {  	_ =	shalt  }
0x41: {  	_ =	shalt  }
0x42: {  	_ =	shalt  }
0x43: {  	_ =	shalt  }
0x44: {  	_ =	shalt  }
0x45: {  	_ =	shalt  }
0x46: {  	_ =	shalt  }
0x47: {  	_ =	shalt  }
0x48: {  	_ =	shalt  }
0x49: {  	_ =	shalt  }
0x4a: {  	_ =	shalt  }
0x4b: {  	_ =	shalt  }
0x4c: {  	_ =	shalt  }
0x4d: {  	_ =	shalt  }
0x4e: {  	_ =	shalt  }
0x4f: {  	_ =	shalt  }
0x50: {  	_ =	shalt  }
0x51: {  	_ =	shalt  }
0x52: {  	_ =	shalt  }
0x53: {  	_ =	shalt  }
0x54: {  	_ =	shalt  }
0x55: {  	_ =	shalt  }
0x56: {  	_ =	shalt  }
0x57: {  	_ =	shalt  }
0x58: {  	_ =	shalt  }
0x59: {  	_ =	shalt  }
0x5a: {  	_ =	shalt  }
0x5b: {  	_ =	shalt  }
0x5c: {  	_ =	shalt  }
0x5d: {  	_ =	shalt  }
0x5e: {  	_ =	shalt  }
0x5f: {  	_ =	shalt  }
0x60: {  	_ =	shalt  }
0x61: {  	_ =	shalt  }
0x62: {  	_ =	shalt  }
0x63: {  	_ =	shalt  }
0x64: {  	_ =	shalt  }
0x65: {  	_ =	shalt  }
0x66: {  	_ =	shalt  }
0x67: {  	_ =	shalt  }
0x68: {  	_ =	shalt  }
0x69: {  	_ =	shalt  }
0x6a: {  	_ =	shalt  }
0x6b: {  	_ =	shalt  }
0x6c: {  	_ =	shalt  }
0x6d: {  	_ =	shalt  }
0x6e: {  	_ =	shalt  }
0x6f: {  	_ =	shalt  }
0x70: {  	_ =	shalt  }
0x71: {  	_ =	shalt  }
0x72: {  	_ =	shalt  }
0x73: {  	_ =	shalt  }
0x74: {  	_ =	shalt  }
0x75: {  	_ =	shalt  }
0x76: {  	_ =	shalt  }
0x77: {  	_ =	shalt  }
0x78: {  	_ =	shalt  }
0x79: {  	_ =	shalt  }
0x7a: {  	_ =	shalt  }
0x7b: {  	_ =	shalt  }
0x7c: {  	_ =	shalt  }
0x7d: {  	_ =	shalt  }
0x7e: {  	_ =	shalt  }
0x7f: {  	_ =	shalt  }
0x80: {  	_ =	shalt  }
0x81: {  	_ =	shalt  }
0x82: {  	_ =	shalt  }
0x83: {  	_ =	shalt  }
0x84: {  	_ =	shalt  }
0x85: {  	_ =	shalt  }
0x86: {  	_ =	shalt  }
0x87: {  	_ =	shalt  }
.Lfunc_end0:
.L_simem_size_0:
called_computation.1_lowered:
.L_overlay_start_0:
0x88: {  	s2 =	sld [smem:$0x3FD9]  }
0x89: {  	s3 =	sld [smem:$0x3FFE];
	_ =	sdelay $0x1  }
0x8a: {  	s1 =	srdreg.scid  }
0x8b: {  	s0 =	sand.u32 $0x1, s1  }
0x8c: {  	s16 =	sshll.u32 s0, $0xA;
	s2 =	sadd.s32 s3, s2  }
0x8d: {  	s2 =	sadd.s32 s2, s16  }
0x8e: {  	[smem:$0x3FBE] =	sst s2  }
0x8f: {  	_ = 	snop  }
0x90: {  	(tm) =	ssettm $0x1  }
0x91: {  	s17 =	sld [smem:$0x3FFB];
	_ =	sdelay $0x3  }
0x92: {  	_ =	strace s17  }
0x93: {  	s2 =	sld [smem:$0x3FFC];
	_ =	sdelay $0x3  }
0x94: {  	_ =	strace s2  }
0x95: {  	s2 =	sld [smem:$0x3FFD];
	_ =	sdelay $0x3  }
0x96: {  	_ =	strace s2  }
0x97: {  	_ =	strace $0x8FFFFFFF  }
0x98: {  	s18 =	sld [smem:$0x3FDB];
	_ =	sdelay $0x1  }
0x99: {  	s19 =	simm.s32 $_scs_section_size  }
0x9a: {  	s4 =	simm.s32 $_size__tile_overlayer_lowered;
	s5 =	simm.s32 $_tile_overlayer_lowered  }
0x9b: {  	s22 =	simm.s32 $0x1BFF;
	s21 =	sshll.u32 s5, $0x1;
	s2 =	sadd.s32 s19, s18  }
0x9c: {  	s6 =	simm.s32 $0x0;
	s20 =	sshll.u32 s4, $0x1;
	s4 =	sadd.s32 s21, s2  }
0x9d: {  	[timem:s6], [sflag:s22] =	dma.local [hbm:s4], s20  }
0x9e: {  	_ =	swait.ge [sflag:s22], s20  }
0x9f: {  	s3 =	ssub.s32 $0x0, s20;
	[sflag:s22] =	ssyncset.done $0x0  }
0xa0: {  	[sflag:s22] =	ssyncadd.s32 s3;
	_ =	sdelay $0x1  }
0xa1: {  	s23 =	simm.s32 $0x1B8B  }
0xa2: {  	_ =	swait.ge [sflag:s23], $0x1  }
0xa3: {  	[sflag:s23] =	ssyncset.done $0x0  }
0xa4: {  	s25 =	simm.s32 $0x1B8E;
	s24 =	sld [smem:$0x3FFE];
	[sflag:s23] =	ssyncadd.s32 $0xFFFFFFFF  }
0xa5: {  	s26 =	simm.s32 $execute0_lowered;
	[smem:$0x3FD2] =	sst s25  }
0xa6: {  	s4 =	sshll.u32 s26, $0x1;
	_ =	strace $0x80000049;
	[dreg:$0x1] =	wrdreg $0xFFFFFFFF  }
0xa7: {  	s28 =	simm.s32 $_size_execute0_lowered;
	s2 =	sadd.s32 s2, s4;
	[dreg:$0x0] =	wrdreg $0x0  }
0xa8: {  	s4 =	sshll.u32 s28, $0x1;
	[dreg:$0x2] =	wrdreg s2  }
0xa9: {  	[dreg:$0x3] =	wrdreg s4  }
0xaa: {  	[dreg:$0x4] =	wrdreg $0xC0  }
0xab: {  	_ =	task [dreg:s6], $0x5FFFF  }
0xac: {  	[dreg:$0x1] =	wrdreg $0xFFFFFFFF  }
0xad: {  	[dreg:$0x0] =	wrdreg $0x60  }
0xae: {  	[dreg:$0x2] =	wrdreg s24  }
0xaf: {  	[dreg:$0x3] =	wrdreg $0x0  }
0xb0: {  	[dreg:$0x4] =	wrdreg $0x9  }
0xb1: {  	_ =	task.clear_ibuf [dreg:s6], $0x5FFFF;
	_ =	strace $0x90000049  }
0xb2: {  	s29 =	simm.s32 $0x9;
	_ =	strace $0x8000004B  }
0xb3: {  	_ =	swait.ge [sflag:s29], $0x1  }
0xb4: {  	[sflag:s29] =	ssyncadd.s32 $0xFFFFFFFF  }
0xb5: {  	_ =	strace $0x9000004B  }
0xb6: {  	_ =	sfence  }
0xb7: {  	s30 =	sld [smem:$0x0];
	_ =	sdelay $0x2  }
0xb8: {  	s31 =	sshll.u32 s1, $0xD;
	s1 =	sshrl.u32 s1, $0x2  }
0xb9: {  	s3 =	sand.u32 $0x4000, s31;
	s1 =	sadd.s32 s1, s30  }
0xba: {  	s0 =	sor.u32 s3, s0;
	s1 =	sshll.u32 s1, $0x11  }
0xbb: {  	s0 =	sor.u32 s1, s0  }
0xbc: {  	s0 =	sadd.s32 $0x8F2B, s0  }
0xbd: {  	[sflag:s0] =	ssyncadd.remote.s32 $0x1  }
0xbe: {  	_ =	sfence.sel $0xFFFF  }
0xbf: {  	[dreg:$0x0] =	wrdreg $0xFFFFFFFF;
	(pc) =	sbr.abs _section_cstart, $3  }
0xc0: {  	[dreg:$0x1] =	wrdreg $0xFFFFFFFF  }
0xc1: {  	_ =	task.clear_ibuf [dreg:s6], $0x2FFFF;
	_ =	strace $0x9FFFFFFF  }
0xc2: {  	(tm) =	ssettm $0x7FFFFFFF  }
0xc3: {  	_ =	shalt  }
tec
execute0_lowered:
.L_overlay_start_1:
0x0: {  	(tag) =	ssettag $0x1  }
0x1: {  	s0 =	rddreg [dreg:$0x0]  }
0x2: {  	s2 =	rddreg [dreg:$0x1]  }
0x3: {  	s1 =	srdreg.scid;
	s8 =	stileid.u32;
	s3 =	simm.s32 $0x0  }
0x4: {  	s19 =	simm.s32 $0xD200;
	s20 =	simm.s32 $0x7;
	s28 =	simm.s32 $0xB200  }
0x5: {  	s30 =	simm.s32 $0xCA00;
	s31 =	simm.s32 $0x1;
	s29 =	simm.s32 $0xE200  }
0x6: {  	s1 =	sand.u32 $0x1, s1;
	s4 =	sshll.u32 s8, $0x1;
	[smem:$0x7FF] =	sst s3  }
0x7: {  	s11 =	smul.u32 $0x5000, s8;
	s5 =	sor.u32 s1, s4;
	_ =	strace $0x8000004A  }
0x8: {  	s4 =	sadd.s32 $0x42C00, s0;
	s7 =	ssub.s32 $0x2, s1;
	s1 =	smul.u32 $0x50000, s1  }
0x9: {  	s6 =	smul.u32 $0x500, s5;
	s5 =	sadd.s32 $0x3DC00, s0;
	s21 =	sshrl.u32 s7, $0x1  }
0xa: {  	s14 =	sadd.s32 $0x1000, s11;
	s15 =	sadd.s32 $0x2000, s11;
	s16 =	sadd.s32 $0x3000, s11  }
0xb: {  	s17 =	sadd.s32 $0x4000, s11;
	s13 =	ssub.s32 s7, s21;
	s7 =	sadd.s32 s14, s2  }
0xc: {  	s8 =	sadd.s32 s15, s2;
	s9 =	sadd.s32 s16, s2;
	s10 =	sadd.s32 s17, s2  }
0xd: {  	s14 =	sadd.s32 s1, s14;
	s23 =	sadd.s32 s1, s15;
	s24 =	sadd.s32 s1, s16  }
0xe: {  	s12 =	sadd.s32 s6, s0;
	s0 =	sadd.s32 $0x4CC00, s0;
	s6 =	sadd.s32 s11, s2  }
0xf: {  	s11 =	sadd.s32 s11, s1;
	s22 =	sshrl.u32 s14, $0x3;
	s1 =	sadd.s32 s1, s17  }
0x10: {  	s26 =	smax.u32 s13, $0x1;
	s13 =	simm.s32 $0x0;
	s18 =	sadd.s32 $0xBC00, s12  }
0x11: {  	s11 =	sshrl.u32 s11, $0x3;
	s12 =	sadd.s32 $0x1C00, s12;
	[dreg:$0xa] =	wrdreg s26  }
0x12: {  	s1 =	sshrl.u32 s1, $0x3;
	s26 =	simm.s32 $0x4;
	[dreg:$0x3] =	wrdreg s18  }
0x13: {  	[dreg:$0x4] =	wrdreg s12;
	s11 =	sadd.s32 s0, s11;
	s12 =	sshrl.u32 s24, $0x3  }
0x14: {  	s24 =	simm.s32 $0xA200;
	[dreg:$0x5] =	wrdreg s11;
	s11 =	sadd.s32 s0, s22  }
0x15: {  	s25 =	sadd.s32 s0, s12;
	[dreg:$0x6] =	wrdreg s11;
	s11 =	sshrl.u32 s23, $0x3  }
0x16: {  	[dreg:$0x8] =	wrdreg s25;
	s23 =	simm.s32 $0x80;
	s11 =	sadd.s32 s0, s11  }
0x17: {  	s25 =	simm.s32 $0xC200;
	s0 =	sadd.s32 s0, s1;
	[dreg:$0x7] =	wrdreg s11  }
0x18: {  	v0 =	vimm.f32 $0.0e+00;
	v1 =	vimm.s32 $0x0;
	vm0 =	vmmov $0x1;
	s1 =	simm.s32 $0x2;
	[dreg:$0x9] =	wrdreg s0;
	s0 =	simm.s32 $0x3  }
.LBB2_1:
0x19: {  	s11 =	simm.s32 $0x80;
	s12 =	simm.s32 $0x0  }
.LBB2_2:
0x1a: {  	p0 =	sne.s32 s11, $0x3F80;
	[tilespmem:s12+$0xD200] =	vst v0;
	s14 =	smov.u32 s11;
	s11 =	sadd.s32 $0x80, s11  }
.Ltmp0:
0x1b: {  	[tilespmem:s12+$0xD210] =	vst v0;
	(pc) =	sbr.rel @p0 .LBB2_2-.Ltmp0, $2  }
0x1c: {  	_ =	sdelay $0x2  }
0x1d: {  	s12 =	sshra.s32 s14, $0x2  }
0x1e: {  	[tilespmem:s12+$0xD200] =	vst v0  }
0x1f: {  	[tilespmem:s12+$0xD210] =	vst v0  }
0x20: {  	[spmem:s6] =	stream.linear.scatter [tilespmem:s19], [sflag:$0x7], $0x1000, $0x38;
	[tilespmem:$0xF200] =	vst v63  }
0x21: {  	_ =	swait.ge [sflag:s20], $0x1000  }
0x22: {  	[sflag:s20] =	ssyncset.done $0x0  }
0x23: {  	[sflag:s20] =	ssyncadd.s32 $0xFFFFF000  }
0x24: {  	[spmem:s7] =	stream.linear.scatter [tilespmem:s19], [sflag:$0x7], $0x1000, $0x38;
	[tilespmem:$0xF200] =	vst v63  }
0x25: {  	_ =	swait.ge [sflag:s20], $0x1000  }
0x26: {  	[sflag:s20] =	ssyncset.done $0x0  }
0x27: {  	[sflag:s20] =	ssyncadd.s32 $0xFFFFF000  }
0x28: {  	[spmem:s8] =	stream.linear.scatter [tilespmem:s19], [sflag:$0x7], $0x1000, $0x38;
	[tilespmem:$0xF200] =	vst v63  }
0x29: {  	_ =	swait.ge [sflag:s20], $0x1000  }
0x2a: {  	[sflag:s20] =	ssyncset.done $0x0  }
0x2b: {  	[sflag:s20] =	ssyncadd.s32 $0xFFFFF000  }
0x2c: {  	[spmem:s9] =	stream.linear.scatter [tilespmem:s19], [sflag:$0x7], $0x1000, $0x38;
	[tilespmem:$0xF200] =	vst v63  }
0x2d: {  	_ =	swait.ge [sflag:s20], $0x1000  }
0x2e: {  	[sflag:s20] =	ssyncset.done $0x0  }
0x2f: {  	[sflag:s20] =	ssyncadd.s32 $0xFFFFF000  }
0x30: {  	[spmem:s10] =	stream.linear.scatter [tilespmem:s19], [sflag:$0x7], $0x1000, $0x38;
	[tilespmem:$0xF200] =	vst v63  }
0x31: {  	_ =	swait.ge [sflag:s20], $0x1000  }
0x32: {  	[sflag:s20] =	ssyncset.done $0x0  }
0x33: {  	[sflag:s20] =	ssyncadd.s32 $0xFFFFF000  }
0x34: {  	[bflag:$0x0] =	sbarrier.arrive $0xFFFF  }
0x35: {  	s14 =	simm.s32 $0x0;
	s17 =	simm.s32 $0x5000;
	s11 =	rddreg [dreg:$0x3]  }
0x36: {  	[tilespmem:s17], [sflag:$0x7] =	stream.linear.gather [hbm4b:s11+s14], $0x2800, $0x38;
	[tilespmem:$0xF200] =	vst v63  }
0x37: {  	_ =	swait.ge [sflag:s20], $0x2800  }
0x38: {  	[sflag:s20] =	ssyncset.done $0x0  }
0x39: {  	s15 =	simm.s32 $0x7900;
	s18 =	rddreg [dreg:$0x4];
	[sflag:s20] =	ssyncadd.s32 $0xFFFFD800  }
0x3a: {  	[tilespmem:s15], [sflag:$0x7] =	stream.linear.gather [hbm4b:s18+s14], $0x2800, $0x38;
	[tilespmem:$0xF200] =	vst v63  }
0x3b: {  	_ =	swait.ge [sflag:s20], $0x2800  }
0x3c: {  	[sflag:s20] =	ssyncset.done $0x0  }
0x3d: {  	[sflag:s20] =	ssyncadd.s32 $0xFFFFD800  }
0x3e: {  	[tilespmem:$0x7800] =	vst v1  }
0x3f: {  	[tilespmem:$0xA100] =	vst v1  }
0x40: {  	[tilespmem:$0x7810] =	vst v1  }
0x41: {  	[tilespmem:$0xA110] =	vst v1  }
0x42: {  	[tilespmem:$0x7820] =	vst v1  }
0x43: {  	[tilespmem:$0xA120] =	vst v1  }
0x44: {  	[tilespmem:$0x7830] =	vst v1  }
0x45: {  	[tilespmem:$0xA130] =	vst v1  }
0x46: {  	[tilespmem:$0x7840] =	vst v1  }
0x47: {  	[tilespmem:$0xA140] =	vst v1  }
0x48: {  	[tilespmem:$0x7850] =	vst v1  }
0x49: {  	[tilespmem:$0xA150] =	vst v1  }
0x4a: {  	[tilespmem:$0x7860] =	vst v1  }
0x4b: {  	[tilespmem:$0xA160] =	vst v1  }
0x4c: {  	[tilespmem:$0x7870] =	vst v1  }
0x4d: {  	[tilespmem:$0xA170] =	vst v1  }
0x4e: {  	[tilespmem:$0x7880] =	vst v1  }
0x4f: {  	[tilespmem:$0xA180] =	vst v1  }
0x50: {  	[tilespmem:$0x7890] =	vst v1  }
0x51: {  	[tilespmem:$0xA190] =	vst v1  }
0x52: {  	[tilespmem:$0x78A0] =	vst v1  }
0x53: {  	[tilespmem:$0xA1A0] =	vst v1  }
0x54: {  	[tilespmem:$0x78B0] =	vst v1  }
0x55: {  	[tilespmem:$0xA1B0] =	vst v1  }
0x56: {  	[tilespmem:$0x78C0] =	vst v1  }
0x57: {  	[tilespmem:$0xA1C0] =	vst v1  }
0x58: {  	[tilespmem:$0x78D0] =	vst v1  }
0x59: {  	[tilespmem:$0xA1D0] =	vst v1  }
0x5a: {  	[tilespmem:$0x78E0] =	vst v1  }
0x5b: {  	[tilespmem:$0xA1E0] =	vst v1  }
0x5c: {  	[tilespmem:$0x78F0] =	vst v1  }
0x5d: {  	[tilespmem:$0xA1F0] =	vst v1  }
0x5e: {  	[tilespmem:s24], [sflag:$0x1] =	stream.indirect.gather [hbm4b:s4+s23], $0x20, s17, s23, $0xb8;
	[tilespmem:$0xF200] =	vst v63  }
0x5f: {  	_ = 	snop  }
0x60: {  	[tilespmem:s25], [sflag:$0x3] =	stream.indirect.gather [hbm4b:s5+s23], $0x10, s15, s23, $0xb8;
	[tilespmem:$0xF200] =	vst v63  }
0x61: {  	s21 =	simm.s32 $0x5080  }
0x62: {  	[tilespmem:s28], [sflag:$0x2] =	stream.indirect.gather [hbm4b:s4+s23], $0x20, s21, s23, $0xb8;
	[tilespmem:$0xF200] =	vst v63  }
0x63: {  	s22 =	simm.s32 $0x7980  }
0x64: {  	[tilespmem:s30], [sflag:$0x4] =	stream.indirect.gather [hbm4b:s5+s23], $0x10, s22, s23, $0xb8;
	[tilespmem:$0xF200] =	vst v63  }
.LBB2_4:
0x65: {  	_ =	swait.ge [sflag:s31], $0x1000  }
0x66: {  	[sflag:s31] =	ssyncset.done $0x0  }
0x67: {  	[sflag:s31] =	ssyncadd.s32 $0xFFFFF000  }
0x68: {  	_ =	swait.ge [sflag:s0], $0x800  }
0x69: {  	p0 =	seq.s32 s14, $0x0;
	[sflag:s0] =	ssyncset.done $0x0  }
0x6a: {  	s11 =	simm.s32 @!p0 $0x5;
	[sflag:s0] =	ssyncadd.s32 $0xFFFFF800  }
0x6b: {  	_ =	swait.ge @!p0 [sflag:s11], $0x1000  }
0x6c: {  	[sflag:s11] =	ssyncset.done @!p0 $0x0  }
0x6d: {  	s12 =	simm.s32 $0xA240;
	[sflag:s11] =	ssyncadd.s32 @!p0 $0xFFFFF000  }
0x6e: {  	s21 =	simm.s32 $0xC220;
	v2 =	vld [tilespmem:s12+$0x30]  }
0x6f: {  	v3 =	vld [tilespmem:s21+$0x10]  }
0x70: {  	v4 =	vld [tilespmem:s21+$0xFFFFFFE0]  }
0x71: {  	v5 =	vld [tilespmem:s12+$0xFFFFFFF0]  }
0x72: {  	v6 =	vld [tilespmem:s21+$0xFFFFFFF0]  }
0x73: {  	v7 =	vld [tilespmem:s12+$0x10]  }
0x74: {  	v8 =	vld [tilespmem:s21+$0x0];
	v2 =	vadd.f32 v3, v2  }
0x75: {  	v3 =	vld [tilespmem:s12+$0xFFFFFFD0]  }
0x76: {  	s15 =	simm.s32 $0xC260;
	v15 =	vld [tilespmem:s12+$0xFFFFFFC0];
	v9 =	vmul.f32 $2.000000030e-01, v2  }
0x77: {  	s22 =	simm.s32 $0xA2C0;
	v10 =	vld [tilespmem:s15+$0x10];
	vm1 =	vgt.f32 v2, $0.0e+00  }
0x78: {  	v12 =	vld [tilespmem:s22+$0x10];
	v2 =	vsel vm1, v2, v9  }
0x79: {  	v13 =	vld [tilespmem:s15+$0x0];
	v6 =	vadd.f32 v6, v5;
	v2 =	vmul.f32 $1.442695020e+00, v2  }
0x7a: {  	v9 =	vld [tilespmem:s22+$0x30];
	v3 =	vadd.f32 v4, v3  }
0x7b: {  	v16 =	vld [tilespmem:s12+$0xFFFFFFE0];
	v4 =	vmul.f32 $2.000000030e-01, v6;
	(erf) = vpow2.f32 v2  }
0x7c: {  	v11 =	vld [tilespmem:s15+$0xFFFFFFE0];
	v7 =	vadd.f32 v8, v7;
	vm1 =	vgt.f32 v6, $0.0e+00;
	v2 =	vmul.f32 $2.000000030e-01, v3  }
0x7d: {  	v8 =	vld [tilespmem:s22+$0xFFFFFFF0];
	vm2 =	vgt.f32 v3, $0.0e+00;
	v4 =	vsel vm1, v6, v4  }
0x7e: {  	s21 =	simm.s32 $0xA340;
	v6 =	vld [tilespmem:s15+$0xFFFFFFF0];
	v2 =	vsel vm2, v3, v2;
	v3 =	vmul.f32 $1.442695020e+00, v4;
	v4 =	vmul.f32 $2.000000030e-01, v7  }
0x7f: {  	v12 =	vadd.f32 v13, v12;
	v13 =	vld [tilespmem:s21+$0x30];
	vm1 =	vgt.f32 v7, $0.0e+00;
	v9 =	vadd.f32 v10, v9  }
0x80: {  	s15 =	simm.s32 $0xC2A0;
	v2 =	vmul.f32 $1.442695020e+00, v2;
	(erf) = vpow2.f32 v3;
	v3 =	vsel vm1, v7, v4;
	v7 =	vld [tilespmem:s22+$0xFFFFFFD0]  }
0x81: {  	v18 =	vmul.f32 $2.000000030e-01, v12;
	v17 =	vld [tilespmem:s15+$0x10];
	v10 =	vmul.f32 $2.000000030e-01, v9  }
0x82: {  	v14 =	vld [tilespmem:s12+$0x20];
	vm2 =	vgt.f32 v12, $0.0e+00;
	vm1 =	vgt.f32 v9, $0.0e+00;
	(erf) = vpow2.f32 v2  }
0x83: {  	v19 =	vld [tilespmem:s21+$0xFFFFFFF0];
	v2 =	vmul.f32 $1.442695020e+00, v3;
	v6 =	vadd.f32 v6, v8;
	v8 =	vsel vm1, v9, v10  }
0x84: {  	v5 =	vld [tilespmem:s12+$0x0];
	v12 =	vsel vm2, v12, v18;
	v8 =	vmul.f32 $1.442695020e+00, v8;
	v9 =	vpop (erf)  }
0x85: {  	v20 =	vld [tilespmem:s15+$0xFFFFFFF0];
	(erf) = vpow2.f32 v2;
	v7 =	vadd.f32 v11, v7;
	v10 =	vperm.xlane v9, v1  }
0x86: {  	v22 =	vld [tilespmem:s15+$0x0];
	v17 =	vadd.f32 v17, v13;
	v11 =	vmul.f32 $2.000000030e-01, v6;
	(erf) = vpow2.f32 v8  }
0x87: {  	v18 =	vld [tilespmem:s21+$0x10];
	vm1 =	vgt.f32 v6, $0.0e+00;
	v10 =	vmul.f32 v14, v10;
	v14 =	vmul.f32 $2.000000030e-01, v7  }
0x88: {  	v4 =	vld [tilespmem:s22+$0xFFFFFFE0];
	v12 =	vmul.f32 $1.442695020e+00, v12;
	vm3 =	vgt.f32 v7, $0.0e+00;
	v6 =	vsel vm1, v6, v11  }
0x89: {  	v3 =	vld [tilespmem:s22+$0xFFFFFFC0];
	v25 =	vmul.f32 $2.000000030e-01, v17;
	v6 =	vmul.f32 $1.442695020e+00, v6;
	v7 =	vsel vm3, v7, v14  }
0x8a: {  	v13 =	vadd.f32 v20, v19;
	v2 =	vld [tilespmem:s22+$0x0];
	vm1 =	vgt.f32 v17, $0.0e+00;
	v11 =	vpop (erf);
	v7 =	vmul.f32 $1.442695020e+00, v7  }
0x8b: {  	s16 =	simm.s32 $0xD240;
	v8 =	vld [tilespmem:s15+$0xFFFFFFE0];
	v9 =	vnsel vm0, $0x0, v9;
	v19 =	vsel vm1, v17, v25;
	(erf) = vpow2.f32 v6;
	v14 =	vpop (erf)  }
0x8c: {  	[tilespmem:s16+$0x30] =	vst v9;
	v21 =	vnsel vm0, $0x0, v14;
	v23 =	vperm.xlane v14, v1;
	v14 =	vld [tilespmem:s21+$0xFFFFFFD0];
	(erf) = vpow2.f32 v7  }
0x8d: {  	[tilespmem:s16+$0x20] =	vst v10;
	v24 =	vnsel vm0, $0x0, v11;
	v7 =	vperm.xlane v11, v1;
	v11 =	vld [tilespmem:s22+$0x20];
	(erf) = vpow2.f32 v12  }
0x8e: {  	v9 =	vld [tilespmem:s21+$0xFFFFFFC0];
	v19 =	vmul.f32 $1.442695020e+00, v19;
	[tilespmem:s16+$0xFFFFFFF0] =	vst v24;
	v6 =	vpop (erf)  }
0x8f: {  	v26 =	vnsel vm0, $0x0, v6;
	[tilespmem:s16+$0xFFFFFFD0] =	vst v21;
	v10 =	vperm.xlane v6, v1;
	v6 =	vld [tilespmem:s21+$0xFFFFFFE0];
	v12 =	vpop (erf);
	v17 =	vmul.f32 v15, v23  }
0x90: {  	s18 =	simm.s32 $0x8;
	s17 =	simm.s32 $0xD240;
	s11 =	simm.s32 $0xA3C0;
	v16 =	vmul.f32 v16, v7;
	[tilespmem:s16+$0x10] =	vst v26;
	v15 =	vadd.f32 v22, v18;
	v7 =	vld [tilespmem:s21+$0x0];
	v18 =	vperm.xlane v12, v1  }
.LBB2_5:
0x91: {  	v20 =	vld [tilespmem:s11+$0x30];
	v14 =	vadd.f32 v8, v14;
	vm1 =	vgt.f32 v13, $0.0e+00;
	v21 =	vmul.f32 $2.000000030e-01, v13;
	s15 =	sadd.s32 $0x40, s15;
	[tilespmem:s16+$0xFFFFFFC0] =	vst v17  }
0x92: {  	s18 =	sadd.s32 $0x4, s18;
	v17 =	vld [tilespmem:s15+$0x10];
	vm2 =	vgt.f32 v15, $0.0e+00;
	(erf) = vpow2.f32 v19;
	v18 =	vmul.f32 v11, v18;
	[tilespmem:s16+$0xFFFFFFE0] =	vst v16  }
0x93: {  	p1 =	slt.u32 s18, $0x7C;
	v23 =	vmul.f32 $2.000000030e-01, v15;
	s16 =	sadd.s32 $0x80, s16;
	v8 =	vld [tilespmem:s15+$0xFFFFFFE0];
	vm3 =	vgt.f32 v14, $0.0e+00;
	v16 =	vmul.f32 $2.000000030e-01, v14;
	v22 =	vmovc v9  }
0x94: {  	v5 =	vmul.f32 v5, v10;
	v9 =	vsel vm1, v13, v21;
	v21 =	vnsel vm0, $0x0, v12;
	v19 =	vld [tilespmem:s11+$0xFFFFFFF0];
	[tilespmem:s16+$0x20] =	vst v18;
	v12 =	vpop (erf)  }
0x95: {  	v9 =	vmul.f32 $1.442695020e+00, v9;
	v10 =	vld [tilespmem:s15+$0xFFFFFFF0];
	v13 =	vsel vm3, v14, v16;
	v14 =	vsel vm2, v15, v23;
	[tilespmem:s16+$0x30] =	vst v21;
	v11 =	vpop (erf)  }
0x96: {  	v15 =	vld [tilespmem:s11+$0x10];
	v13 =	vmul.f32 $1.442695020e+00, v13;
	v16 =	vmul.f32 $1.442695020e+00, v14;
	v14 =	vnsel vm0, $0x0, v11;
	v18 =	vpop (erf);
	[tilespmem:s17+$0x0] =	vst v5;
	s17 =	smov.u32 s16  }
0x97: {  	v23 =	vmovc v6;
	v21 =	vld [tilespmem:s15+$0x0];
	v17 =	vadd.f32 v17, v20;
	(erf) = vpow2.f32 v9;
	v20 =	vperm.xlane v11, v1;
	[tilespmem:s16+$0xFFFFFFD0] =	vst v14  }
.Ltmp1:
0x98: {  	v24 =	vperm.xlane v12, v1;
	v6 =	vnsel vm0, $0x0, v12;
	v5 =	vmovc v2;
	v2 =	vmovc v7;
	v14 =	vld [tilespmem:s11+$0xFFFFFFD0];
	(erf) = vpow2.f32 v13;
	(pc) =	sbr.rel @p1 .LBB2_5-.Ltmp1, $4  }
0x99: {  	v7 =	vmul.f32 $2.000000030e-01, v17;
	v11 =	vld [tilespmem:s21+$0x20];
	(erf) = vpow2.f32 v16;
	[tilespmem:s16+$0xFFFFFFF0] =	vst v6;
	v6 =	vnsel vm0, $0x0, v18;
	s21 =	smov.u32 s11  }
0x9a: {  	vm1 =	vgt.f32 v17, $0.0e+00;
	v9 =	vld [tilespmem:s11+$0xFFFFFFC0];
	v13 =	vadd.f32 v10, v19;
	v10 =	vperm.xlane v18, v1;
	[tilespmem:s16+$0x10] =	vst v6  }
0x9b: {  	v16 =	vmul.f32 v4, v24;
	v6 =	vld [tilespmem:s11+$0xFFFFFFE0];
	v18 =	vsel vm1, v17, v7;
	v12 =	vpop (erf);
	v17 =	vmul.f32 v3, v20  }
0x9c: {  	v4 =	vmovc v23;
	s11 =	sadd.s32 $0x80, s11;
	v3 =	vmovc v22;
	v15 =	vadd.f32 v21, v15;
	v7 =	vld [tilespmem:s21+$0x0];
	v19 =	vmul.f32 $1.442695020e+00, v18;
	v18 =	vperm.xlane v12, v1  }
0x9d: {  	v8 =	vadd.f32 v8, v14;
	_ =	sdelay $0x1  }
0x9e: {  	(erf) = vpow2.f32 v19;
	v19 =	vmul.f32 $2.000000030e-01, v8  }
0x9f: {  	v14 =	vmul.f32 $2.000000030e-01, v13;
	vm2 =	vgt.f32 v8, $0.0e+00  }
0xa0: {  	vm1 =	vgt.f32 v13, $0.0e+00;
	v8 =	vsel vm2, v8, v19  }
0xa1: {  	v11 =	vmul.f32 v11, v18;
	v13 =	vsel vm1, v13, v14;
	v8 =	vmul.f32 $1.442695020e+00, v8  }
0xa2: {  	v14 =	vmul.f32 $2.000000030e-01, v15;
	v13 =	vmul.f32 $1.442695020e+00, v13  }
0xa3: {  	s11 =	sadd.s32 $0x80, s16;
	v5 =	vmul.f32 v5, v10;
	vm1 =	vgt.f32 v15, $0.0e+00  }
0xa4: {  	[tilespmem:s11+$0x20] =	vst v11;
	v11 =	vnsel vm0, $0x0, v12;
	v12 =	vpop (erf);
	v10 =	vsel vm1, v15, v14;
	(erf) = vpow2.f32 v13  }
0xa5: {  	[tilespmem:s11+$0x30] =	vst v11;
	v11 =	vld [tilespmem:s21+$0x20];
	v10 =	vmul.f32 $1.442695020e+00, v10;
	(erf) = vpow2.f32 v8;
	v8 =	vpop (erf)  }
0xa6: {  	[tilespmem:s17+$0x0] =	vst v5;
	v13 =	vnsel vm0, $0x0, v8;
	v14 =	vpop (erf);
	v5 =	vperm.xlane v8, v1  }
0xa7: {  	[tilespmem:s16+$0xFFFFFFC0] =	vst v17;
	(erf) = vpow2.f32 v10;
	v8 =	vperm.xlane v12, v1;
	v10 =	vnsel vm0, $0x0, v12;
	v12 =	vpop (erf)  }
0xa8: {  	[tilespmem:s16+$0xFFFFFFE0] =	vst v16;
	v3 =	vmul.f32 v3, v5;
	v5 =	vperm.xlane v12, v1  }
0xa9: {  	[tilespmem:s11+$0xFFFFFFD0] =	vst v13  }
0xaa: {  	v4 =	vmul.f32 v4, v8;
	[tilespmem:s11+$0xFFFFFFC0] =	vst v3;
	v3 =	vmul.f32 v11, v5  }
0xab: {  	s12 =	sadd.s32 $0x80, s11;
	[tilespmem:s11+$0xFFFFFFF0] =	vst v10  }
0xac: {  	v10 =	vnsel vm0, $0x0, v14;
	v8 =	vperm.xlane v14, v1;
	[tilespmem:s12+$0x20] =	vst v3;
	v3 =	vnsel vm0, $0x0, v12  }
0xad: {  	[tilespmem:s11+$0x10] =	vst v10  }
0xae: {  	[tilespmem:s11+$0xFFFFFFE0] =	vst v4;
	v2 =	vmul.f32 v2, v8;
	v4 =	vpop (erf)  }
0xaf: {  	[tilespmem:s12+$0x30] =	vst v3;
	v3 =	vpop (erf)  }
0xb0: {  	[tilespmem:s11+$0x0] =	vst v2;
	v5 =	vnsel vm0, $0x0, v3;
	v2 =	vperm.xlane v3, v1  }
0xb1: {  	v3 =	vpop (erf);
	[tilespmem:s12+$0xFFFFFFD0] =	vst v5;
	v5 =	vperm.xlane v4, v1;
	v4 =	vnsel vm0, $0x0, v4  }
0xb2: {  	[tilespmem:s12+$0xFFFFFFF0] =	vst v4;
	v4 =	vnsel vm0, $0x0, v3;
	v3 =	vperm.xlane v3, v1;
	v2 =	vmul.f32 v9, v2  }
0xb3: {  	[tilespmem:s12+$0x10] =	vst v4;
	v4 =	vmul.f32 v6, v5  }
0xb4: {  	[tilespmem:s12+$0xFFFFFFC0] =	vst v2;
	v2 =	vmul.f32 v7, v3  }
0xb5: {  	s21 =	sshll.u32 s14, $0x8;
	[tilespmem:s12+$0xFFFFFFE0] =	vst v4  }
0xb6: {  	s22 =	sadd.s32 $0x5100, s21;
	[tilespmem:s12+$0x0] =	vst v2  }
0xb7: {  	[tilespmem:s24], [sflag:$0x1] =	stream.indirect.gather [hbm4b:s4+s23], $0x20, s22, s23, $0xb8;
	[tilespmem:$0xF200] =	vst v63  }
0xb8: {  	s12 =	sadd.s32 $0x7A00, s21;
	s22 =	sand.u32 $0x3FFFFF00, s21  }
0xb9: {  	[tilespmem:s25], [sflag:$0x3] =	stream.indirect.gather [hbm4b:s5+s23], $0x10, s12, s23, $0xb8;
	[tilespmem:$0xF200] =	vst v63  }
0xba: {  	s15 =	sadd.s32 $0x7900, s22  }
0xbb: {  	[spmem:s2] =	stream.indirect.scatter.add.f32 [tilespmem:s19], [sflag:$0x5], $0x20, s15, s23, $0xb8;
	[tilespmem:$0xF200] =	vst v63  }
0xbc: {  	_ =	swait.ge [sflag:s1], $0x1000  }
0xbd: {  	[sflag:s1] =	ssyncset.done $0x0  }
0xbe: {  	[sflag:s1] =	ssyncadd.s32 $0xFFFFF000  }
0xbf: {  	_ =	swait.ge [sflag:s26], $0x800  }
0xc0: {  	[sflag:s26] =	ssyncset.done $0x0  }
0xc1: {  	s11 =	simm.s32 @!p0 $0x6;
	[sflag:s26] =	ssyncadd.s32 $0xFFFFF800  }
0xc2: {  	_ =	swait.ge @!p0 [sflag:s11], $0x1000  }
0xc3: {  	[sflag:s11] =	ssyncset.done @!p0 $0x0  }
0xc4: {  	s16 =	simm.s32 $0xB240;
	[sflag:s11] =	ssyncadd.s32 @!p0 $0xFFFFF000  }
0xc5: {  	s17 =	simm.s32 $0xCA20;
	v2 =	vld [tilespmem:s16+$0x30]  }
0xc6: {  	v3 =	vld [tilespmem:s17+$0x10]  }
0xc7: {  	v4 =	vld [tilespmem:s17+$0xFFFFFFE0]  }
0xc8: {  	v5 =	vld [tilespmem:s16+$0xFFFFFFF0]  }
0xc9: {  	v6 =	vld [tilespmem:s17+$0xFFFFFFF0]  }
0xca: {  	v7 =	vld [tilespmem:s16+$0x10]  }
0xcb: {  	v8 =	vld [tilespmem:s17+$0x0]  }
0xcc: {  	v15 =	vld [tilespmem:s16+$0xFFFFFFC0]  }
0xcd: {  	v16 =	vld [tilespmem:s16+$0xFFFFFFE0];
	v2 =	vadd.f32 v3, v2  }
0xce: {  	s15 =	simm.s32 $0xCA60;
	v3 =	vld [tilespmem:s16+$0xFFFFFFD0]  }
0xcf: {  	v10 =	vld [tilespmem:s15+$0x10];
	v9 =	vmul.f32 $2.000000030e-01, v2  }
0xd0: {  	s18 =	simm.s32 $0xB2C0;
	v11 =	vld [tilespmem:s15+$0xFFFFFFE0];
	vm1 =	vgt.f32 v2, $0.0e+00  }
0xd1: {  	v12 =	vld [tilespmem:s18+$0x10];
	v2 =	vsel vm1, v2, v9  }
0xd2: {  	v13 =	vld [tilespmem:s15+$0x0];
	v6 =	vadd.f32 v6, v5;
	v2 =	vmul.f32 $1.442695020e+00, v2  }
0xd3: {  	v9 =	vld [tilespmem:s18+$0x30];
	v3 =	vadd.f32 v4, v3  }
0xd4: {  	v14 =	vld [tilespmem:s16+$0x20];
	v4 =	vmul.f32 $2.000000030e-01, v6;
	(erf) = vpow2.f32 v2  }
0xd5: {  	v5 =	vld [tilespmem:s16+$0x0];
	v7 =	vadd.f32 v8, v7;
	vm1 =	vgt.f32 v6, $0.0e+00;
	v2 =	vmul.f32 $2.000000030e-01, v3  }
0xd6: {  	v8 =	vld [tilespmem:s18+$0xFFFFFFF0];
	vm2 =	vgt.f32 v3, $0.0e+00;
	v4 =	vsel vm1, v6, v4  }
0xd7: {  	s16 =	simm.s32 $0xCAA0;
	v6 =	vld [tilespmem:s15+$0xFFFFFFF0];
	v2 =	vsel vm2, v3, v2;
	v3 =	vmul.f32 $1.442695020e+00, v4;
	v4 =	vmul.f32 $2.000000030e-01, v7  }
0xd8: {  	v12 =	vadd.f32 v13, v12;
	v17 =	vld [tilespmem:s16+$0x10];
	vm1 =	vgt.f32 v7, $0.0e+00;
	v9 =	vadd.f32 v10, v9  }
0xd9: {  	s15 =	simm.s32 $0xB340;
	v2 =	vmul.f32 $1.442695020e+00, v2;
	(erf) = vpow2.f32 v3;
	v3 =	vsel vm1, v7, v4;
	v7 =	vld [tilespmem:s18+$0xFFFFFFD0]  }
0xda: {  	v18 =	vmul.f32 $2.000000030e-01, v12;
	v13 =	vld [tilespmem:s15+$0x30];
	v10 =	vmul.f32 $2.000000030e-01, v9  }
0xdb: {  	vm2 =	vgt.f32 v12, $0.0e+00;
	vm1 =	vgt.f32 v9, $0.0e+00;
	(erf) = vpow2.f32 v2  }
0xdc: {  	v2 =	vmul.f32 $1.442695020e+00, v3;
	v6 =	vadd.f32 v6, v8;
	v8 =	vsel vm1, v9, v10  }
0xdd: {  	v20 =	vld [tilespmem:s16+$0xFFFFFFF0];
	v12 =	vsel vm2, v12, v18;
	v8 =	vmul.f32 $1.442695020e+00, v8;
	v9 =	vpop (erf)  }
0xde: {  	v19 =	vld [tilespmem:s15+$0xFFFFFFF0];
	(erf) = vpow2.f32 v2;
	v7 =	vadd.f32 v11, v7;
	v10 =	vperm.xlane v9, v1  }
0xdf: {  	v22 =	vld [tilespmem:s16+$0x0];
	v17 =	vadd.f32 v17, v13;
	v11 =	vmul.f32 $2.000000030e-01, v6;
	(erf) = vpow2.f32 v8  }
0xe0: {  	v18 =	vld [tilespmem:s15+$0x10];
	vm1 =	vgt.f32 v6, $0.0e+00;
	v10 =	vmul.f32 v14, v10;
	v14 =	vmul.f32 $2.000000030e-01, v7  }
0xe1: {  	v4 =	vld [tilespmem:s18+$0xFFFFFFE0];
	v12 =	vmul.f32 $1.442695020e+00, v12;
	vm3 =	vgt.f32 v7, $0.0e+00;
	v6 =	vsel vm1, v6, v11  }
0xe2: {  	v3 =	vld [tilespmem:s18+$0xFFFFFFC0];
	v25 =	vmul.f32 $2.000000030e-01, v17;
	v6 =	vmul.f32 $1.442695020e+00, v6;
	v7 =	vsel vm3, v7, v14  }
0xe3: {  	v13 =	vadd.f32 v20, v19;
	v2 =	vld [tilespmem:s18+$0x0];
	vm1 =	vgt.f32 v17, $0.0e+00;
	v11 =	vpop (erf);
	v7 =	vmul.f32 $1.442695020e+00, v7  }
0xe4: {  	s17 =	simm.s32 $0xE240;
	v8 =	vld [tilespmem:s16+$0xFFFFFFE0];
	v9 =	vnsel vm0, $0x0, v9;
	v19 =	vsel vm1, v17, v25;
	(erf) = vpow2.f32 v6;
	v14 =	vpop (erf)  }
0xe5: {  	[tilespmem:s17+$0x30] =	vst v9;
	v21 =	vnsel vm0, $0x0, v14;
	v23 =	vperm.xlane v14, v1;
	v14 =	vld [tilespmem:s15+$0xFFFFFFD0];
	(erf) = vpow2.f32 v7  }
0xe6: {  	[tilespmem:s17+$0x20] =	vst v10;
	v24 =	vnsel vm0, $0x0, v11;
	v7 =	vperm.xlane v11, v1;
	v11 =	vld [tilespmem:s18+$0x20];
	(erf) = vpow2.f32 v12  }
0xe7: {  	v9 =	vld [tilespmem:s15+$0xFFFFFFC0];
	v19 =	vmul.f32 $1.442695020e+00, v19;
	[tilespmem:s17+$0xFFFFFFF0] =	vst v24;
	v6 =	vpop (erf)  }
0xe8: {  	v26 =	vnsel vm0, $0x0, v6;
	[tilespmem:s17+$0xFFFFFFD0] =	vst v21;
	v10 =	vperm.xlane v6, v1;
	v6 =	vld [tilespmem:s15+$0xFFFFFFE0];
	v12 =	vpop (erf);
	v17 =	vmul.f32 v15, v23  }
0xe9: {  	s12 =	simm.s32 $0xB3C0;
	s11 =	simm.s32 $0x8;
	s18 =	simm.s32 $0xE240;
	v16 =	vmul.f32 v16, v7;
	[tilespmem:s17+$0x10] =	vst v26;
	v15 =	vadd.f32 v22, v18;
	v7 =	vld [tilespmem:s15+$0x0];
	v18 =	vperm.xlane v12, v1  }
.LBB2_7:
0xea: {  	v20 =	vld [tilespmem:s12+$0x30];
	v14 =	vadd.f32 v8, v14;
	vm1 =	vgt.f32 v13, $0.0e+00;
	v21 =	vmul.f32 $2.000000030e-01, v13;
	s16 =	sadd.s32 $0x40, s16;
	[tilespmem:s17+$0xFFFFFFC0] =	vst v17  }
0xeb: {  	s11 =	sadd.s32 $0x4, s11;
	v17 =	vld [tilespmem:s16+$0x10];
	vm2 =	vgt.f32 v15, $0.0e+00;
	(erf) = vpow2.f32 v19;
	v18 =	vmul.f32 v11, v18;
	[tilespmem:s17+$0xFFFFFFE0] =	vst v16  }
0xec: {  	p0 =	slt.u32 s11, $0x7C;
	v23 =	vmul.f32 $2.000000030e-01, v15;
	s17 =	sadd.s32 $0x80, s17;
	v8 =	vld [tilespmem:s16+$0xFFFFFFE0];
	vm3 =	vgt.f32 v14, $0.0e+00;
	v16 =	vmul.f32 $2.000000030e-01, v14;
	v22 =	vmovc v9  }
0xed: {  	v5 =	vmul.f32 v5, v10;
	v9 =	vsel vm1, v13, v21;
	v21 =	vnsel vm0, $0x0, v12;
	v19 =	vld [tilespmem:s12+$0xFFFFFFF0];
	[tilespmem:s17+$0x20] =	vst v18;
	v12 =	vpop (erf)  }
0xee: {  	v9 =	vmul.f32 $1.442695020e+00, v9;
	v10 =	vld [tilespmem:s16+$0xFFFFFFF0];
	v13 =	vsel vm3, v14, v16;
	v14 =	vsel vm2, v15, v23;
	[tilespmem:s17+$0x30] =	vst v21;
	v11 =	vpop (erf)  }
0xef: {  	v15 =	vld [tilespmem:s12+$0x10];
	v13 =	vmul.f32 $1.442695020e+00, v13;
	v16 =	vmul.f32 $1.442695020e+00, v14;
	v14 =	vnsel vm0, $0x0, v11;
	v18 =	vpop (erf);
	[tilespmem:s18+$0x0] =	vst v5;
	s18 =	smov.u32 s17  }
0xf0: {  	v23 =	vmovc v6;
	v21 =	vld [tilespmem:s16+$0x0];
	v17 =	vadd.f32 v17, v20;
	(erf) = vpow2.f32 v9;
	v20 =	vperm.xlane v11, v1;
	[tilespmem:s17+$0xFFFFFFD0] =	vst v14  }
.Ltmp2:
0xf1: {  	v24 =	vperm.xlane v12, v1;
	v6 =	vnsel vm0, $0x0, v12;
	v5 =	vmovc v2;
	v2 =	vmovc v7;
	v14 =	vld [tilespmem:s12+$0xFFFFFFD0];
	(erf) = vpow2.f32 v13;
	(pc) =	sbr.rel @p0 .LBB2_7-.Ltmp2, $4  }
0xf2: {  	v7 =	vmul.f32 $2.000000030e-01, v17;
	v11 =	vld [tilespmem:s15+$0x20];
	(erf) = vpow2.f32 v16;
	[tilespmem:s17+$0xFFFFFFF0] =	vst v6;
	v6 =	vnsel vm0, $0x0, v18;
	s15 =	smov.u32 s12  }
0xf3: {  	vm1 =	vgt.f32 v17, $0.0e+00;
	v9 =	vld [tilespmem:s12+$0xFFFFFFC0];
	v13 =	vadd.f32 v10, v19;
	v10 =	vperm.xlane v18, v1;
	[tilespmem:s17+$0x10] =	vst v6  }
0xf4: {  	v16 =	vmul.f32 v4, v24;
	v6 =	vld [tilespmem:s12+$0xFFFFFFE0];
	v18 =	vsel vm1, v17, v7;
	v12 =	vpop (erf);
	v17 =	vmul.f32 v3, v20  }
0xf5: {  	v4 =	vmovc v23;
	s12 =	sadd.s32 $0x80, s12;
	v3 =	vmovc v22;
	v15 =	vadd.f32 v21, v15;
	v7 =	vld [tilespmem:s15+$0x0];
	v19 =	vmul.f32 $1.442695020e+00, v18;
	v18 =	vperm.xlane v12, v1  }
0xf6: {  	_ = 	snop  }
0xf7: {  	(erf) = vpow2.f32 v19  }
0xf8: {  	v8 =	vadd.f32 v8, v14;
	v42 =	vmul.f32 $2.000000030e-01, v13  }
0xf9: {  	vm1 =	vgt.f32 v13, $0.0e+00  }
0xfa: {  	v43 =	vmul.f32 $2.000000030e-01, v8;
	v13 =	vsel vm1, v13, v42  }
0xfb: {  	v5 =	vmul.f32 v5, v10;
	vm1 =	vgt.f32 v8, $0.0e+00;
	v13 =	vmul.f32 $1.442695020e+00, v13  }
0xfc: {  	v46 =	vnsel vm0, $0x0, v12;
	v44 =	vmul.f32 $2.000000030e-01, v15;
	v47 =	vpop (erf);
	v8 =	vsel vm1, v8, v43  }
0xfd: {  	[tilespmem:s17+$0xFFFFFFC0] =	vst v17;
	vm1 =	vgt.f32 v15, $0.0e+00;
	v48 =	vpop (erf);
	v8 =	vmul.f32 $1.442695020e+00, v8;
	(erf) = vpow2.f32 v13  }
0xfe: {  	[tilespmem:s17+$0xFFFFFFE0] =	vst v16;
	s11 =	sadd.s32 $0x80, s17;
	v49 =	vld [tilespmem:s15+$0x20];
	v11 =	vmul.f32 v11, v18;
	v45 =	vsel vm1, v15, v44;
	v52 =	vperm.xlane v48, v1  }
0xff: {  	[tilespmem:s11+$0x30] =	vst v46;
	v51 =	vpop (erf);
	v10 =	vmul.f32 $1.442695020e+00, v45;
	(erf) = vpow2.f32 v8  }
0x100: {  	[tilespmem:s18+$0x0] =	vst v5;
	v3 =	vmul.f32 v3, v52;
	v55 =	vpop (erf)  }
0x101: {  	[tilespmem:s11+$0x20] =	vst v11;
	v54 =	vnsel vm0, $0x0, v47;
	(erf) = vpow2.f32 v10;
	v57 =	vperm.xlane v55, v1  }
0x102: {  	[tilespmem:s11+$0xFFFFFFF0] =	vst v54  }
0x103: {  	v53 =	vperm.xlane v47, v1;
	v50 =	vnsel vm0, $0x0, v48;
	[tilespmem:s11+$0xFFFFFFC0] =	vst v3;
	v3 =	vmul.f32 v49, v57  }
0x104: {  	s12 =	sadd.s32 $0x80, s11;
	[tilespmem:s11+$0xFFFFFFD0] =	vst v50;
	v56 =	vnsel vm0, $0x0, v51  }
0x105: {  	v4 =	vmul.f32 v4, v53;
	v58 =	vperm.xlane v51, v1;
	[tilespmem:s12+$0x20] =	vst v3;
	v3 =	vnsel vm0, $0x0, v55  }
0x106: {  	[tilespmem:s11+$0x10] =	vst v56;
	v59 =	vpop (erf)  }
0x107: {  	[tilespmem:s11+$0xFFFFFFE0] =	vst v4;
	v2 =	vmul.f32 v2, v58;
	v61 =	vperm.xlane v59, v1  }
0x108: {  	[tilespmem:s12+$0x30] =	vst v3;
	v3 =	vpop (erf)  }
0x109: {  	[tilespmem:s11+$0x0] =	vst v2;
	v4 =	vnsel vm0, $0x0, v59;
	v63 =	vmul.f32 v6, v61;
	v2 =	vperm.xlane v3, v1  }
0x10a: {  	[tilespmem:s12+$0xFFFFFFF0] =	vst v4;
	v60 =	vnsel vm0, $0x0, v3;
	v3 =	vpop (erf)  }
0x10b: {  	[tilespmem:s12+$0xFFFFFFE0] =	vst v63;
	v62 =	vnsel vm0, $0x0, v3;
	v3 =	vperm.xlane v3, v1;
	v2 =	vmul.f32 v9, v2  }
0x10c: {  	[tilespmem:s12+$0xFFFFFFD0] =	vst v60  }
0x10d: {  	[tilespmem:s12+$0xFFFFFFC0] =	vst v2;
	v2 =	vmul.f32 v7, v3  }
0x10e: {  	s14 =	sadd.s32 $0x1, s14;
	[tilespmem:s12+$0x10] =	vst v62  }
0x10f: {  	p0 =	sne.s32 s14, $0x28;
	s18 =	sadd.s32 $0x5180, s21;
	[tilespmem:s12+$0x0] =	vst v2  }
0x110: {  	[tilespmem:s28], [sflag:$0x2] =	stream.indirect.gather [hbm4b:s4+s23], $0x20, s18, s23, $0xb8;
	[tilespmem:$0xF200] =	vst v63  }
.Ltmp3:
0x111: {  	_ = 	snop;
	(pc) =	sbr.rel @p0 .LBB2_4-.Ltmp3, $4  }
0x112: {  	s21 =	sadd.s32 $0x7A80, s21  }
0x113: {  	[tilespmem:s30], [sflag:$0x4] =	stream.indirect.gather [hbm4b:s5+s23], $0x10, s21, s23, $0xb8;
	[tilespmem:$0xF200] =	vst v63  }
0x114: {  	s22 =	sadd.s32 $0x7980, s22  }
0x115: {  	[spmem:s2] =	stream.indirect.scatter.add.f32 [tilespmem:s29], [sflag:$0x6], $0x20, s22, s23, $0xb8;
	[tilespmem:$0xF200] =	vst v63  }
0x116: {  	_ =	swait.ge [sflag:s31], $0x1000  }
0x117: {  	[sflag:s31] =	ssyncset.done $0x0  }
0x118: {  	[sflag:s31] =	ssyncadd.s32 $0xFFFFF000  }
0x119: {  	_ =	swait.ge [sflag:s0], $0x800  }
0x11a: {  	[sflag:s0] =	ssyncset.done $0x0  }
0x11b: {  	s11 =	simm.s32 $0x5;
	[sflag:s0] =	ssyncadd.s32 $0xFFFFF800  }
0x11c: {  	_ =	swait.ge [sflag:s11], $0x1000  }
0x11d: {  	[sflag:s11] =	ssyncset.done $0x0  }
0x11e: {  	[sflag:s11] =	ssyncadd.s32 $0xFFFFF000  }
0x11f: {  	_ =	swait.ge [sflag:s1], $0x1000  }
0x120: {  	[sflag:s1] =	ssyncset.done $0x0  }
0x121: {  	[sflag:s1] =	ssyncadd.s32 $0xFFFFF000  }
0x122: {  	_ =	swait.ge [sflag:s26], $0x800  }
0x123: {  	[sflag:s26] =	ssyncset.done $0x0  }
0x124: {  	s14 =	simm.s32 $0x6;
	[sflag:s26] =	ssyncadd.s32 $0xFFFFF800  }
0x125: {  	_ =	swait.ge [sflag:s14], $0x1000  }
0x126: {  	[sflag:s14] =	ssyncset.done $0x0  }
0x127: {  	[sflag:s14] =	ssyncadd.s32 $0xFFFFF000  }
0x128: {  	[bflag:$0x0] =	sbarrier.arrive $0xFFFF  }
0x129: {  	[tilespmem:s19], [sflag:$0x7] =	stream.linear.gather [spmem:s6], $0x1000, $0x38;
	[tilespmem:$0xF200] =	vst v63  }
0x12a: {  	_ =	swait.ge [sflag:s20], $0x1000  }
0x12b: {  	[sflag:s20] =	ssyncset.done $0x0  }
0x12c: {  	s15 =	rddreg [dreg:$0x5];
	[sflag:s20] =	ssyncadd.s32 $0xFFFFF000  }
0x12d: {  	[hbm4b:s15+s3] =	stream.linear.scatter [tilespmem:s19], [sflag:$0x7], $0x1000, $0x38;
	[tilespmem:$0xF200] =	vst v63  }
0x12e: {  	_ =	swait.ge [sflag:s20], $0x1000  }
0x12f: {  	[sflag:s20] =	ssyncset.done $0x0  }
0x130: {  	[sflag:s20] =	ssyncadd.s32 $0xFFFFF000  }
0x131: {  	[tilespmem:s19], [sflag:$0x7] =	stream.linear.gather [spmem:s7], $0x1000, $0x38;
	[tilespmem:$0xF200] =	vst v63  }
0x132: {  	_ =	swait.ge [sflag:s20], $0x1000  }
0x133: {  	[sflag:s20] =	ssyncset.done $0x0  }
0x134: {  	s16 =	rddreg [dreg:$0x6];
	[sflag:s20] =	ssyncadd.s32 $0xFFFFF000  }
0x135: {  	[hbm4b:s16+s3] =	stream.linear.scatter [tilespmem:s19], [sflag:$0x7], $0x1000, $0x38;
	[tilespmem:$0xF200] =	vst v63  }
0x136: {  	_ =	swait.ge [sflag:s20], $0x1000  }
0x137: {  	[sflag:s20] =	ssyncset.done $0x0  }
0x138: {  	[sflag:s20] =	ssyncadd.s32 $0xFFFFF000  }
0x139: {  	[tilespmem:s19], [sflag:$0x7] =	stream.linear.gather [spmem:s8], $0x1000, $0x38;
	[tilespmem:$0xF200] =	vst v63  }
0x13a: {  	_ =	swait.ge [sflag:s20], $0x1000  }
0x13b: {  	[sflag:s20] =	ssyncset.done $0x0  }
0x13c: {  	s17 =	rddreg [dreg:$0x7];
	[sflag:s20] =	ssyncadd.s32 $0xFFFFF000  }
0x13d: {  	[hbm4b:s17+s3] =	stream.linear.scatter [tilespmem:s19], [sflag:$0x7], $0x1000, $0x38;
	[tilespmem:$0xF200] =	vst v63  }
0x13e: {  	_ =	swait.ge [sflag:s20], $0x1000  }
0x13f: {  	[sflag:s20] =	ssyncset.done $0x0  }
0x140: {  	[sflag:s20] =	ssyncadd.s32 $0xFFFFF000  }
0x141: {  	[tilespmem:s19], [sflag:$0x7] =	stream.linear.gather [spmem:s9], $0x1000, $0x38;
	[tilespmem:$0xF200] =	vst v63  }
0x142: {  	_ =	swait.ge [sflag:s20], $0x1000  }
0x143: {  	[sflag:s20] =	ssyncset.done $0x0  }
0x144: {  	s18 =	rddreg [dreg:$0x8];
	[sflag:s20] =	ssyncadd.s32 $0xFFFFF000  }
0x145: {  	[hbm4b:s18+s3] =	stream.linear.scatter [tilespmem:s19], [sflag:$0x7], $0x1000, $0x38;
	[tilespmem:$0xF200] =	vst v63  }
0x146: {  	_ =	swait.ge [sflag:s20], $0x1000  }
0x147: {  	[sflag:s20] =	ssyncset.done $0x0  }
0x148: {  	[sflag:s20] =	ssyncadd.s32 $0xFFFFF000  }
0x149: {  	[tilespmem:s19], [sflag:$0x7] =	stream.linear.gather [spmem:s10], $0x1000, $0x38;
	[tilespmem:$0xF200] =	vst v63  }
0x14a: {  	_ =	swait.ge [sflag:s20], $0x1000  }
0x14b: {  	[sflag:s20] =	ssyncset.done $0x0  }
0x14c: {  	s21 =	rddreg [dreg:$0x9];
	[sflag:s20] =	ssyncadd.s32 $0xFFFFF000  }
0x14d: {  	[hbm4b:s21+s3] =	stream.linear.scatter [tilespmem:s19], [sflag:$0x7], $0x1000, $0x38;
	[tilespmem:$0xF200] =	vst v63  }
0x14e: {  	_ =	swait.ge [sflag:s20], $0x1000  }
0x14f: {  	s13 =	sadd.s32 $0x1, s13;
	s22 =	rddreg [dreg:$0xa]  }
0x150: {  	p0 =	sne.s32 s13, s22  }
.Ltmp4:
0x151: {  	_ = 	snop;
	(pc) =	sbr.rel @p0 .LBB2_1-.Ltmp4, $3  }
0x152: {  	_ =	sdelay $0x1  }
0x153: {  	[sflag:s20] =	ssyncset.done $0x0  }
0x154: {  	[sflag:s20] =	ssyncadd.s32 $0xFFFFF000  }
0x155: {  	_ =	sfence.sel $0x180000  }
0x156: {  	[bflag:$0x0] =	sbarrier.arrive $0xFFFF  }
0x157: {  	_ =	strace $0x9000004A  }
0x158: {  	s0 =	stileid.u32;
	[bflag:$0x2] =	sbarrier.arrive $0xFFFF  }
0x159: {  	p0 =	sne.s32 s0, $0x0;
	s0 =	rddreg [dreg:$0x2]  }
0x15a: {  	s0 =	sadd.s32 @!p0 $0x100000, s0  }
0x15b: {  	[sflag:s0] =	ssyncadd.tile.s32 @!p0 $0x1;
	_ =	shalt  }
.Lfunc_end2:
_tile_overlayer_lowered:
.L_overlay_start_2:
0x15c: {  	(tag) =	ssettag $0x2  }
0x15d: {  	s0 =	rddreg [dreg:$0x0];
	s2 =	stileid.u32  }
0x15e: {  	s1 =	rddreg [dreg:$0x1];
	p0 =	sne.s32 s2, $0x0  }
0x15f: {  	s3 =	rddreg [dreg:$0x2];
	[bflag:$0x3] =	sbarrier.arrive $0xFFFF;
	s2 =	simm.s32 @!p0 $0x1C07  }
0x160: {  	[timem:s3], [sflag:s2] =	dma.local @!p0 [hbm:s0], s1  }
0x161: {  	s0 =	simm.s32 @!p0 $0x7  }
0x162: {  	_ =	swait.ge @!p0 [sflag:s0], s1  }
0x163: {  	s1 =	ssub.s32 @!p0 $0x0, s1;
	[sflag:s0] =	ssyncset.done @!p0 $0x0  }
0x164: {  	[sflag:s0] =	ssyncadd.s32 @!p0 s1  }
0x165: {  	[bflag:$0x3] =	sbarrier.arrive $0xFFFF  }
0x166: {  	_ =	shalt  }

// kernel: kernel.7.cloned.1.call-start
scs
__scs_entry_jumppad:
0x0: {  	(pc) =	sbr.rel $0x88, $3  }
0x1: {  	(tag) =	ssettag $0x0;
	lr =	simm.s32 $0x1  }
0x2: {  	[smem:$0x3F97] =	sst lr;
	_ =	strace $0xD0000000  }
0x3: {  	_ = 	snop  }
0x4: {  	_ = 	snop  }
0x5: {  	_ = 	snop  }
0x6: {  	_ = 	snop  }
0x7: {  	_ = 	snop  }
__scs_overlays_trampoline_lowered:
0x8: {  	[smem:$0x3FA6] =	sst s0  }
0x9: {  	[smem:$0x3FA7] =	sst s1  }
0xa: {  	[smem:$0x3FA8] =	sst s2  }
0xb: {  	[smem:$0x3FA9] =	sst s3  }
0xc: {  	[smem:$0x3FAA] =	sst s4  }
0xd: {  	[smem:$0x3FAB] =	sst s5  }
0xe: {  	[smem:$0x3FAC] =	sst s6  }
0xf: {  	[smem:$0x3FAD] =	sst s7  }
0x10: {  	[smem:$0x3FAE] =	sst s8  }
0x11: {  	[smem:$0x3FAF] =	sst s9;
	s0 =	simm.s32 @!p0 $0x0  }
0x12: {  	s1 =	sld [smem:$0x3F95];
	s0 =	simm.s32 @p0 $0x1  }
0x13: {  	[smem:$0x3FB0] =	sst s0;
	s0 =	simm.s32 @!p1 $0x0  }
0x14: {  	s2 =	sld [smem:$0x3F94];
	s0 =	simm.s32 @p1 $0x1  }
0x15: {  	[smem:$0x3FB1] =	sst s0;
	s0 =	simm.s32 @!p2 $0x0  }
0x16: {  	s3 =	sld [smem:$0x3FDB];
	s0 =	simm.s32 @p2 $0x1  }
0x17: {  	s4 =	simm.s32 $0x1BF5;
	[smem:$0x3FB3] =	sst s0  }
0x18: {  	s0 =	sld [smem:$0x3F96];
	_ =	swait.ge [sflag:s4], $0x0  }
0x19: {  	s7 =	sld [smem:$0x3F97]  }
0x1a: {  	s8 =	sadd.s32 $0xFFFFE003, lr  }
0x1b: {  	s9 =	sadd.s32 $0xFFFFFEF7, lr;
	s5 =	simm.s32 $0xFFFFFFFF;
	p2 =	slt.u32 s8, $0xFFFFF086  }
0x1c: {  	p1 =	slt.u32 s9, $0xF7A;
	s5 =	simm.s32 @!p2 $0x0  }
0x1d: {  	s5 =	simm.s32 @p1 $0x1;
	p0 =	seq.s32 s7, s2  }
0x1e: {  	s7 =	smul.u32 @!p0 $0xF7A, s2;
	p2 =	seq.s32 @!p0 s5, $0x0  }
0x1f: {  	s9 =	smul.u32 $0xF7A, s1;
	s8 =	simm.s32 @!p0 $0x1BF5;
	p2 =	por !p2, p0  }
0x20: {  	[sflag:s8] =	ssyncset.s32 @!p0 $0xFFFFF086;
	s6 =	sadd.s32 @!p0 s3, s7;
	s7 =	simm.s32 @!p0 $0x108  }
0x21: {  	s3 =	sadd.s32 s3, s9;
	s6 =	sadd.s32 @!p0 $0x88, s6;
	s7 =	simm.s32 @p2 $0x1082  }
0x22: {  	[simem:s7], [sflag:s8] =	dma.local @!p0 [hbm:s6], $0xF7A  }
0x23: {  	s9 =	sor.u32 $0xD0000000, s2;
	s6 =	simm.s32 $0x108;
	_ =	swait.ge @!p0 [sflag:s8], $0x0  }
0x24: {  	s3 =	sadd.s32 $0x88, s3;
	s6 =	simm.s32 @!p1 $0x1082;
	[sflag:s4] =	ssyncset.s32 $0xFFFFF086  }
0x25: {  	[simem:s6], [sflag:s4] =	dma.local [hbm:s3], $0xF7A  }
0x26: {  	[smem:$0x3F97] =	sst s1;
	(tag) =	ssettag s2;
	_ =	strace s9  }
0x27: {  	s1 =	sld [smem:$0x3FA7]  }
0x28: {  	s2 =	sld [smem:$0x3FA8]  }
0x29: {  	s4 =	sld [smem:$0x3FAA]  }
0x2a: {  	p0 =	seq.s32 s5, $0x0;
	s5 =	sld [smem:$0x3FAB]  }
0x2b: {  	s6 =	sld [smem:$0x3FAC]  }
0x2c: {  	s7 =	sld [smem:$0x3FAD]  }
0x2d: {  	s3 =	simm.s32 $0x108;
	s8 =	sld [smem:$0x3FAE]  }
0x2e: {  	s3 =	simm.s32 @!p0 $0x1082;
	s9 =	sld [smem:$0x3FAF]  }
0x2f: {  	lr =	sadd.s32 s0, s3;
	s0 =	sld [smem:$0x3FA6]  }
0x30: {  	s3 =	sld [smem:$0x3FA9]  }
0x31: {  	[smem:$0x3FB2] =	sst s10  }
0x32: {  	s10 =	sld [smem:$0x3FB0];
	_ =	sdelay $0x3  }
0x33: {  	p0 =	seq.s32 s10, $0x1;
	s10 =	sld [smem:$0x3FB2];
	_ =	sdelay $0x3  }
0x34: {  	[smem:$0x3FB2] =	sst s10  }
0x35: {  	s10 =	sld [smem:$0x3FB1];
	_ =	sdelay $0x3  }
0x36: {  	p1 =	seq.s32 s10, $0x1;
	s10 =	sld [smem:$0x3FB2];
	_ =	sdelay $0x3  }
0x37: {  	[smem:$0x3FB2] =	sst s10  }
0x38: {  	s10 =	sld [smem:$0x3FB3]  }
0x39: {  	_ = 	snop;
	(pc) =	sbr.ind lr, $3  }
0x3a: {  	_ = 	snop  }
0x3b: {  	_ = 	snop  }
0x3c: {  	p2 =	seq.s32 s10, $0x1;
	s10 =	sld [smem:$0x3FB2]  }
0x3d: {  	_ =	shalt  }
0x3e: {  	_ =	shalt  }
0x3f: {  	_ =	shalt  }
0x40: {  	_ =	shalt  }
0x41: {  	_ =	shalt  }
0x42: {  	_ =	shalt  }
0x43: {  	_ =	shalt  }
0x44: {  	_ =	shalt  }
0x45: {  	_ =	shalt  }
0x46: {  	_ =	shalt  }
0x47: {  	_ =	shalt  }
0x48: {  	_ =	shalt  }
0x49: {  	_ =	shalt  }
0x4a: {  	_ =	shalt  }
0x4b: {  	_ =	shalt  }
0x4c: {  	_ =	shalt  }
0x4d: {  	_ =	shalt  }
0x4e: {  	_ =	shalt  }
0x4f: {  	_ =	shalt  }
0x50: {  	_ =	shalt  }
0x51: {  	_ =	shalt  }
0x52: {  	_ =	shalt  }
0x53: {  	_ =	shalt  }
0x54: {  	_ =	shalt  }
0x55: {  	_ =	shalt  }
0x56: {  	_ =	shalt  }
0x57: {  	_ =	shalt  }
0x58: {  	_ =	shalt  }
0x59: {  	_ =	shalt  }
0x5a: {  	_ =	shalt  }
0x5b: {  	_ =	shalt  }
0x5c: {  	_ =	shalt  }
0x5d: {  	_ =	shalt  }
0x5e: {  	_ =	shalt  }
0x5f: {  	_ =	shalt  }
0x60: {  	_ =	shalt  }
0x61: {  	_ =	shalt  }
0x62: {  	_ =	shalt  }
0x63: {  	_ =	shalt  }
0x64: {  	_ =	shalt  }
0x65: {  	_ =	shalt  }
0x66: {  	_ =	shalt  }
0x67: {  	_ =	shalt  }
0x68: {  	_ =	shalt  }
0x69: {  	_ =	shalt  }
0x6a: {  	_ =	shalt  }
0x6b: {  	_ =	shalt  }
0x6c: {  	_ =	shalt  }
0x6d: {  	_ =	shalt  }
0x6e: {  	_ =	shalt  }
0x6f: {  	_ =	shalt  }
0x70: {  	_ =	shalt  }
0x71: {  	_ =	shalt  }
0x72: {  	_ =	shalt  }
0x73: {  	_ =	shalt  }
0x74: {  	_ =	shalt  }
0x75: {  	_ =	shalt  }
0x76: {  	_ =	shalt  }
0x77: {  	_ =	shalt  }
0x78: {  	_ =	shalt  }
0x79: {  	_ =	shalt  }
0x7a: {  	_ =	shalt  }
0x7b: {  	_ =	shalt  }
0x7c: {  	_ =	shalt  }
0x7d: {  	_ =	shalt  }
0x7e: {  	_ =	shalt  }
0x7f: {  	_ =	shalt  }
0x80: {  	_ =	shalt  }
0x81: {  	_ =	shalt  }
0x82: {  	_ =	shalt  }
0x83: {  	_ =	shalt  }
0x84: {  	_ =	shalt  }
0x85: {  	_ =	shalt  }
0x86: {  	_ =	shalt  }
0x87: {  	_ =	shalt  }
.Lfunc_end0:
.L_simem_size_0:
called_computation_lowered:
.L_overlay_start_0:
0x88: {  	s2 =	sld [smem:$0x3FD9]  }
0x89: {  	s3 =	sld [smem:$0x3FFE];
	_ =	sdelay $0x1  }
0x8a: {  	s1 =	srdreg.scid  }
0x8b: {  	s0 =	sand.u32 $0x1, s1  }
0x8c: {  	s16 =	sshll.u32 s0, $0xA;
	s2 =	sadd.s32 s3, s2  }
0x8d: {  	s2 =	sadd.s32 s2, s16  }
0x8e: {  	[smem:$0x3FBE] =	sst s2  }
0x8f: {  	_ = 	snop  }
0x90: {  	(tm) =	ssettm $0x1  }
0x91: {  	s17 =	sld [smem:$0x3FFB];
	_ =	sdelay $0x3  }
0x92: {  	_ =	strace s17  }
0x93: {  	s2 =	sld [smem:$0x3FFC];
	_ =	sdelay $0x3  }
0x94: {  	_ =	strace s2  }
0x95: {  	s2 =	sld [smem:$0x3FFD];
	_ =	sdelay $0x3  }
0x96: {  	_ =	strace s2  }
0x97: {  	_ =	strace $0x8FFFFFFF  }
0x98: {  	s18 =	sld [smem:$0x3FDB];
	_ =	sdelay $0x1  }
0x99: {  	s19 =	simm.s32 $_scs_section_size  }
0x9a: {  	s4 =	simm.s32 $_size__tile_overlayer_lowered;
	s5 =	simm.s32 $_tile_overlayer_lowered  }
0x9b: {  	s22 =	simm.s32 $0x1BFF;
	s21 =	sshll.u32 s5, $0x1;
	s2 =	sadd.s32 s19, s18  }
0x9c: {  	s6 =	simm.s32 $0x0;
	s20 =	sshll.u32 s4, $0x1;
	s4 =	sadd.s32 s21, s2  }
0x9d: {  	[timem:s6], [sflag:s22] =	dma.local [hbm:s4], s20  }
0x9e: {  	_ =	swait.ge [sflag:s22], s20  }
0x9f: {  	s3 =	ssub.s32 $0x0, s20;
	[sflag:s22] =	ssyncset.done $0x0  }
0xa0: {  	[sflag:s22] =	ssyncadd.s32 s3;
	_ =	sdelay $0x1  }
0xa1: {  	s23 =	simm.s32 $0x1B8B  }
0xa2: {  	_ =	swait.ge [sflag:s23], $0x1  }
0xa3: {  	[sflag:s23] =	ssyncset.done $0x0  }
0xa4: {  	s25 =	simm.s32 $0x1B8E;
	s24 =	sld [smem:$0x3FFE];
	[sflag:s23] =	ssyncadd.s32 $0xFFFFFFFF  }
0xa5: {  	s26 =	simm.s32 $execute0_lowered;
	[smem:$0x3FD2] =	sst s25  }
0xa6: {  	s4 =	sshll.u32 s26, $0x1;
	_ =	strace $0x80000046;
	[dreg:$0x1] =	wrdreg $0xFFFFFFFF  }
0xa7: {  	s28 =	simm.s32 $_size_execute0_lowered;
	s2 =	sadd.s32 s2, s4;
	[dreg:$0x0] =	wrdreg $0x0  }
0xa8: {  	s4 =	sshll.u32 s28, $0x1;
	[dreg:$0x2] =	wrdreg s2  }
0xa9: {  	[dreg:$0x3] =	wrdreg s4  }
0xaa: {  	[dreg:$0x4] =	wrdreg $0xC0  }
0xab: {  	_ =	task [dreg:s6], $0x5FFFF  }
0xac: {  	[dreg:$0x1] =	wrdreg $0xFFFFFFFF  }
0xad: {  	[dreg:$0x0] =	wrdreg $0x60  }
0xae: {  	[dreg:$0x2] =	wrdreg s24  }
0xaf: {  	[dreg:$0x3] =	wrdreg $0x0  }
0xb0: {  	[dreg:$0x4] =	wrdreg $0x9  }
0xb1: {  	_ =	task.clear_ibuf [dreg:s6], $0x5FFFF;
	_ =	strace $0x90000046  }
0xb2: {  	s29 =	simm.s32 $0x9;
	_ =	strace $0x80000048  }
0xb3: {  	_ =	swait.ge [sflag:s29], $0x1  }
0xb4: {  	[sflag:s29] =	ssyncadd.s32 $0xFFFFFFFF  }
0xb5: {  	_ =	strace $0x90000048  }
0xb6: {  	_ =	sfence  }
0xb7: {  	s30 =	sld [smem:$0x0];
	_ =	sdelay $0x2  }
0xb8: {  	s31 =	sshll.u32 s1, $0xD;
	s1 =	sshrl.u32 s1, $0x2  }
0xb9: {  	s3 =	sand.u32 $0x4000, s31;
	s1 =	sadd.s32 s1, s30  }
0xba: {  	s0 =	sor.u32 s3, s0;
	s1 =	sshll.u32 s1, $0x11  }
0xbb: {  	s0 =	sor.u32 s1, s0  }
0xbc: {  	s0 =	sadd.s32 $0x8F2B, s0  }
0xbd: {  	[sflag:s0] =	ssyncadd.remote.s32 $0x1  }
0xbe: {  	_ =	sfence.sel $0xFFFF  }
0xbf: {  	[dreg:$0x0] =	wrdreg $0xFFFFFFFF;
	(pc) =	sbr.abs _section_cstart, $3  }
0xc0: {  	[dreg:$0x1] =	wrdreg $0xFFFFFFFF  }
0xc1: {  	_ =	task.clear_ibuf [dreg:s6], $0x2FFFF;
	_ =	strace $0x9FFFFFFF  }
0xc2: {  	(tm) =	ssettm $0x7FFFFFFF  }
0xc3: {  	_ =	shalt  }
tec
execute0_lowered:
.L_overlay_start_1:
0x0: {  	(tag) =	ssettag $0x1  }
0x1: {  	s0 =	rddreg [dreg:$0x0]  }
0x2: {  	s2 =	rddreg [dreg:$0x1];
	s1 =	srdreg.scid  }
0x3: {  	s8 =	stileid.u32;
	s3 =	simm.s32 $0x0;
	s19 =	simm.s32 $0x17A00  }
0x4: {  	s28 =	simm.s32 $0x14200;
	s30 =	simm.s32 $0x17200;
	s31 =	simm.s32 $0x1  }
0x5: {  	s29 =	simm.s32 $0x1A200;
	s1 =	sand.u32 $0x1, s1;
	s4 =	sshll.u32 s8, $0x1  }
0x6: {  	[smem:$0x7FF] =	sst s3;
	s8 =	smul.u32 $0xC800, s8;
	s5 =	sor.u32 s1, s4  }
0x7: {  	_ =	strace $0x80000047;
	s7 =	ssub.s32 $0x2, s1;
	s1 =	smul.u32 $0xC8000, s1  }
0x8: {  	s4 =	sadd.s32 $0x1AC00, s0;
	s6 =	smul.u32 $0x500, s5;
	s5 =	sadd.s32 $0x15C00, s0  }
0x9: {  	s9 =	sshrl.u32 s7, $0x1;
	s14 =	sadd.s32 s8, s2;
	s20 =	sadd.s32 $0x2800, s8  }
0xa: {  	s11 =	sadd.s32 $0x5000, s8;
	s12 =	sadd.s32 $0x7800, s8;
	s13 =	sadd.s32 $0xA000, s8  }
0xb: {  	s7 =	ssub.s32 s7, s9;
	s15 =	sadd.s32 s20, s2;
	s16 =	sadd.s32 s11, s2  }
0xc: {  	s17 =	sadd.s32 s12, s2;
	s18 =	sadd.s32 s13, s2;
	s8 =	sadd.s32 s8, s1  }
0xd: {  	s9 =	sadd.s32 s1, s20;
	s23 =	sadd.s32 s1, s11;
	s24 =	sadd.s32 s1, s12  }
0xe: {  	s1 =	sadd.s32 s1, s13;
	s20 =	simm.s32 $0x7;
	[dreg:$0x3] =	wrdreg s15  }
0xf: {  	s11 =	simm.s32 $0x0;
	s6 =	sadd.s32 s6, s0;
	[dreg:$0x4] =	wrdreg s16  }
0x10: {  	s0 =	sadd.s32 $0x33C00, s0;
	s8 =	sshrl.u32 s8, $0x3;
	[dreg:$0x5] =	wrdreg s17  }
0x11: {  	s22 =	sshrl.u32 s9, $0x3;
	s26 =	smax.u32 s7, $0x1;
	[dreg:$0x6] =	wrdreg s18  }
0x12: {  	s1 =	sshrl.u32 s1, $0x3;
	s10 =	sadd.s32 $0xBC00, s6;
	[dreg:$0xe] =	wrdreg s26  }
0x13: {  	s6 =	sadd.s32 $0x1C00, s6;
	s21 =	sadd.s32 s0, s8;
	[dreg:$0x7] =	wrdreg s10  }
0x14: {  	s8 =	sshrl.u32 s24, $0x3;
	s24 =	simm.s32 $0x11A00;
	[dreg:$0x8] =	wrdreg s6  }
0x15: {  	s26 =	simm.s32 $0x4;
	[dreg:$0x9] =	wrdreg s21;
	s6 =	sadd.s32 s0, s22  }
0x16: {  	s25 =	sadd.s32 s0, s8;
	[dreg:$0xa] =	wrdreg s6;
	s6 =	sshrl.u32 s23, $0x3  }
0x17: {  	v0 =	vlaneseq.u32;
	v1 =	vimm.f32 $0.0e+00;
	[dreg:$0xc] =	wrdreg s25;
	s23 =	simm.s32 $0x80;
	s6 =	sadd.s32 s0, s6  }
0x18: {  	v2 =	vimm.s32 $0x0;
	vm0 =	vmmov $0xff;
	v0 =	vshrl.u32 v0, $0x3;
	s25 =	simm.s32 $0x16A00;
	s0 =	sadd.s32 s0, s1;
	[dreg:$0xb] =	wrdreg s6  }
0x19: {  	v3 =	vor.u32 $0x2, v0;
	v4 =	vor.u32 $0x4, v0;
	v5 =	vor.u32 $0x6, v0;
	s1 =	simm.s32 $0x2;
	[dreg:$0xd] =	wrdreg s0;
	s0 =	simm.s32 $0x3  }
.LBB2_1:
0x1a: {  	s7 =	simm.s32 $0x140;
	s6 =	simm.s32 $0x0  }
.LBB2_2:
0x1b: {  	p0 =	sne.s32 s7, $0x9EC0;
	[tilespmem:s6+$0x17A40] =	vst v1;
	s8 =	smov.u32 s7;
	s7 =	sadd.s32 $0x140, s7  }
.Ltmp0:
0x1c: {  	[tilespmem:s6+$0x17A30] =	vst v1;
	(pc) =	sbr.rel @p0 .LBB2_2-.Ltmp0, $4  }
0x1d: {  	[tilespmem:s6+$0x17A20] =	vst v1  }
0x1e: {  	[tilespmem:s6+$0x17A00] =	vst v1  }
0x1f: {  	[tilespmem:s6+$0x17A10] =	vst v1  }
0x20: {  	s6 =	sshra.s32 s8, $0x2  }
0x21: {  	[tilespmem:s6+$0x17A40] =	vst v1  }
0x22: {  	[tilespmem:s6+$0x17A30] =	vst v1  }
0x23: {  	[tilespmem:s6+$0x17A20] =	vst v1  }
0x24: {  	[tilespmem:s6+$0x17A00] =	vst v1  }
0x25: {  	[tilespmem:s6+$0x17A10] =	vst v1  }
0x26: {  	[spmem:s14] =	stream.linear.scatter [tilespmem:s19], [sflag:$0x7], $0x2800, $0x38;
	[tilespmem:$0x1CA00] =	vst v63  }
0x27: {  	_ =	swait.ge [sflag:s20], $0x2800  }
0x28: {  	[sflag:s20] =	ssyncset.done $0x0  }
0x29: {  	[sflag:s20] =	ssyncadd.s32 $0xFFFFD800  }
0x2a: {  	[spmem:s15] =	stream.linear.scatter [tilespmem:s19], [sflag:$0x7], $0x2800, $0x38;
	[tilespmem:$0x1CA00] =	vst v63  }
0x2b: {  	_ =	swait.ge [sflag:s20], $0x2800  }
0x2c: {  	[sflag:s20] =	ssyncset.done $0x0  }
0x2d: {  	[sflag:s20] =	ssyncadd.s32 $0xFFFFD800  }
0x2e: {  	[spmem:s16] =	stream.linear.scatter [tilespmem:s19], [sflag:$0x7], $0x2800, $0x38;
	[tilespmem:$0x1CA00] =	vst v63  }
0x2f: {  	_ =	swait.ge [sflag:s20], $0x2800  }
0x30: {  	[sflag:s20] =	ssyncset.done $0x0  }
0x31: {  	[sflag:s20] =	ssyncadd.s32 $0xFFFFD800  }
0x32: {  	[spmem:s17] =	stream.linear.scatter [tilespmem:s19], [sflag:$0x7], $0x2800, $0x38;
	[tilespmem:$0x1CA00] =	vst v63  }
0x33: {  	_ =	swait.ge [sflag:s20], $0x2800  }
0x34: {  	[sflag:s20] =	ssyncset.done $0x0  }
0x35: {  	[sflag:s20] =	ssyncadd.s32 $0xFFFFD800  }
0x36: {  	[spmem:s18] =	stream.linear.scatter [tilespmem:s19], [sflag:$0x7], $0x2800, $0x38;
	[tilespmem:$0x1CA00] =	vst v63  }
0x37: {  	_ =	swait.ge [sflag:s20], $0x2800  }
0x38: {  	[sflag:s20] =	ssyncset.done $0x0  }
0x39: {  	[sflag:s20] =	ssyncadd.s32 $0xFFFFD800  }
0x3a: {  	[bflag:$0x0] =	sbarrier.arrive $0xFFFF  }
0x3b: {  	s12 =	simm.s32 $0x0;
	s7 =	simm.s32 $0xC800;
	s17 =	rddreg [dreg:$0x7]  }
0x3c: {  	[tilespmem:s7], [sflag:$0x7] =	stream.linear.gather [hbm4b:s17+s12], $0x2800, $0x38;
	[tilespmem:$0x1CA00] =	vst v63  }
0x3d: {  	_ =	swait.ge [sflag:s20], $0x2800  }
0x3e: {  	[sflag:s20] =	ssyncset.done $0x0  }
0x3f: {  	s8 =	simm.s32 $0xF100;
	s18 =	rddreg [dreg:$0x8];
	[sflag:s20] =	ssyncadd.s32 $0xFFFFD800  }
0x40: {  	[tilespmem:s8], [sflag:$0x7] =	stream.linear.gather [hbm4b:s18+s12], $0x2800, $0x38;
	[tilespmem:$0x1CA00] =	vst v63  }
0x41: {  	_ =	swait.ge [sflag:s20], $0x2800  }
0x42: {  	[sflag:s20] =	ssyncset.done $0x0  }
0x43: {  	[sflag:s20] =	ssyncadd.s32 $0xFFFFD800  }
0x44: {  	[tilespmem:$0xF000] =	vst v2  }
0x45: {  	[tilespmem:$0x11900] =	vst v2  }
0x46: {  	[tilespmem:$0xF010] =	vst v2  }
0x47: {  	[tilespmem:$0x11910] =	vst v2  }
0x48: {  	[tilespmem:$0xF020] =	vst v2  }
0x49: {  	[tilespmem:$0x11920] =	vst v2  }
0x4a: {  	[tilespmem:$0xF030] =	vst v2  }
0x4b: {  	[tilespmem:$0x11930] =	vst v2  }
0x4c: {  	[tilespmem:$0xF040] =	vst v2  }
0x4d: {  	[tilespmem:$0x11940] =	vst v2  }
0x4e: {  	[tilespmem:$0xF050] =	vst v2  }
0x4f: {  	[tilespmem:$0x11950] =	vst v2  }
0x50: {  	[tilespmem:$0xF060] =	vst v2  }
0x51: {  	[tilespmem:$0x11960] =	vst v2  }
0x52: {  	[tilespmem:$0xF070] =	vst v2  }
0x53: {  	[tilespmem:$0x11970] =	vst v2  }
0x54: {  	[tilespmem:$0xF080] =	vst v2  }
0x55: {  	[tilespmem:$0x11980] =	vst v2  }
0x56: {  	[tilespmem:$0xF090] =	vst v2  }
0x57: {  	[tilespmem:$0x11990] =	vst v2  }
0x58: {  	[tilespmem:$0xF0A0] =	vst v2  }
0x59: {  	[tilespmem:$0x119A0] =	vst v2  }
0x5a: {  	[tilespmem:$0xF0B0] =	vst v2  }
0x5b: {  	[tilespmem:$0x119B0] =	vst v2  }
0x5c: {  	[tilespmem:$0xF0C0] =	vst v2  }
0x5d: {  	[tilespmem:$0x119C0] =	vst v2  }
0x5e: {  	[tilespmem:$0xF0D0] =	vst v2  }
0x5f: {  	[tilespmem:$0x119D0] =	vst v2  }
0x60: {  	[tilespmem:$0xF0E0] =	vst v2  }
0x61: {  	[tilespmem:$0x119E0] =	vst v2  }
0x62: {  	[tilespmem:$0xF0F0] =	vst v2  }
0x63: {  	[tilespmem:$0x119F0] =	vst v2  }
0x64: {  	[tilespmem:s24], [sflag:$0x1] =	stream.indirect.gather [hbm4b:s4+s23], $0x50, s7, s23, $0xb8;
	[tilespmem:$0x1CA00] =	vst v63  }
0x65: {  	_ = 	snop  }
0x66: {  	[tilespmem:s25], [sflag:$0x3] =	stream.indirect.gather [hbm4b:s5+s23], $0x10, s8, s23, $0xb8;
	[tilespmem:$0x1CA00] =	vst v63  }
0x67: {  	s21 =	simm.s32 $0xC880  }
0x68: {  	[tilespmem:s28], [sflag:$0x2] =	stream.indirect.gather [hbm4b:s4+s23], $0x50, s21, s23, $0xb8;
	[tilespmem:$0x1CA00] =	vst v63  }
0x69: {  	s10 =	smov.u32 s14;
	s22 =	simm.s32 $0xF180  }
0x6a: {  	[tilespmem:s30], [sflag:$0x4] =	stream.indirect.gather [hbm4b:s5+s23], $0x10, s22, s23, $0xb8;
	[tilespmem:$0x1CA00] =	vst v63  }
.LBB2_4:
0x6b: {  	_ =	swait.ge [sflag:s31], $0x2800  }
0x6c: {  	[sflag:s31] =	ssyncset.done $0x0  }
0x6d: {  	[sflag:s31] =	ssyncadd.s32 $0xFFFFD800  }
0x6e: {  	_ =	swait.ge [sflag:s0], $0x800  }
0x6f: {  	p0 =	seq.s32 s12, $0x0;
	[sflag:s0] =	ssyncset.done $0x0  }
0x70: {  	s6 =	simm.s32 @!p0 $0x5;
	[sflag:s0] =	ssyncadd.s32 $0xFFFFF800  }
0x71: {  	_ =	swait.ge @!p0 [sflag:s6], $0x2800  }
0x72: {  	[sflag:s6] =	ssyncset.done @!p0 $0x0  }
0x73: {  	s18 =	simm.s32 $0x11AA0;
	[sflag:s6] =	ssyncadd.s32 @!p0 $0xFFFFD800  }
0x74: {  	s17 =	simm.s32 $0x16A20;
	v6 =	vld [tilespmem:s18+$0x90]  }
0x75: {  	v7 =	vld [tilespmem:s17+$0x10]  }
0x76: {  	v9 =	vld [tilespmem:s18+$0xFFFFFFF0]  }
0x77: {  	v10 =	vld [tilespmem:s17+$0xFFFFFFF0];
	_ =	sdelay $0x2  }
0x78: {  	v8 =	vld [tilespmem:s17+$0xFFFFFFE0]  }
0x79: {  	v11 =	vld [tilespmem:s18+$0x40];
	v6 =	vadd.f32 v7, v6  }
0x7a: {  	v7 =	vld [tilespmem:s17+$0x0];
	v9 =	vadd.f32 v10, v9  }
0x7b: {  	v12 =	vld [tilespmem:s18+$0xFFFFFFA0];
	v13 =	vmul.f32 $2.000000030e-01, v6  }
0x7c: {  	vm1 =	vgt.f32 v6, $0.0e+00;
	v10 =	vmul.f32 $2.000000030e-01, v9  }
0x7d: {  	v6 =	vsel vm1, v6, v13;
	vm1 =	vgt.f32 v9, $0.0e+00  }
0x7e: {  	v6 =	vmul.f32 $1.442695020e+00, v6;
	v9 =	vsel vm1, v9, v10  }
0x7f: {  	v7 =	vadd.f32 v7, v11;
	v9 =	vmul.f32 $1.442695020e+00, v9  }
0x80: {  	v8 =	vadd.f32 v8, v12;
	(erf) = vpow2.f32 v6  }
0x81: {  	v6 =	vmul.f32 $2.000000030e-01, v7;
	(erf) = vpow2.f32 v9  }
0x82: {  	v10 =	vmul.f32 $2.000000030e-01, v8;
	vm1 =	vgt.f32 v7, $0.0e+00  }
0x83: {  	s13 =	simm.s32 $0x11BE0;
	vm2 =	vgt.f32 v8, $0.0e+00;
	v6 =	vsel vm1, v7, v6  }
0x84: {  	s21 =	simm.s32 $0x16A60;
	v14 =	vld [tilespmem:s13+$0x90];
	v7 =	vsel vm2, v8, v10;
	v6 =	vmul.f32 $1.442695020e+00, v6  }
0x85: {  	v15 =	vld [tilespmem:s21+$0x10];
	v7 =	vmul.f32 $1.442695020e+00, v7  }
0x86: {  	v17 =	vld [tilespmem:s13+$0xFFFFFFF0];
	(erf) = vpow2.f32 v6  }
0x87: {  	v6 =	vld [tilespmem:s18+$0x50];
	(erf) = vpow2.f32 v7  }
0x88: {  	s15 =	simm.s32 $0x11D20;
	v7 =	vld [tilespmem:s18+$0xFFFFFFB0]  }
0x89: {  	s22 =	simm.s32 $0x16AA0;
	v28 =	vld [tilespmem:s15+$0x90];
	v11 =	vpop (erf)  }
0x8a: {  	v29 =	vld [tilespmem:s22+$0x10];
	v8 =	vperm.xlane v11, v0;
	v9 =	vpop (erf)  }
0x8b: {  	v21 =	vld [tilespmem:s13+$0x40];
	v14 =	vadd.f32 v15, v14;
	v18 =	vperm.xlane v9, v0  }
0x8c: {  	v10 =	vld [tilespmem:s18+$0xFFFFFF60];
	v6 =	vmul.f32 v6, v8  }
0x8d: {  	s14 =	simm.s32 $0x17AA0;
	v23 =	vmul.f32 $2.000000030e-01, v14;
	v7 =	vmul.f32 v7, v18;
	v18 =	vld [tilespmem:s21+$0x0]  }
0x8e: {  	vm1 =	vgt.f32 v14, $0.0e+00;
	[tilespmem:s14+$0x50] =	vst v6;
	v6 =	vld [tilespmem:s21+$0xFFFFFFF0]  }
0x8f: {  	v28 =	vadd.f32 v29, v28;
	v14 =	vsel vm1, v14, v23;
	v8 =	vpop (erf);
	v19 =	vld [tilespmem:s18+$0x60]  }
0x90: {  	v16 =	vld [tilespmem:s21+$0xFFFFFFE0];
	v14 =	vmul.f32 $1.442695020e+00, v14;
	v12 =	vpop (erf)  }
0x91: {  	v22 =	vld [tilespmem:s13+$0xFFFFFFA0];
	v41 =	vmul.f32 $2.000000030e-01, v28;
	v15 =	vperm.xlane v12, v0  }
0x92: {  	v13 =	vld [tilespmem:s18+$0x0];
	(erf) = vpow2.f32 v14;
	v24 =	vperm.xlane v11, v3  }
0x93: {  	v20 =	vperm.xlane v9, v3;
	v10 =	vmul.f32 v10, v15;
	v6 =	vadd.f32 v6, v17  }
0x94: {  	v27 =	vperm.xlane v9, v5;
	v18 =	vadd.f32 v18, v21;
	v15 =	vmul.f32 v19, v24  }
0x95: {  	v30 =	vld [tilespmem:s22+$0xFFFFFFE0];
	v25 =	vperm.xlane v8, v0;
	[tilespmem:s14+$0xFFFFFF60] =	vst v10;
	v17 =	vmul.f32 $2.000000030e-01, v6  }
0x96: {  	v34 =	vld [tilespmem:s22+$0xFFFFFFF0];
	v10 =	vadd.f32 v16, v22;
	vm1 =	vgt.f32 v6, $0.0e+00;
	[tilespmem:s14+$0x60] =	vst v15;
	v15 =	vmul.f32 $2.000000030e-01, v18  }
0x97: {  	v13 =	vmul.f32 v13, v25;
	v6 =	vsel vm1, v6, v17;
	v14 =	vld [tilespmem:s18+$0x70];
	vm1 =	vgt.f32 v18, $0.0e+00  }
0x98: {  	[tilespmem:s14+$0xFFFFFFB0] =	vst v7;
	v7 =	vld [tilespmem:s18+$0xFFFFFF70];
	v17 =	vmul.f32 $2.000000030e-01, v10;
	v6 =	vmul.f32 $1.442695020e+00, v6;
	v15 =	vsel vm1, v18, v15  }
0x99: {  	v16 =	vld [tilespmem:s18+$0xFFFFFFC0];
	vm2 =	vgt.f32 v10, $0.0e+00;
	v18 =	vperm.xlane v12, v3;
	v15 =	vmul.f32 $1.442695020e+00, v15  }
0x9a: {  	v36 =	vld [tilespmem:s15+$0x40];
	[tilespmem:s14+$0x0] =	vst v13;
	v10 =	vsel vm2, v10, v17;
	(erf) = vpow2.f32 v6;
	v6 =	vperm.xlane v11, v4  }
0x9b: {  	v13 =	vld [tilespmem:s18+$0x10];
	v10 =	vmul.f32 $1.442695020e+00, v10;
	(erf) = vpow2.f32 v15  }
0x9c: {  	v38 =	vld [tilespmem:s22+$0x0];
	v26 =	vperm.xlane v12, v5;
	v6 =	vmul.f32 v14, v6  }
0x9d: {  	v7 =	vmul.f32 v7, v18;
	v15 =	vld [tilespmem:s13+$0x50];
	(erf) = vpow2.f32 v10  }
0x9e: {  	v21 =	vld [tilespmem:s13+$0xFFFFFF60];
	v14 =	vmul.f32 v16, v20;
	[tilespmem:s14+$0x70] =	vst v6;
	v6 =	vperm.xlane v8, v3  }
0x9f: {  	v25 =	vperm.xlane v8, v4;
	v18 =	vperm.xlane v11, v5;
	[tilespmem:s14+$0xFFFFFF70] =	vst v7;
	v16 =	vpop (erf);
	v7 =	vld [tilespmem:s18+$0x80]  }
0xa0: {  	[tilespmem:s14+$0xFFFFFFC0] =	vst v14;
	v14 =	vld [tilespmem:s18+$0xFFFFFF80];
	v24 =	vmul.f32 v13, v6;
	v13 =	vperm.xlane v16, v0  }
0xa1: {  	v22 =	vld [tilespmem:s13+$0xFFFFFFB0];
	v10 =	vperm.xlane v9, v4;
	v20 =	vperm.xlane v12, v4  }
0xa2: {  	v17 =	vld [tilespmem:s13+$0x0];
	v42 =	vperm.xlane v16, v3;
	v15 =	vmul.f32 v15, v13  }
0xa3: {  	v46 =	vperm.xlane v16, v5;
	v23 =	vld [tilespmem:s18+$0xFFFFFFD0];
	v6 =	vperm.xlane v8, v5;
	v19 =	vpop (erf)  }
0xa4: {  	s16 =	simm.s32 $0x17BE0;
	v31 =	vperm.xlane v19, v0;
	v32 =	vmul.f32 v7, v18;
	v7 =	vld [tilespmem:s15+$0xFFFFFFF0];
	v18 =	vpop (erf)  }
0xa5: {  	v40 =	vld [tilespmem:s15+$0xFFFFFFA0];
	v14 =	vmul.f32 v14, v20;
	[tilespmem:s16+$0x50] =	vst v15;
	v20 =	vperm.xlane v18, v0  }
0xa6: {  	v33 =	vperm.xlane v19, v3;
	v22 =	vmul.f32 v22, v31;
	v31 =	vld [tilespmem:s13+$0x60];
	v15 =	vpop (erf)  }
0xa7: {  	v61 =	vld [tilespmem:s15+$0xFFFFFF60];
	v29 =	vperm.xlane v15, v0;
	v17 =	vmul.f32 v17, v20  }
0xa8: {  	v62 =	vld [tilespmem:s15+$0x0];
	vm1 =	vgt.f32 v28, $0.0e+00;
	v13 =	vperm.xlane v19, v4;
	v10 =	vmul.f32 v23, v10;
	[tilespmem:s16+$0xFFFFFFB0] =	vst v22  }
0xa9: {  	s17 =	simm.s32 $0x11E60;
	v7 =	vadd.f32 v34, v7;
	v20 =	vmul.f32 v21, v29;
	v21 =	vsel vm1, v28, v41;
	[tilespmem:s16+$0x0] =	vst v17;
	v17 =	vld [tilespmem:s13+$0xFFFFFFC0]  }
0xaa: {  	v44 =	vld [tilespmem:s17+$0xFFFFFFA0];
	v23 =	vadd.f32 v30, v40;
	v35 =	vperm.xlane v18, v3;
	v21 =	vmul.f32 $1.442695020e+00, v21  }
0xab: {  	v36 =	vadd.f32 v38, v36;
	s21 =	simm.s32 $0x16AE0;
	v30 =	vld [tilespmem:s13+$0x10];
	v28 =	vmul.f32 v31, v42;
	v31 =	vmul.f32 $2.000000030e-01, v7  }
0xac: {  	v49 =	vld [tilespmem:s21+$0xFFFFFFF0];
	vm2 =	vgt.f32 v23, $0.0e+00;
	v37 =	vperm.xlane v15, v3;
	vm1 =	vgt.f32 v7, $0.0e+00;
	[tilespmem:s16+$0xFFFFFF60] =	vst v20  }
0xad: {  	v20 =	vmul.f32 $2.000000030e-01, v36;
	(erf) = vpow2.f32 v21;
	v22 =	vld [tilespmem:s13+$0xFFFFFF70];
	[tilespmem:s16+$0x60] =	vst v28;
	v7 =	vsel vm1, v7, v31  }
0xae: {  	[tilespmem:s14+$0x10] =	vst v24;
	vm1 =	vgt.f32 v36, $0.0e+00;
	v28 =	vmul.f32 $2.000000030e-01, v23;
	v21 =	vld [tilespmem:s13+$0x70];
	v17 =	vmul.f32 v17, v33  }
0xaf: {  	[tilespmem:s14+$0xFFFFFF80] =	vst v14;
	v14 =	vld [tilespmem:s18+$0x20];
	v39 =	vperm.xlane v15, v4;
	v7 =	vmul.f32 $1.442695020e+00, v7;
	v24 =	vsel vm1, v36, v20  }
0xb0: {  	v23 =	vsel vm2, v23, v28;
	v24 =	vmul.f32 $1.442695020e+00, v24;
	v28 =	vld [tilespmem:s18+$0xFFFFFF90];
	v30 =	vmul.f32 v30, v35;
	[tilespmem:s16+$0xFFFFFFC0] =	vst v17  }
0xb1: {  	[tilespmem:s14+$0xFFFFFFD0] =	vst v10;
	(erf) = vpow2.f32 v7;
	v7 =	vperm.xlane v16, v4;
	v63 =	vld [tilespmem:s13+$0xFFFFFFD0]  }
0xb2: {  	v10 =	vmul.f32 $1.442695020e+00, v23;
	(erf) = vpow2.f32 v24;
	[tilespmem:s16+$0x10] =	vst v30;
	v30 =	vld [tilespmem:s21+$0xFFFFFFE0]  }
0xb3: {  	v7 =	vmul.f32 v21, v7;
	v21 =	vmul.f32 v22, v37;
	v22 =	vld [tilespmem:s18+$0xFFFFFFE0]  }
0xb4: {  	v11 =	vnsel vm0, $0x0, v11;
	v25 =	vmul.f32 v14, v25;
	v31 =	vld [tilespmem:s15+$0x50];
	(erf) = vpow2.f32 v10  }
0xb5: {  	[tilespmem:s14+$0x90] =	vst v11;
	v20 =	vperm.xlane v18, v4;
	v23 =	vperm.xlane v15, v5;
	v60 =	vld [tilespmem:s13+$0x20]  }
0xb6: {  	v24 =	vperm.xlane v19, v5;
	v26 =	vmul.f32 v28, v26;
	v28 =	vld [tilespmem:s17+$0x90];
	[tilespmem:s16+$0x70] =	vst v7;
	v10 =	vpop (erf)  }
0xb7: {  	v12 =	vnsel vm0, $0x0, v12;
	[tilespmem:s16+$0xFFFFFF70] =	vst v21;
	v7 =	vperm.xlane v18, v5;
	v21 =	vld [tilespmem:s13+$0x80];
	v14 =	vperm.xlane v10, v0  }
0xb8: {  	[tilespmem:s14+$0x20] =	vst v25;
	v30 =	vadd.f32 v30, v44;
	v13 =	vmul.f32 v63, v13;
	v11 =	vmul.f32 v22, v27;
	v22 =	vld [tilespmem:s21+$0x10]  }
0xb9: {  	v29 =	vld [tilespmem:s15+$0xFFFFFFB0];
	[tilespmem:s14+$0xFFFFFFA0] =	vst v12;
	v43 =	vperm.xlane v10, v3;
	v14 =	vmul.f32 v31, v14  }
0xba: {  	s6 =	simm.s32 $0x17D20;
	v25 =	vld [tilespmem:s17+$0x40];
	v63 =	vmul.f32 v60, v20;
	v59 =	vmul.f32 $2.000000030e-01, v30;
	[tilespmem:s16+$0xFFFFFFD0] =	vst v13;
	v27 =	vpop (erf)  }
0xbb: {  	v47 =	vnsel vm0, $0x0, v9;
	v31 =	vld [tilespmem:s17+$0xFFFFFFF0];
	v13 =	vperm.xlane v10, v4;
	v12 =	vperm.xlane v27, v0;
	[tilespmem:s6+$0x50] =	vst v14  }
0xbc: {  	v48 =	vperm.xlane v27, v3;
	v9 =	vperm.xlane v27, v4;
	v50 =	vpop (erf);
	v14 =	vnsel vm0, $0x0, v8;
	v51 =	vld [tilespmem:s15+$0x60]  }
0xbd: {  	[tilespmem:s14+$0x80] =	vst v32;
	v17 =	vld [tilespmem:s13+$0xFFFFFF80];
	v21 =	vmul.f32 v21, v46;
	v8 =	vperm.xlane v50, v0;
	v53 =	vpop (erf);
	v22 =	vadd.f32 v22, v28  }
0xbe: {  	v55 =	vnsel vm0, $0x0, v16;
	[tilespmem:s14+$0xFFFFFF90] =	vst v26;
	v26 =	vld [tilespmem:s21+$0x0];
	v52 =	vperm.xlane v50, v3;
	v28 =	vperm.xlane v53, v0  }
0xbf: {  	v19 =	vnsel vm0, $0x0, v19;
	[tilespmem:s14+$0xFFFFFFE0] =	vst v11;
	v12 =	vmul.f32 v29, v12;
	v11 =	vmul.f32 $2.000000030e-01, v22  }
0xc0: {  	[tilespmem:s14+$0xFFFFFFF0] =	vst v47;
	v31 =	vadd.f32 v49, v31;
	v28 =	vmul.f32 v61, v28;
	vm1 =	vgt.f32 v22, $0.0e+00  }
0xc1: {  	v16 =	vld [tilespmem:s17+$0xFFFFFF60];
	[tilespmem:s16+$0x80] =	vst v21;
	v57 =	vmul.f32 v62, v8;
	v56 =	vmul.f32 v51, v43;
	v22 =	vsel vm1, v22, v11  }
0xc2: {  	v21 =	vld [tilespmem:s17+$0xFFFFFFB0];
	v8 =	vnsel vm0, $0x0, v18;
	v18 =	vmul.f32 $2.000000030e-01, v31;
	[tilespmem:s6+$0xFFFFFF60] =	vst v28;
	v22 =	vmul.f32 $1.442695020e+00, v22  }
0xc3: {  	v25 =	vadd.f32 v26, v25;
	v29 =	vmul.f32 v17, v39;
	vm1 =	vgt.f32 v31, $0.0e+00;
	v28 =	vld [tilespmem:s15+$0xFFFFFF70];
	[tilespmem:s6+$0x60] =	vst v56  }
0xc4: {  	v54 =	vperm.xlane v53, v3;
	[tilespmem:s6+$0xFFFFFFB0] =	vst v12;
	v18 =	vsel vm1, v31, v18;
	v26 =	vld [tilespmem:s15+$0x70];
	(erf) = vpow2.f32 v22  }
0xc5: {  	vm2 =	vgt.f32 v30, $0.0e+00;
	v62 =	vld [tilespmem:s13+$0xFFFFFFE0];
	[tilespmem:s16+$0xFFFFFF80] =	vst v29;
	v29 =	vmul.f32 $2.000000030e-01, v25;
	v18 =	vmul.f32 $1.442695020e+00, v18  }
0xc6: {  	v17 =	vperm.xlane v53, v4;
	v12 =	vperm.xlane v53, v5;
	[tilespmem:s6+$0x0] =	vst v57;
	v31 =	vld [tilespmem:s15+$0xFFFFFFC0];
	vm1 =	vgt.f32 v25, $0.0e+00  }
0xc7: {  	[tilespmem:s16+$0x90] =	vst v55;
	v58 =	vld [tilespmem:s15+$0x10];
	v11 =	vperm.xlane v50, v4;
	v25 =	vsel vm1, v25, v29;
	(erf) = vpow2.f32 v18  }
0xc8: {  	[tilespmem:s16+$0x20] =	vst v63;
	v61 =	vld [tilespmem:s13+$0xFFFFFF90];
	v25 =	vmul.f32 $1.442695020e+00, v25;
	v18 =	vmul.f32 v28, v54;
	v28 =	vsel vm2, v30, v59  }
0xc9: {  	[tilespmem:s16+$0xFFFFFFF0] =	vst v19;
	v29 =	vld [tilespmem:s18+$0x30];
	v22 =	vnsel vm0, $0x0, v15;
	v13 =	vmul.f32 v26, v13;
	v26 =	vmul.f32 $1.442695020e+00, v28  }
0xca: {  	v24 =	vmul.f32 v62, v24;
	[tilespmem:s16+$0xFFFFFFA0] =	vst v22;
	v22 =	vld [tilespmem:s17+$0x0];
	(erf) = vpow2.f32 v25  }
0xcb: {  	v20 =	vnsel vm0, $0x0, v53;
	v28 =	vmul.f32 v31, v48;
	v31 =	vld [tilespmem:s17+$0x50];
	[tilespmem:s6+$0x70] =	vst v13;
	(erf) = vpow2.f32 v26  }
0xcc: {  	v19 =	vnsel vm0, $0x0, v10;
	v15 =	vperm.xlane v27, v5;
	v33 =	vmul.f32 v58, v52;
	[tilespmem:s6+$0xFFFFFF70] =	vst v18;
	v30 =	vld [tilespmem:s15+$0x80]  }
0xcd: {  	v32 =	vmul.f32 v61, v23;
	v25 =	vperm.xlane v50, v5;
	v18 =	vnsel vm0, $0x0, v27;
	[tilespmem:s6+$0xFFFFFFC0] =	vst v28;
	v28 =	vld [tilespmem:s15+$0xFFFFFF80];
	v27 =	vpop (erf)  }
0xce: {  	s8 =	simm.s32 $0x11FA0;
	s7 =	simm.s32 $0x17D20;
	s18 =	simm.s32 $0xC;
	[tilespmem:s6+$0x10] =	vst v33;
	v13 =	vnsel vm0, $0x0, v50;
	v26 =	vld [tilespmem:s15+$0xFFFFFFD0];
	v33 =	vperm.xlane v27, v0;
	v23 =	vnsel vm0, $0x0, v27  }
.LBB2_5:
0xcf: {  	v34 =	vld [tilespmem:s8+$0x90];
	s21 =	sadd.s32 $0x40, s21;
	v35 =	vperm.xlane v10, v5;
	[tilespmem:s16+$0xFFFFFF90] =	vst v32;
	v29 =	vmul.f32 v29, v6;
	v6 =	vmovc v7;
	v7 =	vmov v25  }
0xd0: {  	v10 =	vmov v27;
	v25 =	vld [tilespmem:s21+$0x10];
	v31 =	vmul.f32 v31, v33;
	v32 =	vpop (erf);
	[tilespmem:s16+$0xFFFFFFE0] =	vst v24  }
0xd1: {  	s18 =	sadd.s32 $0x4, s18;
	s6 =	sadd.s32 $0x140, s6;
	v24 =	vld [tilespmem:s21+$0xFFFFFFE0];
	v37 =	vperm.xlane v32, v0;
	v33 =	vnsel vm0, $0x0, v32;
	v30 =	vmul.f32 v30, v35;
	[tilespmem:s14+$0x30] =	vst v29  }
0xd2: {  	p1 =	slt.u32 s18, $0x7C;
	v35 =	vperm.xlane v32, v3;
	v36 =	vperm.xlane v32, v4;
	v29 =	vld [tilespmem:s8+$0xFFFFFFF0];
	[tilespmem:s6+$0x50] =	vst v31  }
0xd3: {  	v28 =	vmul.f32 v28, v17;
	v31 =	vld [tilespmem:s21+$0xFFFFFFF0];
	v21 =	vmul.f32 v21, v37;
	v27 =	vpop (erf);
	[tilespmem:s7+$0x80] =	vst v30  }
0xd4: {  	v30 =	vperm.xlane v27, v0;
	v37 =	vperm.xlane v27, v3;
	v38 =	vnsel vm0, $0x0, v27;
	v39 =	vld [tilespmem:s17+$0x60];
	v40 =	vpop (erf);
	[tilespmem:s14+$0x40] =	vst v14;
	s14 =	smov.u32 s16;
	s16 =	smov.u32 s7;
	s7 =	smov.u32 s6  }
0xd5: {  	v41 =	vld [tilespmem:s8+$0x40];
	v25 =	vadd.f32 v25, v34;
	v34 =	vperm.xlane v40, v0;
	v42 =	vperm.xlane v40, v3;
	[tilespmem:s6+$0xFFFFFFB0] =	vst v21  }
0xd6: {  	v14 =	vmovc v8;
	v17 =	vperm.xlane v40, v4;
	v44 =	vnsel vm0, $0x0, v40;
	v43 =	vld [tilespmem:s21+$0x0];
	v21 =	vmul.f32 v22, v30;
	[tilespmem:s16+$0xFFFFFF80] =	vst v28  }
0xd7: {  	v8 =	vmovc v13;
	v13 =	vmovc v38;
	v30 =	vperm.xlane v10, v3;
	v28 =	vld [tilespmem:s8+$0xFFFFFFA0];
	v22 =	vmul.f32 $2.000000030e-01, v25;
	[tilespmem:s16+$0x90] =	vst v19;
	v19 =	vmov v23  }
0xd8: {  	vm1 =	vgt.f32 v25, $0.0e+00;
	v23 =	vadd.f32 v31, v29;
	v29 =	vmul.f32 v16, v34;
	v16 =	vld [tilespmem:s8+$0xFFFFFF60];
	[tilespmem:s6+$0x0] =	vst v21  }
0xd9: {  	v34 =	vperm.xlane v27, v4;
	v21 =	vld [tilespmem:s8+$0xFFFFFFB0];
	v25 =	vsel vm1, v25, v22;
	v30 =	vmul.f32 v39, v30  }
0xda: {  	vm1 =	vgt.f32 v23, $0.0e+00;
	v31 =	vmul.f32 $2.000000030e-01, v23;
	v22 =	vld [tilespmem:s8+$0x0];
	v25 =	vmul.f32 $1.442695020e+00, v25;
	[tilespmem:s6+$0xFFFFFF60] =	vst v29  }
0xdb: {  	v26 =	vmul.f32 v26, v9;
	v39 =	vperm.xlane v40, v5;
	v29 =	vadd.f32 v43, v41;
	v38 =	vld [tilespmem:s17+$0xFFFFFF70];
	[tilespmem:s6+$0x60] =	vst v30  }
0xdc: {  	v9 =	vmovc v36;
	v24 =	vadd.f32 v24, v28;
	v23 =	vsel vm1, v23, v31;
	(erf) = vpow2.f32 v25;
	v25 =	vld [tilespmem:s17+$0x70]  }
0xdd: {  	v23 =	vmul.f32 $1.442695020e+00, v23;
	vm1 =	vgt.f32 v29, $0.0e+00;
	v28 =	vmul.f32 $2.000000030e-01, v29;
	v30 =	vld [tilespmem:s17+$0xFFFFFFC0];
	[tilespmem:s16+$0xFFFFFFD0] =	vst v26  }
0xde: {  	v36 =	vperm.xlane v32, v5;
	vm2 =	vgt.f32 v24, $0.0e+00;
	v26 =	vmul.f32 $2.000000030e-01, v24;
	v32 =	vld [tilespmem:s17+$0x10]  }
0xdf: {  	v28 =	vsel vm1, v29, v28;
	(erf) = vpow2.f32 v23;
	v23 =	vperm.xlane v10, v4;
	v40 =	vld [tilespmem:s15+$0x20]  }
0xe0: {  	v24 =	vsel vm2, v24, v26;
	v26 =	vmul.f32 $1.442695020e+00, v28;
	v28 =	vmul.f32 v38, v42;
	v38 =	vld [tilespmem:s15+$0xFFFFFF90];
	[tilespmem:s16+$0xFFFFFFA0] =	vst v20;
	v20 =	vmovc v44  }
0xe1: {  	v24 =	vmul.f32 $1.442695020e+00, v24;
	v23 =	vmul.f32 v25, v23;
	v41 =	vld [tilespmem:s15+$0xFFFFFFE0];
	[tilespmem:s16+$0xFFFFFFF0] =	vst v18;
	v18 =	vmov v33  }
.Ltmp1:
0xe2: {  	(erf) = vpow2.f32 v26;
	[tilespmem:s6+$0xFFFFFF70] =	vst v28;
	v25 =	vmul.f32 v30, v35;
	v29 =	vld [tilespmem:s13+$0x30];
	s13 =	smov.u32 s15;
	s15 =	smov.u32 s17;
	(pc) =	sbr.rel @p1 .LBB2_5-.Ltmp1, $4  }
0xe3: {  	s17 =	smov.u32 s8;
	v31 =	vld [tilespmem:s8+$0x50];
	(erf) = vpow2.f32 v24;
	v24 =	vmul.f32 v32, v37;
	[tilespmem:s6+$0x70] =	vst v23  }
0xe4: {  	[tilespmem:s6+$0xFFFFFFC0] =	vst v25;
	v25 =	vperm.xlane v27, v5;
	v30 =	vld [tilespmem:s15+$0x80];
	v35 =	vmul.f32 v40, v11;
	v11 =	vmov v34  }
0xe5: {  	v27 =	vpop (erf);
	v28 =	vld [tilespmem:s15+$0xFFFFFF80];
	[tilespmem:s6+$0x10] =	vst v24;
	v32 =	vmul.f32 v38, v12;
	v12 =	vmov v39  }
0xe6: {  	s8 =	sadd.s32 $0x140, s8;
	v33 =	vperm.xlane v27, v0;
	v23 =	vnsel vm0, $0x0, v27;
	v26 =	vld [tilespmem:s15+$0xFFFFFFD0];
	v24 =	vmul.f32 v41, v15;
	[tilespmem:s16+$0x20] =	vst v35;
	v15 =	vmovc v36  }
0xe7: {  	_ = 	snop  }
0xe8: {  	v31 =	vmul.f32 v31, v33;
	_ =	sdelay $0x1  }
0xe9: {  	s6 =	sadd.s32 $0x140, s6;
	[tilespmem:s16+$0xFFFFFF90] =	vst v32  }
0xea: {  	v10 =	vperm.xlane v10, v5;
	v57 =	vpop (erf);
	[tilespmem:s6+$0x50] =	vst v31  }
0xeb: {  	v6 =	vmul.f32 v29, v6;
	[tilespmem:s14+$0x40] =	vst v14;
	v34 =	vld [tilespmem:s17+$0x60];
	v31 =	vpop (erf)  }
0xec: {  	[tilespmem:s7+$0x90] =	vst v19;
	v10 =	vmul.f32 v30, v10;
	v30 =	vperm.xlane v57, v0;
	v29 =	vpop (erf)  }
0xed: {  	[tilespmem:s16+$0xFFFFFFE0] =	vst v24;
	v24 =	vperm.xlane v29, v0  }
0xee: {  	v19 =	vld [tilespmem:s15+$0x20];
	[tilespmem:s14+$0x30] =	vst v6;
	v6 =	vperm.xlane v27, v3;
	v14 =	vmul.f32 v21, v30  }
0xef: {  	[tilespmem:s7+$0x80] =	vst v10;
	v10 =	vmul.f32 v16, v24;
	v16 =	vperm.xlane v31, v0  }
0xf0: {  	[tilespmem:s6+$0xFFFFFFB0] =	vst v14;
	v6 =	vmul.f32 v34, v6  }
0xf1: {  	[tilespmem:s6+$0xFFFFFF60] =	vst v10;
	v10 =	vmul.f32 v22, v16  }
0xf2: {  	[tilespmem:s6+$0x60] =	vst v6;
	v6 =	vmul.f32 v28, v17;
	v16 =	vld [tilespmem:s17+$0xFFFFFF70]  }
0xf3: {  	v11 =	vmul.f32 v19, v11;
	[tilespmem:s6+$0x0] =	vst v10;
	v10 =	vld [tilespmem:s17+$0xFFFFFFC0]  }
0xf4: {  	v14 =	vld [tilespmem:s17+$0x70];
	[tilespmem:s7+$0xFFFFFF80] =	vst v6;
	v6 =	vmul.f32 v26, v9  }
0xf5: {  	[tilespmem:s7+$0x20] =	vst v11;
	v17 =	vperm.xlane v29, v3  }
0xf6: {  	v21 =	vperm.xlane v57, v3;
	v9 =	vld [tilespmem:s17+$0x10];
	[tilespmem:s7+$0xFFFFFFD0] =	vst v6  }
0xf7: {  	v22 =	vperm.xlane v27, v4;
	v6 =	vld [tilespmem:s15+$0xFFFFFF90];
	[tilespmem:s7+$0xFFFFFFA0] =	vst v20;
	v16 =	vmul.f32 v16, v17  }
0xf8: {  	v17 =	vld [tilespmem:s15+$0xFFFFFFE0];
	[tilespmem:s7+$0xFFFFFFF0] =	vst v18;
	v10 =	vmul.f32 v10, v21  }
0xf9: {  	v20 =	vperm.xlane v31, v3;
	v14 =	vmul.f32 v14, v22;
	[tilespmem:s6+$0xFFFFFF70] =	vst v16;
	v16 =	vld [tilespmem:s13+$0x30]  }
0xfa: {  	[tilespmem:s6+$0xFFFFFFC0] =	vst v10;
	v10 =	vld [tilespmem:s17+$0xFFFFFF80]  }
0xfb: {  	v9 =	vmul.f32 v9, v20;
	[tilespmem:s6+$0x70] =	vst v14;
	v14 =	vld [tilespmem:s17+$0xFFFFFFD0]  }
0xfc: {  	[tilespmem:s16+$0x40] =	vst v8;
	v6 =	vmul.f32 v6, v12  }
0xfd: {  	v8 =	vld [tilespmem:s15+$0x30];
	[tilespmem:s6+$0x10] =	vst v9;
	v9 =	vperm.xlane v29, v4  }
0xfe: {  	v11 =	vperm.xlane v57, v4;
	[tilespmem:s7+$0xFFFFFF90] =	vst v6;
	v6 =	vmul.f32 v16, v7;
	v7 =	vld [tilespmem:s17+$0x20]  }
0xff: {  	[tilespmem:s7+$0x40] =	vst v13;
	v18 =	vld [tilespmem:s17+$0x80];
	v9 =	vmul.f32 v10, v9  }
0x100: {  	[tilespmem:s16+$0x30] =	vst v6;
	v6 =	vmul.f32 v14, v11  }
0x101: {  	v10 =	vperm.xlane v31, v4;
	[tilespmem:s6+$0xFFFFFF80] =	vst v9  }
0x102: {  	v12 =	vmul.f32 v17, v15;
	v15 =	vperm.xlane v27, v5;
	[tilespmem:s6+$0xFFFFFFD0] =	vst v6;
	v6 =	vld [tilespmem:s17+$0xFFFFFF90]  }
0x103: {  	[tilespmem:s6+$0x90] =	vst v23;
	v9 =	vld [tilespmem:s17+$0xFFFFFFE0];
	v7 =	vmul.f32 v7, v10  }
0x104: {  	[tilespmem:s7+$0xFFFFFFE0] =	vst v12;
	v11 =	vmul.f32 v18, v15  }
0x105: {  	v10 =	vperm.xlane v29, v5;
	[tilespmem:s6+$0x20] =	vst v7  }
0x106: {  	v14 =	vnsel vm0, $0x0, v57;
	[tilespmem:s6+$0x80] =	vst v11;
	v11 =	vperm.xlane v57, v5;
	v12 =	vld [tilespmem:s17+$0x30]  }
0x107: {  	[tilespmem:s6+$0xFFFFFFF0] =	vst v14;
	v7 =	vnsel vm0, $0x0, v29;
	v6 =	vmul.f32 v6, v10  }
0x108: {  	[tilespmem:s6+$0xFFFFFFA0] =	vst v7;
	v7 =	vmul.f32 v9, v11  }
0x109: {  	v9 =	vperm.xlane v31, v5;
	[tilespmem:s6+$0xFFFFFF90] =	vst v6;
	v6 =	vmul.f32 v8, v25  }
0x10a: {  	[tilespmem:s6+$0xFFFFFFE0] =	vst v7  }
0x10b: {  	v7 =	vnsel vm0, $0x0, v31;
	[tilespmem:s7+$0x30] =	vst v6;
	v6 =	vmul.f32 v12, v9  }
0x10c: {  	s13 =	sshll.u32 s12, $0x8;
	[tilespmem:s6+$0x40] =	vst v7  }
0x10d: {  	s14 =	sadd.s32 $0xC900, s13;
	[tilespmem:s6+$0x30] =	vst v6  }
0x10e: {  	[tilespmem:s24], [sflag:$0x1] =	stream.indirect.gather [hbm4b:s4+s23], $0x50, s14, s23, $0xb8;
	[tilespmem:$0x1CA00] =	vst v63  }
0x10f: {  	s15 =	sadd.s32 $0xF200, s13;
	s14 =	sand.u32 $0x3FFFFF00, s13  }
0x110: {  	[tilespmem:s25], [sflag:$0x3] =	stream.indirect.gather [hbm4b:s5+s23], $0x10, s15, s23, $0xb8;
	[tilespmem:$0x1CA00] =	vst v63  }
0x111: {  	s16 =	sadd.s32 $0xF100, s14  }
0x112: {  	[spmem:s2] =	stream.indirect.scatter.add.f32 [tilespmem:s19], [sflag:$0x5], $0x50, s16, s23, $0xb8;
	[tilespmem:$0x1CA00] =	vst v63  }
0x113: {  	_ =	swait.ge [sflag:s1], $0x2800  }
0x114: {  	[sflag:s1] =	ssyncset.done $0x0  }
0x115: {  	[sflag:s1] =	ssyncadd.s32 $0xFFFFD800  }
0x116: {  	_ =	swait.ge [sflag:s26], $0x800  }
0x117: {  	[sflag:s26] =	ssyncset.done $0x0  }
0x118: {  	s6 =	simm.s32 @!p0 $0x6;
	[sflag:s26] =	ssyncadd.s32 $0xFFFFF800  }
0x119: {  	_ =	swait.ge @!p0 [sflag:s6], $0x2800  }
0x11a: {  	[sflag:s6] =	ssyncset.done @!p0 $0x0  }
0x11b: {  	s22 =	simm.s32 $0x142A0;
	[sflag:s6] =	ssyncadd.s32 @!p0 $0xFFFFD800  }
0x11c: {  	s17 =	simm.s32 $0x17220;
	v6 =	vld [tilespmem:s22+$0x90]  }
0x11d: {  	v7 =	vld [tilespmem:s17+$0x10]  }
0x11e: {  	v9 =	vld [tilespmem:s22+$0xFFFFFFF0]  }
0x11f: {  	v10 =	vld [tilespmem:s17+$0xFFFFFFF0];
	_ =	sdelay $0x2  }
0x120: {  	v8 =	vld [tilespmem:s17+$0xFFFFFFE0]  }
0x121: {  	v11 =	vld [tilespmem:s22+$0x40];
	v6 =	vadd.f32 v7, v6  }
0x122: {  	v7 =	vld [tilespmem:s17+$0x0];
	v9 =	vadd.f32 v10, v9  }
0x123: {  	v12 =	vld [tilespmem:s22+$0xFFFFFFA0];
	v13 =	vmul.f32 $2.000000030e-01, v6  }
0x124: {  	vm1 =	vgt.f32 v6, $0.0e+00;
	v10 =	vmul.f32 $2.000000030e-01, v9  }
0x125: {  	v6 =	vsel vm1, v6, v13;
	vm1 =	vgt.f32 v9, $0.0e+00  }
0x126: {  	v6 =	vmul.f32 $1.442695020e+00, v6;
	v9 =	vsel vm1, v9, v10  }
0x127: {  	v7 =	vadd.f32 v7, v11;
	v9 =	vmul.f32 $1.442695020e+00, v9  }
0x128: {  	v8 =	vadd.f32 v8, v12;
	(erf) = vpow2.f32 v6  }
0x129: {  	v6 =	vmul.f32 $2.000000030e-01, v7;
	(erf) = vpow2.f32 v9  }
0x12a: {  	v10 =	vmul.f32 $2.000000030e-01, v8;
	vm1 =	vgt.f32 v7, $0.0e+00  }
0x12b: {  	s15 =	simm.s32 $0x143E0;
	vm2 =	vgt.f32 v8, $0.0e+00;
	v6 =	vsel vm1, v7, v6  }
0x12c: {  	s18 =	simm.s32 $0x17260;
	v14 =	vld [tilespmem:s15+$0x90];
	v7 =	vsel vm2, v8, v10;
	v6 =	vmul.f32 $1.442695020e+00, v6  }
0x12d: {  	v15 =	vld [tilespmem:s18+$0x10];
	v7 =	vmul.f32 $1.442695020e+00, v7  }
0x12e: {  	v17 =	vld [tilespmem:s15+$0xFFFFFFF0];
	(erf) = vpow2.f32 v6  }
0x12f: {  	v6 =	vld [tilespmem:s22+$0x50];
	(erf) = vpow2.f32 v7  }
0x130: {  	s21 =	simm.s32 $0x172A0;
	v7 =	vld [tilespmem:s22+$0xFFFFFFB0]  }
0x131: {  	v29 =	vld [tilespmem:s21+$0x10];
	s17 =	simm.s32 $0x14520;
	v11 =	vpop (erf)  }
0x132: {  	v28 =	vld [tilespmem:s17+$0x90];
	v8 =	vperm.xlane v11, v0;
	v9 =	vpop (erf)  }
0x133: {  	v21 =	vld [tilespmem:s15+$0x40];
	v14 =	vadd.f32 v15, v14;
	v18 =	vperm.xlane v9, v0  }
0x134: {  	v10 =	vld [tilespmem:s22+$0xFFFFFF60];
	v6 =	vmul.f32 v6, v8  }
0x135: {  	s16 =	simm.s32 $0x1A2A0;
	v23 =	vmul.f32 $2.000000030e-01, v14;
	v7 =	vmul.f32 v7, v18;
	v18 =	vld [tilespmem:s18+$0x0]  }
0x136: {  	vm1 =	vgt.f32 v14, $0.0e+00;
	[tilespmem:s16+$0x50] =	vst v6;
	v6 =	vld [tilespmem:s18+$0xFFFFFFF0]  }
0x137: {  	v28 =	vadd.f32 v29, v28;
	v14 =	vsel vm1, v14, v23;
	v8 =	vpop (erf);
	v19 =	vld [tilespmem:s22+$0x60]  }
0x138: {  	v16 =	vld [tilespmem:s18+$0xFFFFFFE0];
	v14 =	vmul.f32 $1.442695020e+00, v14;
	v12 =	vpop (erf)  }
0x139: {  	v22 =	vld [tilespmem:s15+$0xFFFFFFA0];
	v41 =	vmul.f32 $2.000000030e-01, v28;
	v15 =	vperm.xlane v12, v0  }
0x13a: {  	v13 =	vld [tilespmem:s22+$0x0];
	(erf) = vpow2.f32 v14;
	v24 =	vperm.xlane v11, v3  }
0x13b: {  	v20 =	vperm.xlane v9, v3;
	v10 =	vmul.f32 v10, v15;
	v6 =	vadd.f32 v6, v17  }
0x13c: {  	v27 =	vperm.xlane v9, v5;
	v18 =	vadd.f32 v18, v21;
	v15 =	vmul.f32 v19, v24  }
0x13d: {  	v30 =	vld [tilespmem:s21+$0xFFFFFFE0];
	v25 =	vperm.xlane v8, v0;
	[tilespmem:s16+$0xFFFFFF60] =	vst v10;
	v17 =	vmul.f32 $2.000000030e-01, v6  }
0x13e: {  	v60 =	vld [tilespmem:s21+$0xFFFFFFF0];
	v10 =	vadd.f32 v16, v22;
	vm1 =	vgt.f32 v6, $0.0e+00;
	[tilespmem:s16+$0x60] =	vst v15;
	v15 =	vmul.f32 $2.000000030e-01, v18  }
0x13f: {  	v13 =	vmul.f32 v13, v25;
	v6 =	vsel vm1, v6, v17;
	v14 =	vld [tilespmem:s22+$0x70];
	vm1 =	vgt.f32 v18, $0.0e+00  }
0x140: {  	[tilespmem:s16+$0xFFFFFFB0] =	vst v7;
	v7 =	vld [tilespmem:s22+$0xFFFFFF70];
	v17 =	vmul.f32 $2.000000030e-01, v10;
	v6 =	vmul.f32 $1.442695020e+00, v6;
	v15 =	vsel vm1, v18, v15  }
0x141: {  	v16 =	vld [tilespmem:s22+$0xFFFFFFC0];
	vm2 =	vgt.f32 v10, $0.0e+00;
	v18 =	vperm.xlane v12, v3;
	v15 =	vmul.f32 $1.442695020e+00, v15  }
0x142: {  	v38 =	vld [tilespmem:s21+$0x0];
	[tilespmem:s16+$0x0] =	vst v13;
	v10 =	vsel vm2, v10, v17;
	(erf) = vpow2.f32 v6;
	v6 =	vperm.xlane v11, v4  }
0x143: {  	v13 =	vld [tilespmem:s22+$0x10];
	v10 =	vmul.f32 $1.442695020e+00, v10;
	(erf) = vpow2.f32 v15  }
0x144: {  	v36 =	vld [tilespmem:s17+$0x40];
	v26 =	vperm.xlane v12, v5;
	v6 =	vmul.f32 v14, v6  }
0x145: {  	v7 =	vmul.f32 v7, v18;
	v15 =	vld [tilespmem:s15+$0x50];
	(erf) = vpow2.f32 v10  }
0x146: {  	v21 =	vld [tilespmem:s15+$0xFFFFFF60];
	v14 =	vmul.f32 v16, v20;
	[tilespmem:s16+$0x70] =	vst v6;
	v6 =	vperm.xlane v8, v3  }
0x147: {  	v25 =	vperm.xlane v8, v4;
	v18 =	vperm.xlane v11, v5;
	[tilespmem:s16+$0xFFFFFF70] =	vst v7;
	v16 =	vpop (erf);
	v7 =	vld [tilespmem:s22+$0x80]  }
0x148: {  	[tilespmem:s16+$0xFFFFFFC0] =	vst v14;
	v14 =	vld [tilespmem:s22+$0xFFFFFF80];
	v24 =	vmul.f32 v13, v6;
	v13 =	vperm.xlane v16, v0  }
0x149: {  	v22 =	vld [tilespmem:s15+$0xFFFFFFB0];
	v10 =	vperm.xlane v9, v4;
	v20 =	vperm.xlane v12, v4  }
0x14a: {  	v17 =	vld [tilespmem:s15+$0x0];
	v42 =	vperm.xlane v16, v3;
	v15 =	vmul.f32 v15, v13  }
0x14b: {  	v46 =	vperm.xlane v16, v5;
	v23 =	vld [tilespmem:s22+$0xFFFFFFD0];
	v6 =	vperm.xlane v8, v5;
	v19 =	vpop (erf)  }
0x14c: {  	s18 =	simm.s32 $0x1A3E0;
	v31 =	vperm.xlane v19, v0;
	v58 =	vmul.f32 v7, v18;
	v7 =	vld [tilespmem:s17+$0xFFFFFFF0];
	v18 =	vpop (erf)  }
0x14d: {  	v40 =	vld [tilespmem:s17+$0xFFFFFFA0];
	v14 =	vmul.f32 v14, v20;
	[tilespmem:s18+$0x50] =	vst v15;
	v20 =	vperm.xlane v18, v0  }
0x14e: {  	s6 =	simm.s32 $0x172E0;
	v59 =	vperm.xlane v19, v3;
	v22 =	vmul.f32 v22, v31;
	v31 =	vld [tilespmem:s15+$0x60];
	v15 =	vpop (erf)  }
0x14f: {  	s21 =	simm.s32 $0x14660;
	v49 =	vld [tilespmem:s6+$0xFFFFFFF0];
	v29 =	vperm.xlane v15, v0;
	v17 =	vmul.f32 v17, v20  }
0x150: {  	v44 =	vld [tilespmem:s21+$0xFFFFFFA0];
	vm1 =	vgt.f32 v28, $0.0e+00;
	v13 =	vperm.xlane v19, v4;
	v10 =	vmul.f32 v23, v10;
	[tilespmem:s18+$0xFFFFFFB0] =	vst v22  }
0x151: {  	v7 =	vadd.f32 v60, v7;
	v20 =	vmul.f32 v21, v29;
	v21 =	vsel vm1, v28, v41;
	[tilespmem:s18+$0x0] =	vst v17;
	v17 =	vld [tilespmem:s15+$0xFFFFFFC0]  }
0x152: {  	v61 =	vld [tilespmem:s17+$0xFFFFFF60];
	v23 =	vadd.f32 v30, v40;
	v35 =	vperm.xlane v18, v3;
	v21 =	vmul.f32 $1.442695020e+00, v21  }
0x153: {  	v36 =	vadd.f32 v38, v36;
	v30 =	vld [tilespmem:s15+$0x10];
	v28 =	vmul.f32 v31, v42;
	v31 =	vmul.f32 $2.000000030e-01, v7  }
0x154: {  	v62 =	vld [tilespmem:s17+$0x0];
	vm2 =	vgt.f32 v23, $0.0e+00;
	v37 =	vperm.xlane v15, v3;
	vm1 =	vgt.f32 v7, $0.0e+00;
	[tilespmem:s18+$0xFFFFFF60] =	vst v20  }
0x155: {  	v20 =	vmul.f32 $2.000000030e-01, v36;
	(erf) = vpow2.f32 v21;
	v22 =	vld [tilespmem:s15+$0xFFFFFF70];
	[tilespmem:s18+$0x60] =	vst v28;
	v7 =	vsel vm1, v7, v31  }
0x156: {  	[tilespmem:s16+$0x10] =	vst v24;
	vm1 =	vgt.f32 v36, $0.0e+00;
	v28 =	vmul.f32 $2.000000030e-01, v23;
	v21 =	vld [tilespmem:s15+$0x70];
	v17 =	vmul.f32 v17, v59  }
0x157: {  	[tilespmem:s16+$0xFFFFFF80] =	vst v14;
	v14 =	vld [tilespmem:s22+$0x20];
	v39 =	vperm.xlane v15, v4;
	v7 =	vmul.f32 $1.442695020e+00, v7;
	v24 =	vsel vm1, v36, v20  }
0x158: {  	v23 =	vsel vm2, v23, v28;
	v24 =	vmul.f32 $1.442695020e+00, v24;
	v28 =	vld [tilespmem:s22+$0xFFFFFF90];
	v30 =	vmul.f32 v30, v35;
	[tilespmem:s18+$0xFFFFFFC0] =	vst v17  }
0x159: {  	[tilespmem:s16+$0xFFFFFFD0] =	vst v10;
	(erf) = vpow2.f32 v7;
	v7 =	vperm.xlane v16, v4;
	v63 =	vld [tilespmem:s15+$0xFFFFFFD0]  }
0x15a: {  	v10 =	vmul.f32 $1.442695020e+00, v23;
	(erf) = vpow2.f32 v24;
	[tilespmem:s18+$0x10] =	vst v30;
	v30 =	vld [tilespmem:s6+$0xFFFFFFE0]  }
0x15b: {  	v7 =	vmul.f32 v21, v7;
	v21 =	vmul.f32 v22, v37;
	v22 =	vld [tilespmem:s22+$0xFFFFFFE0]  }
0x15c: {  	v11 =	vnsel vm0, $0x0, v11;
	v25 =	vmul.f32 v14, v25;
	v31 =	vld [tilespmem:s17+$0x50];
	(erf) = vpow2.f32 v10  }
0x15d: {  	[tilespmem:s16+$0x90] =	vst v11;
	v20 =	vperm.xlane v18, v4;
	v23 =	vperm.xlane v15, v5;
	v60 =	vld [tilespmem:s15+$0x20]  }
0x15e: {  	v24 =	vperm.xlane v19, v5;
	v26 =	vmul.f32 v28, v26;
	v28 =	vld [tilespmem:s21+$0x90];
	[tilespmem:s18+$0x70] =	vst v7;
	v10 =	vpop (erf)  }
0x15f: {  	v12 =	vnsel vm0, $0x0, v12;
	[tilespmem:s18+$0xFFFFFF70] =	vst v21;
	v7 =	vperm.xlane v18, v5;
	v21 =	vld [tilespmem:s15+$0x80];
	v14 =	vperm.xlane v10, v0  }
0x160: {  	[tilespmem:s16+$0x20] =	vst v25;
	v30 =	vadd.f32 v30, v44;
	v13 =	vmul.f32 v63, v13;
	v11 =	vmul.f32 v22, v27;
	v22 =	vld [tilespmem:s6+$0x10]  }
0x161: {  	v29 =	vld [tilespmem:s17+$0xFFFFFFB0];
	[tilespmem:s16+$0xFFFFFFA0] =	vst v12;
	v43 =	vperm.xlane v10, v3;
	v14 =	vmul.f32 v31, v14  }
0x162: {  	s7 =	simm.s32 $0x1A520;
	v25 =	vld [tilespmem:s21+$0x40];
	v63 =	vmul.f32 v60, v20;
	v59 =	vmul.f32 $2.000000030e-01, v30;
	[tilespmem:s18+$0xFFFFFFD0] =	vst v13;
	v27 =	vpop (erf)  }
0x163: {  	v47 =	vnsel vm0, $0x0, v9;
	v31 =	vld [tilespmem:s21+$0xFFFFFFF0];
	v13 =	vperm.xlane v10, v4;
	v12 =	vperm.xlane v27, v0;
	[tilespmem:s7+$0x50] =	vst v14  }
0x164: {  	v48 =	vperm.xlane v27, v3;
	v9 =	vperm.xlane v27, v4;
	v50 =	vpop (erf);
	v14 =	vnsel vm0, $0x0, v8;
	v51 =	vld [tilespmem:s17+$0x60]  }
0x165: {  	[tilespmem:s16+$0x80] =	vst v58;
	v17 =	vld [tilespmem:s15+$0xFFFFFF80];
	v21 =	vmul.f32 v21, v46;
	v8 =	vperm.xlane v50, v0;
	v53 =	vpop (erf);
	v22 =	vadd.f32 v22, v28  }
0x166: {  	v55 =	vnsel vm0, $0x0, v16;
	[tilespmem:s16+$0xFFFFFF90] =	vst v26;
	v26 =	vld [tilespmem:s6+$0x0];
	v52 =	vperm.xlane v50, v3;
	v28 =	vperm.xlane v53, v0  }
0x167: {  	v19 =	vnsel vm0, $0x0, v19;
	[tilespmem:s16+$0xFFFFFFE0] =	vst v11;
	v12 =	vmul.f32 v29, v12;
	v11 =	vmul.f32 $2.000000030e-01, v22  }
0x168: {  	[tilespmem:s16+$0xFFFFFFF0] =	vst v47;
	v31 =	vadd.f32 v49, v31;
	v28 =	vmul.f32 v61, v28;
	vm1 =	vgt.f32 v22, $0.0e+00  }
0x169: {  	v16 =	vld [tilespmem:s21+$0xFFFFFF60];
	[tilespmem:s18+$0x80] =	vst v21;
	v57 =	vmul.f32 v62, v8;
	v56 =	vmul.f32 v51, v43;
	v22 =	vsel vm1, v22, v11  }
0x16a: {  	v21 =	vld [tilespmem:s21+$0xFFFFFFB0];
	v8 =	vnsel vm0, $0x0, v18;
	v18 =	vmul.f32 $2.000000030e-01, v31;
	[tilespmem:s7+$0xFFFFFF60] =	vst v28;
	v22 =	vmul.f32 $1.442695020e+00, v22  }
0x16b: {  	v25 =	vadd.f32 v26, v25;
	v29 =	vmul.f32 v17, v39;
	vm1 =	vgt.f32 v31, $0.0e+00;
	v28 =	vld [tilespmem:s17+$0xFFFFFF70];
	[tilespmem:s7+$0x60] =	vst v56  }
0x16c: {  	v54 =	vperm.xlane v53, v3;
	[tilespmem:s7+$0xFFFFFFB0] =	vst v12;
	v18 =	vsel vm1, v31, v18;
	v26 =	vld [tilespmem:s17+$0x70];
	(erf) = vpow2.f32 v22  }
0x16d: {  	vm2 =	vgt.f32 v30, $0.0e+00;
	v62 =	vld [tilespmem:s15+$0xFFFFFFE0];
	[tilespmem:s18+$0xFFFFFF80] =	vst v29;
	v29 =	vmul.f32 $2.000000030e-01, v25;
	v18 =	vmul.f32 $1.442695020e+00, v18  }
0x16e: {  	v17 =	vperm.xlane v53, v4;
	v12 =	vperm.xlane v53, v5;
	[tilespmem:s7+$0x0] =	vst v57;
	v31 =	vld [tilespmem:s17+$0xFFFFFFC0];
	vm1 =	vgt.f32 v25, $0.0e+00  }
0x16f: {  	[tilespmem:s18+$0x90] =	vst v55;
	v58 =	vld [tilespmem:s17+$0x10];
	v11 =	vperm.xlane v50, v4;
	v25 =	vsel vm1, v25, v29;
	(erf) = vpow2.f32 v18  }
0x170: {  	[tilespmem:s18+$0x20] =	vst v63;
	v61 =	vld [tilespmem:s15+$0xFFFFFF90];
	v25 =	vmul.f32 $1.442695020e+00, v25;
	v18 =	vmul.f32 v28, v54;
	v28 =	vsel vm2, v30, v59  }
0x171: {  	[tilespmem:s18+$0xFFFFFFF0] =	vst v19;
	v29 =	vld [tilespmem:s22+$0x30];
	v22 =	vnsel vm0, $0x0, v15;
	v13 =	vmul.f32 v26, v13;
	v26 =	vmul.f32 $1.442695020e+00, v28  }
0x172: {  	v24 =	vmul.f32 v62, v24;
	[tilespmem:s18+$0xFFFFFFA0] =	vst v22;
	v22 =	vld [tilespmem:s21+$0x0];
	(erf) = vpow2.f32 v25  }
0x173: {  	v20 =	vnsel vm0, $0x0, v53;
	v28 =	vmul.f32 v31, v48;
	v31 =	vld [tilespmem:s21+$0x50];
	[tilespmem:s7+$0x70] =	vst v13;
	(erf) = vpow2.f32 v26  }
0x174: {  	v19 =	vnsel vm0, $0x0, v10;
	v15 =	vperm.xlane v27, v5;
	v33 =	vmul.f32 v58, v52;
	[tilespmem:s7+$0xFFFFFF70] =	vst v18;
	v30 =	vld [tilespmem:s17+$0x80]  }
0x175: {  	v32 =	vmul.f32 v61, v23;
	v25 =	vperm.xlane v50, v5;
	v18 =	vnsel vm0, $0x0, v27;
	[tilespmem:s7+$0xFFFFFFC0] =	vst v28;
	v28 =	vld [tilespmem:s17+$0xFFFFFF80];
	v27 =	vpop (erf)  }
0x176: {  	s8 =	simm.s32 $0xC;
	s9 =	simm.s32 $0x147A0;
	s22 =	simm.s32 $0x1A520;
	[tilespmem:s7+$0x10] =	vst v33;
	v13 =	vnsel vm0, $0x0, v50;
	v26 =	vld [tilespmem:s17+$0xFFFFFFD0];
	v33 =	vperm.xlane v27, v0;
	v23 =	vnsel vm0, $0x0, v27  }
.LBB2_7:
0x177: {  	v34 =	vld [tilespmem:s9+$0x90];
	s6 =	sadd.s32 $0x40, s6;
	v35 =	vperm.xlane v10, v5;
	[tilespmem:s18+$0xFFFFFF90] =	vst v32;
	v29 =	vmul.f32 v29, v6;
	v6 =	vmovc v7;
	v7 =	vmov v25  }
0x178: {  	v10 =	vmov v27;
	v25 =	vld [tilespmem:s6+$0x10];
	v31 =	vmul.f32 v31, v33;
	v32 =	vpop (erf);
	[tilespmem:s18+$0xFFFFFFE0] =	vst v24  }
0x179: {  	s8 =	sadd.s32 $0x4, s8;
	s7 =	sadd.s32 $0x140, s7;
	v24 =	vld [tilespmem:s6+$0xFFFFFFE0];
	v37 =	vperm.xlane v32, v0;
	v33 =	vnsel vm0, $0x0, v32;
	v30 =	vmul.f32 v30, v35;
	[tilespmem:s16+$0x30] =	vst v29  }
0x17a: {  	p0 =	slt.u32 s8, $0x7C;
	v35 =	vperm.xlane v32, v3;
	v36 =	vperm.xlane v32, v4;
	v29 =	vld [tilespmem:s9+$0xFFFFFFF0];
	[tilespmem:s7+$0x50] =	vst v31  }
0x17b: {  	v28 =	vmul.f32 v28, v17;
	v31 =	vld [tilespmem:s6+$0xFFFFFFF0];
	v21 =	vmul.f32 v21, v37;
	v27 =	vpop (erf);
	[tilespmem:s22+$0x80] =	vst v30  }
0x17c: {  	v30 =	vperm.xlane v27, v0;
	v37 =	vperm.xlane v27, v3;
	v38 =	vnsel vm0, $0x0, v27;
	v39 =	vld [tilespmem:s21+$0x60];
	v40 =	vpop (erf);
	[tilespmem:s16+$0x40] =	vst v14;
	s16 =	smov.u32 s18;
	s18 =	smov.u32 s22;
	s22 =	smov.u32 s7  }
0x17d: {  	v41 =	vld [tilespmem:s9+$0x40];
	v25 =	vadd.f32 v25, v34;
	v34 =	vperm.xlane v40, v0;
	v42 =	vperm.xlane v40, v3;
	[tilespmem:s7+$0xFFFFFFB0] =	vst v21  }
0x17e: {  	v14 =	vmovc v8;
	v17 =	vperm.xlane v40, v4;
	v44 =	vnsel vm0, $0x0, v40;
	v43 =	vld [tilespmem:s6+$0x0];
	v21 =	vmul.f32 v22, v30;
	[tilespmem:s18+$0xFFFFFF80] =	vst v28  }
0x17f: {  	v8 =	vmovc v13;
	v13 =	vmovc v38;
	v30 =	vperm.xlane v10, v3;
	v28 =	vld [tilespmem:s9+$0xFFFFFFA0];
	v22 =	vmul.f32 $2.000000030e-01, v25;
	[tilespmem:s18+$0x90] =	vst v19;
	v19 =	vmov v23  }
0x180: {  	vm1 =	vgt.f32 v25, $0.0e+00;
	v23 =	vadd.f32 v31, v29;
	v29 =	vmul.f32 v16, v34;
	v16 =	vld [tilespmem:s9+$0xFFFFFF60];
	[tilespmem:s7+$0x0] =	vst v21  }
0x181: {  	v34 =	vperm.xlane v27, v4;
	v21 =	vld [tilespmem:s9+$0xFFFFFFB0];
	v25 =	vsel vm1, v25, v22;
	v30 =	vmul.f32 v39, v30  }
0x182: {  	vm1 =	vgt.f32 v23, $0.0e+00;
	v31 =	vmul.f32 $2.000000030e-01, v23;
	v22 =	vld [tilespmem:s9+$0x0];
	v25 =	vmul.f32 $1.442695020e+00, v25;
	[tilespmem:s7+$0xFFFFFF60] =	vst v29  }
0x183: {  	v26 =	vmul.f32 v26, v9;
	v39 =	vperm.xlane v40, v5;
	v29 =	vadd.f32 v43, v41;
	v38 =	vld [tilespmem:s21+$0xFFFFFF70];
	[tilespmem:s7+$0x60] =	vst v30  }
0x184: {  	v9 =	vmovc v36;
	v24 =	vadd.f32 v24, v28;
	v23 =	vsel vm1, v23, v31;
	(erf) = vpow2.f32 v25;
	v25 =	vld [tilespmem:s21+$0x70]  }
0x185: {  	v23 =	vmul.f32 $1.442695020e+00, v23;
	vm1 =	vgt.f32 v29, $0.0e+00;
	v28 =	vmul.f32 $2.000000030e-01, v29;
	v30 =	vld [tilespmem:s21+$0xFFFFFFC0];
	[tilespmem:s18+$0xFFFFFFD0] =	vst v26  }
0x186: {  	v36 =	vperm.xlane v32, v5;
	vm2 =	vgt.f32 v24, $0.0e+00;
	v26 =	vmul.f32 $2.000000030e-01, v24;
	v32 =	vld [tilespmem:s21+$0x10]  }
0x187: {  	v28 =	vsel vm1, v29, v28;
	(erf) = vpow2.f32 v23;
	v23 =	vperm.xlane v10, v4;
	v40 =	vld [tilespmem:s17+$0x20]  }
0x188: {  	v24 =	vsel vm2, v24, v26;
	v26 =	vmul.f32 $1.442695020e+00, v28;
	v28 =	vmul.f32 v38, v42;
	v38 =	vld [tilespmem:s17+$0xFFFFFF90];
	[tilespmem:s18+$0xFFFFFFA0] =	vst v20;
	v20 =	vmovc v44  }
0x189: {  	v24 =	vmul.f32 $1.442695020e+00, v24;
	v23 =	vmul.f32 v25, v23;
	v41 =	vld [tilespmem:s17+$0xFFFFFFE0];
	[tilespmem:s18+$0xFFFFFFF0] =	vst v18;
	v18 =	vmov v33  }
.Ltmp2:
0x18a: {  	(erf) = vpow2.f32 v26;
	[tilespmem:s7+$0xFFFFFF70] =	vst v28;
	v25 =	vmul.f32 v30, v35;
	v29 =	vld [tilespmem:s15+$0x30];
	s15 =	smov.u32 s17;
	s17 =	smov.u32 s21;
	(pc) =	sbr.rel @p0 .LBB2_7-.Ltmp2, $4  }
0x18b: {  	s21 =	smov.u32 s9;
	v31 =	vld [tilespmem:s9+$0x50];
	(erf) = vpow2.f32 v24;
	v24 =	vmul.f32 v32, v37;
	[tilespmem:s7+$0x70] =	vst v23  }
0x18c: {  	[tilespmem:s7+$0xFFFFFFC0] =	vst v25;
	v25 =	vperm.xlane v27, v5;
	v30 =	vld [tilespmem:s17+$0x80];
	v35 =	vmul.f32 v40, v11;
	v11 =	vmov v34  }
0x18d: {  	v27 =	vpop (erf);
	v28 =	vld [tilespmem:s17+$0xFFFFFF80];
	[tilespmem:s7+$0x10] =	vst v24;
	v32 =	vmul.f32 v38, v12;
	v12 =	vmov v39  }
0x18e: {  	s9 =	sadd.s32 $0x140, s9;
	v33 =	vperm.xlane v27, v0;
	v23 =	vnsel vm0, $0x0, v27;
	v26 =	vld [tilespmem:s17+$0xFFFFFFD0];
	v24 =	vmul.f32 v41, v15;
	[tilespmem:s18+$0x20] =	vst v35;
	v15 =	vmovc v36  }
0x18f: {  	_ = 	snop  }
0x190: {  	v31 =	vmul.f32 v31, v33;
	_ =	sdelay $0x1  }
0x191: {  	[tilespmem:s18+$0xFFFFFF90] =	vst v32  }
0x192: {  	s6 =	sadd.s32 $0x140, s7;
	[tilespmem:s16+$0x40] =	vst v14;
	v33 =	vpop (erf)  }
0x193: {  	[tilespmem:s6+$0x50] =	vst v31;
	v31 =	vpop (erf)  }
0x194: {  	v10 =	vperm.xlane v10, v5;
	[tilespmem:s22+$0x90] =	vst v19;
	v34 =	vld [tilespmem:s21+$0x60];
	v61 =	vpop (erf)  }
0x195: {  	v6 =	vmul.f32 v29, v6;
	v47 =	vld [tilespmem:s15+$0x30];
	[tilespmem:s18+$0x40] =	vst v8;
	v62 =	vperm.xlane v61, v0  }
0x196: {  	[tilespmem:s18+$0xFFFFFFE0] =	vst v24;
	v10 =	vmul.f32 v30, v10;
	v63 =	vperm.xlane v33, v0  }
0x197: {  	v42 =	vld [tilespmem:s17+$0x20];
	[tilespmem:s16+$0x30] =	vst v6;
	v6 =	vperm.xlane v27, v3;
	v24 =	vmul.f32 v16, v62  }
0x198: {  	[tilespmem:s22+$0x80] =	vst v10;
	v35 =	vmul.f32 v21, v63;
	v32 =	vperm.xlane v31, v0  }
0x199: {  	v6 =	vmul.f32 v34, v6;
	[tilespmem:s6+$0xFFFFFF60] =	vst v24  }
0x19a: {  	[tilespmem:s6+$0xFFFFFFB0] =	vst v35;
	v36 =	vmul.f32 v22, v32;
	v37 =	vld [tilespmem:s21+$0xFFFFFF70]  }
0x19b: {  	v39 =	vld [tilespmem:s21+$0xFFFFFFC0];
	[tilespmem:s6+$0x60] =	vst v6;
	v6 =	vmul.f32 v28, v17  }
0x19c: {  	v11 =	vmul.f32 v42, v11;
	[tilespmem:s6+$0x0] =	vst v36  }
0x19d: {  	v41 =	vperm.xlane v61, v3;
	v40 =	vld [tilespmem:s21+$0x10];
	[tilespmem:s22+$0xFFFFFF80] =	vst v6;
	v6 =	vmul.f32 v26, v9  }
0x19e: {  	v43 =	vperm.xlane v33, v3;
	[tilespmem:s22+$0x20] =	vst v11;
	v38 =	vld [tilespmem:s21+$0x70]  }
0x19f: {  	[tilespmem:s22+$0xFFFFFFD0] =	vst v6;
	v6 =	vld [tilespmem:s17+$0xFFFFFF90];
	v16 =	vmul.f32 v37, v41  }
0x1a0: {  	v46 =	vperm.xlane v31, v3;
	v58 =	vld [tilespmem:s17+$0x30];
	[tilespmem:s22+$0x40] =	vst v13;
	v10 =	vmul.f32 v39, v43  }
0x1a1: {  	v44 =	vperm.xlane v27, v4;
	[tilespmem:s6+$0xFFFFFF70] =	vst v16  }
0x1a2: {  	[tilespmem:s6+$0xFFFFFFC0] =	vst v10;
	v9 =	vmul.f32 v40, v46;
	v48 =	vld [tilespmem:s21+$0xFFFFFF80]  }
0x1a3: {  	[tilespmem:s22+$0xFFFFFFA0] =	vst v20;
	v49 =	vld [tilespmem:s21+$0xFFFFFFD0];
	v14 =	vmul.f32 v38, v44  }
0x1a4: {  	[tilespmem:s6+$0x10] =	vst v9;
	v6 =	vmul.f32 v6, v12  }
0x1a5: {  	v51 =	vperm.xlane v61, v4;
	v45 =	vld [tilespmem:s17+$0xFFFFFFE0];
	[tilespmem:s6+$0x70] =	vst v14  }
0x1a6: {  	v53 =	vperm.xlane v33, v4;
	[tilespmem:s22+$0xFFFFFF90] =	vst v6;
	v6 =	vmul.f32 v47, v7;
	v7 =	vld [tilespmem:s21+$0x20]  }
0x1a7: {  	[tilespmem:s22+$0xFFFFFFF0] =	vst v18;
	v50 =	vld [tilespmem:s21+$0x80];
	v9 =	vmul.f32 v48, v51  }
0x1a8: {  	[tilespmem:s18+$0x30] =	vst v6;
	v6 =	vmul.f32 v49, v53  }
0x1a9: {  	v55 =	vperm.xlane v31, v4;
	[tilespmem:s6+$0xFFFFFF80] =	vst v9  }
0x1aa: {  	v54 =	vperm.xlane v27, v5;
	v52 =	vmul.f32 v45, v15;
	[tilespmem:s6+$0xFFFFFFD0] =	vst v6;
	v6 =	vld [tilespmem:s21+$0xFFFFFF90]  }
0x1ab: {  	[tilespmem:s6+$0x90] =	vst v23;
	v57 =	vld [tilespmem:s21+$0xFFFFFFE0];
	v7 =	vmul.f32 v7, v55  }
0x1ac: {  	[tilespmem:s22+$0xFFFFFFE0] =	vst v52;
	v56 =	vmul.f32 v50, v54  }
0x1ad: {  	v59 =	vperm.xlane v61, v5;
	[tilespmem:s6+$0x20] =	vst v7  }
0x1ae: {  	v60 =	vperm.xlane v33, v5;
	v62 =	vnsel vm0, $0x0, v33;
	[tilespmem:s6+$0x80] =	vst v56;
	v7 =	vnsel vm0, $0x0, v61;
	v61 =	vld [tilespmem:s21+$0x30]  }
0x1af: {  	[tilespmem:s6+$0xFFFFFFF0] =	vst v62;
	v6 =	vmul.f32 v6, v59  }
0x1b0: {  	[tilespmem:s6+$0xFFFFFFA0] =	vst v7;
	v7 =	vmul.f32 v57, v60  }
0x1b1: {  	v63 =	vperm.xlane v31, v5;
	[tilespmem:s6+$0xFFFFFF90] =	vst v6;
	v6 =	vmul.f32 v58, v25  }
0x1b2: {  	[tilespmem:s6+$0xFFFFFFE0] =	vst v7  }
0x1b3: {  	v7 =	vnsel vm0, $0x0, v31;
	[tilespmem:s22+$0x30] =	vst v6;
	v6 =	vmul.f32 v61, v63  }
0x1b4: {  	s12 =	sadd.s32 $0x1, s12;
	[tilespmem:s6+$0x40] =	vst v7  }
0x1b5: {  	p0 =	sne.s32 s12, $0x28;
	s18 =	sadd.s32 $0xC980, s13;
	[tilespmem:s6+$0x30] =	vst v6  }
0x1b6: {  	[tilespmem:s28], [sflag:$0x2] =	stream.indirect.gather [hbm4b:s4+s23], $0x50, s18, s23, $0xb8;
	[tilespmem:$0x1CA00] =	vst v63  }
.Ltmp3:
0x1b7: {  	_ = 	snop;
	(pc) =	sbr.rel @p0 .LBB2_4-.Ltmp3, $4  }
0x1b8: {  	s21 =	sadd.s32 $0xF280, s13  }
0x1b9: {  	[tilespmem:s30], [sflag:$0x4] =	stream.indirect.gather [hbm4b:s5+s23], $0x10, s21, s23, $0xb8;
	[tilespmem:$0x1CA00] =	vst v63  }
0x1ba: {  	s22 =	sadd.s32 $0xF180, s14  }
0x1bb: {  	[spmem:s2] =	stream.indirect.scatter.add.f32 [tilespmem:s29], [sflag:$0x6], $0x50, s22, s23, $0xb8;
	[tilespmem:$0x1CA00] =	vst v63  }
0x1bc: {  	_ =	swait.ge [sflag:s31], $0x2800  }
0x1bd: {  	[sflag:s31] =	ssyncset.done $0x0  }
0x1be: {  	[sflag:s31] =	ssyncadd.s32 $0xFFFFD800  }
0x1bf: {  	_ =	swait.ge [sflag:s0], $0x800  }
0x1c0: {  	[sflag:s0] =	ssyncset.done $0x0  }
0x1c1: {  	s6 =	simm.s32 $0x5;
	[sflag:s0] =	ssyncadd.s32 $0xFFFFF800  }
0x1c2: {  	_ =	swait.ge [sflag:s6], $0x2800  }
0x1c3: {  	[sflag:s6] =	ssyncset.done $0x0  }
0x1c4: {  	[sflag:s6] =	ssyncadd.s32 $0xFFFFD800  }
0x1c5: {  	_ =	swait.ge [sflag:s1], $0x2800  }
0x1c6: {  	[sflag:s1] =	ssyncset.done $0x0  }
0x1c7: {  	[sflag:s1] =	ssyncadd.s32 $0xFFFFD800  }
0x1c8: {  	_ =	swait.ge [sflag:s26], $0x800  }
0x1c9: {  	[sflag:s26] =	ssyncset.done $0x0  }
0x1ca: {  	s14 =	simm.s32 $0x6;
	[sflag:s26] =	ssyncadd.s32 $0xFFFFF800  }
0x1cb: {  	_ =	swait.ge [sflag:s14], $0x2800  }
0x1cc: {  	[sflag:s14] =	ssyncset.done $0x0  }
0x1cd: {  	[sflag:s14] =	ssyncadd.s32 $0xFFFFD800  }
0x1ce: {  	[bflag:$0x0] =	sbarrier.arrive $0xFFFF  }
0x1cf: {  	[tilespmem:s19], [sflag:$0x7] =	stream.linear.gather [spmem:s10], $0x2800, $0x38;
	[tilespmem:$0x1CA00] =	vst v63  }
0x1d0: {  	_ =	swait.ge [sflag:s20], $0x2800  }
0x1d1: {  	[sflag:s20] =	ssyncset.done $0x0  }
0x1d2: {  	s15 =	rddreg [dreg:$0x9];
	[sflag:s20] =	ssyncadd.s32 $0xFFFFD800  }
0x1d3: {  	[hbm4b:s15+s3] =	stream.linear.scatter [tilespmem:s19], [sflag:$0x7], $0x2800, $0x38;
	[tilespmem:$0x1CA00] =	vst v63  }
0x1d4: {  	_ =	swait.ge [sflag:s20], $0x2800  }
0x1d5: {  	[sflag:s20] =	ssyncset.done $0x0  }
0x1d6: {  	s15 =	rddreg [dreg:$0x3];
	[sflag:s20] =	ssyncadd.s32 $0xFFFFD800  }
0x1d7: {  	[tilespmem:s19], [sflag:$0x7] =	stream.linear.gather [spmem:s15], $0x2800, $0x38;
	[tilespmem:$0x1CA00] =	vst v63  }
0x1d8: {  	_ =	swait.ge [sflag:s20], $0x2800  }
0x1d9: {  	[sflag:s20] =	ssyncset.done $0x0  }
0x1da: {  	s16 =	rddreg [dreg:$0xa];
	[sflag:s20] =	ssyncadd.s32 $0xFFFFD800  }
0x1db: {  	[hbm4b:s16+s3] =	stream.linear.scatter [tilespmem:s19], [sflag:$0x7], $0x2800, $0x38;
	[tilespmem:$0x1CA00] =	vst v63  }
0x1dc: {  	_ =	swait.ge [sflag:s20], $0x2800  }
0x1dd: {  	[sflag:s20] =	ssyncset.done $0x0  }
0x1de: {  	s16 =	rddreg [dreg:$0x4];
	[sflag:s20] =	ssyncadd.s32 $0xFFFFD800  }
0x1df: {  	[tilespmem:s19], [sflag:$0x7] =	stream.linear.gather [spmem:s16], $0x2800, $0x38;
	[tilespmem:$0x1CA00] =	vst v63  }
0x1e0: {  	_ =	swait.ge [sflag:s20], $0x2800  }
0x1e1: {  	[sflag:s20] =	ssyncset.done $0x0  }
0x1e2: {  	s17 =	rddreg [dreg:$0xb];
	[sflag:s20] =	ssyncadd.s32 $0xFFFFD800  }
0x1e3: {  	[hbm4b:s17+s3] =	stream.linear.scatter [tilespmem:s19], [sflag:$0x7], $0x2800, $0x38;
	[tilespmem:$0x1CA00] =	vst v63  }
0x1e4: {  	_ =	swait.ge [sflag:s20], $0x2800  }
0x1e5: {  	[sflag:s20] =	ssyncset.done $0x0  }
0x1e6: {  	s17 =	rddreg [dreg:$0x5];
	[sflag:s20] =	ssyncadd.s32 $0xFFFFD800  }
0x1e7: {  	[tilespmem:s19], [sflag:$0x7] =	stream.linear.gather [spmem:s17], $0x2800, $0x38;
	[tilespmem:$0x1CA00] =	vst v63  }
0x1e8: {  	_ =	swait.ge [sflag:s20], $0x2800  }
0x1e9: {  	[sflag:s20] =	ssyncset.done $0x0  }
0x1ea: {  	s18 =	rddreg [dreg:$0xc];
	[sflag:s20] =	ssyncadd.s32 $0xFFFFD800  }
0x1eb: {  	[hbm4b:s18+s3] =	stream.linear.scatter [tilespmem:s19], [sflag:$0x7], $0x2800, $0x38;
	[tilespmem:$0x1CA00] =	vst v63  }
0x1ec: {  	_ =	swait.ge [sflag:s20], $0x2800  }
0x1ed: {  	[sflag:s20] =	ssyncset.done $0x0  }
0x1ee: {  	s18 =	rddreg [dreg:$0x6];
	[sflag:s20] =	ssyncadd.s32 $0xFFFFD800  }
0x1ef: {  	[tilespmem:s19], [sflag:$0x7] =	stream.linear.gather [spmem:s18], $0x2800, $0x38;
	[tilespmem:$0x1CA00] =	vst v63  }
0x1f0: {  	_ =	swait.ge [sflag:s20], $0x2800  }
0x1f1: {  	[sflag:s20] =	ssyncset.done $0x0  }
0x1f2: {  	s21 =	rddreg [dreg:$0xd];
	[sflag:s20] =	ssyncadd.s32 $0xFFFFD800  }
0x1f3: {  	[hbm4b:s21+s3] =	stream.linear.scatter [tilespmem:s19], [sflag:$0x7], $0x2800, $0x38;
	[tilespmem:$0x1CA00] =	vst v63  }
0x1f4: {  	_ =	swait.ge [sflag:s20], $0x2800  }
0x1f5: {  	s11 =	sadd.s32 $0x1, s11;
	s22 =	rddreg [dreg:$0xe]  }
0x1f6: {  	p0 =	sne.s32 s11, s22  }
.Ltmp4:
0x1f7: {  	_ = 	snop;
	(pc) =	sbr.rel @p0 .LBB2_1-.Ltmp4, $3  }
0x1f8: {  	_ =	sdelay $0x1  }
0x1f9: {  	[sflag:s20] =	ssyncset.done $0x0  }
0x1fa: {  	s14 =	smov.u32 s10;
	[sflag:s20] =	ssyncadd.s32 $0xFFFFD800  }
0x1fb: {  	_ =	sfence.sel $0x180000  }
0x1fc: {  	[bflag:$0x0] =	sbarrier.arrive $0xFFFF  }
0x1fd: {  	_ =	strace $0x90000047  }
0x1fe: {  	s0 =	stileid.u32;
	[bflag:$0x2] =	sbarrier.arrive $0xFFFF  }
0x1ff: {  	p0 =	sne.s32 s0, $0x0;
	s0 =	rddreg [dreg:$0x2]  }
0x200: {  	s0 =	sadd.s32 @!p0 $0x100000, s0  }
0x201: {  	[sflag:s0] =	ssyncadd.tile.s32 @!p0 $0x1;
	_ =	shalt  }
.Lfunc_end2:
_tile_overlayer_lowered:
.L_overlay_start_2:
0x202: {  	(tag) =	ssettag $0x2  }
0x203: {  	s0 =	rddreg [dreg:$0x0];
	s2 =	stileid.u32  }
0x204: {  	s1 =	rddreg [dreg:$0x1];
	p0 =	sne.s32 s2, $0x0  }
0x205: {  	s3 =	rddreg [dreg:$0x2];
	[bflag:$0x3] =	sbarrier.arrive $0xFFFF;
	s2 =	simm.s32 @!p0 $0x1C07  }
0x206: {  	[timem:s3], [sflag:s2] =	dma.local @!p0 [hbm:s0], s1  }
0x207: {  	s0 =	simm.s32 @!p0 $0x7  }
0x208: {  	_ =	swait.ge @!p0 [sflag:s0], s1  }
0x209: {  	s1 =	ssub.s32 @!p0 $0x0, s1;
	[sflag:s0] =	ssyncset.done @!p0 $0x0  }
0x20a: {  	[sflag:s0] =	ssyncadd.s32 @!p0 s1  }
0x20b: {  	[bflag:$0x3] =	sbarrier.arrive $0xFFFF  }
0x20c: {  	_ =	shalt  }

</sc_bundles>
